<compile_context>
chip_gen: v7x
topology: tpu7x:2x2x1
jax: 0.10.2.dev20260603
libtpu: 0.0.44.dev20260713+nightly
codegen_flags: <defaults>
</compile_context>

<pallas_src>
import functools

import jax
import jax.numpy as jnp
from jax import lax
from jax.experimental import pallas as pl
from jax.experimental.pallas import tpu as pltpu
from jax.experimental.pallas import tpu_sc as plsc

MK = 64
EPS = 1e-6

_NC, _NS, _NL = 2, 16, 16
_NW = _NC * _NS
_RPW = 128 // _NW


def _rev(x):
    return lax.rev(x, (0,))


def _merge2k(a, b):
    br = _rev(b)
    lo = jnp.minimum(a, br)
    hi = jnp.maximum(a, br)
    return lax.sort(lo, dimension=0), lax.sort(hi, dimension=0)


def _merge4k(a0, a1, b0, b1):
    r0 = _rev(b1)
    r1 = _rev(b0)
    lo0, lo1 = jnp.minimum(a0, r0), jnp.minimum(a1, r1)
    hi0, hi1 = jnp.maximum(a0, r0), jnp.maximum(a1, r1)

    def fin(x0, x1):
        n0 = jnp.minimum(x0, x1)
        n1 = jnp.maximum(x0, x1)
        return lax.sort(n0, dimension=0), lax.sort(n1, dimension=0)

    o0, o1 = fin(lo0, lo1)
    o2, o3 = fin(hi0, hi1)
    return o0, o1, o2, o3


def _merge2kv(ka, va, kb, vb):
    kbr, vbr = _rev(kb), _rev(vb)
    m = ka <= kbr
    klo = jnp.where(m, ka, kbr)
    vlo = jnp.where(m, va, vbr)
    khi = jnp.where(m, kbr, ka)
    vhi = jnp.where(m, vbr, va)
    s0 = plsc.sort_key_val(klo, vlo)
    s1 = plsc.sort_key_val(khi, vhi)
    return s0[0], s0[1], s1[0], s1[1]


def _merge4kv(ka0, va0, ka1, va1, kb0, vb0, kb1, vb1):
    kr0, vr0 = _rev(kb1), _rev(vb1)
    kr1, vr1 = _rev(kb0), _rev(vb0)
    m0 = ka0 <= kr0
    m1 = ka1 <= kr1
    kl0 = jnp.where(m0, ka0, kr0)
    vl0 = jnp.where(m0, va0, vr0)
    kl1 = jnp.where(m1, ka1, kr1)
    vl1 = jnp.where(m1, va1, vr1)
    kh0 = jnp.where(m0, kr0, ka0)
    vh0 = jnp.where(m0, vr0, va0)
    kh1 = jnp.where(m1, kr1, ka1)
    vh1 = jnp.where(m1, vr1, va1)

    def fin(x0, xv0, x1, xv1):
        m = x0 <= x1
        n0 = jnp.where(m, x0, x1)
        nv0 = jnp.where(m, xv0, xv1)
        n1 = jnp.where(m, x1, x0)
        nv1 = jnp.where(m, xv1, xv0)
        s0 = plsc.sort_key_val(n0, nv0)
        s1 = plsc.sort_key_val(n1, nv1)
        return s0[0], s0[1], s1[0], s1[1]

    o0, ov0, o1, ov1 = fin(kl0, vl0, kl1, vl1)
    o2, ov2, o3, ov3 = fin(kh0, vh0, kh1, vh1)
    return (o0, ov0, o1, ov1, o2, ov2, o3, ov3)




def _tc_a_body(end_ref, start_ref, w0t_ref, b0_ref, a0_ref, be0_ref, t1c_ref):
    d = end_ref[...] - start_ref[...]
    w0t = w0t_ref[...]
    a0 = jnp.dot(d, w0t, preferred_element_type=jnp.float32)
    be0 = jnp.dot(start_ref[...], w0t, preferred_element_type=jnp.float32) + b0_ref[...]
    zr = a0 + be0
    denom = zr - be0
    dval = jnp.abs(denom) > EPS
    safe = jnp.where(dval, denom, jnp.ones_like(denom))
    a1 = jnp.negative(be0) / safe
    v1 = dval & (a1 > EPS) & (a1 < 1.0 - EPS)
    a0_ref[...] = a0
    be0_ref[...] = be0
    t1c_ref[...] = jnp.where(v1, a1, jnp.full_like(a1, 2.0))


def _tc_a(end_points, start_points, w0t, b0):
    B, H = end_points.shape[0], w0t.shape[1]
    return pl.pallas_call(
        _tc_a_body,
        out_shape=[
            jax.ShapeDtypeStruct((B, H), jnp.float32),
            jax.ShapeDtypeStruct((B, H), jnp.float32),
            jax.ShapeDtypeStruct((B, H), jnp.float32),
        ],
    )(end_points, start_points, w0t, b0.reshape(1, H))




def _tc_b_body(a0_ref, be0_ref, t1_ref, n1_ref, k1_ref, w1t_ref, b1_ref,
               z2_ref, t2c_ref, a2_ref):
    B, K = t1_ref.shape
    H = a0_ref.shape[1]
    a0 = a0_ref[...]
    be0 = be0_ref[...]
    t1 = t1_ref[...]
    n1 = n1_ref[...]
    k1 = k1_ref[...]
    zr = a0 + be0
    denom = zr - be0
    slot = jax.lax.broadcasted_iota(jnp.int32, (B, K), 1)
    is_k1 = (slot == k1)
    P = is_k1.astype(jnp.float32)
    R = jnp.where(is_k1, 0.0, t1)
    z1 = (P[:, :, None] * a0[:, None, :] + be0[:, None, :]
          + R[:, :, None] * denom[:, None, :])
    M = (slot < n1).astype(jnp.float32)
    h1 = jnp.maximum(z1, 0.0) * M[:, :, None]
    z2 = (jnp.dot(h1.reshape(B * K, H), w1t_ref[...],
                  preferred_element_type=jnp.float32)
          + b1_ref[...]).reshape(B, K, H)
    z2_ref[...] = z2
    tl = t1[:, :-1]
    dt = t1[:, 1:] - tl
    zl = z2[:, :-1, :]
    den2 = z2[:, 1:, :] - zl
    dval = jnp.abs(den2) > EPS
    safe = jnp.where(dval, den2, jnp.ones_like(den2))
    a2 = jnp.negative(zl) / safe
    v2 = dval & (a2 > EPS) & (a2 < 1.0 - EPS)
    t2c3 = jnp.where(v2, tl[:, :, None] + a2 * dt[:, :, None],
                     jnp.full_like(a2, 2.0))
    segf = (jax.lax.broadcasted_iota(jnp.int32, (B, K - 1), 1)
            < (n1 - 1)).astype(jnp.float32)
    s3 = segf[:, :, None]
    t2c_ref[...] = t2c3 * s3 + (1.0 - s3) * 2.0
    a2_ref[...] = a2


def _tc_b(a0, be0, t1, n1, k1pos, w1t, b1):
    B, K = t1.shape
    H = a0.shape[1]
    return pl.pallas_call(
        _tc_b_body,
        out_shape=[
            jax.ShapeDtypeStruct((B, K, H), jnp.float32),
            jax.ShapeDtypeStruct((B, K - 1, H), jnp.float32),
            jax.ShapeDtypeStruct((B, K - 1, H), jnp.float32),
        ],
    )(a0, be0, t1, n1.reshape(B, 1), k1pos.reshape(B, 1), w1t, b1.reshape(1, H))




def _tc_c_body(h2_ref, w2t_ref, b2_ref, n2_ref, y_ref, v2_ref):
    B, K, H = h2_ref.shape
    O = w2t_ref.shape[1]
    y = (jnp.dot(h2_ref[...].reshape(B * K, H), w2t_ref[...],
                 preferred_element_type=jnp.float32)
         + b2_ref[...]).reshape(B, K, O)
    slot = jax.lax.broadcasted_iota(jnp.int32, (B, K), 1)
    v = slot < n2_ref[...]
    vf = v.astype(jnp.float32)
    y_ref[...] = y * vf[:, :, None]
    v2_ref[...] = v.astype(jnp.int32)


def _tc_c(h2, w2t, b2, n2):
    B, K, H = h2.shape
    O = w2t.shape[1]
    return pl.pallas_call(
        _tc_c_body,
        out_shape=[
            jax.ShapeDtypeStruct((B, K, O), jnp.float32),
            jax.ShapeDtypeStruct((B, K), jnp.int32),
        ],
    )(h2, w2t, b2.reshape(1, O), n2.reshape(B, 1))




def _sc1_body(t1c_hbm, t1_hbm, meta_hbm, in_v, out_v, meta_v):
    wid = lax.axis_index("c") * _NS + lax.axis_index("s")
    iota = lax.broadcasted_iota(jnp.int32, (_NL,), 0)
    one = jnp.full((_NL,), 1.0, jnp.float32)
    for r in range(_RPW):
        ray = wid * _RPW + r
        pltpu.sync_copy(t1c_hbm.at[ray], in_v)
        ks = []
        total = jnp.int32(0)
        for c in range(4):
            x = in_v[pl.ds(c * _NL, _NL)]
            total = total + jnp.sum((x < 1.5).astype(jnp.int32))
            ks.append(lax.sort(x, dimension=0))
        a0, a1 = _merge2k(ks[0], ks[1])
        b0, b1 = _merge2k(ks[2], ks[3])
        s4 = _merge4k(a0, a1, b0, b1)
        out_v[pl.ds(0, _NL)] = jnp.where(iota == 0, 0.0, one)
        for c in range(1, 4):
            out_v[pl.ds(c * _NL, _NL)] = one
        lim = jnp.minimum(total, MK - 1)
        for c in range(4):
            pos = iota + (c * _NL)
            plsc.store_scatter(out_v, [pos + 1], s4[c], mask=pos < lim)
        n1s = jnp.minimum(total + 2, MK)
        k1s = jnp.where(total <= MK - 2, total + 1, -1)
        meta_v[pl.ds(0, _NL)] = jnp.where(iota == 0, n1s,
                                          jnp.where(iota == 1, k1s, 0))
        pltpu.sync_copy(out_v, t1_hbm.at[ray])
        pltpu.sync_copy(meta_v, meta_hbm.at[ray])


def _sc1(t1c):
    B = t1c.shape[0]
    mesh = plsc.VectorSubcoreMesh(core_axis_name="c", subcore_axis_name="s")
    f = functools.partial(
        pl.kernel,
        out_type=[
            jax.ShapeDtypeStruct((B, MK), jnp.float32),
            jax.ShapeDtypeStruct((B, 16), jnp.int32),
        ],
        mesh=mesh,
        scratch_types=[
            pltpu.VMEM((MK,), jnp.float32),
            pltpu.VMEM((MK,), jnp.float32),
            pltpu.VMEM((16,), jnp.int32),
        ],
        compiler_params=pltpu.CompilerParams(needs_layout_passes=False),
    )(_sc1_body)
    t1, meta = f(t1c)
    return t1, meta


def _layer2_build(t1, n1, t2c, a2, z2):
    B, K = t1.shape
    S = K - 1
    idx = jnp.argsort(t2c, axis=2)
    ts = jnp.take_along_axis(t2c, idx, axis=2)
    asrt = jnp.take_along_axis(a2, idx, axis=2)
    seg = jax.lax.broadcasted_iota(jnp.int32, (B, S), 1)
    old_v = seg < n1
    t_seg = jnp.concatenate([t1[:, :S, None], ts], axis=2)
    a_seg = jnp.concatenate([jnp.zeros((B, S, 1), jnp.float32), asrt], axis=2)
    v_seg = jnp.concatenate([old_v[:, :, None], ts < 1.5], axis=2)
    s_seg = jnp.broadcast_to(seg[:, :, None], (B, S, K + 1))
    L = S * (K + 1)
    t_all = jnp.concatenate([t_seg.reshape(B, L), t1[:, -1:]], axis=1)
    a_all = jnp.concatenate([a_seg.reshape(B, L), jnp.zeros((B, 1), jnp.float32)], axis=1)
    v_all = jnp.concatenate([v_seg.reshape(B, L), n1 == K], axis=1)
    s_all = jnp.concatenate([s_seg.reshape(B, L), jnp.full((B, 1), S, jnp.int32)], axis=1)
    pos = jnp.cumsum(v_all.astype(jnp.int32), axis=1) - 1
    keep = v_all & (pos < MK)
    idx_out = jnp.where(keep, pos, 0)
    b_idx = jnp.arange(B)[:, None]
    t2 = jnp.zeros((B, MK), jnp.float32).at[b_idx, idx_out].add(jnp.where(keep, t_all, 0.0))
    a2s = jnp.zeros((B, MK), jnp.float32).at[b_idx, idx_out].add(jnp.where(keep, a_all, 0.0))
    s2 = jnp.zeros((B, MK), jnp.int32).at[b_idx, idx_out].add(jnp.where(keep, s_all, 0))
    n2 = jnp.minimum(jnp.sum(v_all.astype(jnp.int32), axis=1), MK)
    slot = jax.lax.broadcasted_iota(jnp.int32, (B, MK), 1)
    t2 = jnp.where(slot < n2[:, None], t2, 1.0)
    zl = jnp.take_along_axis(z2, s2[:, :, None], axis=1)
    zr2 = jnp.take_along_axis(z2, jnp.minimum(s2 + 1, K - 1)[:, :, None], axis=1)
    zk = zl + a2s[:, :, None] * (zr2 - zl)
    h2 = jnp.where(slot[:, :, None] < n2[:, None, None], jnp.maximum(zk, 0.0), 0.0)
    return t2, n2, h2




def _sc2_body(t1_hbm, m1_hbm, tc_hbm, aa_hbm, z2_hbm,
              t2_hbm, m2_hbm, h2_hbm,
              t1_v, m1_v, tc_v, aa_v, z2_v, ot_v, os_v, oa_v, h2_v, m2_v):
    wid = lax.axis_index("c") * _NS + lax.axis_index("s")
    iota = lax.broadcasted_iota(jnp.int32, (_NL,), 0)
    lane0 = iota == 0
    onef = jnp.full((_NL,), 1.0, jnp.float32)
    zerof = jnp.zeros((_NL,), jnp.float32)
    zeroi = jnp.zeros((_NL,), jnp.int32)
    S = MK - 1

    for r in range(_RPW):
        ray = wid * _RPW + r
        pltpu.sync_copy(t1_hbm.at[ray], t1_v)
        pltpu.sync_copy(m1_hbm.at[ray], m1_v)
        pltpu.sync_copy(tc_hbm.at[ray], tc_v)
        pltpu.sync_copy(aa_hbm.at[ray], aa_v)
        pltpu.sync_copy(z2_hbm.at[ray], z2_v)
        n1 = m1_v[pl.ds(0, _NL)][0]
        for c in range(4):
            ot_v[pl.ds(c * _NL, _NL)] = onef
            os_v[pl.ds(c * _NL, _NL)] = zeroi
            oa_v[pl.ds(c * _NL, _NL)] = zerof

        def seg_body(s, cur):
            pred = (s <= n1 - 2) & (cur < MK)

            @pl.when(pred)
            def _():
                tv = plsc.load_gather(t1_v, [zeroi + s])
                plsc.store_scatter(ot_v, [zeroi + cur], tv, mask=lane0)
                plsc.store_scatter(os_v, [zeroi + cur], zeroi + s, mask=lane0)

            cur1 = jnp.where(pred, cur + 1, cur)
            ks, ms, cnt = [], [], jnp.int32(0)
            for c in range(4):
                k = tc_v[s, pl.ds(c * _NL, _NL)]
                ks.append(k)
                m = k < 1.5
                ms.append(m)
                cnt = cnt + jnp.sum(m.astype(jnp.int32))
            take = jnp.maximum(jnp.minimum(cnt, MK - cur1), 0)
            do = pred & (cnt > 0) & (cur1 < MK)

            @pl.when(do)
            def _():
                p0 = plsc.sort_key_val(ks[0], iota)
                p1 = plsc.sort_key_val(ks[1], iota + _NL)
                p2 = plsc.sort_key_val(ks[2], iota + 2 * _NL)
                p3 = plsc.sort_key_val(ks[3], iota + 3 * _NL)
                q = _merge2kv(p0[0], p0[1], p1[0], p1[1])
                w = _merge2kv(p2[0], p2[1], p3[0], p3[1])
                f = _merge4kv(*q, *w)
                for i in range(4):
                    pos = iota + i * _NL
                    m = pos < take
                    idx = cur1 + pos
                    plsc.store_scatter(ot_v, [idx], f[2 * i], mask=m)
                    plsc.store_scatter(os_v, [idx], zeroi + s, mask=m)
                    av = plsc.load_gather(aa_v, [zeroi + s, f[2 * i + 1]],
                                          mask=m)
                    plsc.store_scatter(oa_v, [idx], av, mask=m)

            return jnp.where(do, cur1 + take, cur1)

        cur = lax.fori_loop(0, S, seg_body, jnp.int32(0))
        predf = cur < MK

        @pl.when(predf)
        def _():
            tv = plsc.load_gather(t1_v, [zeroi + (n1 - 1)])
            plsc.store_scatter(ot_v, [zeroi + cur], tv, mask=lane0)
            plsc.store_scatter(os_v, [zeroi + cur], zeroi + (n1 - 1),
                               mask=lane0)

        n2 = jnp.where(predf, cur + 1, cur)
        m2_v[pl.ds(0, _NL)] = jnp.where(lane0, n2, 0)

        def z_body(k, carry):
            s = plsc.load_gather(os_v, [zeroi + k])[0]
            av = plsc.load_gather(oa_v, [zeroi + k])
            rr = jnp.minimum(s + 1, MK - 1)
            vf = (k < n2).astype(jnp.float32)
            for c in range(4):
                zl = z2_v[s, pl.ds(c * _NL, _NL)]
                zr = z2_v[rr, pl.ds(c * _NL, _NL)]
                h = jnp.maximum(zl + av * (zr - zl), 0.0) * vf
                h2_v[k, pl.ds(c * _NL, _NL)] = h
            return carry

        lax.fori_loop(0, MK, z_body, jnp.int32(0))
        pltpu.sync_copy(ot_v, t2_hbm.at[ray])
        pltpu.sync_copy(m2_v, m2_hbm.at[ray])
        pltpu.sync_copy(h2_v, h2_hbm.at[ray])


def _sc2(t1, meta1, t2c, a2, z2):
    B = t1.shape[0]
    S = MK - 1
    H = z2.shape[2]
    mesh = plsc.VectorSubcoreMesh(core_axis_name="c", subcore_axis_name="s")
    f = functools.partial(
        pl.kernel,
        out_type=[
            jax.ShapeDtypeStruct((B, MK), jnp.float32),
            jax.ShapeDtypeStruct((B, 16), jnp.int32),
            jax.ShapeDtypeStruct((B, MK, H), jnp.float32),
        ],
        mesh=mesh,
        scratch_types=[
            pltpu.VMEM((MK,), jnp.float32),
            pltpu.VMEM((16,), jnp.int32),
            pltpu.VMEM((S, H), jnp.float32),
            pltpu.VMEM((S, H), jnp.float32),
            pltpu.VMEM((MK, H), jnp.float32),
            pltpu.VMEM((MK,), jnp.float32),
            pltpu.VMEM((MK,), jnp.int32),
            pltpu.VMEM((MK,), jnp.float32),
            pltpu.VMEM((MK, H), jnp.float32),
            pltpu.VMEM((16,), jnp.int32),
        ],
        compiler_params=pltpu.CompilerParams(needs_layout_passes=False),
    )(_sc2_body)
    t2, meta2, h2 = f(t1, meta1, t2c, a2, z2)
    return t2, meta2[:, :1], h2




def kernel(end_points, start_points, W0, b0, W1, b1, W2, b2):
    a0, be0, t1c = _tc_a(end_points, start_points, W0.T, b0)
    t1, meta1 = _sc1(t1c)
    z2, t2c, a2 = _tc_b(a0, be0, t1, meta1[:, :1], meta1[:, 1:2], W1.T, b1)
    t2, n2, h2 = _sc2(t1, meta1, t2c, a2, z2)
    y, v2 = _tc_c(h2, W2.T, b2, n2)
    return t2, v2.astype(bool), y

# --- scband reference (transcript-rebuilt; emitter-appended) ---
"""Pipeline reference for scband-knot-forward-35923106464289 (READ-ONLY COPY).

The authoritative reference and input builder live on the scoring server;
editing this copy changes nothing except your own understanding.
"""

import jax, jax.numpy as jnp
import numpy as np

MAX_KNOTS = 64
EPS = 1e-06


def insert_zero_crossings(t, valid, z, max_knots, eps=EPS):
    B, K = t.shape
    H = z.shape[-1]
    tL, tR = t[:, :-1], t[:, 1:]
    zL, zR = z[:, :-1, :], z[:, 1:, :]
    seg_valid = valid[:, :-1] & valid[:, 1:]
    denom = zR - zL
    denom_valid = jnp.abs(denom) > eps
    denom_safe = jnp.where(denom_valid, denom, jnp.ones_like(denom))
    alpha = -zL / denom_safe
    valid_new = seg_valid[:, :, None] & denom_valid & (alpha > eps) & (alpha < 1.0 - eps)
    dt = tR - tL
    t_new = tL[:, :, None] + alpha * dt[:, :, None]
    t_new_eff = jnp.where(valid_new, t_new, jnp.full_like(t_new, 2.0))
    z_new = zL[:, :, None, :] + alpha[:, :, :, None] * (zR - zL)[:, :, None, :]
    z_new = jnp.where(valid_new[:, :, :, None], z_new, jnp.zeros_like(z_new))
    idx = jnp.argsort(t_new_eff, axis=2)
    t_sorted = jnp.take_along_axis(t_new_eff, idx, axis=2)
    z_sorted = jnp.take_along_axis(z_new, idx[..., None], axis=2)
    v_sorted = jnp.take_along_axis(valid_new, idx, axis=2)
    t_old = t[:, :-1, None]
    z_old = z[:, :-1, None, :]
    v_old = valid[:, :-1, None]
    t_seg = jnp.concatenate([t_old, t_sorted], axis=2)
    z_seg = jnp.concatenate([z_old, z_sorted], axis=2)
    v_seg = jnp.concatenate([v_old, v_sorted], axis=2)
    L = (K - 1) * (1 + H)
    t_all = t_seg.reshape(B, L)
    z_all = z_seg.reshape(B, L, H)
    v_all = v_seg.reshape(B, L)
    t_all = jnp.concatenate([t_all, t[:, -1:]], axis=1)
    z_all = jnp.concatenate([z_all, z[:, -1:, :]], axis=1)
    v_all = jnp.concatenate([v_all, valid[:, -1:]], axis=1)
    v_int = v_all.astype(jnp.int32)
    pos = jnp.cumsum(v_int, axis=1) - 1
    keep = v_all & (pos < max_knots)
    idx_out = jnp.where(keep, pos, jnp.zeros_like(pos))
    b_idx = jnp.arange(B)[:, None]
    t_src = jnp.where(keep, t_all, jnp.zeros_like(t_all))
    t_out = jnp.zeros((B, max_knots), t.dtype).at[b_idx, idx_out].add(t_src)
    z_src = jnp.where(keep[..., None], z_all, jnp.zeros_like(z_all))
    z_out = jnp.zeros((B, max_knots, H), z.dtype).at[b_idx, idx_out].add(z_src)
    v_out = jnp.zeros((B, max_knots), jnp.int32).at[b_idx, idx_out].add(keep.astype(jnp.int32)) > 0
    t_out = jnp.where(v_out, t_out, jnp.ones_like(t_out))
    z_out = jnp.where(v_out[..., None], z_out, jnp.zeros_like(z_out))
    return t_out, v_out, z_out


def forward_knots(end_points, start_points, W0, b0, W1, b1, W2, b2, max_knots=MAX_KNOTS, eps=EPS):
    B = end_points.shape[0]
    t = jnp.full((B, max_knots), 1.0, dtype=jnp.float32)
    t = t.at[:, 0].set(0.0).at[:, 1].set(1.0)
    valid = jnp.zeros((B, max_knots), dtype=bool).at[:, 0:2].set(True)
    d = end_points - start_points
    alpha0 = d @ W0.T
    beta0 = start_points @ W0.T + b0
    z = alpha0[:, None, :] * t[:, :, None] + beta0[:, None, :]
    z = jnp.where(valid[..., None], z, jnp.zeros_like(z))
    t, valid, z = insert_zero_crossings(t, valid, z, max_knots, eps)
    h = jnp.where(valid[..., None], jax.nn.relu(z), jnp.zeros_like(z))
    # hidden layer 1 (no skip connections)
    z = jnp.matmul(h, W1.T) + b1
    z = jnp.where(valid[..., None], z, jnp.zeros_like(z))
    t, valid, z = insert_zero_crossings(t, valid, z, max_knots, eps)
    h = jnp.where(valid[..., None], jax.nn.relu(z), jnp.zeros_like(z))
    # output layer
    y = jnp.matmul(h, W2.T) + b2
    y = jnp.where(valid[..., None], y, jnp.zeros_like(y))
    return t, valid, y


def setup_inputs(seed: int = 0) -> dict:
    key = jax.random.key(seed)
    ks = jax.random.split(key, 8)
    B, D, H, O = 128, 64, 64, 8
    end_points = jax.random.normal(ks[0], (B, D), dtype=jnp.float32)
    start_points = jax.random.normal(ks[1], (B, D), dtype=jnp.float32)
    W0 = jax.random.normal(ks[2], (H, D), dtype=jnp.float32) / np.sqrt(D)
    b0 = jax.random.normal(ks[3], (H,), dtype=jnp.float32) * 0.1
    W1 = jax.random.normal(ks[4], (H, H), dtype=jnp.float32) / np.sqrt(H)
    b1 = jax.random.normal(ks[5], (H,), dtype=jnp.float32) * 0.1
    W2 = jax.random.normal(ks[6], (O, H), dtype=jnp.float32) / np.sqrt(H)
    b2 = jax.random.normal(ks[7], (O,), dtype=jnp.float32) * 0.1
    return {"end_points": end_points, "start_points": start_points, "W0": W0, "b0": b0, "W1": W1, "b1": b1, "W2": W2, "b2": b2}


def reference(end_points, start_points, W0, b0, W1, b1, W2, b2):
    return forward_knots(end_points, start_points, W0, b0, W1, b1, W2, b2, MAX_KNOTS, EPS)

if __name__ == "__main__":
    import jax
    _d = setup_inputs()
    print(jax.jit(kernel)(*tuple(_d.values())))

</pallas_src>

<mosaic_0001>
#map = affine_map<(d0, d1) -> (0, 0)>
module attributes {stable_mosaic.version = 14 : i64} {
  func.func @_sc1_body(%arg0: i32, %arg1: i32, %arg2: memref<128x64xf32, #tpu.memory_space<hbm>>, %arg3: memref<128x64xf32, #tpu.memory_space<hbm>>, %arg4: memref<128x16xi32, #tpu.memory_space<hbm>>, %arg5: memref<64xf32, #tpu.memory_space<vmem>>, %arg6: memref<64xf32, #tpu.memory_space<vmem>>, %arg7: memref<16xi32, #tpu.memory_space<vmem>>) attributes {dimension_semantics = [#tpu.dimension_semantics<core_parallel>, #tpu.dimension_semantics<subcore_parallel>], iteration_bounds = array<i64: 2, 16>, scalar_prefetch = 0 : i64, scratch_operands = 3 : i64, tpu.core_type = #tpu.core_type<sc_vector_subcore>, window_params = [{transform_indices = #map}, {transform_indices = #map}, {transform_indices = #map}]} {
    %mul3A = arith.constant 16 : i32
    %mul3A_0 = arith.muli %arg0, %mul3A : i32
    %add3A = arith.addi %mul3A_0, %arg1 : i32
    %iota3A = tpu.iota {dimensions = array<i32: 0>} : vector<16xi32>
    %broadcast_in_dim3A = arith.constant 1.000000e+00 : f32
    %broadcast_in_dim3A_1 = vector.broadcast %broadcast_in_dim3A : f32 to vector<16xf32>
    %mul3A_2 = arith.constant 4 : i32
    %mul3A_3 = arith.muli %add3A, %mul3A_2 : i32
    %add3A_4 = arith.constant 0 : i32
    %add3A_5 = arith.addi %mul3A_3, %add3A_4 : i32
    "tpu.region"() ({
      %run_scoped3A = tpu.sem_alloc : memref<!tpu.dma_semaphore, #tpu.memory_space<semaphore_mem>>
      %dma_start3A = arith.constant 0 : i32
      %dma_start3A_793 = tpu.memref_slice %arg2[%add3A_5, %dma_start3A] : memref<128x64xf32, #tpu.memory_space<hbm>> -> memref<1x64xf32, #tpu.memory_space<hbm>>
      %dma_start3A_794 = tpu.memref_squeeze %dma_start3A_793 : memref<1x64xf32, #tpu.memory_space<hbm>> -> memref<64xf32, #tpu.memory_space<hbm>>
      %dma_start3A_795 = arith.constant 0 : i32
      %dma_start3A_796 = tpu.memref_slice %arg2[%add3A_5, %dma_start3A_795] : memref<128x64xf32, #tpu.memory_space<hbm>> -> memref<1x64xf32, #tpu.memory_space<hbm>>
      %dma_start3A_797 = tpu.memref_squeeze %dma_start3A_796 : memref<1x64xf32, #tpu.memory_space<hbm>> -> memref<64xf32, #tpu.memory_space<hbm>>
      tpu.enqueue_dma source(%dma_start3A_797 : memref<64xf32, #tpu.memory_space<hbm>>) target(%arg5 : memref<64xf32, #tpu.memory_space<vmem>>) target_semaphore(%run_scoped3A : memref<!tpu.dma_semaphore, #tpu.memory_space<semaphore_mem>>)
      %dma_wait3A = arith.constant 0 : i32
      %dma_wait3A_798 = tpu.memref_slice %arg2[%add3A_5, %dma_wait3A] : memref<128x64xf32, #tpu.memory_space<hbm>> -> memref<1x64xf32, #tpu.memory_space<hbm>>
      %dma_wait3A_799 = tpu.memref_squeeze %dma_wait3A_798 : memref<1x64xf32, #tpu.memory_space<hbm>> -> memref<64xf32, #tpu.memory_space<hbm>>
      %dma_wait3A_800 = arith.constant 0 : i32
      %dma_wait3A_801 = tpu.memref_slice %arg2[%add3A_5, %dma_wait3A_800] : memref<128x64xf32, #tpu.memory_space<hbm>> -> memref<1x64xf32, #tpu.memory_space<hbm>>
      %dma_wait3A_802 = tpu.memref_squeeze %dma_wait3A_801 : memref<1x64xf32, #tpu.memory_space<hbm>> -> memref<64xf32, #tpu.memory_space<hbm>>
      tpu.wait_dma2 semaphore(%run_scoped3A : memref<!tpu.dma_semaphore, #tpu.memory_space<semaphore_mem>>) src(%dma_wait3A_802 : memref<64xf32, #tpu.memory_space<hbm>>) dst(%arg5 : memref<64xf32, #tpu.memory_space<vmem>>)
      tpu.yield
    }) : () -> ()
    %get3A = arith.constant 0 : index
    %get3A_6 = tpu.vector_load %arg5[%get3A] {strides = array<i32>} : memref<64xf32, #tpu.memory_space<vmem>>, vector<16xf32>,
    %lt3A = arith.constant 1.500000e+00 : f32
    %lt3A_7 = vector.broadcast %lt3A : f32 to vector<16xf32>
    %lt3A_8 = arith.cmpf olt, %get3A_6, %lt3A_7 : vector<16xf32>
    %convert_element_type3A = arith.extui %lt3A_8 : vector<16xi1> to vector<16xi32>
    %reduce_sum3A = arith.constant true
    %reduce_sum3A_9 = vector.broadcast %reduce_sum3A : i1 to vector<16xi1>
    %reduce_sum3A_10 = tpu.scan <sum>, %convert_element_type3A masked %reduce_sum3A_9 : vector<16xi32>, vector<16xi1> -> vector<16xi32>
    %reduce_sum3A_11 = vector.extract %reduce_sum3A_10[15] : i32 from vector<16xi32>
    %add3A_12 = arith.constant 0 : i32
    %add3A_13 = arith.addi %add3A_12, %reduce_sum3A_11 : i32
    %sort3A = arith.constant dense<true> : vector<16xi1>
    %sort3A_14, %sort3A_15, %sort3A_16 = tpu.sort %get3A_6, %get3A_6 masked %sort3A : (vector<16xf32>, vector<16xf32>, vector<16xi1>) -> (vector<16xi1>, vector<16xf32>, vector<16xf32>)
    %get3A_17 = arith.constant 16 : index
    %get3A_18 = tpu.vector_load %arg5[%get3A_17] {strides = array<i32>} : memref<64xf32, #tpu.memory_space<vmem>>, vector<16xf32>,
    %lt3A_19 = arith.constant 1.500000e+00 : f32
    %lt3A_20 = vector.broadcast %lt3A_19 : f32 to vector<16xf32>
    %lt3A_21 = arith.cmpf olt, %get3A_18, %lt3A_20 : vector<16xf32>
    %convert_element_type3A_22 = arith.extui %lt3A_21 : vector<16xi1> to vector<16xi32>
    %reduce_sum3A_23 = arith.constant true
    %reduce_sum3A_24 = vector.broadcast %reduce_sum3A_23 : i1 to vector<16xi1>
    %reduce_sum3A_25 = tpu.scan <sum>, %convert_element_type3A_22 masked %reduce_sum3A_24 : vector<16xi32>, vector<16xi1> -> vector<16xi32>
    %reduce_sum3A_26 = vector.extract %reduce_sum3A_25[15] : i32 from vector<16xi32>
    %add3A_27 = arith.addi %add3A_13, %reduce_sum3A_26 : i32
    %sort3A_28 = arith.constant dense<true> : vector<16xi1>
    %sort3A_29, %sort3A_30, %sort3A_31 = tpu.sort %get3A_18, %get3A_18 masked %sort3A_28 : (vector<16xf32>, vector<16xf32>, vector<16xi1>) -> (vector<16xi1>, vector<16xf32>, vector<16xf32>)
    %get3A_32 = arith.constant 32 : index
    %get3A_33 = tpu.vector_load %arg5[%get3A_32] {strides = array<i32>} : memref<64xf32, #tpu.memory_space<vmem>>, vector<16xf32>,
    %lt3A_34 = arith.constant 1.500000e+00 : f32
    %lt3A_35 = vector.broadcast %lt3A_34 : f32 to vector<16xf32>
    %lt3A_36 = arith.cmpf olt, %get3A_33, %lt3A_35 : vector<16xf32>
    %convert_element_type3A_37 = arith.extui %lt3A_36 : vector<16xi1> to vector<16xi32>
    %reduce_sum3A_38 = arith.constant true
    %reduce_sum3A_39 = vector.broadcast %reduce_sum3A_38 : i1 to vector<16xi1>
    %reduce_sum3A_40 = tpu.scan <sum>, %convert_element_type3A_37 masked %reduce_sum3A_39 : vector<16xi32>, vector<16xi1> -> vector<16xi32>
    %reduce_sum3A_41 = vector.extract %reduce_sum3A_40[15] : i32 from vector<16xi32>
    %add3A_42 = arith.addi %add3A_27, %reduce_sum3A_41 : i32
    %sort3A_43 = arith.constant dense<true> : vector<16xi1>
    %sort3A_44, %sort3A_45, %sort3A_46 = tpu.sort %get3A_33, %get3A_33 masked %sort3A_43 : (vector<16xf32>, vector<16xf32>, vector<16xi1>) -> (vector<16xi1>, vector<16xf32>, vector<16xf32>)
    %get3A_47 = arith.constant 48 : index
    %get3A_48 = tpu.vector_load %arg5[%get3A_47] {strides = array<i32>} : memref<64xf32, #tpu.memory_space<vmem>>, vector<16xf32>,
    %lt3A_49 = arith.constant 1.500000e+00 : f32
    %lt3A_50 = vector.broadcast %lt3A_49 : f32 to vector<16xf32>
    %lt3A_51 = arith.cmpf olt, %get3A_48, %lt3A_50 : vector<16xf32>
    %convert_element_type3A_52 = arith.extui %lt3A_51 : vector<16xi1> to vector<16xi32>
    %reduce_sum3A_53 = arith.constant true
    %reduce_sum3A_54 = vector.broadcast %reduce_sum3A_53 : i1 to vector<16xi1>
    %reduce_sum3A_55 = tpu.scan <sum>, %convert_element_type3A_52 masked %reduce_sum3A_54 : vector<16xi32>, vector<16xi1> -> vector<16xi32>
    %reduce_sum3A_56 = vector.extract %reduce_sum3A_55[15] : i32 from vector<16xi32>
    %add3A_57 = arith.addi %add3A_42, %reduce_sum3A_56 : i32
    %sort3A_58 = arith.constant dense<true> : vector<16xi1>
    %sort3A_59, %sort3A_60, %sort3A_61 = tpu.sort %get3A_48, %get3A_48 masked %sort3A_58 : (vector<16xf32>, vector<16xf32>, vector<16xi1>) -> (vector<16xi1>, vector<16xf32>, vector<16xf32>)
    %rev3A = arith.constant 15 : i32
    %rev3A_62 = vector.broadcast %rev3A : i32 to vector<16xi32>
    %rev3A_63 = tpu.iota {dimensions = array<i32: 0>} : vector<16xi32>
    %rev3A_64 = arith.subi %rev3A_62, %rev3A_63 : vector<16xi32>
    %rev3A_65 = tpu.dynamic_gather %sort3A_30[%rev3A_64] in [0] : vector<16xf32>, vector<16xi32> -> vector<16xf32>
    %min3A = arith.minimumf %sort3A_15, %rev3A_65 : vector<16xf32>
    %max3A = arith.maximumf %sort3A_15, %rev3A_65 : vector<16xf32>
    %sort3A_66 = arith.constant dense<true> : vector<16xi1>
    %sort3A_67, %sort3A_68, %sort3A_69 = tpu.sort %min3A, %min3A masked %sort3A_66 : (vector<16xf32>, vector<16xf32>, vector<16xi1>) -> (vector<16xi1>, vector<16xf32>, vector<16xf32>)
    %sort3A_70 = arith.constant dense<true> : vector<16xi1>
    %sort3A_71, %sort3A_72, %sort3A_73 = tpu.sort %max3A, %max3A masked %sort3A_70 : (vector<16xf32>, vector<16xf32>, vector<16xi1>) -> (vector<16xi1>, vector<16xf32>, vector<16xf32>)
    %rev3A_74 = arith.constant 15 : i32
    %rev3A_75 = vector.broadcast %rev3A_74 : i32 to vector<16xi32>
    %rev3A_76 = tpu.iota {dimensions = array<i32: 0>} : vector<16xi32>
    %rev3A_77 = arith.subi %rev3A_75, %rev3A_76 : vector<16xi32>
    %rev3A_78 = tpu.dynamic_gather %sort3A_60[%rev3A_77] in [0] : vector<16xf32>, vector<16xi32> -> vector<16xf32>
    %min3A_79 = arith.minimumf %sort3A_45, %rev3A_78 : vector<16xf32>
    %max3A_80 = arith.maximumf %sort3A_45, %rev3A_78 : vector<16xf32>
    %sort3A_81 = arith.constant dense<true> : vector<16xi1>
    %sort3A_82, %sort3A_83, %sort3A_84 = tpu.sort %min3A_79, %min3A_79 masked %sort3A_81 : (vector<16xf32>, vector<16xf32>, vector<16xi1>) -> (vector<16xi1>, vector<16xf32>, vector<16xf32>)
    %sort3A_85 = arith.constant dense<true> : vector<16xi1>
    %sort3A_86, %sort3A_87, %sort3A_88 = tpu.sort %max3A_80, %max3A_80 masked %sort3A_85 : (vector<16xf32>, vector<16xf32>, vector<16xi1>) -> (vector<16xi1>, vector<16xf32>, vector<16xf32>)
    %rev3A_89 = arith.constant 15 : i32
    %rev3A_90 = vector.broadcast %rev3A_89 : i32 to vector<16xi32>
    %rev3A_91 = tpu.iota {dimensions = array<i32: 0>} : vector<16xi32>
    %rev3A_92 = arith.subi %rev3A_90, %rev3A_91 : vector<16xi32>
    %rev3A_93 = tpu.dynamic_gather %sort3A_87[%rev3A_92] in [0] : vector<16xf32>, vector<16xi32> -> vector<16xf32>
    %rev3A_94 = arith.constant 15 : i32
    %rev3A_95 = vector.broadcast %rev3A_94 : i32 to vector<16xi32>
    %rev3A_96 = tpu.iota {dimensions = array<i32: 0>} : vector<16xi32>
    %rev3A_97 = arith.subi %rev3A_95, %rev3A_96 : vector<16xi32>
    %rev3A_98 = tpu.dynamic_gather %sort3A_83[%rev3A_97] in [0] : vector<16xf32>, vector<16xi32> -> vector<16xf32>
    %min3A_99 = arith.minimumf %sort3A_68, %rev3A_93 : vector<16xf32>
    %min3A_100 = arith.minimumf %sort3A_72, %rev3A_98 : vector<16xf32>
    %max3A_101 = arith.maximumf %sort3A_68, %rev3A_93 : vector<16xf32>
    %max3A_102 = arith.maximumf %sort3A_72, %rev3A_98 : vector<16xf32>
    %min3A_103 = arith.minimumf %min3A_99, %min3A_100 : vector<16xf32>
    %max3A_104 = arith.maximumf %min3A_99, %min3A_100 : vector<16xf32>
    %sort3A_105 = arith.constant dense<true> : vector<16xi1>
    %sort3A_106, %sort3A_107, %sort3A_108 = tpu.sort %min3A_103, %min3A_103 masked %sort3A_105 : (vector<16xf32>, vector<16xf32>, vector<16xi1>) -> (vector<16xi1>, vector<16xf32>, vector<16xf32>)
    %sort3A_109 = arith.constant dense<true> : vector<16xi1>
    %sort3A_110, %sort3A_111, %sort3A_112 = tpu.sort %max3A_104, %max3A_104 masked %sort3A_109 : (vector<16xf32>, vector<16xf32>, vector<16xi1>) -> (vector<16xi1>, vector<16xf32>, vector<16xf32>)
    %min3A_113 = arith.minimumf %max3A_101, %max3A_102 : vector<16xf32>
    %max3A_114 = arith.maximumf %max3A_101, %max3A_102 : vector<16xf32>
    %sort3A_115 = arith.constant dense<true> : vector<16xi1>
    %sort3A_116, %sort3A_117, %sort3A_118 = tpu.sort %min3A_113, %min3A_113 masked %sort3A_115 : (vector<16xf32>, vector<16xf32>, vector<16xi1>) -> (vector<16xi1>, vector<16xf32>, vector<16xf32>)
    %sort3A_119 = arith.constant dense<true> : vector<16xi1>
    %sort3A_120, %sort3A_121, %sort3A_122 = tpu.sort %max3A_114, %max3A_114 masked %sort3A_119 : (vector<16xf32>, vector<16xf32>, vector<16xi1>) -> (vector<16xi1>, vector<16xf32>, vector<16xf32>)
    %eq3A = arith.constant 0 : i32
    %eq3A_123 = vector.broadcast %eq3A : i32 to vector<16xi32>
    %eq3A_124 = arith.cmpi eq, %iota3A, %eq3A_123 : vector<16xi32>
    %jit3A = arith.constant 0.000000e+00 : f32
    %broadcast_in_dim3A_125 = vector.broadcast %jit3A : f32 to vector<16xf32>
    %select_n3A = arith.select %eq3A_124, %broadcast_in_dim3A_125, %broadcast_in_dim3A_1 : vector<16xi1>, vector<16xf32>
    %swap3A = arith.constant 0 : index
    %swap3A_126 = tpu.vector_load %arg6[%swap3A] {strides = array<i32>} : memref<64xf32, #tpu.memory_space<vmem>>, vector<16xf32>,
    tpu.vector_store %arg6[%swap3A], %select_n3A {strides = array<i32>} : memref<64xf32, #tpu.memory_space<vmem>>, vector<16xf32>,
    %swap3A_127 = arith.constant 16 : index
    %swap3A_128 = tpu.vector_load %arg6[%swap3A_127] {strides = array<i32>} : memref<64xf32, #tpu.memory_space<vmem>>, vector<16xf32>,
    tpu.vector_store %arg6[%swap3A_127], %broadcast_in_dim3A_1 {strides = array<i32>} : memref<64xf32, #tpu.memory_space<vmem>>, vector<16xf32>,
    %swap3A_129 = arith.constant 32 : index
    %swap3A_130 = tpu.vector_load %arg6[%swap3A_129] {strides = array<i32>} : memref<64xf32, #tpu.memory_space<vmem>>, vector<16xf32>,
    tpu.vector_store %arg6[%swap3A_129], %broadcast_in_dim3A_1 {strides = array<i32>} : memref<64xf32, #tpu.memory_space<vmem>>, vector<16xf32>,
    %swap3A_131 = arith.constant 48 : index
    %swap3A_132 = tpu.vector_load %arg6[%swap3A_131] {strides = array<i32>} : memref<64xf32, #tpu.memory_space<vmem>>, vector<16xf32>,
    tpu.vector_store %arg6[%swap3A_131], %broadcast_in_dim3A_1 {strides = array<i32>} : memref<64xf32, #tpu.memory_space<vmem>>, vector<16xf32>,
    %min3A_133 = arith.constant 63 : i32
    %min3A_134 = arith.minsi %add3A_57, %min3A_133 : i32
    %add3A_135 = arith.constant 0 : i32
    %add3A_136 = vector.broadcast %add3A_135 : i32 to vector<16xi32>
    %add3A_137 = arith.addi %iota3A, %add3A_136 : vector<16xi32>
    %add3A_138 = arith.constant 1 : i32
    %add3A_139 = vector.broadcast %add3A_138 : i32 to vector<16xi32>
    %add3A_140 = arith.addi %add3A_137, %add3A_139 : vector<16xi32>
    %lt3A_141 = vector.broadcast %min3A_134 : i32 to vector<16xi32>
    %lt3A_142 = arith.cmpi slt, %add3A_137, %lt3A_141 : vector<16xi32>
    tpu.vector_store_idx %arg6[%add3A_140], %sort3A_107 masked %lt3A_142 : memref<64xf32, #tpu.memory_space<vmem>>[vector<16xi32>], vector<16xf32>, vector<16xi1>
    %add3A_143 = arith.constant 16 : i32
    %add3A_144 = vector.broadcast %add3A_143 : i32 to vector<16xi32>
    %add3A_145 = arith.addi %iota3A, %add3A_144 : vector<16xi32>
    %add3A_146 = arith.constant 1 : i32
    %add3A_147 = vector.broadcast %add3A_146 : i32 to vector<16xi32>
    %add3A_148 = arith.addi %add3A_145, %add3A_147 : vector<16xi32>
    %lt3A_149 = vector.broadcast %min3A_134 : i32 to vector<16xi32>
    %lt3A_150 = arith.cmpi slt, %add3A_145, %lt3A_149 : vector<16xi32>
    tpu.vector_store_idx %arg6[%add3A_148], %sort3A_111 masked %lt3A_150 : memref<64xf32, #tpu.memory_space<vmem>>[vector<16xi32>], vector<16xf32>, vector<16xi1>
    %add3A_151 = arith.constant 32 : i32
    %add3A_152 = vector.broadcast %add3A_151 : i32 to vector<16xi32>
    %add3A_153 = arith.addi %iota3A, %add3A_152 : vector<16xi32>
    %add3A_154 = arith.constant 1 : i32
    %add3A_155 = vector.broadcast %add3A_154 : i32 to vector<16xi32>
    %add3A_156 = arith.addi %add3A_153, %add3A_155 : vector<16xi32>
    %lt3A_157 = vector.broadcast %min3A_134 : i32 to vector<16xi32>
    %lt3A_158 = arith.cmpi slt, %add3A_153, %lt3A_157 : vector<16xi32>
    tpu.vector_store_idx %arg6[%add3A_156], %sort3A_117 masked %lt3A_158 : memref<64xf32, #tpu.memory_space<vmem>>[vector<16xi32>], vector<16xf32>, vector<16xi1>
    %add3A_159 = arith.constant 48 : i32
    %add3A_160 = vector.broadcast %add3A_159 : i32 to vector<16xi32>
    %add3A_161 = arith.addi %iota3A, %add3A_160 : vector<16xi32>
    %add3A_162 = arith.constant 1 : i32
    %add3A_163 = vector.broadcast %add3A_162 : i32 to vector<16xi32>
    %add3A_164 = arith.addi %add3A_161, %add3A_163 : vector<16xi32>
    %lt3A_165 = vector.broadcast %min3A_134 : i32 to vector<16xi32>
    %lt3A_166 = arith.cmpi slt, %add3A_161, %lt3A_165 : vector<16xi32>
    tpu.vector_store_idx %arg6[%add3A_164], %sort3A_121 masked %lt3A_166 : memref<64xf32, #tpu.memory_space<vmem>>[vector<16xi32>], vector<16xf32>, vector<16xi1>
    %add3A_167 = arith.constant 2 : i32
    %add3A_168 = arith.addi %add3A_57, %add3A_167 : i32
    %min3A_169 = arith.constant 64 : i32
    %min3A_170 = arith.minsi %add3A_168, %min3A_169 : i32
    %le3A = arith.constant 62 : i32
    %le3A_171 = arith.cmpi sle, %add3A_57, %le3A : i32
    %add3A_172 = arith.constant 1 : i32
    %add3A_173 = arith.addi %add3A_57, %add3A_172 : i32
    %jit3A_174 = arith.constant -1 : i32
    %select_n3A_175 = arith.select %le3A_171, %add3A_173, %jit3A_174 : i32
    %eq3A_176 = arith.constant 0 : i32
    %eq3A_177 = vector.broadcast %eq3A_176 : i32 to vector<16xi32>
    %eq3A_178 = arith.cmpi eq, %iota3A, %eq3A_177 : vector<16xi32>
    %eq3A_179 = arith.constant 1 : i32
    %eq3A_180 = vector.broadcast %eq3A_179 : i32 to vector<16xi32>
    %eq3A_181 = arith.cmpi eq, %iota3A, %eq3A_180 : vector<16xi32>
    %jit3A_182 = arith.constant 0 : i32
    %broadcast_in_dim3A_183 = vector.broadcast %select_n3A_175 : i32 to vector<16xi32>
    %broadcast_in_dim3A_184 = vector.broadcast %jit3A_182 : i32 to vector<16xi32>
    %select_n3A_185 = arith.select %eq3A_181, %broadcast_in_dim3A_183, %broadcast_in_dim3A_184 : vector<16xi1>, vector<16xi32>
    %broadcast_in_dim3A_186 = vector.broadcast %min3A_170 : i32 to vector<16xi32>
    %select_n3A_187 = arith.select %eq3A_178, %broadcast_in_dim3A_186, %select_n3A_185 : vector<16xi1>, vector<16xi32>
    %swap3A_188 = arith.constant 0 : index
    %swap3A_189 = tpu.vector_load %arg7[%swap3A_188] {strides = array<i32>} : memref<16xi32, #tpu.memory_space<vmem>>, vector<16xi32>,
    tpu.vector_store %arg7[%swap3A_188], %select_n3A_187 {strides = array<i32>} : memref<16xi32, #tpu.memory_space<vmem>>, vector<16xi32>,
    "tpu.region"() ({
      %run_scoped3A = tpu.sem_alloc : memref<!tpu.dma_semaphore, #tpu.memory_space<semaphore_mem>>
      %dma_start3A = arith.constant 0 : i32
      %dma_start3A_793 = tpu.memref_slice %arg3[%add3A_5, %dma_start3A] : memref<128x64xf32, #tpu.memory_space<hbm>> -> memref<1x64xf32, #tpu.memory_space<hbm>>
      %dma_start3A_794 = tpu.memref_squeeze %dma_start3A_793 : memref<1x64xf32, #tpu.memory_space<hbm>> -> memref<64xf32, #tpu.memory_space<hbm>>
      %dma_start3A_795 = arith.constant 0 : i32
      %dma_start3A_796 = tpu.memref_slice %arg3[%add3A_5, %dma_start3A_795] : memref<128x64xf32, #tpu.memory_space<hbm>> -> memref<1x64xf32, #tpu.memory_space<hbm>>
      %dma_start3A_797 = tpu.memref_squeeze %dma_start3A_796 : memref<1x64xf32, #tpu.memory_space<hbm>> -> memref<64xf32, #tpu.memory_space<hbm>>
      tpu.enqueue_dma source(%arg6 : memref<64xf32, #tpu.memory_space<vmem>>) target(%dma_start3A_797 : memref<64xf32, #tpu.memory_space<hbm>>) target_semaphore(%run_scoped3A : memref<!tpu.dma_semaphore, #tpu.memory_space<semaphore_mem>>)
      %dma_wait3A = arith.constant 0 : i32
      %dma_wait3A_798 = tpu.memref_slice %arg3[%add3A_5, %dma_wait3A] : memref<128x64xf32, #tpu.memory_space<hbm>> -> memref<1x64xf32, #tpu.memory_space<hbm>>
      %dma_wait3A_799 = tpu.memref_squeeze %dma_wait3A_798 : memref<1x64xf32, #tpu.memory_space<hbm>> -> memref<64xf32, #tpu.memory_space<hbm>>
      %dma_wait3A_800 = arith.constant 0 : i32
      %dma_wait3A_801 = tpu.memref_slice %arg3[%add3A_5, %dma_wait3A_800] : memref<128x64xf32, #tpu.memory_space<hbm>> -> memref<1x64xf32, #tpu.memory_space<hbm>>
      %dma_wait3A_802 = tpu.memref_squeeze %dma_wait3A_801 : memref<1x64xf32, #tpu.memory_space<hbm>> -> memref<64xf32, #tpu.memory_space<hbm>>
      tpu.wait_dma2 semaphore(%run_scoped3A : memref<!tpu.dma_semaphore, #tpu.memory_space<semaphore_mem>>) src(%arg6 : memref<64xf32, #tpu.memory_space<vmem>>) dst(%dma_wait3A_802 : memref<64xf32, #tpu.memory_space<hbm>>)
      tpu.yield
    }) : () -> ()
    "tpu.region"() ({
      %run_scoped3A = tpu.sem_alloc : memref<!tpu.dma_semaphore, #tpu.memory_space<semaphore_mem>>
      %dma_start3A = arith.constant 0 : i32
      %dma_start3A_793 = tpu.memref_slice %arg4[%add3A_5, %dma_start3A] : memref<128x16xi32, #tpu.memory_space<hbm>> -> memref<1x16xi32, #tpu.memory_space<hbm>>
      %dma_start3A_794 = tpu.memref_squeeze %dma_start3A_793 : memref<1x16xi32, #tpu.memory_space<hbm>> -> memref<16xi32, #tpu.memory_space<hbm>>
      %dma_start3A_795 = arith.constant 0 : i32
      %dma_start3A_796 = tpu.memref_slice %arg4[%add3A_5, %dma_start3A_795] : memref<128x16xi32, #tpu.memory_space<hbm>> -> memref<1x16xi32, #tpu.memory_space<hbm>>
      %dma_start3A_797 = tpu.memref_squeeze %dma_start3A_796 : memref<1x16xi32, #tpu.memory_space<hbm>> -> memref<16xi32, #tpu.memory_space<hbm>>
      tpu.enqueue_dma source(%arg7 : memref<16xi32, #tpu.memory_space<vmem>>) target(%dma_start3A_797 : memref<16xi32, #tpu.memory_space<hbm>>) target_semaphore(%run_scoped3A : memref<!tpu.dma_semaphore, #tpu.memory_space<semaphore_mem>>)
      %dma_wait3A = arith.constant 0 : i32
      %dma_wait3A_798 = tpu.memref_slice %arg4[%add3A_5, %dma_wait3A] : memref<128x16xi32, #tpu.memory_space<hbm>> -> memref<1x16xi32, #tpu.memory_space<hbm>>
      %dma_wait3A_799 = tpu.memref_squeeze %dma_wait3A_798 : memref<1x16xi32, #tpu.memory_space<hbm>> -> memref<16xi32, #tpu.memory_space<hbm>>
      %dma_wait3A_800 = arith.constant 0 : i32
      %dma_wait3A_801 = tpu.memref_slice %arg4[%add3A_5, %dma_wait3A_800] : memref<128x16xi32, #tpu.memory_space<hbm>> -> memref<1x16xi32, #tpu.memory_space<hbm>>
      %dma_wait3A_802 = tpu.memref_squeeze %dma_wait3A_801 : memref<1x16xi32, #tpu.memory_space<hbm>> -> memref<16xi32, #tpu.memory_space<hbm>>
      tpu.wait_dma2 semaphore(%run_scoped3A : memref<!tpu.dma_semaphore, #tpu.memory_space<semaphore_mem>>) src(%arg7 : memref<16xi32, #tpu.memory_space<vmem>>) dst(%dma_wait3A_802 : memref<16xi32, #tpu.memory_space<hbm>>)
      tpu.yield
    }) : () -> ()
    %mul3A_190 = arith.constant 4 : i32
    %mul3A_191 = arith.muli %add3A, %mul3A_190 : i32
    %add3A_192 = arith.constant 1 : i32
    %add3A_193 = arith.addi %mul3A_191, %add3A_192 : i32
    "tpu.region"() ({
      %run_scoped3A = tpu.sem_alloc : memref<!tpu.dma_semaphore, #tpu.memory_space<semaphore_mem>>
      %dma_start3A = arith.constant 0 : i32
      %dma_start3A_793 = tpu.memref_slice %arg2[%add3A_193, %dma_start3A] : memref<128x64xf32, #tpu.memory_space<hbm>> -> memref<1x64xf32, #tpu.memory_space<hbm>>
      %dma_start3A_794 = tpu.memref_squeeze %dma_start3A_793 : memref<1x64xf32, #tpu.memory_space<hbm>> -> memref<64xf32, #tpu.memory_space<hbm>>
      %dma_start3A_795 = arith.constant 0 : i32
      %dma_start3A_796 = tpu.memref_slice %arg2[%add3A_193, %dma_start3A_795] : memref<128x64xf32, #tpu.memory_space<hbm>> -> memref<1x64xf32, #tpu.memory_space<hbm>>
      %dma_start3A_797 = tpu.memref_squeeze %dma_start3A_796 : memref<1x64xf32, #tpu.memory_space<hbm>> -> memref<64xf32, #tpu.memory_space<hbm>>
      tpu.enqueue_dma source(%dma_start3A_797 : memref<64xf32, #tpu.memory_space<hbm>>) target(%arg5 : memref<64xf32, #tpu.memory_space<vmem>>) target_semaphore(%run_scoped3A : memref<!tpu.dma_semaphore, #tpu.memory_space<semaphore_mem>>)
      %dma_wait3A = arith.constant 0 : i32
      %dma_wait3A_798 = tpu.memref_slice %arg2[%add3A_193, %dma_wait3A] : memref<128x64xf32, #tpu.memory_space<hbm>> -> memref<1x64xf32, #tpu.memory_space<hbm>>
      %dma_wait3A_799 = tpu.memref_squeeze %dma_wait3A_798 : memref<1x64xf32, #tpu.memory_space<hbm>> -> memref<64xf32, #tpu.memory_space<hbm>>
      %dma_wait3A_800 = arith.constant 0 : i32
      %dma_wait3A_801 = tpu.memref_slice %arg2[%add3A_193, %dma_wait3A_800] : memref<128x64xf32, #tpu.memory_space<hbm>> -> memref<1x64xf32, #tpu.memory_space<hbm>>
      %dma_wait3A_802 = tpu.memref_squeeze %dma_wait3A_801 : memref<1x64xf32, #tpu.memory_space<hbm>> -> memref<64xf32, #tpu.memory_space<hbm>>
      tpu.wait_dma2 semaphore(%run_scoped3A : memref<!tpu.dma_semaphore, #tpu.memory_space<semaphore_mem>>) src(%dma_wait3A_802 : memref<64xf32, #tpu.memory_space<hbm>>) dst(%arg5 : memref<64xf32, #tpu.memory_space<vmem>>)
      tpu.yield
    }) : () -> ()
    %get3A_194 = arith.constant 0 : index
    %get3A_195 = tpu.vector_load %arg5[%get3A_194] {strides = array<i32>} : memref<64xf32, #tpu.memory_space<vmem>>, vector<16xf32>,
    %lt3A_196 = arith.constant 1.500000e+00 : f32
    %lt3A_197 = vector.broadcast %lt3A_196 : f32 to vector<16xf32>
    %lt3A_198 = arith.cmpf olt, %get3A_195, %lt3A_197 : vector<16xf32>
    %convert_element_type3A_199 = arith.extui %lt3A_198 : vector<16xi1> to vector<16xi32>
    %reduce_sum3A_200 = arith.constant true
    %reduce_sum3A_201 = vector.broadcast %reduce_sum3A_200 : i1 to vector<16xi1>
    %reduce_sum3A_202 = tpu.scan <sum>, %convert_element_type3A_199 masked %reduce_sum3A_201 : vector<16xi32>, vector<16xi1> -> vector<16xi32>
    %reduce_sum3A_203 = vector.extract %reduce_sum3A_202[15] : i32 from vector<16xi32>
    %add3A_204 = arith.constant 0 : i32
    %add3A_205 = arith.addi %add3A_204, %reduce_sum3A_203 : i32
    %sort3A_206 = arith.constant dense<true> : vector<16xi1>
    %sort3A_207, %sort3A_208, %sort3A_209 = tpu.sort %get3A_195, %get3A_195 masked %sort3A_206 : (vector<16xf32>, vector<16xf32>, vector<16xi1>) -> (vector<16xi1>, vector<16xf32>, vector<16xf32>)
    %get3A_210 = arith.constant 16 : index
    %get3A_211 = tpu.vector_load %arg5[%get3A_210] {strides = array<i32>} : memref<64xf32, #tpu.memory_space<vmem>>, vector<16xf32>,
    %lt3A_212 = arith.constant 1.500000e+00 : f32
    %lt3A_213 = vector.broadcast %lt3A_212 : f32 to vector<16xf32>
    %lt3A_214 = arith.cmpf olt, %get3A_211, %lt3A_213 : vector<16xf32>
    %convert_element_type3A_215 = arith.extui %lt3A_214 : vector<16xi1> to vector<16xi32>
    %reduce_sum3A_216 = arith.constant true
    %reduce_sum3A_217 = vector.broadcast %reduce_sum3A_216 : i1 to vector<16xi1>
    %reduce_sum3A_218 = tpu.scan <sum>, %convert_element_type3A_215 masked %reduce_sum3A_217 : vector<16xi32>, vector<16xi1> -> vector<16xi32>
    %reduce_sum3A_219 = vector.extract %reduce_sum3A_218[15] : i32 from vector<16xi32>
    %add3A_220 = arith.addi %add3A_205, %reduce_sum3A_219 : i32
    %sort3A_221 = arith.constant dense<true> : vector<16xi1>
    %sort3A_222, %sort3A_223, %sort3A_224 = tpu.sort %get3A_211, %get3A_211 masked %sort3A_221 : (vector<16xf32>, vector<16xf32>, vector<16xi1>) -> (vector<16xi1>, vector<16xf32>, vector<16xf32>)
    %get3A_225 = arith.constant 32 : index
    %get3A_226 = tpu.vector_load %arg5[%get3A_225] {strides = array<i32>} : memref<64xf32, #tpu.memory_space<vmem>>, vector<16xf32>,
    %lt3A_227 = arith.constant 1.500000e+00 : f32
    %lt3A_228 = vector.broadcast %lt3A_227 : f32 to vector<16xf32>
    %lt3A_229 = arith.cmpf olt, %get3A_226, %lt3A_228 : vector<16xf32>
    %convert_element_type3A_230 = arith.extui %lt3A_229 : vector<16xi1> to vector<16xi32>
    %reduce_sum3A_231 = arith.constant true
    %reduce_sum3A_232 = vector.broadcast %reduce_sum3A_231 : i1 to vector<16xi1>
    %reduce_sum3A_233 = tpu.scan <sum>, %convert_element_type3A_230 masked %reduce_sum3A_232 : vector<16xi32>, vector<16xi1> -> vector<16xi32>
    %reduce_sum3A_234 = vector.extract %reduce_sum3A_233[15] : i32 from vector<16xi32>
    %add3A_235 = arith.addi %add3A_220, %reduce_sum3A_234 : i32
    %sort3A_236 = arith.constant dense<true> : vector<16xi1>
    %sort3A_237, %sort3A_238, %sort3A_239 = tpu.sort %get3A_226, %get3A_226 masked %sort3A_236 : (vector<16xf32>, vector<16xf32>, vector<16xi1>) -> (vector<16xi1>, vector<16xf32>, vector<16xf32>)
    %get3A_240 = arith.constant 48 : index
    %get3A_241 = tpu.vector_load %arg5[%get3A_240] {strides = array<i32>} : memref<64xf32, #tpu.memory_space<vmem>>, vector<16xf32>,
    %lt3A_242 = arith.constant 1.500000e+00 : f32
    %lt3A_243 = vector.broadcast %lt3A_242 : f32 to vector<16xf32>
    %lt3A_244 = arith.cmpf olt, %get3A_241, %lt3A_243 : vector<16xf32>
    %convert_element_type3A_245 = arith.extui %lt3A_244 : vector<16xi1> to vector<16xi32>
    %reduce_sum3A_246 = arith.constant true
    %reduce_sum3A_247 = vector.broadcast %reduce_sum3A_246 : i1 to vector<16xi1>
    %reduce_sum3A_248 = tpu.scan <sum>, %convert_element_type3A_245 masked %reduce_sum3A_247 : vector<16xi32>, vector<16xi1> -> vector<16xi32>
    %reduce_sum3A_249 = vector.extract %reduce_sum3A_248[15] : i32 from vector<16xi32>
    %add3A_250 = arith.addi %add3A_235, %reduce_sum3A_249 : i32
    %sort3A_251 = arith.constant dense<true> : vector<16xi1>
    %sort3A_252, %sort3A_253, %sort3A_254 = tpu.sort %get3A_241, %get3A_241 masked %sort3A_251 : (vector<16xf32>, vector<16xf32>, vector<16xi1>) -> (vector<16xi1>, vector<16xf32>, vector<16xf32>)
    %rev3A_255 = arith.constant 15 : i32
    %rev3A_256 = vector.broadcast %rev3A_255 : i32 to vector<16xi32>
    %rev3A_257 = tpu.iota {dimensions = array<i32: 0>} : vector<16xi32>
    %rev3A_258 = arith.subi %rev3A_256, %rev3A_257 : vector<16xi32>
    %rev3A_259 = tpu.dynamic_gather %sort3A_223[%rev3A_258] in [0] : vector<16xf32>, vector<16xi32> -> vector<16xf32>
    %min3A_260 = arith.minimumf %sort3A_208, %rev3A_259 : vector<16xf32>
    %max3A_261 = arith.maximumf %sort3A_208, %rev3A_259 : vector<16xf32>
    %sort3A_262 = arith.constant dense<true> : vector<16xi1>
    %sort3A_263, %sort3A_264, %sort3A_265 = tpu.sort %min3A_260, %min3A_260 masked %sort3A_262 : (vector<16xf32>, vector<16xf32>, vector<16xi1>) -> (vector<16xi1>, vector<16xf32>, vector<16xf32>)
    %sort3A_266 = arith.constant dense<true> : vector<16xi1>
    %sort3A_267, %sort3A_268, %sort3A_269 = tpu.sort %max3A_261, %max3A_261 masked %sort3A_266 : (vector<16xf32>, vector<16xf32>, vector<16xi1>) -> (vector<16xi1>, vector<16xf32>, vector<16xf32>)
    %rev3A_270 = arith.constant 15 : i32
    %rev3A_271 = vector.broadcast %rev3A_270 : i32 to vector<16xi32>
    %rev3A_272 = tpu.iota {dimensions = array<i32: 0>} : vector<16xi32>
    %rev3A_273 = arith.subi %rev3A_271, %rev3A_272 : vector<16xi32>
    %rev3A_274 = tpu.dynamic_gather %sort3A_253[%rev3A_273] in [0] : vector<16xf32>, vector<16xi32> -> vector<16xf32>
    %min3A_275 = arith.minimumf %sort3A_238, %rev3A_274 : vector<16xf32>
    %max3A_276 = arith.maximumf %sort3A_238, %rev3A_274 : vector<16xf32>
    %sort3A_277 = arith.constant dense<true> : vector<16xi1>
    %sort3A_278, %sort3A_279, %sort3A_280 = tpu.sort %min3A_275, %min3A_275 masked %sort3A_277 : (vector<16xf32>, vector<16xf32>, vector<16xi1>) -> (vector<16xi1>, vector<16xf32>, vector<16xf32>)
    %sort3A_281 = arith.constant dense<true> : vector<16xi1>
    %sort3A_282, %sort3A_283, %sort3A_284 = tpu.sort %max3A_276, %max3A_276 masked %sort3A_281 : (vector<16xf32>, vector<16xf32>, vector<16xi1>) -> (vector<16xi1>, vector<16xf32>, vector<16xf32>)
    %rev3A_285 = arith.constant 15 : i32
    %rev3A_286 = vector.broadcast %rev3A_285 : i32 to vector<16xi32>
    %rev3A_287 = tpu.iota {dimensions = array<i32: 0>} : vector<16xi32>
    %rev3A_288 = arith.subi %rev3A_286, %rev3A_287 : vector<16xi32>
    %rev3A_289 = tpu.dynamic_gather %sort3A_283[%rev3A_288] in [0] : vector<16xf32>, vector<16xi32> -> vector<16xf32>
    %rev3A_290 = arith.constant 15 : i32
    %rev3A_291 = vector.broadcast %rev3A_290 : i32 to vector<16xi32>
    %rev3A_292 = tpu.iota {dimensions = array<i32: 0>} : vector<16xi32>
    %rev3A_293 = arith.subi %rev3A_291, %rev3A_292 : vector<16xi32>
    %rev3A_294 = tpu.dynamic_gather %sort3A_279[%rev3A_293] in [0] : vector<16xf32>, vector<16xi32> -> vector<16xf32>
    %min3A_295 = arith.minimumf %sort3A_264, %rev3A_289 : vector<16xf32>
    %min3A_296 = arith.minimumf %sort3A_268, %rev3A_294 : vector<16xf32>
    %max3A_297 = arith.maximumf %sort3A_264, %rev3A_289 : vector<16xf32>
    %max3A_298 = arith.maximumf %sort3A_268, %rev3A_294 : vector<16xf32>
    %min3A_299 = arith.minimumf %min3A_295, %min3A_296 : vector<16xf32>
    %max3A_300 = arith.maximumf %min3A_295, %min3A_296 : vector<16xf32>
    %sort3A_301 = arith.constant dense<true> : vector<16xi1>
    %sort3A_302, %sort3A_303, %sort3A_304 = tpu.sort %min3A_299, %min3A_299 masked %sort3A_301 : (vector<16xf32>, vector<16xf32>, vector<16xi1>) -> (vector<16xi1>, vector<16xf32>, vector<16xf32>)
    %sort3A_305 = arith.constant dense<true> : vector<16xi1>
    %sort3A_306, %sort3A_307, %sort3A_308 = tpu.sort %max3A_300, %max3A_300 masked %sort3A_305 : (vector<16xf32>, vector<16xf32>, vector<16xi1>) -> (vector<16xi1>, vector<16xf32>, vector<16xf32>)
    %min3A_309 = arith.minimumf %max3A_297, %max3A_298 : vector<16xf32>
    %max3A_310 = arith.maximumf %max3A_297, %max3A_298 : vector<16xf32>
    %sort3A_311 = arith.constant dense<true> : vector<16xi1>
    %sort3A_312, %sort3A_313, %sort3A_314 = tpu.sort %min3A_309, %min3A_309 masked %sort3A_311 : (vector<16xf32>, vector<16xf32>, vector<16xi1>) -> (vector<16xi1>, vector<16xf32>, vector<16xf32>)
    %sort3A_315 = arith.constant dense<true> : vector<16xi1>
    %sort3A_316, %sort3A_317, %sort3A_318 = tpu.sort %max3A_310, %max3A_310 masked %sort3A_315 : (vector<16xf32>, vector<16xf32>, vector<16xi1>) -> (vector<16xi1>, vector<16xf32>, vector<16xf32>)
    %eq3A_319 = arith.constant 0 : i32
    %eq3A_320 = vector.broadcast %eq3A_319 : i32 to vector<16xi32>
    %eq3A_321 = arith.cmpi eq, %iota3A, %eq3A_320 : vector<16xi32>
    %jit3A_322 = arith.constant 0.000000e+00 : f32
    %broadcast_in_dim3A_323 = vector.broadcast %jit3A_322 : f32 to vector<16xf32>
    %select_n3A_324 = arith.select %eq3A_321, %broadcast_in_dim3A_323, %broadcast_in_dim3A_1 : vector<16xi1>, vector<16xf32>
    %swap3A_325 = arith.constant 0 : index
    %swap3A_326 = tpu.vector_load %arg6[%swap3A_325] {strides = array<i32>} : memref<64xf32, #tpu.memory_space<vmem>>, vector<16xf32>,
    tpu.vector_store %arg6[%swap3A_325], %select_n3A_324 {strides = array<i32>} : memref<64xf32, #tpu.memory_space<vmem>>, vector<16xf32>,
    %swap3A_327 = arith.constant 16 : index
    %swap3A_328 = tpu.vector_load %arg6[%swap3A_327] {strides = array<i32>} : memref<64xf32, #tpu.memory_space<vmem>>, vector<16xf32>,
    tpu.vector_store %arg6[%swap3A_327], %broadcast_in_dim3A_1 {strides = array<i32>} : memref<64xf32, #tpu.memory_space<vmem>>, vector<16xf32>,
    %swap3A_329 = arith.constant 32 : index
    %swap3A_330 = tpu.vector_load %arg6[%swap3A_329] {strides = array<i32>} : memref<64xf32, #tpu.memory_space<vmem>>, vector<16xf32>,
    tpu.vector_store %arg6[%swap3A_329], %broadcast_in_dim3A_1 {strides = array<i32>} : memref<64xf32, #tpu.memory_space<vmem>>, vector<16xf32>,
    %swap3A_331 = arith.constant 48 : index
    %swap3A_332 = tpu.vector_load %arg6[%swap3A_331] {strides = array<i32>} : memref<64xf32, #tpu.memory_space<vmem>>, vector<16xf32>,
    tpu.vector_store %arg6[%swap3A_331], %broadcast_in_dim3A_1 {strides = array<i32>} : memref<64xf32, #tpu.memory_space<vmem>>, vector<16xf32>,
    %min3A_333 = arith.constant 63 : i32
    %min3A_334 = arith.minsi %add3A_250, %min3A_333 : i32
    %add3A_335 = arith.constant 0 : i32
    %add3A_336 = vector.broadcast %add3A_335 : i32 to vector<16xi32>
    %add3A_337 = arith.addi %iota3A, %add3A_336 : vector<16xi32>
    %add3A_338 = arith.constant 1 : i32
    %add3A_339 = vector.broadcast %add3A_338 : i32 to vector<16xi32>
    %add3A_340 = arith.addi %add3A_337, %add3A_339 : vector<16xi32>
    %lt3A_341 = vector.broadcast %min3A_334 : i32 to vector<16xi32>
    %lt3A_342 = arith.cmpi slt, %add3A_337, %lt3A_341 : vector<16xi32>
    tpu.vector_store_idx %arg6[%add3A_340], %sort3A_303 masked %lt3A_342 : memref<64xf32, #tpu.memory_space<vmem>>[vector<16xi32>], vector<16xf32>, vector<16xi1>
    %add3A_343 = arith.constant 16 : i32
    %add3A_344 = vector.broadcast %add3A_343 : i32 to vector<16xi32>
    %add3A_345 = arith.addi %iota3A, %add3A_344 : vector<16xi32>
    %add3A_346 = arith.constant 1 : i32
    %add3A_347 = vector.broadcast %add3A_346 : i32 to vector<16xi32>
    %add3A_348 = arith.addi %add3A_345, %add3A_347 : vector<16xi32>
    %lt3A_349 = vector.broadcast %min3A_334 : i32 to vector<16xi32>
    %lt3A_350 = arith.cmpi slt, %add3A_345, %lt3A_349 : vector<16xi32>
    tpu.vector_store_idx %arg6[%add3A_348], %sort3A_307 masked %lt3A_350 : memref<64xf32, #tpu.memory_space<vmem>>[vector<16xi32>], vector<16xf32>, vector<16xi1>
    %add3A_351 = arith.constant 32 : i32
    %add3A_352 = vector.broadcast %add3A_351 : i32 to vector<16xi32>
    %add3A_353 = arith.addi %iota3A, %add3A_352 : vector<16xi32>
    %add3A_354 = arith.constant 1 : i32
    %add3A_355 = vector.broadcast %add3A_354 : i32 to vector<16xi32>
    %add3A_356 = arith.addi %add3A_353, %add3A_355 : vector<16xi32>
    %lt3A_357 = vector.broadcast %min3A_334 : i32 to vector<16xi32>
    %lt3A_358 = arith.cmpi slt, %add3A_353, %lt3A_357 : vector<16xi32>
    tpu.vector_store_idx %arg6[%add3A_356], %sort3A_313 masked %lt3A_358 : memref<64xf32, #tpu.memory_space<vmem>>[vector<16xi32>], vector<16xf32>, vector<16xi1>
    %add3A_359 = arith.constant 48 : i32
    %add3A_360 = vector.broadcast %add3A_359 : i32 to vector<16xi32>
    %add3A_361 = arith.addi %iota3A, %add3A_360 : vector<16xi32>
    %add3A_362 = arith.constant 1 : i32
    %add3A_363 = vector.broadcast %add3A_362 : i32 to vector<16xi32>
    %add3A_364 = arith.addi %add3A_361, %add3A_363 : vector<16xi32>
    %lt3A_365 = vector.broadcast %min3A_334 : i32 to vector<16xi32>
    %lt3A_366 = arith.cmpi slt, %add3A_361, %lt3A_365 : vector<16xi32>
    tpu.vector_store_idx %arg6[%add3A_364], %sort3A_317 masked %lt3A_366 : memref<64xf32, #tpu.memory_space<vmem>>[vector<16xi32>], vector<16xf32>, vector<16xi1>
    %add3A_367 = arith.constant 2 : i32
    %add3A_368 = arith.addi %add3A_250, %add3A_367 : i32
    %min3A_369 = arith.constant 64 : i32
    %min3A_370 = arith.minsi %add3A_368, %min3A_369 : i32
    %le3A_371 = arith.constant 62 : i32
    %le3A_372 = arith.cmpi sle, %add3A_250, %le3A_371 : i32
    %add3A_373 = arith.constant 1 : i32
    %add3A_374 = arith.addi %add3A_250, %add3A_373 : i32
    %jit3A_375 = arith.constant -1 : i32
    %select_n3A_376 = arith.select %le3A_372, %add3A_374, %jit3A_375 : i32
    %eq3A_377 = arith.constant 0 : i32
    %eq3A_378 = vector.broadcast %eq3A_377 : i32 to vector<16xi32>
    %eq3A_379 = arith.cmpi eq, %iota3A, %eq3A_378 : vector<16xi32>
    %eq3A_380 = arith.constant 1 : i32
    %eq3A_381 = vector.broadcast %eq3A_380 : i32 to vector<16xi32>
    %eq3A_382 = arith.cmpi eq, %iota3A, %eq3A_381 : vector<16xi32>
    %jit3A_383 = arith.constant 0 : i32
    %broadcast_in_dim3A_384 = vector.broadcast %select_n3A_376 : i32 to vector<16xi32>
    %broadcast_in_dim3A_385 = vector.broadcast %jit3A_383 : i32 to vector<16xi32>
    %select_n3A_386 = arith.select %eq3A_382, %broadcast_in_dim3A_384, %broadcast_in_dim3A_385 : vector<16xi1>, vector<16xi32>
    %broadcast_in_dim3A_387 = vector.broadcast %min3A_370 : i32 to vector<16xi32>
    %select_n3A_388 = arith.select %eq3A_379, %broadcast_in_dim3A_387, %select_n3A_386 : vector<16xi1>, vector<16xi32>
    %swap3A_389 = arith.constant 0 : index
    %swap3A_390 = tpu.vector_load %arg7[%swap3A_389] {strides = array<i32>} : memref<16xi32, #tpu.memory_space<vmem>>, vector<16xi32>,
    tpu.vector_store %arg7[%swap3A_389], %select_n3A_388 {strides = array<i32>} : memref<16xi32, #tpu.memory_space<vmem>>, vector<16xi32>,
    "tpu.region"() ({
      %run_scoped3A = tpu.sem_alloc : memref<!tpu.dma_semaphore, #tpu.memory_space<semaphore_mem>>
      %dma_start3A = arith.constant 0 : i32
      %dma_start3A_793 = tpu.memref_slice %arg3[%add3A_193, %dma_start3A] : memref<128x64xf32, #tpu.memory_space<hbm>> -> memref<1x64xf32, #tpu.memory_space<hbm>>
      %dma_start3A_794 = tpu.memref_squeeze %dma_start3A_793 : memref<1x64xf32, #tpu.memory_space<hbm>> -> memref<64xf32, #tpu.memory_space<hbm>>
      %dma_start3A_795 = arith.constant 0 : i32
      %dma_start3A_796 = tpu.memref_slice %arg3[%add3A_193, %dma_start3A_795] : memref<128x64xf32, #tpu.memory_space<hbm>> -> memref<1x64xf32, #tpu.memory_space<hbm>>
      %dma_start3A_797 = tpu.memref_squeeze %dma_start3A_796 : memref<1x64xf32, #tpu.memory_space<hbm>> -> memref<64xf32, #tpu.memory_space<hbm>>
      tpu.enqueue_dma source(%arg6 : memref<64xf32, #tpu.memory_space<vmem>>) target(%dma_start3A_797 : memref<64xf32, #tpu.memory_space<hbm>>) target_semaphore(%run_scoped3A : memref<!tpu.dma_semaphore, #tpu.memory_space<semaphore_mem>>)
      %dma_wait3A = arith.constant 0 : i32
      %dma_wait3A_798 = tpu.memref_slice %arg3[%add3A_193, %dma_wait3A] : memref<128x64xf32, #tpu.memory_space<hbm>> -> memref<1x64xf32, #tpu.memory_space<hbm>>
      %dma_wait3A_799 = tpu.memref_squeeze %dma_wait3A_798 : memref<1x64xf32, #tpu.memory_space<hbm>> -> memref<64xf32, #tpu.memory_space<hbm>>
      %dma_wait3A_800 = arith.constant 0 : i32
      %dma_wait3A_801 = tpu.memref_slice %arg3[%add3A_193, %dma_wait3A_800] : memref<128x64xf32, #tpu.memory_space<hbm>> -> memref<1x64xf32, #tpu.memory_space<hbm>>
      %dma_wait3A_802 = tpu.memref_squeeze %dma_wait3A_801 : memref<1x64xf32, #tpu.memory_space<hbm>> -> memref<64xf32, #tpu.memory_space<hbm>>
      tpu.wait_dma2 semaphore(%run_scoped3A : memref<!tpu.dma_semaphore, #tpu.memory_space<semaphore_mem>>) src(%arg6 : memref<64xf32, #tpu.memory_space<vmem>>) dst(%dma_wait3A_802 : memref<64xf32, #tpu.memory_space<hbm>>)
      tpu.yield
    }) : () -> ()
    "tpu.region"() ({
      %run_scoped3A = tpu.sem_alloc : memref<!tpu.dma_semaphore, #tpu.memory_space<semaphore_mem>>
      %dma_start3A = arith.constant 0 : i32
      %dma_start3A_793 = tpu.memref_slice %arg4[%add3A_193, %dma_start3A] : memref<128x16xi32, #tpu.memory_space<hbm>> -> memref<1x16xi32, #tpu.memory_space<hbm>>
      %dma_start3A_794 = tpu.memref_squeeze %dma_start3A_793 : memref<1x16xi32, #tpu.memory_space<hbm>> -> memref<16xi32, #tpu.memory_space<hbm>>
      %dma_start3A_795 = arith.constant 0 : i32
      %dma_start3A_796 = tpu.memref_slice %arg4[%add3A_193, %dma_start3A_795] : memref<128x16xi32, #tpu.memory_space<hbm>> -> memref<1x16xi32, #tpu.memory_space<hbm>>
      %dma_start3A_797 = tpu.memref_squeeze %dma_start3A_796 : memref<1x16xi32, #tpu.memory_space<hbm>> -> memref<16xi32, #tpu.memory_space<hbm>>
      tpu.enqueue_dma source(%arg7 : memref<16xi32, #tpu.memory_space<vmem>>) target(%dma_start3A_797 : memref<16xi32, #tpu.memory_space<hbm>>) target_semaphore(%run_scoped3A : memref<!tpu.dma_semaphore, #tpu.memory_space<semaphore_mem>>)
      %dma_wait3A = arith.constant 0 : i32
      %dma_wait3A_798 = tpu.memref_slice %arg4[%add3A_193, %dma_wait3A] : memref<128x16xi32, #tpu.memory_space<hbm>> -> memref<1x16xi32, #tpu.memory_space<hbm>>
      %dma_wait3A_799 = tpu.memref_squeeze %dma_wait3A_798 : memref<1x16xi32, #tpu.memory_space<hbm>> -> memref<16xi32, #tpu.memory_space<hbm>>
      %dma_wait3A_800 = arith.constant 0 : i32
      %dma_wait3A_801 = tpu.memref_slice %arg4[%add3A_193, %dma_wait3A_800] : memref<128x16xi32, #tpu.memory_space<hbm>> -> memref<1x16xi32, #tpu.memory_space<hbm>>
      %dma_wait3A_802 = tpu.memref_squeeze %dma_wait3A_801 : memref<1x16xi32, #tpu.memory_space<hbm>> -> memref<16xi32, #tpu.memory_space<hbm>>
      tpu.wait_dma2 semaphore(%run_scoped3A : memref<!tpu.dma_semaphore, #tpu.memory_space<semaphore_mem>>) src(%arg7 : memref<16xi32, #tpu.memory_space<vmem>>) dst(%dma_wait3A_802 : memref<16xi32, #tpu.memory_space<hbm>>)
      tpu.yield
    }) : () -> ()
    %mul3A_391 = arith.constant 4 : i32
    %mul3A_392 = arith.muli %add3A, %mul3A_391 : i32
    %add3A_393 = arith.constant 2 : i32
    %add3A_394 = arith.addi %mul3A_392, %add3A_393 : i32
    "tpu.region"() ({
      %run_scoped3A = tpu.sem_alloc : memref<!tpu.dma_semaphore, #tpu.memory_space<semaphore_mem>>
      %dma_start3A = arith.constant 0 : i32
      %dma_start3A_793 = tpu.memref_slice %arg2[%add3A_394, %dma_start3A] : memref<128x64xf32, #tpu.memory_space<hbm>> -> memref<1x64xf32, #tpu.memory_space<hbm>>
      %dma_start3A_794 = tpu.memref_squeeze %dma_start3A_793 : memref<1x64xf32, #tpu.memory_space<hbm>> -> memref<64xf32, #tpu.memory_space<hbm>>
      %dma_start3A_795 = arith.constant 0 : i32
      %dma_start3A_796 = tpu.memref_slice %arg2[%add3A_394, %dma_start3A_795] : memref<128x64xf32, #tpu.memory_space<hbm>> -> memref<1x64xf32, #tpu.memory_space<hbm>>
      %dma_start3A_797 = tpu.memref_squeeze %dma_start3A_796 : memref<1x64xf32, #tpu.memory_space<hbm>> -> memref<64xf32, #tpu.memory_space<hbm>>
      tpu.enqueue_dma source(%dma_start3A_797 : memref<64xf32, #tpu.memory_space<hbm>>) target(%arg5 : memref<64xf32, #tpu.memory_space<vmem>>) target_semaphore(%run_scoped3A : memref<!tpu.dma_semaphore, #tpu.memory_space<semaphore_mem>>)
      %dma_wait3A = arith.constant 0 : i32
      %dma_wait3A_798 = tpu.memref_slice %arg2[%add3A_394, %dma_wait3A] : memref<128x64xf32, #tpu.memory_space<hbm>> -> memref<1x64xf32, #tpu.memory_space<hbm>>
      %dma_wait3A_799 = tpu.memref_squeeze %dma_wait3A_798 : memref<1x64xf32, #tpu.memory_space<hbm>> -> memref<64xf32, #tpu.memory_space<hbm>>
      %dma_wait3A_800 = arith.constant 0 : i32
      %dma_wait3A_801 = tpu.memref_slice %arg2[%add3A_394, %dma_wait3A_800] : memref<128x64xf32, #tpu.memory_space<hbm>> -> memref<1x64xf32, #tpu.memory_space<hbm>>
      %dma_wait3A_802 = tpu.memref_squeeze %dma_wait3A_801 : memref<1x64xf32, #tpu.memory_space<hbm>> -> memref<64xf32, #tpu.memory_space<hbm>>
      tpu.wait_dma2 semaphore(%run_scoped3A : memref<!tpu.dma_semaphore, #tpu.memory_space<semaphore_mem>>) src(%dma_wait3A_802 : memref<64xf32, #tpu.memory_space<hbm>>) dst(%arg5 : memref<64xf32, #tpu.memory_space<vmem>>)
      tpu.yield
    }) : () -> ()
    %get3A_395 = arith.constant 0 : index
    %get3A_396 = tpu.vector_load %arg5[%get3A_395] {strides = array<i32>} : memref<64xf32, #tpu.memory_space<vmem>>, vector<16xf32>,
    %lt3A_397 = arith.constant 1.500000e+00 : f32
    %lt3A_398 = vector.broadcast %lt3A_397 : f32 to vector<16xf32>
    %lt3A_399 = arith.cmpf olt, %get3A_396, %lt3A_398 : vector<16xf32>
    %convert_element_type3A_400 = arith.extui %lt3A_399 : vector<16xi1> to vector<16xi32>
    %reduce_sum3A_401 = arith.constant true
    %reduce_sum3A_402 = vector.broadcast %reduce_sum3A_401 : i1 to vector<16xi1>
    %reduce_sum3A_403 = tpu.scan <sum>, %convert_element_type3A_400 masked %reduce_sum3A_402 : vector<16xi32>, vector<16xi1> -> vector<16xi32>
    %reduce_sum3A_404 = vector.extract %reduce_sum3A_403[15] : i32 from vector<16xi32>
    %add3A_405 = arith.constant 0 : i32
    %add3A_406 = arith.addi %add3A_405, %reduce_sum3A_404 : i32
    %sort3A_407 = arith.constant dense<true> : vector<16xi1>
    %sort3A_408, %sort3A_409, %sort3A_410 = tpu.sort %get3A_396, %get3A_396 masked %sort3A_407 : (vector<16xf32>, vector<16xf32>, vector<16xi1>) -> (vector<16xi1>, vector<16xf32>, vector<16xf32>)
    %get3A_411 = arith.constant 16 : index
    %get3A_412 = tpu.vector_load %arg5[%get3A_411] {strides = array<i32>} : memref<64xf32, #tpu.memory_space<vmem>>, vector<16xf32>,
    %lt3A_413 = arith.constant 1.500000e+00 : f32
    %lt3A_414 = vector.broadcast %lt3A_413 : f32 to vector<16xf32>
    %lt3A_415 = arith.cmpf olt, %get3A_412, %lt3A_414 : vector<16xf32>
    %convert_element_type3A_416 = arith.extui %lt3A_415 : vector<16xi1> to vector<16xi32>
    %reduce_sum3A_417 = arith.constant true
    %reduce_sum3A_418 = vector.broadcast %reduce_sum3A_417 : i1 to vector<16xi1>
    %reduce_sum3A_419 = tpu.scan <sum>, %convert_element_type3A_416 masked %reduce_sum3A_418 : vector<16xi32>, vector<16xi1> -> vector<16xi32>
    %reduce_sum3A_420 = vector.extract %reduce_sum3A_419[15] : i32 from vector<16xi32>
    %add3A_421 = arith.addi %add3A_406, %reduce_sum3A_420 : i32
    %sort3A_422 = arith.constant dense<true> : vector<16xi1>
    %sort3A_423, %sort3A_424, %sort3A_425 = tpu.sort %get3A_412, %get3A_412 masked %sort3A_422 : (vector<16xf32>, vector<16xf32>, vector<16xi1>) -> (vector<16xi1>, vector<16xf32>, vector<16xf32>)
    %get3A_426 = arith.constant 32 : index
    %get3A_427 = tpu.vector_load %arg5[%get3A_426] {strides = array<i32>} : memref<64xf32, #tpu.memory_space<vmem>>, vector<16xf32>,
    %lt3A_428 = arith.constant 1.500000e+00 : f32
    %lt3A_429 = vector.broadcast %lt3A_428 : f32 to vector<16xf32>
    %lt3A_430 = arith.cmpf olt, %get3A_427, %lt3A_429 : vector<16xf32>
    %convert_element_type3A_431 = arith.extui %lt3A_430 : vector<16xi1> to vector<16xi32>
    %reduce_sum3A_432 = arith.constant true
    %reduce_sum3A_433 = vector.broadcast %reduce_sum3A_432 : i1 to vector<16xi1>
    %reduce_sum3A_434 = tpu.scan <sum>, %convert_element_type3A_431 masked %reduce_sum3A_433 : vector<16xi32>, vector<16xi1> -> vector<16xi32>
    %reduce_sum3A_435 = vector.extract %reduce_sum3A_434[15] : i32 from vector<16xi32>
    %add3A_436 = arith.addi %add3A_421, %reduce_sum3A_435 : i32
    %sort3A_437 = arith.constant dense<true> : vector<16xi1>
    %sort3A_438, %sort3A_439, %sort3A_440 = tpu.sort %get3A_427, %get3A_427 masked %sort3A_437 : (vector<16xf32>, vector<16xf32>, vector<16xi1>) -> (vector<16xi1>, vector<16xf32>, vector<16xf32>)
    %get3A_441 = arith.constant 48 : index
    %get3A_442 = tpu.vector_load %arg5[%get3A_441] {strides = array<i32>} : memref<64xf32, #tpu.memory_space<vmem>>, vector<16xf32>,
    %lt3A_443 = arith.constant 1.500000e+00 : f32
    %lt3A_444 = vector.broadcast %lt3A_443 : f32 to vector<16xf32>
    %lt3A_445 = arith.cmpf olt, %get3A_442, %lt3A_444 : vector<16xf32>
    %convert_element_type3A_446 = arith.extui %lt3A_445 : vector<16xi1> to vector<16xi32>
    %reduce_sum3A_447 = arith.constant true
    %reduce_sum3A_448 = vector.broadcast %reduce_sum3A_447 : i1 to vector<16xi1>
    %reduce_sum3A_449 = tpu.scan <sum>, %convert_element_type3A_446 masked %reduce_sum3A_448 : vector<16xi32>, vector<16xi1> -> vector<16xi32>
    %reduce_sum3A_450 = vector.extract %reduce_sum3A_449[15] : i32 from vector<16xi32>
    %add3A_451 = arith.addi %add3A_436, %reduce_sum3A_450 : i32
    %sort3A_452 = arith.constant dense<true> : vector<16xi1>
    %sort3A_453, %sort3A_454, %sort3A_455 = tpu.sort %get3A_442, %get3A_442 masked %sort3A_452 : (vector<16xf32>, vector<16xf32>, vector<16xi1>) -> (vector<16xi1>, vector<16xf32>, vector<16xf32>)
    %rev3A_456 = arith.constant 15 : i32
    %rev3A_457 = vector.broadcast %rev3A_456 : i32 to vector<16xi32>
    %rev3A_458 = tpu.iota {dimensions = array<i32: 0>} : vector<16xi32>
    %rev3A_459 = arith.subi %rev3A_457, %rev3A_458 : vector<16xi32>
    %rev3A_460 = tpu.dynamic_gather %sort3A_424[%rev3A_459] in [0] : vector<16xf32>, vector<16xi32> -> vector<16xf32>
    %min3A_461 = arith.minimumf %sort3A_409, %rev3A_460 : vector<16xf32>
    %max3A_462 = arith.maximumf %sort3A_409, %rev3A_460 : vector<16xf32>
    %sort3A_463 = arith.constant dense<true> : vector<16xi1>
    %sort3A_464, %sort3A_465, %sort3A_466 = tpu.sort %min3A_461, %min3A_461 masked %sort3A_463 : (vector<16xf32>, vector<16xf32>, vector<16xi1>) -> (vector<16xi1>, vector<16xf32>, vector<16xf32>)
    %sort3A_467 = arith.constant dense<true> : vector<16xi1>
    %sort3A_468, %sort3A_469, %sort3A_470 = tpu.sort %max3A_462, %max3A_462 masked %sort3A_467 : (vector<16xf32>, vector<16xf32>, vector<16xi1>) -> (vector<16xi1>, vector<16xf32>, vector<16xf32>)
    %rev3A_471 = arith.constant 15 : i32
    %rev3A_472 = vector.broadcast %rev3A_471 : i32 to vector<16xi32>
    %rev3A_473 = tpu.iota {dimensions = array<i32: 0>} : vector<16xi32>
    %rev3A_474 = arith.subi %rev3A_472, %rev3A_473 : vector<16xi32>
    %rev3A_475 = tpu.dynamic_gather %sort3A_454[%rev3A_474] in [0] : vector<16xf32>, vector<16xi32> -> vector<16xf32>
    %min3A_476 = arith.minimumf %sort3A_439, %rev3A_475 : vector<16xf32>
    %max3A_477 = arith.maximumf %sort3A_439, %rev3A_475 : vector<16xf32>
    %sort3A_478 = arith.constant dense<true> : vector<16xi1>
    %sort3A_479, %sort3A_480, %sort3A_481 = tpu.sort %min3A_476, %min3A_476 masked %sort3A_478 : (vector<16xf32>, vector<16xf32>, vector<16xi1>) -> (vector<16xi1>, vector<16xf32>, vector<16xf32>)
    %sort3A_482 = arith.constant dense<true> : vector<16xi1>
    %sort3A_483, %sort3A_484, %sort3A_485 = tpu.sort %max3A_477, %max3A_477 masked %sort3A_482 : (vector<16xf32>, vector<16xf32>, vector<16xi1>) -> (vector<16xi1>, vector<16xf32>, vector<16xf32>)
    %rev3A_486 = arith.constant 15 : i32
    %rev3A_487 = vector.broadcast %rev3A_486 : i32 to vector<16xi32>
    %rev3A_488 = tpu.iota {dimensions = array<i32: 0>} : vector<16xi32>
    %rev3A_489 = arith.subi %rev3A_487, %rev3A_488 : vector<16xi32>
    %rev3A_490 = tpu.dynamic_gather %sort3A_484[%rev3A_489] in [0] : vector<16xf32>, vector<16xi32> -> vector<16xf32>
    %rev3A_491 = arith.constant 15 : i32
    %rev3A_492 = vector.broadcast %rev3A_491 : i32 to vector<16xi32>
    %rev3A_493 = tpu.iota {dimensions = array<i32: 0>} : vector<16xi32>
    %rev3A_494 = arith.subi %rev3A_492, %rev3A_493 : vector<16xi32>
    %rev3A_495 = tpu.dynamic_gather %sort3A_480[%rev3A_494] in [0] : vector<16xf32>, vector<16xi32> -> vector<16xf32>
    %min3A_496 = arith.minimumf %sort3A_465, %rev3A_490 : vector<16xf32>
    %min3A_497 = arith.minimumf %sort3A_469, %rev3A_495 : vector<16xf32>
    %max3A_498 = arith.maximumf %sort3A_465, %rev3A_490 : vector<16xf32>
    %max3A_499 = arith.maximumf %sort3A_469, %rev3A_495 : vector<16xf32>
    %min3A_500 = arith.minimumf %min3A_496, %min3A_497 : vector<16xf32>
    %max3A_501 = arith.maximumf %min3A_496, %min3A_497 : vector<16xf32>
    %sort3A_502 = arith.constant dense<true> : vector<16xi1>
    %sort3A_503, %sort3A_504, %sort3A_505 = tpu.sort %min3A_500, %min3A_500 masked %sort3A_502 : (vector<16xf32>, vector<16xf32>, vector<16xi1>) -> (vector<16xi1>, vector<16xf32>, vector<16xf32>)
    %sort3A_506 = arith.constant dense<true> : vector<16xi1>
    %sort3A_507, %sort3A_508, %sort3A_509 = tpu.sort %max3A_501, %max3A_501 masked %sort3A_506 : (vector<16xf32>, vector<16xf32>, vector<16xi1>) -> (vector<16xi1>, vector<16xf32>, vector<16xf32>)
    %min3A_510 = arith.minimumf %max3A_498, %max3A_499 : vector<16xf32>
    %max3A_511 = arith.maximumf %max3A_498, %max3A_499 : vector<16xf32>
    %sort3A_512 = arith.constant dense<true> : vector<16xi1>
    %sort3A_513, %sort3A_514, %sort3A_515 = tpu.sort %min3A_510, %min3A_510 masked %sort3A_512 : (vector<16xf32>, vector<16xf32>, vector<16xi1>) -> (vector<16xi1>, vector<16xf32>, vector<16xf32>)
    %sort3A_516 = arith.constant dense<true> : vector<16xi1>
    %sort3A_517, %sort3A_518, %sort3A_519 = tpu.sort %max3A_511, %max3A_511 masked %sort3A_516 : (vector<16xf32>, vector<16xf32>, vector<16xi1>) -> (vector<16xi1>, vector<16xf32>, vector<16xf32>)
    %eq3A_520 = arith.constant 0 : i32
    %eq3A_521 = vector.broadcast %eq3A_520 : i32 to vector<16xi32>
    %eq3A_522 = arith.cmpi eq, %iota3A, %eq3A_521 : vector<16xi32>
    %jit3A_523 = arith.constant 0.000000e+00 : f32
    %broadcast_in_dim3A_524 = vector.broadcast %jit3A_523 : f32 to vector<16xf32>
    %select_n3A_525 = arith.select %eq3A_522, %broadcast_in_dim3A_524, %broadcast_in_dim3A_1 : vector<16xi1>, vector<16xf32>
    %swap3A_526 = arith.constant 0 : index
    %swap3A_527 = tpu.vector_load %arg6[%swap3A_526] {strides = array<i32>} : memref<64xf32, #tpu.memory_space<vmem>>, vector<16xf32>,
    tpu.vector_store %arg6[%swap3A_526], %select_n3A_525 {strides = array<i32>} : memref<64xf32, #tpu.memory_space<vmem>>, vector<16xf32>,
    %swap3A_528 = arith.constant 16 : index
    %swap3A_529 = tpu.vector_load %arg6[%swap3A_528] {strides = array<i32>} : memref<64xf32, #tpu.memory_space<vmem>>, vector<16xf32>,
    tpu.vector_store %arg6[%swap3A_528], %broadcast_in_dim3A_1 {strides = array<i32>} : memref<64xf32, #tpu.memory_space<vmem>>, vector<16xf32>,
    %swap3A_530 = arith.constant 32 : index
    %swap3A_531 = tpu.vector_load %arg6[%swap3A_530] {strides = array<i32>} : memref<64xf32, #tpu.memory_space<vmem>>, vector<16xf32>,
    tpu.vector_store %arg6[%swap3A_530], %broadcast_in_dim3A_1 {strides = array<i32>} : memref<64xf32, #tpu.memory_space<vmem>>, vector<16xf32>,
    %swap3A_532 = arith.constant 48 : index
    %swap3A_533 = tpu.vector_load %arg6[%swap3A_532] {strides = array<i32>} : memref<64xf32, #tpu.memory_space<vmem>>, vector<16xf32>,
    tpu.vector_store %arg6[%swap3A_532], %broadcast_in_dim3A_1 {strides = array<i32>} : memref<64xf32, #tpu.memory_space<vmem>>, vector<16xf32>,
    %min3A_534 = arith.constant 63 : i32
    %min3A_535 = arith.minsi %add3A_451, %min3A_534 : i32
    %add3A_536 = arith.constant 0 : i32
    %add3A_537 = vector.broadcast %add3A_536 : i32 to vector<16xi32>
    %add3A_538 = arith.addi %iota3A, %add3A_537 : vector<16xi32>
    %add3A_539 = arith.constant 1 : i32
    %add3A_540 = vector.broadcast %add3A_539 : i32 to vector<16xi32>
    %add3A_541 = arith.addi %add3A_538, %add3A_540 : vector<16xi32>
    %lt3A_542 = vector.broadcast %min3A_535 : i32 to vector<16xi32>
    %lt3A_543 = arith.cmpi slt, %add3A_538, %lt3A_542 : vector<16xi32>
    tpu.vector_store_idx %arg6[%add3A_541], %sort3A_504 masked %lt3A_543 : memref<64xf32, #tpu.memory_space<vmem>>[vector<16xi32>], vector<16xf32>, vector<16xi1>
    %add3A_544 = arith.constant 16 : i32
    %add3A_545 = vector.broadcast %add3A_544 : i32 to vector<16xi32>
    %add3A_546 = arith.addi %iota3A, %add3A_545 : vector<16xi32>
    %add3A_547 = arith.constant 1 : i32
    %add3A_548 = vector.broadcast %add3A_547 : i32 to vector<16xi32>
    %add3A_549 = arith.addi %add3A_546, %add3A_548 : vector<16xi32>
    %lt3A_550 = vector.broadcast %min3A_535 : i32 to vector<16xi32>
    %lt3A_551 = arith.cmpi slt, %add3A_546, %lt3A_550 : vector<16xi32>
    tpu.vector_store_idx %arg6[%add3A_549], %sort3A_508 masked %lt3A_551 : memref<64xf32, #tpu.memory_space<vmem>>[vector<16xi32>], vector<16xf32>, vector<16xi1>
    %add3A_552 = arith.constant 32 : i32
    %add3A_553 = vector.broadcast %add3A_552 : i32 to vector<16xi32>
    %add3A_554 = arith.addi %iota3A, %add3A_553 : vector<16xi32>
    %add3A_555 = arith.constant 1 : i32
    %add3A_556 = vector.broadcast %add3A_555 : i32 to vector<16xi32>
    %add3A_557 = arith.addi %add3A_554, %add3A_556 : vector<16xi32>
    %lt3A_558 = vector.broadcast %min3A_535 : i32 to vector<16xi32>
    %lt3A_559 = arith.cmpi slt, %add3A_554, %lt3A_558 : vector<16xi32>
    tpu.vector_store_idx %arg6[%add3A_557], %sort3A_514 masked %lt3A_559 : memref<64xf32, #tpu.memory_space<vmem>>[vector<16xi32>], vector<16xf32>, vector<16xi1>
    %add3A_560 = arith.constant 48 : i32
    %add3A_561 = vector.broadcast %add3A_560 : i32 to vector<16xi32>
    %add3A_562 = arith.addi %iota3A, %add3A_561 : vector<16xi32>
    %add3A_563 = arith.constant 1 : i32
    %add3A_564 = vector.broadcast %add3A_563 : i32 to vector<16xi32>
    %add3A_565 = arith.addi %add3A_562, %add3A_564 : vector<16xi32>
    %lt3A_566 = vector.broadcast %min3A_535 : i32 to vector<16xi32>
    %lt3A_567 = arith.cmpi slt, %add3A_562, %lt3A_566 : vector<16xi32>
    tpu.vector_store_idx %arg6[%add3A_565], %sort3A_518 masked %lt3A_567 : memref<64xf32, #tpu.memory_space<vmem>>[vector<16xi32>], vector<16xf32>, vector<16xi1>
    %add3A_568 = arith.constant 2 : i32
    %add3A_569 = arith.addi %add3A_451, %add3A_568 : i32
    %min3A_570 = arith.constant 64 : i32
    %min3A_571 = arith.minsi %add3A_569, %min3A_570 : i32
    %le3A_572 = arith.constant 62 : i32
    %le3A_573 = arith.cmpi sle, %add3A_451, %le3A_572 : i32
    %add3A_574 = arith.constant 1 : i32
    %add3A_575 = arith.addi %add3A_451, %add3A_574 : i32
    %jit3A_576 = arith.constant -1 : i32
    %select_n3A_577 = arith.select %le3A_573, %add3A_575, %jit3A_576 : i32
    %eq3A_578 = arith.constant 0 : i32
    %eq3A_579 = vector.broadcast %eq3A_578 : i32 to vector<16xi32>
    %eq3A_580 = arith.cmpi eq, %iota3A, %eq3A_579 : vector<16xi32>
    %eq3A_581 = arith.constant 1 : i32
    %eq3A_582 = vector.broadcast %eq3A_581 : i32 to vector<16xi32>
    %eq3A_583 = arith.cmpi eq, %iota3A, %eq3A_582 : vector<16xi32>
    %jit3A_584 = arith.constant 0 : i32
    %broadcast_in_dim3A_585 = vector.broadcast %select_n3A_577 : i32 to vector<16xi32>
    %broadcast_in_dim3A_586 = vector.broadcast %jit3A_584 : i32 to vector<16xi32>
    %select_n3A_587 = arith.select %eq3A_583, %broadcast_in_dim3A_585, %broadcast_in_dim3A_586 : vector<16xi1>, vector<16xi32>
    %broadcast_in_dim3A_588 = vector.broadcast %min3A_571 : i32 to vector<16xi32>
    %select_n3A_589 = arith.select %eq3A_580, %broadcast_in_dim3A_588, %select_n3A_587 : vector<16xi1>, vector<16xi32>
    %swap3A_590 = arith.constant 0 : index
    %swap3A_591 = tpu.vector_load %arg7[%swap3A_590] {strides = array<i32>} : memref<16xi32, #tpu.memory_space<vmem>>, vector<16xi32>,
    tpu.vector_store %arg7[%swap3A_590], %select_n3A_589 {strides = array<i32>} : memref<16xi32, #tpu.memory_space<vmem>>, vector<16xi32>,
    "tpu.region"() ({
      %run_scoped3A = tpu.sem_alloc : memref<!tpu.dma_semaphore, #tpu.memory_space<semaphore_mem>>
      %dma_start3A = arith.constant 0 : i32
      %dma_start3A_793 = tpu.memref_slice %arg3[%add3A_394, %dma_start3A] : memref<128x64xf32, #tpu.memory_space<hbm>> -> memref<1x64xf32, #tpu.memory_space<hbm>>
      %dma_start3A_794 = tpu.memref_squeeze %dma_start3A_793 : memref<1x64xf32, #tpu.memory_space<hbm>> -> memref<64xf32, #tpu.memory_space<hbm>>
      %dma_start3A_795 = arith.constant 0 : i32
      %dma_start3A_796 = tpu.memref_slice %arg3[%add3A_394, %dma_start3A_795] : memref<128x64xf32, #tpu.memory_space<hbm>> -> memref<1x64xf32, #tpu.memory_space<hbm>>
      %dma_start3A_797 = tpu.memref_squeeze %dma_start3A_796 : memref<1x64xf32, #tpu.memory_space<hbm>> -> memref<64xf32, #tpu.memory_space<hbm>>
      tpu.enqueue_dma source(%arg6 : memref<64xf32, #tpu.memory_space<vmem>>) target(%dma_start3A_797 : memref<64xf32, #tpu.memory_space<hbm>>) target_semaphore(%run_scoped3A : memref<!tpu.dma_semaphore, #tpu.memory_space<semaphore_mem>>)
      %dma_wait3A = arith.constant 0 : i32
      %dma_wait3A_798 = tpu.memref_slice %arg3[%add3A_394, %dma_wait3A] : memref<128x64xf32, #tpu.memory_space<hbm>> -> memref<1x64xf32, #tpu.memory_space<hbm>>
      %dma_wait3A_799 = tpu.memref_squeeze %dma_wait3A_798 : memref<1x64xf32, #tpu.memory_space<hbm>> -> memref<64xf32, #tpu.memory_space<hbm>>
      %dma_wait3A_800 = arith.constant 0 : i32
      %dma_wait3A_801 = tpu.memref_slice %arg3[%add3A_394, %dma_wait3A_800] : memref<128x64xf32, #tpu.memory_space<hbm>> -> memref<1x64xf32, #tpu.memory_space<hbm>>
      %dma_wait3A_802 = tpu.memref_squeeze %dma_wait3A_801 : memref<1x64xf32, #tpu.memory_space<hbm>> -> memref<64xf32, #tpu.memory_space<hbm>>
      tpu.wait_dma2 semaphore(%run_scoped3A : memref<!tpu.dma_semaphore, #tpu.memory_space<semaphore_mem>>) src(%arg6 : memref<64xf32, #tpu.memory_space<vmem>>) dst(%dma_wait3A_802 : memref<64xf32, #tpu.memory_space<hbm>>)
      tpu.yield
    }) : () -> ()
    "tpu.region"() ({
      %run_scoped3A = tpu.sem_alloc : memref<!tpu.dma_semaphore, #tpu.memory_space<semaphore_mem>>
      %dma_start3A = arith.constant 0 : i32
      %dma_start3A_793 = tpu.memref_slice %arg4[%add3A_394, %dma_start3A] : memref<128x16xi32, #tpu.memory_space<hbm>> -> memref<1x16xi32, #tpu.memory_space<hbm>>
      %dma_start3A_794 = tpu.memref_squeeze %dma_start3A_793 : memref<1x16xi32, #tpu.memory_space<hbm>> -> memref<16xi32, #tpu.memory_space<hbm>>
      %dma_start3A_795 = arith.constant 0 : i32
      %dma_start3A_796 = tpu.memref_slice %arg4[%add3A_394, %dma_start3A_795] : memref<128x16xi32, #tpu.memory_space<hbm>> -> memref<1x16xi32, #tpu.memory_space<hbm>>
      %dma_start3A_797 = tpu.memref_squeeze %dma_start3A_796 : memref<1x16xi32, #tpu.memory_space<hbm>> -> memref<16xi32, #tpu.memory_space<hbm>>
      tpu.enqueue_dma source(%arg7 : memref<16xi32, #tpu.memory_space<vmem>>) target(%dma_start3A_797 : memref<16xi32, #tpu.memory_space<hbm>>) target_semaphore(%run_scoped3A : memref<!tpu.dma_semaphore, #tpu.memory_space<semaphore_mem>>)
      %dma_wait3A = arith.constant 0 : i32
      %dma_wait3A_798 = tpu.memref_slice %arg4[%add3A_394, %dma_wait3A] : memref<128x16xi32, #tpu.memory_space<hbm>> -> memref<1x16xi32, #tpu.memory_space<hbm>>
      %dma_wait3A_799 = tpu.memref_squeeze %dma_wait3A_798 : memref<1x16xi32, #tpu.memory_space<hbm>> -> memref<16xi32, #tpu.memory_space<hbm>>
      %dma_wait3A_800 = arith.constant 0 : i32
      %dma_wait3A_801 = tpu.memref_slice %arg4[%add3A_394, %dma_wait3A_800] : memref<128x16xi32, #tpu.memory_space<hbm>> -> memref<1x16xi32, #tpu.memory_space<hbm>>
      %dma_wait3A_802 = tpu.memref_squeeze %dma_wait3A_801 : memref<1x16xi32, #tpu.memory_space<hbm>> -> memref<16xi32, #tpu.memory_space<hbm>>
      tpu.wait_dma2 semaphore(%run_scoped3A : memref<!tpu.dma_semaphore, #tpu.memory_space<semaphore_mem>>) src(%arg7 : memref<16xi32, #tpu.memory_space<vmem>>) dst(%dma_wait3A_802 : memref<16xi32, #tpu.memory_space<hbm>>)
      tpu.yield
    }) : () -> ()
    %mul3A_592 = arith.constant 4 : i32
    %mul3A_593 = arith.muli %add3A, %mul3A_592 : i32
    %add3A_594 = arith.constant 3 : i32
    %add3A_595 = arith.addi %mul3A_593, %add3A_594 : i32
    "tpu.region"() ({
      %run_scoped3A = tpu.sem_alloc : memref<!tpu.dma_semaphore, #tpu.memory_space<semaphore_mem>>
      %dma_start3A = arith.constant 0 : i32
      %dma_start3A_793 = tpu.memref_slice %arg2[%add3A_595, %dma_start3A] : memref<128x64xf32, #tpu.memory_space<hbm>> -> memref<1x64xf32, #tpu.memory_space<hbm>>
      %dma_start3A_794 = tpu.memref_squeeze %dma_start3A_793 : memref<1x64xf32, #tpu.memory_space<hbm>> -> memref<64xf32, #tpu.memory_space<hbm>>
      %dma_start3A_795 = arith.constant 0 : i32
      %dma_start3A_796 = tpu.memref_slice %arg2[%add3A_595, %dma_start3A_795] : memref<128x64xf32, #tpu.memory_space<hbm>> -> memref<1x64xf32, #tpu.memory_space<hbm>>
      %dma_start3A_797 = tpu.memref_squeeze %dma_start3A_796 : memref<1x64xf32, #tpu.memory_space<hbm>> -> memref<64xf32, #tpu.memory_space<hbm>>
      tpu.enqueue_dma source(%dma_start3A_797 : memref<64xf32, #tpu.memory_space<hbm>>) target(%arg5 : memref<64xf32, #tpu.memory_space<vmem>>) target_semaphore(%run_scoped3A : memref<!tpu.dma_semaphore, #tpu.memory_space<semaphore_mem>>)
      %dma_wait3A = arith.constant 0 : i32
      %dma_wait3A_798 = tpu.memref_slice %arg2[%add3A_595, %dma_wait3A] : memref<128x64xf32, #tpu.memory_space<hbm>> -> memref<1x64xf32, #tpu.memory_space<hbm>>
      %dma_wait3A_799 = tpu.memref_squeeze %dma_wait3A_798 : memref<1x64xf32, #tpu.memory_space<hbm>> -> memref<64xf32, #tpu.memory_space<hbm>>
      %dma_wait3A_800 = arith.constant 0 : i32
      %dma_wait3A_801 = tpu.memref_slice %arg2[%add3A_595, %dma_wait3A_800] : memref<128x64xf32, #tpu.memory_space<hbm>> -> memref<1x64xf32, #tpu.memory_space<hbm>>
      %dma_wait3A_802 = tpu.memref_squeeze %dma_wait3A_801 : memref<1x64xf32, #tpu.memory_space<hbm>> -> memref<64xf32, #tpu.memory_space<hbm>>
      tpu.wait_dma2 semaphore(%run_scoped3A : memref<!tpu.dma_semaphore, #tpu.memory_space<semaphore_mem>>) src(%dma_wait3A_802 : memref<64xf32, #tpu.memory_space<hbm>>) dst(%arg5 : memref<64xf32, #tpu.memory_space<vmem>>)
      tpu.yield
    }) : () -> ()
    %get3A_596 = arith.constant 0 : index
    %get3A_597 = tpu.vector_load %arg5[%get3A_596] {strides = array<i32>} : memref<64xf32, #tpu.memory_space<vmem>>, vector<16xf32>,
    %lt3A_598 = arith.constant 1.500000e+00 : f32
    %lt3A_599 = vector.broadcast %lt3A_598 : f32 to vector<16xf32>
    %lt3A_600 = arith.cmpf olt, %get3A_597, %lt3A_599 : vector<16xf32>
    %convert_element_type3A_601 = arith.extui %lt3A_600 : vector<16xi1> to vector<16xi32>
    %reduce_sum3A_602 = arith.constant true
    %reduce_sum3A_603 = vector.broadcast %reduce_sum3A_602 : i1 to vector<16xi1>
    %reduce_sum3A_604 = tpu.scan <sum>, %convert_element_type3A_601 masked %reduce_sum3A_603 : vector<16xi32>, vector<16xi1> -> vector<16xi32>
    %reduce_sum3A_605 = vector.extract %reduce_sum3A_604[15] : i32 from vector<16xi32>
    %add3A_606 = arith.constant 0 : i32
    %add3A_607 = arith.addi %add3A_606, %reduce_sum3A_605 : i32
    %sort3A_608 = arith.constant dense<true> : vector<16xi1>
    %sort3A_609, %sort3A_610, %sort3A_611 = tpu.sort %get3A_597, %get3A_597 masked %sort3A_608 : (vector<16xf32>, vector<16xf32>, vector<16xi1>) -> (vector<16xi1>, vector<16xf32>, vector<16xf32>)
    %get3A_612 = arith.constant 16 : index
    %get3A_613 = tpu.vector_load %arg5[%get3A_612] {strides = array<i32>} : memref<64xf32, #tpu.memory_space<vmem>>, vector<16xf32>,
    %lt3A_614 = arith.constant 1.500000e+00 : f32
    %lt3A_615 = vector.broadcast %lt3A_614 : f32 to vector<16xf32>
    %lt3A_616 = arith.cmpf olt, %get3A_613, %lt3A_615 : vector<16xf32>
    %convert_element_type3A_617 = arith.extui %lt3A_616 : vector<16xi1> to vector<16xi32>
    %reduce_sum3A_618 = arith.constant true
    %reduce_sum3A_619 = vector.broadcast %reduce_sum3A_618 : i1 to vector<16xi1>
    %reduce_sum3A_620 = tpu.scan <sum>, %convert_element_type3A_617 masked %reduce_sum3A_619 : vector<16xi32>, vector<16xi1> -> vector<16xi32>
    %reduce_sum3A_621 = vector.extract %reduce_sum3A_620[15] : i32 from vector<16xi32>
    %add3A_622 = arith.addi %add3A_607, %reduce_sum3A_621 : i32
    %sort3A_623 = arith.constant dense<true> : vector<16xi1>
    %sort3A_624, %sort3A_625, %sort3A_626 = tpu.sort %get3A_613, %get3A_613 masked %sort3A_623 : (vector<16xf32>, vector<16xf32>, vector<16xi1>) -> (vector<16xi1>, vector<16xf32>, vector<16xf32>)
    %get3A_627 = arith.constant 32 : index
    %get3A_628 = tpu.vector_load %arg5[%get3A_627] {strides = array<i32>} : memref<64xf32, #tpu.memory_space<vmem>>, vector<16xf32>,
    %lt3A_629 = arith.constant 1.500000e+00 : f32
    %lt3A_630 = vector.broadcast %lt3A_629 : f32 to vector<16xf32>
    %lt3A_631 = arith.cmpf olt, %get3A_628, %lt3A_630 : vector<16xf32>
    %convert_element_type3A_632 = arith.extui %lt3A_631 : vector<16xi1> to vector<16xi32>
    %reduce_sum3A_633 = arith.constant true
    %reduce_sum3A_634 = vector.broadcast %reduce_sum3A_633 : i1 to vector<16xi1>
    %reduce_sum3A_635 = tpu.scan <sum>, %convert_element_type3A_632 masked %reduce_sum3A_634 : vector<16xi32>, vector<16xi1> -> vector<16xi32>
    %reduce_sum3A_636 = vector.extract %reduce_sum3A_635[15] : i32 from vector<16xi32>
    %add3A_637 = arith.addi %add3A_622, %reduce_sum3A_636 : i32
    %sort3A_638 = arith.constant dense<true> : vector<16xi1>
    %sort3A_639, %sort3A_640, %sort3A_641 = tpu.sort %get3A_628, %get3A_628 masked %sort3A_638 : (vector<16xf32>, vector<16xf32>, vector<16xi1>) -> (vector<16xi1>, vector<16xf32>, vector<16xf32>)
    %get3A_642 = arith.constant 48 : index
    %get3A_643 = tpu.vector_load %arg5[%get3A_642] {strides = array<i32>} : memref<64xf32, #tpu.memory_space<vmem>>, vector<16xf32>,
    %lt3A_644 = arith.constant 1.500000e+00 : f32
    %lt3A_645 = vector.broadcast %lt3A_644 : f32 to vector<16xf32>
    %lt3A_646 = arith.cmpf olt, %get3A_643, %lt3A_645 : vector<16xf32>
    %convert_element_type3A_647 = arith.extui %lt3A_646 : vector<16xi1> to vector<16xi32>
    %reduce_sum3A_648 = arith.constant true
    %reduce_sum3A_649 = vector.broadcast %reduce_sum3A_648 : i1 to vector<16xi1>
    %reduce_sum3A_650 = tpu.scan <sum>, %convert_element_type3A_647 masked %reduce_sum3A_649 : vector<16xi32>, vector<16xi1> -> vector<16xi32>
    %reduce_sum3A_651 = vector.extract %reduce_sum3A_650[15] : i32 from vector<16xi32>
    %add3A_652 = arith.addi %add3A_637, %reduce_sum3A_651 : i32
    %sort3A_653 = arith.constant dense<true> : vector<16xi1>
    %sort3A_654, %sort3A_655, %sort3A_656 = tpu.sort %get3A_643, %get3A_643 masked %sort3A_653 : (vector<16xf32>, vector<16xf32>, vector<16xi1>) -> (vector<16xi1>, vector<16xf32>, vector<16xf32>)
    %rev3A_657 = arith.constant 15 : i32
    %rev3A_658 = vector.broadcast %rev3A_657 : i32 to vector<16xi32>
    %rev3A_659 = tpu.iota {dimensions = array<i32: 0>} : vector<16xi32>
    %rev3A_660 = arith.subi %rev3A_658, %rev3A_659 : vector<16xi32>
    %rev3A_661 = tpu.dynamic_gather %sort3A_625[%rev3A_660] in [0] : vector<16xf32>, vector<16xi32> -> vector<16xf32>
    %min3A_662 = arith.minimumf %sort3A_610, %rev3A_661 : vector<16xf32>
    %max3A_663 = arith.maximumf %sort3A_610, %rev3A_661 : vector<16xf32>
    %sort3A_664 = arith.constant dense<true> : vector<16xi1>
    %sort3A_665, %sort3A_666, %sort3A_667 = tpu.sort %min3A_662, %min3A_662 masked %sort3A_664 : (vector<16xf32>, vector<16xf32>, vector<16xi1>) -> (vector<16xi1>, vector<16xf32>, vector<16xf32>)
    %sort3A_668 = arith.constant dense<true> : vector<16xi1>
    %sort3A_669, %sort3A_670, %sort3A_671 = tpu.sort %max3A_663, %max3A_663 masked %sort3A_668 : (vector<16xf32>, vector<16xf32>, vector<16xi1>) -> (vector<16xi1>, vector<16xf32>, vector<16xf32>)
    %rev3A_672 = arith.constant 15 : i32
    %rev3A_673 = vector.broadcast %rev3A_672 : i32 to vector<16xi32>
    %rev3A_674 = tpu.iota {dimensions = array<i32: 0>} : vector<16xi32>
    %rev3A_675 = arith.subi %rev3A_673, %rev3A_674 : vector<16xi32>
    %rev3A_676 = tpu.dynamic_gather %sort3A_655[%rev3A_675] in [0] : vector<16xf32>, vector<16xi32> -> vector<16xf32>
    %min3A_677 = arith.minimumf %sort3A_640, %rev3A_676 : vector<16xf32>
    %max3A_678 = arith.maximumf %sort3A_640, %rev3A_676 : vector<16xf32>
    %sort3A_679 = arith.constant dense<true> : vector<16xi1>
    %sort3A_680, %sort3A_681, %sort3A_682 = tpu.sort %min3A_677, %min3A_677 masked %sort3A_679 : (vector<16xf32>, vector<16xf32>, vector<16xi1>) -> (vector<16xi1>, vector<16xf32>, vector<16xf32>)
    %sort3A_683 = arith.constant dense<true> : vector<16xi1>
    %sort3A_684, %sort3A_685, %sort3A_686 = tpu.sort %max3A_678, %max3A_678 masked %sort3A_683 : (vector<16xf32>, vector<16xf32>, vector<16xi1>) -> (vector<16xi1>, vector<16xf32>, vector<16xf32>)
    %rev3A_687 = arith.constant 15 : i32
    %rev3A_688 = vector.broadcast %rev3A_687 : i32 to vector<16xi32>
    %rev3A_689 = tpu.iota {dimensions = array<i32: 0>} : vector<16xi32>
    %rev3A_690 = arith.subi %rev3A_688, %rev3A_689 : vector<16xi32>
    %rev3A_691 = tpu.dynamic_gather %sort3A_685[%rev3A_690] in [0] : vector<16xf32>, vector<16xi32> -> vector<16xf32>
    %rev3A_692 = arith.constant 15 : i32
    %rev3A_693 = vector.broadcast %rev3A_692 : i32 to vector<16xi32>
    %rev3A_694 = tpu.iota {dimensions = array<i32: 0>} : vector<16xi32>
    %rev3A_695 = arith.subi %rev3A_693, %rev3A_694 : vector<16xi32>
    %rev3A_696 = tpu.dynamic_gather %sort3A_681[%rev3A_695] in [0] : vector<16xf32>, vector<16xi32> -> vector<16xf32>
    %min3A_697 = arith.minimumf %sort3A_666, %rev3A_691 : vector<16xf32>
    %min3A_698 = arith.minimumf %sort3A_670, %rev3A_696 : vector<16xf32>
    %max3A_699 = arith.maximumf %sort3A_666, %rev3A_691 : vector<16xf32>
    %max3A_700 = arith.maximumf %sort3A_670, %rev3A_696 : vector<16xf32>
    %min3A_701 = arith.minimumf %min3A_697, %min3A_698 : vector<16xf32>
    %max3A_702 = arith.maximumf %min3A_697, %min3A_698 : vector<16xf32>
    %sort3A_703 = arith.constant dense<true> : vector<16xi1>
    %sort3A_704, %sort3A_705, %sort3A_706 = tpu.sort %min3A_701, %min3A_701 masked %sort3A_703 : (vector<16xf32>, vector<16xf32>, vector<16xi1>) -> (vector<16xi1>, vector<16xf32>, vector<16xf32>)
    %sort3A_707 = arith.constant dense<true> : vector<16xi1>
    %sort3A_708, %sort3A_709, %sort3A_710 = tpu.sort %max3A_702, %max3A_702 masked %sort3A_707 : (vector<16xf32>, vector<16xf32>, vector<16xi1>) -> (vector<16xi1>, vector<16xf32>, vector<16xf32>)
    %min3A_711 = arith.minimumf %max3A_699, %max3A_700 : vector<16xf32>
    %max3A_712 = arith.maximumf %max3A_699, %max3A_700 : vector<16xf32>
    %sort3A_713 = arith.constant dense<true> : vector<16xi1>
    %sort3A_714, %sort3A_715, %sort3A_716 = tpu.sort %min3A_711, %min3A_711 masked %sort3A_713 : (vector<16xf32>, vector<16xf32>, vector<16xi1>) -> (vector<16xi1>, vector<16xf32>, vector<16xf32>)
    %sort3A_717 = arith.constant dense<true> : vector<16xi1>
    %sort3A_718, %sort3A_719, %sort3A_720 = tpu.sort %max3A_712, %max3A_712 masked %sort3A_717 : (vector<16xf32>, vector<16xf32>, vector<16xi1>) -> (vector<16xi1>, vector<16xf32>, vector<16xf32>)
    %eq3A_721 = arith.constant 0 : i32
    %eq3A_722 = vector.broadcast %eq3A_721 : i32 to vector<16xi32>
    %eq3A_723 = arith.cmpi eq, %iota3A, %eq3A_722 : vector<16xi32>
    %jit3A_724 = arith.constant 0.000000e+00 : f32
    %broadcast_in_dim3A_725 = vector.broadcast %jit3A_724 : f32 to vector<16xf32>
    %select_n3A_726 = arith.select %eq3A_723, %broadcast_in_dim3A_725, %broadcast_in_dim3A_1 : vector<16xi1>, vector<16xf32>
    %swap3A_727 = arith.constant 0 : index
    %swap3A_728 = tpu.vector_load %arg6[%swap3A_727] {strides = array<i32>} : memref<64xf32, #tpu.memory_space<vmem>>, vector<16xf32>,
    tpu.vector_store %arg6[%swap3A_727], %select_n3A_726 {strides = array<i32>} : memref<64xf32, #tpu.memory_space<vmem>>, vector<16xf32>,
    %swap3A_729 = arith.constant 16 : index
    %swap3A_730 = tpu.vector_load %arg6[%swap3A_729] {strides = array<i32>} : memref<64xf32, #tpu.memory_space<vmem>>, vector<16xf32>,
    tpu.vector_store %arg6[%swap3A_729], %broadcast_in_dim3A_1 {strides = array<i32>} : memref<64xf32, #tpu.memory_space<vmem>>, vector<16xf32>,
    %swap3A_731 = arith.constant 32 : index
    %swap3A_732 = tpu.vector_load %arg6[%swap3A_731] {strides = array<i32>} : memref<64xf32, #tpu.memory_space<vmem>>, vector<16xf32>,
    tpu.vector_store %arg6[%swap3A_731], %broadcast_in_dim3A_1 {strides = array<i32>} : memref<64xf32, #tpu.memory_space<vmem>>, vector<16xf32>,
    %swap3A_733 = arith.constant 48 : index
    %swap3A_734 = tpu.vector_load %arg6[%swap3A_733] {strides = array<i32>} : memref<64xf32, #tpu.memory_space<vmem>>, vector<16xf32>,
    tpu.vector_store %arg6[%swap3A_733], %broadcast_in_dim3A_1 {strides = array<i32>} : memref<64xf32, #tpu.memory_space<vmem>>, vector<16xf32>,
    %min3A_735 = arith.constant 63 : i32
    %min3A_736 = arith.minsi %add3A_652, %min3A_735 : i32
    %add3A_737 = arith.constant 0 : i32
    %add3A_738 = vector.broadcast %add3A_737 : i32 to vector<16xi32>
    %add3A_739 = arith.addi %iota3A, %add3A_738 : vector<16xi32>
    %add3A_740 = arith.constant 1 : i32
    %add3A_741 = vector.broadcast %add3A_740 : i32 to vector<16xi32>
    %add3A_742 = arith.addi %add3A_739, %add3A_741 : vector<16xi32>
    %lt3A_743 = vector.broadcast %min3A_736 : i32 to vector<16xi32>
    %lt3A_744 = arith.cmpi slt, %add3A_739, %lt3A_743 : vector<16xi32>
    tpu.vector_store_idx %arg6[%add3A_742], %sort3A_705 masked %lt3A_744 : memref<64xf32, #tpu.memory_space<vmem>>[vector<16xi32>], vector<16xf32>, vector<16xi1>
    %add3A_745 = arith.constant 16 : i32
    %add3A_746 = vector.broadcast %add3A_745 : i32 to vector<16xi32>
    %add3A_747 = arith.addi %iota3A, %add3A_746 : vector<16xi32>
    %add3A_748 = arith.constant 1 : i32
    %add3A_749 = vector.broadcast %add3A_748 : i32 to vector<16xi32>
    %add3A_750 = arith.addi %add3A_747, %add3A_749 : vector<16xi32>
    %lt3A_751 = vector.broadcast %min3A_736 : i32 to vector<16xi32>
    %lt3A_752 = arith.cmpi slt, %add3A_747, %lt3A_751 : vector<16xi32>
    tpu.vector_store_idx %arg6[%add3A_750], %sort3A_709 masked %lt3A_752 : memref<64xf32, #tpu.memory_space<vmem>>[vector<16xi32>], vector<16xf32>, vector<16xi1>
    %add3A_753 = arith.constant 32 : i32
    %add3A_754 = vector.broadcast %add3A_753 : i32 to vector<16xi32>
    %add3A_755 = arith.addi %iota3A, %add3A_754 : vector<16xi32>
    %add3A_756 = arith.constant 1 : i32
    %add3A_757 = vector.broadcast %add3A_756 : i32 to vector<16xi32>
    %add3A_758 = arith.addi %add3A_755, %add3A_757 : vector<16xi32>
    %lt3A_759 = vector.broadcast %min3A_736 : i32 to vector<16xi32>
    %lt3A_760 = arith.cmpi slt, %add3A_755, %lt3A_759 : vector<16xi32>
    tpu.vector_store_idx %arg6[%add3A_758], %sort3A_715 masked %lt3A_760 : memref<64xf32, #tpu.memory_space<vmem>>[vector<16xi32>], vector<16xf32>, vector<16xi1>
    %add3A_761 = arith.constant 48 : i32
    %add3A_762 = vector.broadcast %add3A_761 : i32 to vector<16xi32>
    %add3A_763 = arith.addi %iota3A, %add3A_762 : vector<16xi32>
    %add3A_764 = arith.constant 1 : i32
    %add3A_765 = vector.broadcast %add3A_764 : i32 to vector<16xi32>
    %add3A_766 = arith.addi %add3A_763, %add3A_765 : vector<16xi32>
    %lt3A_767 = vector.broadcast %min3A_736 : i32 to vector<16xi32>
    %lt3A_768 = arith.cmpi slt, %add3A_763, %lt3A_767 : vector<16xi32>
    tpu.vector_store_idx %arg6[%add3A_766], %sort3A_719 masked %lt3A_768 : memref<64xf32, #tpu.memory_space<vmem>>[vector<16xi32>], vector<16xf32>, vector<16xi1>
    %add3A_769 = arith.constant 2 : i32
    %add3A_770 = arith.addi %add3A_652, %add3A_769 : i32
    %min3A_771 = arith.constant 64 : i32
    %min3A_772 = arith.minsi %add3A_770, %min3A_771 : i32
    %le3A_773 = arith.constant 62 : i32
    %le3A_774 = arith.cmpi sle, %add3A_652, %le3A_773 : i32
    %add3A_775 = arith.constant 1 : i32
    %add3A_776 = arith.addi %add3A_652, %add3A_775 : i32
    %jit3A_777 = arith.constant -1 : i32
    %select_n3A_778 = arith.select %le3A_774, %add3A_776, %jit3A_777 : i32
    %eq3A_779 = arith.constant 0 : i32
    %eq3A_780 = vector.broadcast %eq3A_779 : i32 to vector<16xi32>
    %eq3A_781 = arith.cmpi eq, %iota3A, %eq3A_780 : vector<16xi32>
    %eq3A_782 = arith.constant 1 : i32
    %eq3A_783 = vector.broadcast %eq3A_782 : i32 to vector<16xi32>
    %eq3A_784 = arith.cmpi eq, %iota3A, %eq3A_783 : vector<16xi32>
    %jit3A_785 = arith.constant 0 : i32
    %broadcast_in_dim3A_786 = vector.broadcast %select_n3A_778 : i32 to vector<16xi32>
    %broadcast_in_dim3A_787 = vector.broadcast %jit3A_785 : i32 to vector<16xi32>
    %select_n3A_788 = arith.select %eq3A_784, %broadcast_in_dim3A_786, %broadcast_in_dim3A_787 : vector<16xi1>, vector<16xi32>
    %broadcast_in_dim3A_789 = vector.broadcast %min3A_772 : i32 to vector<16xi32>
    %select_n3A_790 = arith.select %eq3A_781, %broadcast_in_dim3A_789, %select_n3A_788 : vector<16xi1>, vector<16xi32>
    %swap3A_791 = arith.constant 0 : index
    %swap3A_792 = tpu.vector_load %arg7[%swap3A_791] {strides = array<i32>} : memref<16xi32, #tpu.memory_space<vmem>>, vector<16xi32>,
    tpu.vector_store %arg7[%swap3A_791], %select_n3A_790 {strides = array<i32>} : memref<16xi32, #tpu.memory_space<vmem>>, vector<16xi32>,
    "tpu.region"() ({
      %run_scoped3A = tpu.sem_alloc : memref<!tpu.dma_semaphore, #tpu.memory_space<semaphore_mem>>
      %dma_start3A = arith.constant 0 : i32
      %dma_start3A_793 = tpu.memref_slice %arg3[%add3A_595, %dma_start3A] : memref<128x64xf32, #tpu.memory_space<hbm>> -> memref<1x64xf32, #tpu.memory_space<hbm>>
      %dma_start3A_794 = tpu.memref_squeeze %dma_start3A_793 : memref<1x64xf32, #tpu.memory_space<hbm>> -> memref<64xf32, #tpu.memory_space<hbm>>
      %dma_start3A_795 = arith.constant 0 : i32
      %dma_start3A_796 = tpu.memref_slice %arg3[%add3A_595, %dma_start3A_795] : memref<128x64xf32, #tpu.memory_space<hbm>> -> memref<1x64xf32, #tpu.memory_space<hbm>>
      %dma_start3A_797 = tpu.memref_squeeze %dma_start3A_796 : memref<1x64xf32, #tpu.memory_space<hbm>> -> memref<64xf32, #tpu.memory_space<hbm>>
      tpu.enqueue_dma source(%arg6 : memref<64xf32, #tpu.memory_space<vmem>>) target(%dma_start3A_797 : memref<64xf32, #tpu.memory_space<hbm>>) target_semaphore(%run_scoped3A : memref<!tpu.dma_semaphore, #tpu.memory_space<semaphore_mem>>)
      %dma_wait3A = arith.constant 0 : i32
      %dma_wait3A_798 = tpu.memref_slice %arg3[%add3A_595, %dma_wait3A] : memref<128x64xf32, #tpu.memory_space<hbm>> -> memref<1x64xf32, #tpu.memory_space<hbm>>
      %dma_wait3A_799 = tpu.memref_squeeze %dma_wait3A_798 : memref<1x64xf32, #tpu.memory_space<hbm>> -> memref<64xf32, #tpu.memory_space<hbm>>
      %dma_wait3A_800 = arith.constant 0 : i32
      %dma_wait3A_801 = tpu.memref_slice %arg3[%add3A_595, %dma_wait3A_800] : memref<128x64xf32, #tpu.memory_space<hbm>> -> memref<1x64xf32, #tpu.memory_space<hbm>>
      %dma_wait3A_802 = tpu.memref_squeeze %dma_wait3A_801 : memref<1x64xf32, #tpu.memory_space<hbm>> -> memref<64xf32, #tpu.memory_space<hbm>>
      tpu.wait_dma2 semaphore(%run_scoped3A : memref<!tpu.dma_semaphore, #tpu.memory_space<semaphore_mem>>) src(%arg6 : memref<64xf32, #tpu.memory_space<vmem>>) dst(%dma_wait3A_802 : memref<64xf32, #tpu.memory_space<hbm>>)
      tpu.yield
    }) : () -> ()
    "tpu.region"() ({
      %run_scoped3A = tpu.sem_alloc : memref<!tpu.dma_semaphore, #tpu.memory_space<semaphore_mem>>
      %dma_start3A = arith.constant 0 : i32
      %dma_start3A_793 = tpu.memref_slice %arg4[%add3A_595, %dma_start3A] : memref<128x16xi32, #tpu.memory_space<hbm>> -> memref<1x16xi32, #tpu.memory_space<hbm>>
      %dma_start3A_794 = tpu.memref_squeeze %dma_start3A_793 : memref<1x16xi32, #tpu.memory_space<hbm>> -> memref<16xi32, #tpu.memory_space<hbm>>
      %dma_start3A_795 = arith.constant 0 : i32
      %dma_start3A_796 = tpu.memref_slice %arg4[%add3A_595, %dma_start3A_795] : memref<128x16xi32, #tpu.memory_space<hbm>> -> memref<1x16xi32, #tpu.memory_space<hbm>>
      %dma_start3A_797 = tpu.memref_squeeze %dma_start3A_796 : memref<1x16xi32, #tpu.memory_space<hbm>> -> memref<16xi32, #tpu.memory_space<hbm>>
      tpu.enqueue_dma source(%arg7 : memref<16xi32, #tpu.memory_space<vmem>>) target(%dma_start3A_797 : memref<16xi32, #tpu.memory_space<hbm>>) target_semaphore(%run_scoped3A : memref<!tpu.dma_semaphore, #tpu.memory_space<semaphore_mem>>)
      %dma_wait3A = arith.constant 0 : i32
      %dma_wait3A_798 = tpu.memref_slice %arg4[%add3A_595, %dma_wait3A] : memref<128x16xi32, #tpu.memory_space<hbm>> -> memref<1x16xi32, #tpu.memory_space<hbm>>
      %dma_wait3A_799 = tpu.memref_squeeze %dma_wait3A_798 : memref<1x16xi32, #tpu.memory_space<hbm>> -> memref<16xi32, #tpu.memory_space<hbm>>
      %dma_wait3A_800 = arith.constant 0 : i32
      %dma_wait3A_801 = tpu.memref_slice %arg4[%add3A_595, %dma_wait3A_800] : memref<128x16xi32, #tpu.memory_space<hbm>> -> memref<1x16xi32, #tpu.memory_space<hbm>>
      %dma_wait3A_802 = tpu.memref_squeeze %dma_wait3A_801 : memref<1x16xi32, #tpu.memory_space<hbm>> -> memref<16xi32, #tpu.memory_space<hbm>>
      tpu.wait_dma2 semaphore(%run_scoped3A : memref<!tpu.dma_semaphore, #tpu.memory_space<semaphore_mem>>) src(%arg7 : memref<16xi32, #tpu.memory_space<vmem>>) dst(%dma_wait3A_802 : memref<16xi32, #tpu.memory_space<hbm>>)
      tpu.yield
    }) : () -> ()
    return
  }
}

#map = affine_map<(d0, d1) -> (0, 0)>
#map1 = affine_map<(d0, d1) -> (0, 0, 0)>
module attributes {stable_mosaic.version = 14 : i64} {
  func.func @_sc2_body(%arg0: i32, %arg1: i32, %arg2: memref<128x64xf32, #tpu.memory_space<hbm>>, %arg3: memref<128x16xi32, #tpu.memory_space<hbm>>, %arg4: memref<128x63x64xf32, #tpu.memory_space<hbm>>, %arg5: memref<128x63x64xf32, #tpu.memory_space<hbm>>, %arg6: memref<128x64x64xf32, #tpu.memory_space<hbm>>, %arg7: memref<128x64xf32, #tpu.memory_space<hbm>>, %arg8: memref<128x16xi32, #tpu.memory_space<hbm>>, %arg9: memref<128x64x64xf32, #tpu.memory_space<hbm>>, %arg10: memref<64xf32, #tpu.memory_space<vmem>>, %arg11: memref<16xi32, #tpu.memory_space<vmem>>, %arg12: memref<63x64xf32, #tpu.memory_space<vmem>>, %arg13: memref<63x64xf32, #tpu.memory_space<vmem>>, %arg14: memref<64x64xf32, #tpu.memory_space<vmem>>, %arg15: memref<64xf32, #tpu.memory_space<vmem>>, %arg16: memref<64xi32, #tpu.memory_space<vmem>>, %arg17: memref<64xf32, #tpu.memory_space<vmem>>, %arg18: memref<64x64xf32, #tpu.memory_space<vmem>>, %arg19: memref<16xi32, #tpu.memory_space<vmem>>) attributes {dimension_semantics = [#tpu.dimension_semantics<core_parallel>, #tpu.dimension_semantics<subcore_parallel>], iteration_bounds = array<i64: 2, 16>, scalar_prefetch = 0 : i64, scratch_operands = 10 : i64, tpu.core_type = #tpu.core_type<sc_vector_subcore>, window_params = [{transform_indices = #map}, {transform_indices = #map}, {transform_indices = #map1}, {transform_indices = #map1}, {transform_indices = #map1}, {transform_indices = #map}, {transform_indices = #map}, {transform_indices = #map1}]} {
    %mul3A = arith.constant 16 : i32
    %mul3A_0 = arith.muli %arg0, %mul3A : i32
    %add3A = arith.addi %mul3A_0, %arg1 : i32
    %iota3A = tpu.iota {dimensions = array<i32: 0>} : vector<16xi32>
    %eq3A = arith.constant 0 : i32
    %eq3A_1 = vector.broadcast %eq3A : i32 to vector<16xi32>
    %eq3A_2 = arith.cmpi eq, %iota3A, %eq3A_1 : vector<16xi32>
    %broadcast_in_dim3A = arith.constant 1.000000e+00 : f32
    %broadcast_in_dim3A_3 = vector.broadcast %broadcast_in_dim3A : f32 to vector<16xf32>
    %broadcast_in_dim3A_4 = arith.constant 0.000000e+00 : f32
    %broadcast_in_dim3A_5 = vector.broadcast %broadcast_in_dim3A_4 : f32 to vector<16xf32>
    %broadcast_in_dim3A_6 = arith.constant 0 : i32
    %broadcast_in_dim3A_7 = vector.broadcast %broadcast_in_dim3A_6 : i32 to vector<16xi32>
    %mul3A_8 = arith.constant 4 : i32
    %mul3A_9 = arith.muli %add3A, %mul3A_8 : i32
    %add3A_10 = arith.constant 0 : i32
    %add3A_11 = arith.addi %mul3A_9, %add3A_10 : i32
    "tpu.region"() ({
      %run_scoped3A = tpu.sem_alloc : memref<!tpu.dma_semaphore, #tpu.memory_space<semaphore_mem>>
      %dma_start3A = arith.constant 0 : i32
      %dma_start3A_234 = tpu.memref_slice %arg2[%add3A_11, %dma_start3A] : memref<128x64xf32, #tpu.memory_space<hbm>> -> memref<1x64xf32, #tpu.memory_space<hbm>>
      %dma_start3A_235 = tpu.memref_squeeze %dma_start3A_234 : memref<1x64xf32, #tpu.memory_space<hbm>> -> memref<64xf32, #tpu.memory_space<hbm>>
      %dma_start3A_236 = arith.constant 0 : i32
      %dma_start3A_237 = tpu.memref_slice %arg2[%add3A_11, %dma_start3A_236] : memref<128x64xf32, #tpu.memory_space<hbm>> -> memref<1x64xf32, #tpu.memory_space<hbm>>
      %dma_start3A_238 = tpu.memref_squeeze %dma_start3A_237 : memref<1x64xf32, #tpu.memory_space<hbm>> -> memref<64xf32, #tpu.memory_space<hbm>>
      tpu.enqueue_dma source(%dma_start3A_238 : memref<64xf32, #tpu.memory_space<hbm>>) target(%arg10 : memref<64xf32, #tpu.memory_space<vmem>>) target_semaphore(%run_scoped3A : memref<!tpu.dma_semaphore, #tpu.memory_space<semaphore_mem>>)
      %dma_wait3A = arith.constant 0 : i32
      %dma_wait3A_239 = tpu.memref_slice %arg2[%add3A_11, %dma_wait3A] : memref<128x64xf32, #tpu.memory_space<hbm>> -> memref<1x64xf32, #tpu.memory_space<hbm>>
      %dma_wait3A_240 = tpu.memref_squeeze %dma_wait3A_239 : memref<1x64xf32, #tpu.memory_space<hbm>> -> memref<64xf32, #tpu.memory_space<hbm>>
      %dma_wait3A_241 = arith.constant 0 : i32
      %dma_wait3A_242 = tpu.memref_slice %arg2[%add3A_11, %dma_wait3A_241] : memref<128x64xf32, #tpu.memory_space<hbm>> -> memref<1x64xf32, #tpu.memory_space<hbm>>
      %dma_wait3A_243 = tpu.memref_squeeze %dma_wait3A_242 : memref<1x64xf32, #tpu.memory_space<hbm>> -> memref<64xf32, #tpu.memory_space<hbm>>
      tpu.wait_dma2 semaphore(%run_scoped3A : memref<!tpu.dma_semaphore, #tpu.memory_space<semaphore_mem>>) src(%dma_wait3A_243 : memref<64xf32, #tpu.memory_space<hbm>>) dst(%arg10 : memref<64xf32, #tpu.memory_space<vmem>>)
      tpu.yield
    }) : () -> ()
    "tpu.region"() ({
      %run_scoped3A = tpu.sem_alloc : memref<!tpu.dma_semaphore, #tpu.memory_space<semaphore_mem>>
      %dma_start3A = arith.constant 0 : i32
      %dma_start3A_234 = tpu.memref_slice %arg3[%add3A_11, %dma_start3A] : memref<128x16xi32, #tpu.memory_space<hbm>> -> memref<1x16xi32, #tpu.memory_space<hbm>>
      %dma_start3A_235 = tpu.memref_squeeze %dma_start3A_234 : memref<1x16xi32, #tpu.memory_space<hbm>> -> memref<16xi32, #tpu.memory_space<hbm>>
      %dma_start3A_236 = arith.constant 0 : i32
      %dma_start3A_237 = tpu.memref_slice %arg3[%add3A_11, %dma_start3A_236] : memref<128x16xi32, #tpu.memory_space<hbm>> -> memref<1x16xi32, #tpu.memory_space<hbm>>
      %dma_start3A_238 = tpu.memref_squeeze %dma_start3A_237 : memref<1x16xi32, #tpu.memory_space<hbm>> -> memref<16xi32, #tpu.memory_space<hbm>>
      tpu.enqueue_dma source(%dma_start3A_238 : memref<16xi32, #tpu.memory_space<hbm>>) target(%arg11 : memref<16xi32, #tpu.memory_space<vmem>>) target_semaphore(%run_scoped3A : memref<!tpu.dma_semaphore, #tpu.memory_space<semaphore_mem>>)
      %dma_wait3A = arith.constant 0 : i32
      %dma_wait3A_239 = tpu.memref_slice %arg3[%add3A_11, %dma_wait3A] : memref<128x16xi32, #tpu.memory_space<hbm>> -> memref<1x16xi32, #tpu.memory_space<hbm>>
      %dma_wait3A_240 = tpu.memref_squeeze %dma_wait3A_239 : memref<1x16xi32, #tpu.memory_space<hbm>> -> memref<16xi32, #tpu.memory_space<hbm>>
      %dma_wait3A_241 = arith.constant 0 : i32
      %dma_wait3A_242 = tpu.memref_slice %arg3[%add3A_11, %dma_wait3A_241] : memref<128x16xi32, #tpu.memory_space<hbm>> -> memref<1x16xi32, #tpu.memory_space<hbm>>
      %dma_wait3A_243 = tpu.memref_squeeze %dma_wait3A_242 : memref<1x16xi32, #tpu.memory_space<hbm>> -> memref<16xi32, #tpu.memory_space<hbm>>
      tpu.wait_dma2 semaphore(%run_scoped3A : memref<!tpu.dma_semaphore, #tpu.memory_space<semaphore_mem>>) src(%dma_wait3A_243 : memref<16xi32, #tpu.memory_space<hbm>>) dst(%arg11 : memref<16xi32, #tpu.memory_space<vmem>>)
      tpu.yield
    }) : () -> ()
    "tpu.region"() ({
      %run_scoped3A = tpu.sem_alloc : memref<!tpu.dma_semaphore, #tpu.memory_space<semaphore_mem>>
      %dma_start3A = arith.constant 0 : i32
      %dma_start3A_234 = arith.constant 0 : i32
      %dma_start3A_235 = tpu.memref_slice %arg4[%add3A_11, %dma_start3A, %dma_start3A_234] : memref<128x63x64xf32, #tpu.memory_space<hbm>> -> memref<1x63x64xf32, #tpu.memory_space<hbm>>
      %dma_start3A_236 = tpu.memref_squeeze %dma_start3A_235 : memref<1x63x64xf32, #tpu.memory_space<hbm>> -> memref<63x64xf32, #tpu.memory_space<hbm>>
      %dma_start3A_237 = arith.constant 0 : i32
      %dma_start3A_238 = arith.constant 0 : i32
      %dma_start3A_239 = tpu.memref_slice %arg4[%add3A_11, %dma_start3A_237, %dma_start3A_238] : memref<128x63x64xf32, #tpu.memory_space<hbm>> -> memref<1x63x64xf32, #tpu.memory_space<hbm>>
      %dma_start3A_240 = tpu.memref_squeeze %dma_start3A_239 : memref<1x63x64xf32, #tpu.memory_space<hbm>> -> memref<63x64xf32, #tpu.memory_space<hbm>>
      tpu.enqueue_dma source(%dma_start3A_240 : memref<63x64xf32, #tpu.memory_space<hbm>>) target(%arg12 : memref<63x64xf32, #tpu.memory_space<vmem>>) target_semaphore(%run_scoped3A : memref<!tpu.dma_semaphore, #tpu.memory_space<semaphore_mem>>)
      %dma_wait3A = arith.constant 0 : i32
      %dma_wait3A_241 = arith.constant 0 : i32
      %dma_wait3A_242 = tpu.memref_slice %arg4[%add3A_11, %dma_wait3A, %dma_wait3A_241] : memref<128x63x64xf32, #tpu.memory_space<hbm>> -> memref<1x63x64xf32, #tpu.memory_space<hbm>>
      %dma_wait3A_243 = tpu.memref_squeeze %dma_wait3A_242 : memref<1x63x64xf32, #tpu.memory_space<hbm>> -> memref<63x64xf32, #tpu.memory_space<hbm>>
      %dma_wait3A_244 = arith.constant 0 : i32
      %dma_wait3A_245 = arith.constant 0 : i32
      %dma_wait3A_246 = tpu.memref_slice %arg4[%add3A_11, %dma_wait3A_244, %dma_wait3A_245] : memref<128x63x64xf32, #tpu.memory_space<hbm>> -> memref<1x63x64xf32, #tpu.memory_space<hbm>>
      %dma_wait3A_247 = tpu.memref_squeeze %dma_wait3A_246 : memref<1x63x64xf32, #tpu.memory_space<hbm>> -> memref<63x64xf32, #tpu.memory_space<hbm>>
      tpu.wait_dma2 semaphore(%run_scoped3A : memref<!tpu.dma_semaphore, #tpu.memory_space<semaphore_mem>>) src(%dma_wait3A_247 : memref<63x64xf32, #tpu.memory_space<hbm>>) dst(%arg12 : memref<63x64xf32, #tpu.memory_space<vmem>>)
      tpu.yield
    }) : () -> ()
    "tpu.region"() ({
      %run_scoped3A = tpu.sem_alloc : memref<!tpu.dma_semaphore, #tpu.memory_space<semaphore_mem>>
      %dma_start3A = arith.constant 0 : i32
      %dma_start3A_234 = arith.constant 0 : i32
      %dma_start3A_235 = tpu.memref_slice %arg5[%add3A_11, %dma_start3A, %dma_start3A_234] : memref<128x63x64xf32, #tpu.memory_space<hbm>> -> memref<1x63x64xf32, #tpu.memory_space<hbm>>
      %dma_start3A_236 = tpu.memref_squeeze %dma_start3A_235 : memref<1x63x64xf32, #tpu.memory_space<hbm>> -> memref<63x64xf32, #tpu.memory_space<hbm>>
      %dma_start3A_237 = arith.constant 0 : i32
      %dma_start3A_238 = arith.constant 0 : i32
      %dma_start3A_239 = tpu.memref_slice %arg5[%add3A_11, %dma_start3A_237, %dma_start3A_238] : memref<128x63x64xf32, #tpu.memory_space<hbm>> -> memref<1x63x64xf32, #tpu.memory_space<hbm>>
      %dma_start3A_240 = tpu.memref_squeeze %dma_start3A_239 : memref<1x63x64xf32, #tpu.memory_space<hbm>> -> memref<63x64xf32, #tpu.memory_space<hbm>>
      tpu.enqueue_dma source(%dma_start3A_240 : memref<63x64xf32, #tpu.memory_space<hbm>>) target(%arg13 : memref<63x64xf32, #tpu.memory_space<vmem>>) target_semaphore(%run_scoped3A : memref<!tpu.dma_semaphore, #tpu.memory_space<semaphore_mem>>)
      %dma_wait3A = arith.constant 0 : i32
      %dma_wait3A_241 = arith.constant 0 : i32
      %dma_wait3A_242 = tpu.memref_slice %arg5[%add3A_11, %dma_wait3A, %dma_wait3A_241] : memref<128x63x64xf32, #tpu.memory_space<hbm>> -> memref<1x63x64xf32, #tpu.memory_space<hbm>>
      %dma_wait3A_243 = tpu.memref_squeeze %dma_wait3A_242 : memref<1x63x64xf32, #tpu.memory_space<hbm>> -> memref<63x64xf32, #tpu.memory_space<hbm>>
      %dma_wait3A_244 = arith.constant 0 : i32
      %dma_wait3A_245 = arith.constant 0 : i32
      %dma_wait3A_246 = tpu.memref_slice %arg5[%add3A_11, %dma_wait3A_244, %dma_wait3A_245] : memref<128x63x64xf32, #tpu.memory_space<hbm>> -> memref<1x63x64xf32, #tpu.memory_space<hbm>>
      %dma_wait3A_247 = tpu.memref_squeeze %dma_wait3A_246 : memref<1x63x64xf32, #tpu.memory_space<hbm>> -> memref<63x64xf32, #tpu.memory_space<hbm>>
      tpu.wait_dma2 semaphore(%run_scoped3A : memref<!tpu.dma_semaphore, #tpu.memory_space<semaphore_mem>>) src(%dma_wait3A_247 : memref<63x64xf32, #tpu.memory_space<hbm>>) dst(%arg13 : memref<63x64xf32, #tpu.memory_space<vmem>>)
      tpu.yield
    }) : () -> ()
    "tpu.region"() ({
      %run_scoped3A = tpu.sem_alloc : memref<!tpu.dma_semaphore, #tpu.memory_space<semaphore_mem>>
      %dma_start3A = arith.constant 0 : i32
      %dma_start3A_234 = arith.constant 0 : i32
      %dma_start3A_235 = tpu.memref_slice %arg6[%add3A_11, %dma_start3A, %dma_start3A_234] : memref<128x64x64xf32, #tpu.memory_space<hbm>> -> memref<1x64x64xf32, #tpu.memory_space<hbm>>
      %dma_start3A_236 = tpu.memref_squeeze %dma_start3A_235 : memref<1x64x64xf32, #tpu.memory_space<hbm>> -> memref<64x64xf32, #tpu.memory_space<hbm>>
      %dma_start3A_237 = arith.constant 0 : i32
      %dma_start3A_238 = arith.constant 0 : i32
      %dma_start3A_239 = tpu.memref_slice %arg6[%add3A_11, %dma_start3A_237, %dma_start3A_238] : memref<128x64x64xf32, #tpu.memory_space<hbm>> -> memref<1x64x64xf32, #tpu.memory_space<hbm>>
      %dma_start3A_240 = tpu.memref_squeeze %dma_start3A_239 : memref<1x64x64xf32, #tpu.memory_space<hbm>> -> memref<64x64xf32, #tpu.memory_space<hbm>>
      tpu.enqueue_dma source(%dma_start3A_240 : memref<64x64xf32, #tpu.memory_space<hbm>>) target(%arg14 : memref<64x64xf32, #tpu.memory_space<vmem>>) target_semaphore(%run_scoped3A : memref<!tpu.dma_semaphore, #tpu.memory_space<semaphore_mem>>)
      %dma_wait3A = arith.constant 0 : i32
      %dma_wait3A_241 = arith.constant 0 : i32
      %dma_wait3A_242 = tpu.memref_slice %arg6[%add3A_11, %dma_wait3A, %dma_wait3A_241] : memref<128x64x64xf32, #tpu.memory_space<hbm>> -> memref<1x64x64xf32, #tpu.memory_space<hbm>>
      %dma_wait3A_243 = tpu.memref_squeeze %dma_wait3A_242 : memref<1x64x64xf32, #tpu.memory_space<hbm>> -> memref<64x64xf32, #tpu.memory_space<hbm>>
      %dma_wait3A_244 = arith.constant 0 : i32
      %dma_wait3A_245 = arith.constant 0 : i32
      %dma_wait3A_246 = tpu.memref_slice %arg6[%add3A_11, %dma_wait3A_244, %dma_wait3A_245] : memref<128x64x64xf32, #tpu.memory_space<hbm>> -> memref<1x64x64xf32, #tpu.memory_space<hbm>>
      %dma_wait3A_247 = tpu.memref_squeeze %dma_wait3A_246 : memref<1x64x64xf32, #tpu.memory_space<hbm>> -> memref<64x64xf32, #tpu.memory_space<hbm>>
      tpu.wait_dma2 semaphore(%run_scoped3A : memref<!tpu.dma_semaphore, #tpu.memory_space<semaphore_mem>>) src(%dma_wait3A_247 : memref<64x64xf32, #tpu.memory_space<hbm>>) dst(%arg14 : memref<64x64xf32, #tpu.memory_space<vmem>>)
      tpu.yield
    }) : () -> ()
    %get3A = arith.constant 0 : index
    %get3A_12 = tpu.vector_load %arg11[%get3A] {strides = array<i32>} : memref<16xi32, #tpu.memory_space<vmem>>, vector<16xi32>,
    %slice3A = vector.extract_strided_slice %get3A_12 {offsets = [0], sizes = [1], strides = [1]} : vector<16xi32> to vector<1xi32>
    %squeeze3A = vector.extract %slice3A[0] : i32 from vector<1xi32>
    %swap3A = arith.constant 0 : index
    %swap3A_13 = tpu.vector_load %arg15[%swap3A] {strides = array<i32>} : memref<64xf32, #tpu.memory_space<vmem>>, vector<16xf32>,
    tpu.vector_store %arg15[%swap3A], %broadcast_in_dim3A_3 {strides = array<i32>} : memref<64xf32, #tpu.memory_space<vmem>>, vector<16xf32>,
    %swap3A_14 = arith.constant 0 : index
    %swap3A_15 = tpu.vector_load %arg16[%swap3A_14] {strides = array<i32>} : memref<64xi32, #tpu.memory_space<vmem>>, vector<16xi32>,
    tpu.vector_store %arg16[%swap3A_14], %broadcast_in_dim3A_7 {strides = array<i32>} : memref<64xi32, #tpu.memory_space<vmem>>, vector<16xi32>,
    %swap3A_16 = arith.constant 0 : index
    %swap3A_17 = tpu.vector_load %arg17[%swap3A_16] {strides = array<i32>} : memref<64xf32, #tpu.memory_space<vmem>>, vector<16xf32>,
    tpu.vector_store %arg17[%swap3A_16], %broadcast_in_dim3A_5 {strides = array<i32>} : memref<64xf32, #tpu.memory_space<vmem>>, vector<16xf32>,
    %swap3A_18 = arith.constant 16 : index
    %swap3A_19 = tpu.vector_load %arg15[%swap3A_18] {strides = array<i32>} : memref<64xf32, #tpu.memory_space<vmem>>, vector<16xf32>,
    tpu.vector_store %arg15[%swap3A_18], %broadcast_in_dim3A_3 {strides = array<i32>} : memref<64xf32, #tpu.memory_space<vmem>>, vector<16xf32>,
    %swap3A_20 = arith.constant 16 : index
    %swap3A_21 = tpu.vector_load %arg16[%swap3A_20] {strides = array<i32>} : memref<64xi32, #tpu.memory_space<vmem>>, vector<16xi32>,
    tpu.vector_store %arg16[%swap3A_20], %broadcast_in_dim3A_7 {strides = array<i32>} : memref<64xi32, #tpu.memory_space<vmem>>, vector<16xi32>,
    %swap3A_22 = arith.constant 16 : index
    %swap3A_23 = tpu.vector_load %arg17[%swap3A_22] {strides = array<i32>} : memref<64xf32, #tpu.memory_space<vmem>>, vector<16xf32>,
    tpu.vector_store %arg17[%swap3A_22], %broadcast_in_dim3A_5 {strides = array<i32>} : memref<64xf32, #tpu.memory_space<vmem>>, vector<16xf32>,
    %swap3A_24 = arith.constant 32 : index
    %swap3A_25 = tpu.vector_load %arg15[%swap3A_24] {strides = array<i32>} : memref<64xf32, #tpu.memory_space<vmem>>, vector<16xf32>,
    tpu.vector_store %arg15[%swap3A_24], %broadcast_in_dim3A_3 {strides = array<i32>} : memref<64xf32, #tpu.memory_space<vmem>>, vector<16xf32>,
    %swap3A_26 = arith.constant 32 : index
    %swap3A_27 = tpu.vector_load %arg16[%swap3A_26] {strides = array<i32>} : memref<64xi32, #tpu.memory_space<vmem>>, vector<16xi32>,
    tpu.vector_store %arg16[%swap3A_26], %broadcast_in_dim3A_7 {strides = array<i32>} : memref<64xi32, #tpu.memory_space<vmem>>, vector<16xi32>,
    %swap3A_28 = arith.constant 32 : index
    %swap3A_29 = tpu.vector_load %arg17[%swap3A_28] {strides = array<i32>} : memref<64xf32, #tpu.memory_space<vmem>>, vector<16xf32>,
    tpu.vector_store %arg17[%swap3A_28], %broadcast_in_dim3A_5 {strides = array<i32>} : memref<64xf32, #tpu.memory_space<vmem>>, vector<16xf32>,
    %swap3A_30 = arith.constant 48 : index
    %swap3A_31 = tpu.vector_load %arg15[%swap3A_30] {strides = array<i32>} : memref<64xf32, #tpu.memory_space<vmem>>, vector<16xf32>,
    tpu.vector_store %arg15[%swap3A_30], %broadcast_in_dim3A_3 {strides = array<i32>} : memref<64xf32, #tpu.memory_space<vmem>>, vector<16xf32>,
    %swap3A_32 = arith.constant 48 : index
    %swap3A_33 = tpu.vector_load %arg16[%swap3A_32] {strides = array<i32>} : memref<64xi32, #tpu.memory_space<vmem>>, vector<16xi32>,
    tpu.vector_store %arg16[%swap3A_32], %broadcast_in_dim3A_7 {strides = array<i32>} : memref<64xi32, #tpu.memory_space<vmem>>, vector<16xi32>,
    %swap3A_34 = arith.constant 48 : index
    %swap3A_35 = tpu.vector_load %arg17[%swap3A_34] {strides = array<i32>} : memref<64xf32, #tpu.memory_space<vmem>>, vector<16xf32>,
    tpu.vector_store %arg17[%swap3A_34], %broadcast_in_dim3A_5 {strides = array<i32>} : memref<64xf32, #tpu.memory_space<vmem>>, vector<16xf32>,
    %scan3A = arith.constant 0 : i32
    %scan3A_36 = arith.constant 0 : i32
    %scan3A_37 = arith.constant 63 : i32
    %scan3A_38 = arith.addi %scan3A_36, %scan3A_37 : i32
    %scan3A_39 = arith.constant 1 : i32
    %scan3A_40 = scf.for %scan3A_234 = %scan3A_36 to %scan3A_38 step %scan3A_39 iter_args(%scan3A_235 = %scan3A) -> (i32)  : i32 {
      %sub3A = arith.constant 2 : i32
      %sub3A_236 = arith.subi %squeeze3A, %sub3A : i32
      %le3A = arith.cmpi sle, %scan3A_234, %sub3A_236 : i32
      %lt3A_237 = arith.constant 64 : i32
      %lt3A_238 = arith.cmpi slt, %scan3A_235, %lt3A_237 : i32
      %and3A = arith.andi %le3A, %lt3A_238 : i1
      %convert_element_type3A_239 = arith.extui %and3A : i1 to i32
      %cond3A_240 = arith.constant 0 : i32
      %cond3A_241 = arith.cmpi ne, %convert_element_type3A_239, %cond3A_240 : i32
      scf.if %cond3A_241 {
        %add3A_306 = vector.broadcast %scan3A_234 : i32 to vector<16xi32>
        %add3A_307 = arith.addi %broadcast_in_dim3A_7, %add3A_306 : vector<16xi32>
        %gather3A = tpu.vector_load_idx %arg10[%add3A_307] : memref<64xf32, #tpu.memory_space<vmem>>[vector<16xi32>], vector<16xf32>,
        %add3A_308 = vector.broadcast %scan3A_235 : i32 to vector<16xi32>
        %add3A_309 = arith.addi %broadcast_in_dim3A_7, %add3A_308 : vector<16xi32>
        tpu.vector_store_idx %arg15[%add3A_309], %gather3A masked %eq3A_2 : memref<64xf32, #tpu.memory_space<vmem>>[vector<16xi32>], vector<16xf32>, vector<16xi1>
        %add3A_310 = vector.broadcast %scan3A_235 : i32 to vector<16xi32>
        %add3A_311 = arith.addi %broadcast_in_dim3A_7, %add3A_310 : vector<16xi32>
        %add3A_312 = vector.broadcast %scan3A_234 : i32 to vector<16xi32>
        %add3A_313 = arith.addi %broadcast_in_dim3A_7, %add3A_312 : vector<16xi32>
        tpu.vector_store_idx %arg16[%add3A_311], %add3A_313 masked %eq3A_2 : memref<64xi32, #tpu.memory_space<vmem>>[vector<16xi32>], vector<16xi32>, vector<16xi1>
      } else {
      }
      %add3A_242 = arith.constant 1 : i32
      %add3A_243 = arith.addi %scan3A_235, %add3A_242 : i32
      %select_n3A_244 = arith.select %and3A, %add3A_243, %scan3A_235 : i32
      %get3A_245 = arith.index_cast %scan3A_234 : i32 to index
      %get3A_246 = arith.constant 0 : index
      %get3A_247 = tpu.vector_load %arg12[%get3A_245, %get3A_246] {strides = array<i32>} : memref<63x64xf32, #tpu.memory_space<vmem>>, vector<16xf32>,
      %lt3A_248 = arith.constant 1.500000e+00 : f32
      %lt3A_249 = vector.broadcast %lt3A_248 : f32 to vector<16xf32>
      %lt3A_250 = arith.cmpf olt, %get3A_247, %lt3A_249 : vector<16xf32>
      %convert_element_type3A_251 = arith.extui %lt3A_250 : vector<16xi1> to vector<16xi32>
      %reduce_sum3A = arith.constant true
      %reduce_sum3A_252 = vector.broadcast %reduce_sum3A : i1 to vector<16xi1>
      %reduce_sum3A_253 = tpu.scan <sum>, %convert_element_type3A_251 masked %reduce_sum3A_252 : vector<16xi32>, vector<16xi1> -> vector<16xi32>
      %reduce_sum3A_254 = vector.extract %reduce_sum3A_253[15] : i32 from vector<16xi32>
      %add3A_255 = arith.constant 0 : i32
      %add3A_256 = arith.addi %add3A_255, %reduce_sum3A_254 : i32
      %get3A_257 = arith.index_cast %scan3A_234 : i32 to index
      %get3A_258 = arith.constant 16 : index
      %get3A_259 = tpu.vector_load %arg12[%get3A_257, %get3A_258] {strides = array<i32>} : memref<63x64xf32, #tpu.memory_space<vmem>>, vector<16xf32>,
      %lt3A_260 = arith.constant 1.500000e+00 : f32
      %lt3A_261 = vector.broadcast %lt3A_260 : f32 to vector<16xf32>
      %lt3A_262 = arith.cmpf olt, %get3A_259, %lt3A_261 : vector<16xf32>
      %convert_element_type3A_263 = arith.extui %lt3A_262 : vector<16xi1> to vector<16xi32>
      %reduce_sum3A_264 = arith.constant true
      %reduce_sum3A_265 = vector.broadcast %reduce_sum3A_264 : i1 to vector<16xi1>
      %reduce_sum3A_266 = tpu.scan <sum>, %convert_element_type3A_263 masked %reduce_sum3A_265 : vector<16xi32>, vector<16xi1> -> vector<16xi32>
      %reduce_sum3A_267 = vector.extract %reduce_sum3A_266[15] : i32 from vector<16xi32>
      %add3A_268 = arith.addi %add3A_256, %reduce_sum3A_267 : i32
      %get3A_269 = arith.index_cast %scan3A_234 : i32 to index
      %get3A_270 = arith.constant 32 : index
      %get3A_271 = tpu.vector_load %arg12[%get3A_269, %get3A_270] {strides = array<i32>} : memref<63x64xf32, #tpu.memory_space<vmem>>, vector<16xf32>,
      %lt3A_272 = arith.constant 1.500000e+00 : f32
      %lt3A_273 = vector.broadcast %lt3A_272 : f32 to vector<16xf32>
      %lt3A_274 = arith.cmpf olt, %get3A_271, %lt3A_273 : vector<16xf32>
      %convert_element_type3A_275 = arith.extui %lt3A_274 : vector<16xi1> to vector<16xi32>
      %reduce_sum3A_276 = arith.constant true
      %reduce_sum3A_277 = vector.broadcast %reduce_sum3A_276 : i1 to vector<16xi1>
      %reduce_sum3A_278 = tpu.scan <sum>, %convert_element_type3A_275 masked %reduce_sum3A_277 : vector<16xi32>, vector<16xi1> -> vector<16xi32>
      %reduce_sum3A_279 = vector.extract %reduce_sum3A_278[15] : i32 from vector<16xi32>
      %add3A_280 = arith.addi %add3A_268, %reduce_sum3A_279 : i32
      %get3A_281 = arith.index_cast %scan3A_234 : i32 to index
      %get3A_282 = arith.constant 48 : index
      %get3A_283 = tpu.vector_load %arg12[%get3A_281, %get3A_282] {strides = array<i32>} : memref<63x64xf32, #tpu.memory_space<vmem>>, vector<16xf32>,
      %lt3A_284 = arith.constant 1.500000e+00 : f32
      %lt3A_285 = vector.broadcast %lt3A_284 : f32 to vector<16xf32>
      %lt3A_286 = arith.cmpf olt, %get3A_283, %lt3A_285 : vector<16xf32>
      %convert_element_type3A_287 = arith.extui %lt3A_286 : vector<16xi1> to vector<16xi32>
      %reduce_sum3A_288 = arith.constant true
      %reduce_sum3A_289 = vector.broadcast %reduce_sum3A_288 : i1 to vector<16xi1>
      %reduce_sum3A_290 = tpu.scan <sum>, %convert_element_type3A_287 masked %reduce_sum3A_289 : vector<16xi32>, vector<16xi1> -> vector<16xi32>
      %reduce_sum3A_291 = vector.extract %reduce_sum3A_290[15] : i32 from vector<16xi32>
      %add3A_292 = arith.addi %add3A_280, %reduce_sum3A_291 : i32
      %sub3A_293 = arith.constant 64 : i32
      %sub3A_294 = arith.subi %sub3A_293, %select_n3A_244 : i32
      %min3A = arith.minsi %add3A_292, %sub3A_294 : i32
      %max3A = arith.constant 0 : i32
      %max3A_295 = arith.maxsi %min3A, %max3A : i32
      %gt3A = arith.constant 0 : i32
      %gt3A_296 = arith.cmpi sgt, %add3A_292, %gt3A : i32
      %and3A_297 = arith.andi %and3A, %gt3A_296 : i1
      %lt3A_298 = arith.constant 64 : i32
      %lt3A_299 = arith.cmpi slt, %select_n3A_244, %lt3A_298 : i32
      %and3A_300 = arith.andi %and3A_297, %lt3A_299 : i1
      %convert_element_type3A_301 = arith.extui %and3A_300 : i1 to i32
      %cond3A_302 = arith.constant 0 : i32
      %cond3A_303 = arith.cmpi ne, %convert_element_type3A_301, %cond3A_302 : i32
      scf.if %cond3A_303 {
        %masked_sort3A = arith.constant dense<true> : vector<16xi1>
        %masked_sort3A_306, %masked_sort3A_307, %masked_sort3A_308 = tpu.sort %get3A_247, %iota3A masked %masked_sort3A : (vector<16xf32>, vector<16xi32>, vector<16xi1>) -> (vector<16xi1>, vector<16xf32>, vector<16xi32>)
        %add3A_309 = arith.constant 16 : i32
        %add3A_310 = vector.broadcast %add3A_309 : i32 to vector<16xi32>
        %add3A_311 = arith.addi %iota3A, %add3A_310 : vector<16xi32>
        %masked_sort3A_312 = arith.constant dense<true> : vector<16xi1>
        %masked_sort3A_313, %masked_sort3A_314, %masked_sort3A_315 = tpu.sort %get3A_259, %add3A_311 masked %masked_sort3A_312 : (vector<16xf32>, vector<16xi32>, vector<16xi1>) -> (vector<16xi1>, vector<16xf32>, vector<16xi32>)
        %add3A_316 = arith.constant 32 : i32
        %add3A_317 = vector.broadcast %add3A_316 : i32 to vector<16xi32>
        %add3A_318 = arith.addi %iota3A, %add3A_317 : vector<16xi32>
        %masked_sort3A_319 = arith.constant dense<true> : vector<16xi1>
        %masked_sort3A_320, %masked_sort3A_321, %masked_sort3A_322 = tpu.sort %get3A_271, %add3A_318 masked %masked_sort3A_319 : (vector<16xf32>, vector<16xi32>, vector<16xi1>) -> (vector<16xi1>, vector<16xf32>, vector<16xi32>)
        %add3A_323 = arith.constant 48 : i32
        %add3A_324 = vector.broadcast %add3A_323 : i32 to vector<16xi32>
        %add3A_325 = arith.addi %iota3A, %add3A_324 : vector<16xi32>
        %masked_sort3A_326 = arith.constant dense<true> : vector<16xi1>
        %masked_sort3A_327, %masked_sort3A_328, %masked_sort3A_329 = tpu.sort %get3A_283, %add3A_325 masked %masked_sort3A_326 : (vector<16xf32>, vector<16xi32>, vector<16xi1>) -> (vector<16xi1>, vector<16xf32>, vector<16xi32>)
        %rev3A = arith.constant 15 : i32
        %rev3A_330 = vector.broadcast %rev3A : i32 to vector<16xi32>
        %rev3A_331 = tpu.iota {dimensions = array<i32: 0>} : vector<16xi32>
        %rev3A_332 = arith.subi %rev3A_330, %rev3A_331 : vector<16xi32>
        %rev3A_333 = tpu.dynamic_gather %masked_sort3A_314[%rev3A_332] in [0] : vector<16xf32>, vector<16xi32> -> vector<16xf32>
        %rev3A_334 = arith.constant 15 : i32
        %rev3A_335 = vector.broadcast %rev3A_334 : i32 to vector<16xi32>
        %rev3A_336 = tpu.iota {dimensions = array<i32: 0>} : vector<16xi32>
        %rev3A_337 = arith.subi %rev3A_335, %rev3A_336 : vector<16xi32>
        %rev3A_338 = tpu.dynamic_gather %masked_sort3A_315[%rev3A_337] in [0] : vector<16xi32>, vector<16xi32> -> vector<16xi32>
        %le3A_339 = arith.cmpf ole, %masked_sort3A_307, %rev3A_333 : vector<16xf32>
        %select_n3A_340 = arith.select %le3A_339, %masked_sort3A_307, %rev3A_333 : vector<16xi1>, vector<16xf32>
        %select_n3A_341 = arith.select %le3A_339, %masked_sort3A_308, %rev3A_338 : vector<16xi1>, vector<16xi32>
        %select_n3A_342 = arith.select %le3A_339, %rev3A_333, %masked_sort3A_307 : vector<16xi1>, vector<16xf32>
        %select_n3A_343 = arith.select %le3A_339, %rev3A_338, %masked_sort3A_308 : vector<16xi1>, vector<16xi32>
        %masked_sort3A_344 = arith.constant dense<true> : vector<16xi1>
        %masked_sort3A_345, %masked_sort3A_346, %masked_sort3A_347 = tpu.sort %select_n3A_340, %select_n3A_341 masked %masked_sort3A_344 : (vector<16xf32>, vector<16xi32>, vector<16xi1>) -> (vector<16xi1>, vector<16xf32>, vector<16xi32>)
        %masked_sort3A_348 = arith.constant dense<true> : vector<16xi1>
        %masked_sort3A_349, %masked_sort3A_350, %masked_sort3A_351 = tpu.sort %select_n3A_342, %select_n3A_343 masked %masked_sort3A_348 : (vector<16xf32>, vector<16xi32>, vector<16xi1>) -> (vector<16xi1>, vector<16xf32>, vector<16xi32>)
        %rev3A_352 = arith.constant 15 : i32
        %rev3A_353 = vector.broadcast %rev3A_352 : i32 to vector<16xi32>
        %rev3A_354 = tpu.iota {dimensions = array<i32: 0>} : vector<16xi32>
        %rev3A_355 = arith.subi %rev3A_353, %rev3A_354 : vector<16xi32>
        %rev3A_356 = tpu.dynamic_gather %masked_sort3A_328[%rev3A_355] in [0] : vector<16xf32>, vector<16xi32> -> vector<16xf32>
        %rev3A_357 = arith.constant 15 : i32
        %rev3A_358 = vector.broadcast %rev3A_357 : i32 to vector<16xi32>
        %rev3A_359 = tpu.iota {dimensions = array<i32: 0>} : vector<16xi32>
        %rev3A_360 = arith.subi %rev3A_358, %rev3A_359 : vector<16xi32>
        %rev3A_361 = tpu.dynamic_gather %masked_sort3A_329[%rev3A_360] in [0] : vector<16xi32>, vector<16xi32> -> vector<16xi32>
        %le3A_362 = arith.cmpf ole, %masked_sort3A_321, %rev3A_356 : vector<16xf32>
        %select_n3A_363 = arith.select %le3A_362, %masked_sort3A_321, %rev3A_356 : vector<16xi1>, vector<16xf32>
        %select_n3A_364 = arith.select %le3A_362, %masked_sort3A_322, %rev3A_361 : vector<16xi1>, vector<16xi32>
        %select_n3A_365 = arith.select %le3A_362, %rev3A_356, %masked_sort3A_321 : vector<16xi1>, vector<16xf32>
        %select_n3A_366 = arith.select %le3A_362, %rev3A_361, %masked_sort3A_322 : vector<16xi1>, vector<16xi32>
        %masked_sort3A_367 = arith.constant dense<true> : vector<16xi1>
        %masked_sort3A_368, %masked_sort3A_369, %masked_sort3A_370 = tpu.sort %select_n3A_363, %select_n3A_364 masked %masked_sort3A_367 : (vector<16xf32>, vector<16xi32>, vector<16xi1>) -> (vector<16xi1>, vector<16xf32>, vector<16xi32>)
        %masked_sort3A_371 = arith.constant dense<true> : vector<16xi1>
        %masked_sort3A_372, %masked_sort3A_373, %masked_sort3A_374 = tpu.sort %select_n3A_365, %select_n3A_366 masked %masked_sort3A_371 : (vector<16xf32>, vector<16xi32>, vector<16xi1>) -> (vector<16xi1>, vector<16xf32>, vector<16xi32>)
        %rev3A_375 = arith.constant 15 : i32
        %rev3A_376 = vector.broadcast %rev3A_375 : i32 to vector<16xi32>
        %rev3A_377 = tpu.iota {dimensions = array<i32: 0>} : vector<16xi32>
        %rev3A_378 = arith.subi %rev3A_376, %rev3A_377 : vector<16xi32>
        %rev3A_379 = tpu.dynamic_gather %masked_sort3A_373[%rev3A_378] in [0] : vector<16xf32>, vector<16xi32> -> vector<16xf32>
        %rev3A_380 = arith.constant 15 : i32
        %rev3A_381 = vector.broadcast %rev3A_380 : i32 to vector<16xi32>
        %rev3A_382 = tpu.iota {dimensions = array<i32: 0>} : vector<16xi32>
        %rev3A_383 = arith.subi %rev3A_381, %rev3A_382 : vector<16xi32>
        %rev3A_384 = tpu.dynamic_gather %masked_sort3A_374[%rev3A_383] in [0] : vector<16xi32>, vector<16xi32> -> vector<16xi32>
        %rev3A_385 = arith.constant 15 : i32
        %rev3A_386 = vector.broadcast %rev3A_385 : i32 to vector<16xi32>
        %rev3A_387 = tpu.iota {dimensions = array<i32: 0>} : vector<16xi32>
        %rev3A_388 = arith.subi %rev3A_386, %rev3A_387 : vector<16xi32>
        %rev3A_389 = tpu.dynamic_gather %masked_sort3A_369[%rev3A_388] in [0] : vector<16xf32>, vector<16xi32> -> vector<16xf32>
        %rev3A_390 = arith.constant 15 : i32
        %rev3A_391 = vector.broadcast %rev3A_390 : i32 to vector<16xi32>
        %rev3A_392 = tpu.iota {dimensions = array<i32: 0>} : vector<16xi32>
        %rev3A_393 = arith.subi %rev3A_391, %rev3A_392 : vector<16xi32>
        %rev3A_394 = tpu.dynamic_gather %masked_sort3A_370[%rev3A_393] in [0] : vector<16xi32>, vector<16xi32> -> vector<16xi32>
        %le3A_395 = arith.cmpf ole, %masked_sort3A_346, %rev3A_379 : vector<16xf32>
        %le3A_396 = arith.cmpf ole, %masked_sort3A_350, %rev3A_389 : vector<16xf32>
        %select_n3A_397 = arith.select %le3A_395, %masked_sort3A_346, %rev3A_379 : vector<16xi1>, vector<16xf32>
        %select_n3A_398 = arith.select %le3A_395, %masked_sort3A_347, %rev3A_384 : vector<16xi1>, vector<16xi32>
        %select_n3A_399 = arith.select %le3A_396, %masked_sort3A_350, %rev3A_389 : vector<16xi1>, vector<16xf32>
        %select_n3A_400 = arith.select %le3A_396, %masked_sort3A_351, %rev3A_394 : vector<16xi1>, vector<16xi32>
        %select_n3A_401 = arith.select %le3A_395, %rev3A_379, %masked_sort3A_346 : vector<16xi1>, vector<16xf32>
        %select_n3A_402 = arith.select %le3A_395, %rev3A_384, %masked_sort3A_347 : vector<16xi1>, vector<16xi32>
        %select_n3A_403 = arith.select %le3A_396, %rev3A_389, %masked_sort3A_350 : vector<16xi1>, vector<16xf32>
        %select_n3A_404 = arith.select %le3A_396, %rev3A_394, %masked_sort3A_351 : vector<16xi1>, vector<16xi32>
        %le3A_405 = arith.cmpf ole, %select_n3A_397, %select_n3A_399 : vector<16xf32>
        %select_n3A_406 = arith.select %le3A_405, %select_n3A_397, %select_n3A_399 : vector<16xi1>, vector<16xf32>
        %select_n3A_407 = arith.select %le3A_405, %select_n3A_398, %select_n3A_400 : vector<16xi1>, vector<16xi32>
        %select_n3A_408 = arith.select %le3A_405, %select_n3A_399, %select_n3A_397 : vector<16xi1>, vector<16xf32>
        %select_n3A_409 = arith.select %le3A_405, %select_n3A_400, %select_n3A_398 : vector<16xi1>, vector<16xi32>
        %masked_sort3A_410 = arith.constant dense<true> : vector<16xi1>
        %masked_sort3A_411, %masked_sort3A_412, %masked_sort3A_413 = tpu.sort %select_n3A_406, %select_n3A_407 masked %masked_sort3A_410 : (vector<16xf32>, vector<16xi32>, vector<16xi1>) -> (vector<16xi1>, vector<16xf32>, vector<16xi32>)
        %masked_sort3A_414 = arith.constant dense<true> : vector<16xi1>
        %masked_sort3A_415, %masked_sort3A_416, %masked_sort3A_417 = tpu.sort %select_n3A_408, %select_n3A_409 masked %masked_sort3A_414 : (vector<16xf32>, vector<16xi32>, vector<16xi1>) -> (vector<16xi1>, vector<16xf32>, vector<16xi32>)
        %le3A_418 = arith.cmpf ole, %select_n3A_401, %select_n3A_403 : vector<16xf32>
        %select_n3A_419 = arith.select %le3A_418, %select_n3A_401, %select_n3A_403 : vector<16xi1>, vector<16xf32>
        %select_n3A_420 = arith.select %le3A_418, %select_n3A_402, %select_n3A_404 : vector<16xi1>, vector<16xi32>
        %select_n3A_421 = arith.select %le3A_418, %select_n3A_403, %select_n3A_401 : vector<16xi1>, vector<16xf32>
        %select_n3A_422 = arith.select %le3A_418, %select_n3A_404, %select_n3A_402 : vector<16xi1>, vector<16xi32>
        %masked_sort3A_423 = arith.constant dense<true> : vector<16xi1>
        %masked_sort3A_424, %masked_sort3A_425, %masked_sort3A_426 = tpu.sort %select_n3A_419, %select_n3A_420 masked %masked_sort3A_423 : (vector<16xf32>, vector<16xi32>, vector<16xi1>) -> (vector<16xi1>, vector<16xf32>, vector<16xi32>)
        %masked_sort3A_427 = arith.constant dense<true> : vector<16xi1>
        %masked_sort3A_428, %masked_sort3A_429, %masked_sort3A_430 = tpu.sort %select_n3A_421, %select_n3A_422 masked %masked_sort3A_427 : (vector<16xf32>, vector<16xi32>, vector<16xi1>) -> (vector<16xi1>, vector<16xf32>, vector<16xi32>)
        %add3A_431 = arith.constant 0 : i32
        %add3A_432 = vector.broadcast %add3A_431 : i32 to vector<16xi32>
        %add3A_433 = arith.addi %iota3A, %add3A_432 : vector<16xi32>
        %lt3A_434 = vector.broadcast %max3A_295 : i32 to vector<16xi32>
        %lt3A_435 = arith.cmpi slt, %add3A_433, %lt3A_434 : vector<16xi32>
        %add3A_436 = vector.broadcast %select_n3A_244 : i32 to vector<16xi32>
        %add3A_437 = arith.addi %add3A_436, %add3A_433 : vector<16xi32>
        tpu.vector_store_idx %arg15[%add3A_437], %masked_sort3A_412 masked %lt3A_435 : memref<64xf32, #tpu.memory_space<vmem>>[vector<16xi32>], vector<16xf32>, vector<16xi1>
        %add3A_438 = vector.broadcast %scan3A_234 : i32 to vector<16xi32>
        %add3A_439 = arith.addi %broadcast_in_dim3A_7, %add3A_438 : vector<16xi32>
        tpu.vector_store_idx %arg16[%add3A_437], %add3A_439 masked %lt3A_435 : memref<64xi32, #tpu.memory_space<vmem>>[vector<16xi32>], vector<16xi32>, vector<16xi1>
        %add3A_440 = vector.broadcast %scan3A_234 : i32 to vector<16xi32>
        %add3A_441 = arith.addi %broadcast_in_dim3A_7, %add3A_440 : vector<16xi32>
        %gather3A = tpu.vector_load_idx %arg13[%add3A_441, %masked_sort3A_413] masked %lt3A_435 : memref<63x64xf32, #tpu.memory_space<vmem>>[vector<16xi32>, vector<16xi32>], vector<16xf32>, vector<16xi1>
        tpu.vector_store_idx %arg17[%add3A_437], %gather3A masked %lt3A_435 : memref<64xf32, #tpu.memory_space<vmem>>[vector<16xi32>], vector<16xf32>, vector<16xi1>
        %add3A_442 = arith.constant 16 : i32
        %add3A_443 = vector.broadcast %add3A_442 : i32 to vector<16xi32>
        %add3A_444 = arith.addi %iota3A, %add3A_443 : vector<16xi32>
        %lt3A_445 = vector.broadcast %max3A_295 : i32 to vector<16xi32>
        %lt3A_446 = arith.cmpi slt, %add3A_444, %lt3A_445 : vector<16xi32>
        %add3A_447 = vector.broadcast %select_n3A_244 : i32 to vector<16xi32>
        %add3A_448 = arith.addi %add3A_447, %add3A_444 : vector<16xi32>
        tpu.vector_store_idx %arg15[%add3A_448], %masked_sort3A_416 masked %lt3A_446 : memref<64xf32, #tpu.memory_space<vmem>>[vector<16xi32>], vector<16xf32>, vector<16xi1>
        %add3A_449 = vector.broadcast %scan3A_234 : i32 to vector<16xi32>
        %add3A_450 = arith.addi %broadcast_in_dim3A_7, %add3A_449 : vector<16xi32>
        tpu.vector_store_idx %arg16[%add3A_448], %add3A_450 masked %lt3A_446 : memref<64xi32, #tpu.memory_space<vmem>>[vector<16xi32>], vector<16xi32>, vector<16xi1>
        %add3A_451 = vector.broadcast %scan3A_234 : i32 to vector<16xi32>
        %add3A_452 = arith.addi %broadcast_in_dim3A_7, %add3A_451 : vector<16xi32>
        %gather3A_453 = tpu.vector_load_idx %arg13[%add3A_452, %masked_sort3A_417] masked %lt3A_446 : memref<63x64xf32, #tpu.memory_space<vmem>>[vector<16xi32>, vector<16xi32>], vector<16xf32>, vector<16xi1>
        tpu.vector_store_idx %arg17[%add3A_448], %gather3A_453 masked %lt3A_446 : memref<64xf32, #tpu.memory_space<vmem>>[vector<16xi32>], vector<16xf32>, vector<16xi1>
        %add3A_454 = arith.constant 32 : i32
        %add3A_455 = vector.broadcast %add3A_454 : i32 to vector<16xi32>
        %add3A_456 = arith.addi %iota3A, %add3A_455 : vector<16xi32>
        %lt3A_457 = vector.broadcast %max3A_295 : i32 to vector<16xi32>
        %lt3A_458 = arith.cmpi slt, %add3A_456, %lt3A_457 : vector<16xi32>
        %add3A_459 = vector.broadcast %select_n3A_244 : i32 to vector<16xi32>
        %add3A_460 = arith.addi %add3A_459, %add3A_456 : vector<16xi32>
        tpu.vector_store_idx %arg15[%add3A_460], %masked_sort3A_425 masked %lt3A_458 : memref<64xf32, #tpu.memory_space<vmem>>[vector<16xi32>], vector<16xf32>, vector<16xi1>
        %add3A_461 = vector.broadcast %scan3A_234 : i32 to vector<16xi32>
        %add3A_462 = arith.addi %broadcast_in_dim3A_7, %add3A_461 : vector<16xi32>
        tpu.vector_store_idx %arg16[%add3A_460], %add3A_462 masked %lt3A_458 : memref<64xi32, #tpu.memory_space<vmem>>[vector<16xi32>], vector<16xi32>, vector<16xi1>
        %add3A_463 = vector.broadcast %scan3A_234 : i32 to vector<16xi32>
        %add3A_464 = arith.addi %broadcast_in_dim3A_7, %add3A_463 : vector<16xi32>
        %gather3A_465 = tpu.vector_load_idx %arg13[%add3A_464, %masked_sort3A_426] masked %lt3A_458 : memref<63x64xf32, #tpu.memory_space<vmem>>[vector<16xi32>, vector<16xi32>], vector<16xf32>, vector<16xi1>
        tpu.vector_store_idx %arg17[%add3A_460], %gather3A_465 masked %lt3A_458 : memref<64xf32, #tpu.memory_space<vmem>>[vector<16xi32>], vector<16xf32>, vector<16xi1>
        %add3A_466 = arith.constant 48 : i32
        %add3A_467 = vector.broadcast %add3A_466 : i32 to vector<16xi32>
        %add3A_468 = arith.addi %iota3A, %add3A_467 : vector<16xi32>
        %lt3A_469 = vector.broadcast %max3A_295 : i32 to vector<16xi32>
        %lt3A_470 = arith.cmpi slt, %add3A_468, %lt3A_469 : vector<16xi32>
        %add3A_471 = vector.broadcast %select_n3A_244 : i32 to vector<16xi32>
        %add3A_472 = arith.addi %add3A_471, %add3A_468 : vector<16xi32>
        tpu.vector_store_idx %arg15[%add3A_472], %masked_sort3A_429 masked %lt3A_470 : memref<64xf32, #tpu.memory_space<vmem>>[vector<16xi32>], vector<16xf32>, vector<16xi1>
        %add3A_473 = vector.broadcast %scan3A_234 : i32 to vector<16xi32>
        %add3A_474 = arith.addi %broadcast_in_dim3A_7, %add3A_473 : vector<16xi32>
        tpu.vector_store_idx %arg16[%add3A_472], %add3A_474 masked %lt3A_470 : memref<64xi32, #tpu.memory_space<vmem>>[vector<16xi32>], vector<16xi32>, vector<16xi1>
        %add3A_475 = vector.broadcast %scan3A_234 : i32 to vector<16xi32>
        %add3A_476 = arith.addi %broadcast_in_dim3A_7, %add3A_475 : vector<16xi32>
        %gather3A_477 = tpu.vector_load_idx %arg13[%add3A_476, %masked_sort3A_430] masked %lt3A_470 : memref<63x64xf32, #tpu.memory_space<vmem>>[vector<16xi32>, vector<16xi32>], vector<16xf32>, vector<16xi1>
        tpu.vector_store_idx %arg17[%add3A_472], %gather3A_477 masked %lt3A_470 : memref<64xf32, #tpu.memory_space<vmem>>[vector<16xi32>], vector<16xf32>, vector<16xi1>
      } else {
      }
      %add3A_304 = arith.addi %select_n3A_244, %max3A_295 : i32
      %select_n3A_305 = arith.select %and3A_300, %add3A_304, %select_n3A_244 : i32
      scf.yield %select_n3A_305 : i32
    }
    %scan3A_41 = arith.constant 63 : i32
    %lt3A = arith.constant 64 : i32
    %lt3A_42 = arith.cmpi slt, %scan3A_40, %lt3A : i32
    %convert_element_type3A = arith.extui %lt3A_42 : i1 to i32
    %cond3A = arith.constant 0 : i32
    %cond3A_43 = arith.cmpi ne, %convert_element_type3A, %cond3A : i32
    scf.if %cond3A_43 {
      %sub3A = arith.constant 1 : i32
      %sub3A_234 = arith.subi %squeeze3A, %sub3A : i32
      %add3A_235 = vector.broadcast %sub3A_234 : i32 to vector<16xi32>
      %add3A_236 = arith.addi %broadcast_in_dim3A_7, %add3A_235 : vector<16xi32>
      %gather3A = tpu.vector_load_idx %arg10[%add3A_236] : memref<64xf32, #tpu.memory_space<vmem>>[vector<16xi32>], vector<16xf32>,
      %add3A_237 = vector.broadcast %scan3A_40 : i32 to vector<16xi32>
      %add3A_238 = arith.addi %broadcast_in_dim3A_7, %add3A_237 : vector<16xi32>
      tpu.vector_store_idx %arg15[%add3A_238], %gather3A masked %eq3A_2 : memref<64xf32, #tpu.memory_space<vmem>>[vector<16xi32>], vector<16xf32>, vector<16xi1>
      %add3A_239 = vector.broadcast %scan3A_40 : i32 to vector<16xi32>
      %add3A_240 = arith.addi %broadcast_in_dim3A_7, %add3A_239 : vector<16xi32>
      %sub3A_241 = arith.constant 1 : i32
      %sub3A_242 = arith.subi %squeeze3A, %sub3A_241 : i32
      %add3A_243 = vector.broadcast %sub3A_242 : i32 to vector<16xi32>
      %add3A_244 = arith.addi %broadcast_in_dim3A_7, %add3A_243 : vector<16xi32>
      tpu.vector_store_idx %arg16[%add3A_240], %add3A_244 masked %eq3A_2 : memref<64xi32, #tpu.memory_space<vmem>>[vector<16xi32>], vector<16xi32>, vector<16xi1>
    } else {
    }
    %add3A_44 = arith.constant 1 : i32
    %add3A_45 = arith.addi %scan3A_40, %add3A_44 : i32
    %select_n3A = arith.select %lt3A_42, %add3A_45, %scan3A_40 : i32
    %jit3A = arith.constant 0 : i32
    %broadcast_in_dim3A_46 = vector.broadcast %select_n3A : i32 to vector<16xi32>
    %broadcast_in_dim3A_47 = vector.broadcast %jit3A : i32 to vector<16xi32>
    %select_n3A_48 = arith.select %eq3A_2, %broadcast_in_dim3A_46, %broadcast_in_dim3A_47 : vector<16xi1>, vector<16xi32>
    %swap3A_49 = arith.constant 0 : index
    %swap3A_50 = tpu.vector_load %arg19[%swap3A_49] {strides = array<i32>} : memref<16xi32, #tpu.memory_space<vmem>>, vector<16xi32>,
    tpu.vector_store %arg19[%swap3A_49], %select_n3A_48 {strides = array<i32>} : memref<16xi32, #tpu.memory_space<vmem>>, vector<16xi32>,
    %scan3A_51 = arith.constant 0 : i32
    %scan3A_52 = arith.constant 0 : i32
    %scan3A_53 = arith.constant 64 : i32
    %scan3A_54 = arith.addi %scan3A_52, %scan3A_53 : i32
    %scan3A_55 = arith.constant 1 : i32
    scf.for %scan3A_234 = %scan3A_52 to %scan3A_54 step %scan3A_55  : i32 {
      %add3A_235 = vector.broadcast %scan3A_234 : i32 to vector<16xi32>
      %add3A_236 = arith.addi %broadcast_in_dim3A_7, %add3A_235 : vector<16xi32>
      %gather3A = tpu.vector_load_idx %arg16[%add3A_236] : memref<64xi32, #tpu.memory_space<vmem>>[vector<16xi32>], vector<16xi32>,
      %slice3A_237 = vector.extract_strided_slice %gather3A {offsets = [0], sizes = [1], strides = [1]} : vector<16xi32> to vector<1xi32>
      %squeeze3A_238 = vector.extract %slice3A_237[0] : i32 from vector<1xi32>
      %add3A_239 = vector.broadcast %scan3A_234 : i32 to vector<16xi32>
      %add3A_240 = arith.addi %broadcast_in_dim3A_7, %add3A_239 : vector<16xi32>
      %gather3A_241 = tpu.vector_load_idx %arg17[%add3A_240] : memref<64xf32, #tpu.memory_space<vmem>>[vector<16xi32>], vector<16xf32>,
      %add3A_242 = arith.constant 1 : i32
      %add3A_243 = arith.addi %squeeze3A_238, %add3A_242 : i32
      %min3A = arith.constant 63 : i32
      %min3A_244 = arith.minsi %add3A_243, %min3A : i32
      %lt3A_245 = arith.cmpi slt, %scan3A_234, %select_n3A : i32
      %convert_element_type3A_246 = arith.extui %lt3A_245 : i1 to i32
      %convert_element_type3A_247 = arith.sitofp %convert_element_type3A_246 : i32 to f32
      %get3A_248 = arith.index_cast %squeeze3A_238 : i32 to index
      %get3A_249 = arith.constant 0 : index
      %get3A_250 = tpu.vector_load %arg14[%get3A_248, %get3A_249] {strides = array<i32>} : memref<64x64xf32, #tpu.memory_space<vmem>>, vector<16xf32>,
      %get3A_251 = arith.index_cast %min3A_244 : i32 to index
      %get3A_252 = arith.constant 0 : index
      %get3A_253 = tpu.vector_load %arg14[%get3A_251, %get3A_252] {strides = array<i32>} : memref<64x64xf32, #tpu.memory_space<vmem>>, vector<16xf32>,
      %sub3A = arith.subf %get3A_253, %get3A_250 : vector<16xf32>
      %mul3A_254 = arith.mulf %gather3A_241, %sub3A : vector<16xf32>
      %add3A_255 = arith.addf %get3A_250, %mul3A_254 : vector<16xf32>
      %max3A = arith.constant 0.000000e+00 : f32
      %max3A_256 = vector.broadcast %max3A : f32 to vector<16xf32>
      %max3A_257 = arith.maximumf %add3A_255, %max3A_256 : vector<16xf32>
      %mul3A_258 = vector.broadcast %convert_element_type3A_247 : f32 to vector<16xf32>
      %mul3A_259 = arith.mulf %max3A_257, %mul3A_258 : vector<16xf32>
      %swap3A_260 = arith.index_cast %scan3A_234 : i32 to index
      %swap3A_261 = arith.constant 0 : index
      %swap3A_262 = tpu.vector_load %arg18[%swap3A_260, %swap3A_261] {strides = array<i32>} : memref<64x64xf32, #tpu.memory_space<vmem>>, vector<16xf32>,
      tpu.vector_store %arg18[%swap3A_260, %swap3A_261], %mul3A_259 {strides = array<i32>} : memref<64x64xf32, #tpu.memory_space<vmem>>, vector<16xf32>,
      %get3A_263 = arith.index_cast %squeeze3A_238 : i32 to index
      %get3A_264 = arith.constant 16 : index
      %get3A_265 = tpu.vector_load %arg14[%get3A_263, %get3A_264] {strides = array<i32>} : memref<64x64xf32, #tpu.memory_space<vmem>>, vector<16xf32>,
      %get3A_266 = arith.index_cast %min3A_244 : i32 to index
      %get3A_267 = arith.constant 16 : index
      %get3A_268 = tpu.vector_load %arg14[%get3A_266, %get3A_267] {strides = array<i32>} : memref<64x64xf32, #tpu.memory_space<vmem>>, vector<16xf32>,
      %sub3A_269 = arith.subf %get3A_268, %get3A_265 : vector<16xf32>
      %mul3A_270 = arith.mulf %gather3A_241, %sub3A_269 : vector<16xf32>
      %add3A_271 = arith.addf %get3A_265, %mul3A_270 : vector<16xf32>
      %max3A_272 = arith.constant 0.000000e+00 : f32
      %max3A_273 = vector.broadcast %max3A_272 : f32 to vector<16xf32>
      %max3A_274 = arith.maximumf %add3A_271, %max3A_273 : vector<16xf32>
      %mul3A_275 = vector.broadcast %convert_element_type3A_247 : f32 to vector<16xf32>
      %mul3A_276 = arith.mulf %max3A_274, %mul3A_275 : vector<16xf32>
      %swap3A_277 = arith.index_cast %scan3A_234 : i32 to index
      %swap3A_278 = arith.constant 16 : index
      %swap3A_279 = tpu.vector_load %arg18[%swap3A_277, %swap3A_278] {strides = array<i32>} : memref<64x64xf32, #tpu.memory_space<vmem>>, vector<16xf32>,
      tpu.vector_store %arg18[%swap3A_277, %swap3A_278], %mul3A_276 {strides = array<i32>} : memref<64x64xf32, #tpu.memory_space<vmem>>, vector<16xf32>,
      %get3A_280 = arith.index_cast %squeeze3A_238 : i32 to index
      %get3A_281 = arith.constant 32 : index
      %get3A_282 = tpu.vector_load %arg14[%get3A_280, %get3A_281] {strides = array<i32>} : memref<64x64xf32, #tpu.memory_space<vmem>>, vector<16xf32>,
      %get3A_283 = arith.index_cast %min3A_244 : i32 to index
      %get3A_284 = arith.constant 32 : index
      %get3A_285 = tpu.vector_load %arg14[%get3A_283, %get3A_284] {strides = array<i32>} : memref<64x64xf32, #tpu.memory_space<vmem>>, vector<16xf32>,
      %sub3A_286 = arith.subf %get3A_285, %get3A_282 : vector<16xf32>
      %mul3A_287 = arith.mulf %gather3A_241, %sub3A_286 : vector<16xf32>
      %add3A_288 = arith.addf %get3A_282, %mul3A_287 : vector<16xf32>
      %max3A_289 = arith.constant 0.000000e+00 : f32
      %max3A_290 = vector.broadcast %max3A_289 : f32 to vector<16xf32>
      %max3A_291 = arith.maximumf %add3A_288, %max3A_290 : vector<16xf32>
      %mul3A_292 = vector.broadcast %convert_element_type3A_247 : f32 to vector<16xf32>
      %mul3A_293 = arith.mulf %max3A_291, %mul3A_292 : vector<16xf32>
      %swap3A_294 = arith.index_cast %scan3A_234 : i32 to index
      %swap3A_295 = arith.constant 32 : index
      %swap3A_296 = tpu.vector_load %arg18[%swap3A_294, %swap3A_295] {strides = array<i32>} : memref<64x64xf32, #tpu.memory_space<vmem>>, vector<16xf32>,
      tpu.vector_store %arg18[%swap3A_294, %swap3A_295], %mul3A_293 {strides = array<i32>} : memref<64x64xf32, #tpu.memory_space<vmem>>, vector<16xf32>,
      %get3A_297 = arith.index_cast %squeeze3A_238 : i32 to index
      %get3A_298 = arith.constant 48 : index
      %get3A_299 = tpu.vector_load %arg14[%get3A_297, %get3A_298] {strides = array<i32>} : memref<64x64xf32, #tpu.memory_space<vmem>>, vector<16xf32>,
      %get3A_300 = arith.index_cast %min3A_244 : i32 to index
      %get3A_301 = arith.constant 48 : index
      %get3A_302 = tpu.vector_load %arg14[%get3A_300, %get3A_301] {strides = array<i32>} : memref<64x64xf32, #tpu.memory_space<vmem>>, vector<16xf32>,
      %sub3A_303 = arith.subf %get3A_302, %get3A_299 : vector<16xf32>
      %mul3A_304 = arith.mulf %gather3A_241, %sub3A_303 : vector<16xf32>
      %add3A_305 = arith.addf %get3A_299, %mul3A_304 : vector<16xf32>
      %max3A_306 = arith.constant 0.000000e+00 : f32
      %max3A_307 = vector.broadcast %max3A_306 : f32 to vector<16xf32>
      %max3A_308 = arith.maximumf %add3A_305, %max3A_307 : vector<16xf32>
      %mul3A_309 = vector.broadcast %convert_element_type3A_247 : f32 to vector<16xf32>
      %mul3A_310 = arith.mulf %max3A_308, %mul3A_309 : vector<16xf32>
      %swap3A_311 = arith.index_cast %scan3A_234 : i32 to index
      %swap3A_312 = arith.constant 48 : index
      %swap3A_313 = tpu.vector_load %arg18[%swap3A_311, %swap3A_312] {strides = array<i32>} : memref<64x64xf32, #tpu.memory_space<vmem>>, vector<16xf32>,
      tpu.vector_store %arg18[%swap3A_311, %swap3A_312], %mul3A_310 {strides = array<i32>} : memref<64x64xf32, #tpu.memory_space<vmem>>, vector<16xf32>,
    }
    %scan3A_56 = arith.constant 64 : i32
    "tpu.region"() ({
      %run_scoped3A = tpu.sem_alloc : memref<!tpu.dma_semaphore, #tpu.memory_space<semaphore_mem>>
      %dma_start3A = arith.constant 0 : i32
      %dma_start3A_234 = tpu.memref_slice %arg7[%add3A_11, %dma_start3A] : memref<128x64xf32, #tpu.memory_space<hbm>> -> memref<1x64xf32, #tpu.memory_space<hbm>>
      %dma_start3A_235 = tpu.memref_squeeze %dma_start3A_234 : memref<1x64xf32, #tpu.memory_space<hbm>> -> memref<64xf32, #tpu.memory_space<hbm>>
      %dma_start3A_236 = arith.constant 0 : i32
      %dma_start3A_237 = tpu.memref_slice %arg7[%add3A_11, %dma_start3A_236] : memref<128x64xf32, #tpu.memory_space<hbm>> -> memref<1x64xf32, #tpu.memory_space<hbm>>
      %dma_start3A_238 = tpu.memref_squeeze %dma_start3A_237 : memref<1x64xf32, #tpu.memory_space<hbm>> -> memref<64xf32, #tpu.memory_space<hbm>>
      tpu.enqueue_dma source(%arg15 : memref<64xf32, #tpu.memory_space<vmem>>) target(%dma_start3A_238 : memref<64xf32, #tpu.memory_space<hbm>>) target_semaphore(%run_scoped3A : memref<!tpu.dma_semaphore, #tpu.memory_space<semaphore_mem>>)
      %dma_wait3A = arith.constant 0 : i32
      %dma_wait3A_239 = tpu.memref_slice %arg7[%add3A_11, %dma_wait3A] : memref<128x64xf32, #tpu.memory_space<hbm>> -> memref<1x64xf32, #tpu.memory_space<hbm>>
      %dma_wait3A_240 = tpu.memref_squeeze %dma_wait3A_239 : memref<1x64xf32, #tpu.memory_space<hbm>> -> memref<64xf32, #tpu.memory_space<hbm>>
      %dma_wait3A_241 = arith.constant 0 : i32
      %dma_wait3A_242 = tpu.memref_slice %arg7[%add3A_11, %dma_wait3A_241] : memref<128x64xf32, #tpu.memory_space<hbm>> -> memref<1x64xf32, #tpu.memory_space<hbm>>
      %dma_wait3A_243 = tpu.memref_squeeze %dma_wait3A_242 : memref<1x64xf32, #tpu.memory_space<hbm>> -> memref<64xf32, #tpu.memory_space<hbm>>
      tpu.wait_dma2 semaphore(%run_scoped3A : memref<!tpu.dma_semaphore, #tpu.memory_space<semaphore_mem>>) src(%arg15 : memref<64xf32, #tpu.memory_space<vmem>>) dst(%dma_wait3A_243 : memref<64xf32, #tpu.memory_space<hbm>>)
      tpu.yield
    }) : () -> ()
    "tpu.region"() ({
      %run_scoped3A = tpu.sem_alloc : memref<!tpu.dma_semaphore, #tpu.memory_space<semaphore_mem>>
      %dma_start3A = arith.constant 0 : i32
      %dma_start3A_234 = tpu.memref_slice %arg8[%add3A_11, %dma_start3A] : memref<128x16xi32, #tpu.memory_space<hbm>> -> memref<1x16xi32, #tpu.memory_space<hbm>>
      %dma_start3A_235 = tpu.memref_squeeze %dma_start3A_234 : memref<1x16xi32, #tpu.memory_space<hbm>> -> memref<16xi32, #tpu.memory_space<hbm>>
      %dma_start3A_236 = arith.constant 0 : i32
      %dma_start3A_237 = tpu.memref_slice %arg8[%add3A_11, %dma_start3A_236] : memref<128x16xi32, #tpu.memory_space<hbm>> -> memref<1x16xi32, #tpu.memory_space<hbm>>
      %dma_start3A_238 = tpu.memref_squeeze %dma_start3A_237 : memref<1x16xi32, #tpu.memory_space<hbm>> -> memref<16xi32, #tpu.memory_space<hbm>>
      tpu.enqueue_dma source(%arg19 : memref<16xi32, #tpu.memory_space<vmem>>) target(%dma_start3A_238 : memref<16xi32, #tpu.memory_space<hbm>>) target_semaphore(%run_scoped3A : memref<!tpu.dma_semaphore, #tpu.memory_space<semaphore_mem>>)
      %dma_wait3A = arith.constant 0 : i32
      %dma_wait3A_239 = tpu.memref_slice %arg8[%add3A_11, %dma_wait3A] : memref<128x16xi32, #tpu.memory_space<hbm>> -> memref<1x16xi32, #tpu.memory_space<hbm>>
      %dma_wait3A_240 = tpu.memref_squeeze %dma_wait3A_239 : memref<1x16xi32, #tpu.memory_space<hbm>> -> memref<16xi32, #tpu.memory_space<hbm>>
      %dma_wait3A_241 = arith.constant 0 : i32
      %dma_wait3A_242 = tpu.memref_slice %arg8[%add3A_11, %dma_wait3A_241] : memref<128x16xi32, #tpu.memory_space<hbm>> -> memref<1x16xi32, #tpu.memory_space<hbm>>
      %dma_wait3A_243 = tpu.memref_squeeze %dma_wait3A_242 : memref<1x16xi32, #tpu.memory_space<hbm>> -> memref<16xi32, #tpu.memory_space<hbm>>
      tpu.wait_dma2 semaphore(%run_scoped3A : memref<!tpu.dma_semaphore, #tpu.memory_space<semaphore_mem>>) src(%arg19 : memref<16xi32, #tpu.memory_space<vmem>>) dst(%dma_wait3A_243 : memref<16xi32, #tpu.memory_space<hbm>>)
      tpu.yield
    }) : () -> ()
    "tpu.region"() ({
      %run_scoped3A = tpu.sem_alloc : memref<!tpu.dma_semaphore, #tpu.memory_space<semaphore_mem>>
      %dma_start3A = arith.constant 0 : i32
      %dma_start3A_234 = arith.constant 0 : i32
      %dma_start3A_235 = tpu.memref_slice %arg9[%add3A_11, %dma_start3A, %dma_start3A_234] : memref<128x64x64xf32, #tpu.memory_space<hbm>> -> memref<1x64x64xf32, #tpu.memory_space<hbm>>
      %dma_start3A_236 = tpu.memref_squeeze %dma_start3A_235 : memref<1x64x64xf32, #tpu.memory_space<hbm>> -> memref<64x64xf32, #tpu.memory_space<hbm>>
      %dma_start3A_237 = arith.constant 0 : i32
      %dma_start3A_238 = arith.constant 0 : i32
      %dma_start3A_239 = tpu.memref_slice %arg9[%add3A_11, %dma_start3A_237, %dma_start3A_238] : memref<128x64x64xf32, #tpu.memory_space<hbm>> -> memref<1x64x64xf32, #tpu.memory_space<hbm>>
      %dma_start3A_240 = tpu.memref_squeeze %dma_start3A_239 : memref<1x64x64xf32, #tpu.memory_space<hbm>> -> memref<64x64xf32, #tpu.memory_space<hbm>>
      tpu.enqueue_dma source(%arg18 : memref<64x64xf32, #tpu.memory_space<vmem>>) target(%dma_start3A_240 : memref<64x64xf32, #tpu.memory_space<hbm>>) target_semaphore(%run_scoped3A : memref<!tpu.dma_semaphore, #tpu.memory_space<semaphore_mem>>)
      %dma_wait3A = arith.constant 0 : i32
      %dma_wait3A_241 = arith.constant 0 : i32
      %dma_wait3A_242 = tpu.memref_slice %arg9[%add3A_11, %dma_wait3A, %dma_wait3A_241] : memref<128x64x64xf32, #tpu.memory_space<hbm>> -> memref<1x64x64xf32, #tpu.memory_space<hbm>>
      %dma_wait3A_243 = tpu.memref_squeeze %dma_wait3A_242 : memref<1x64x64xf32, #tpu.memory_space<hbm>> -> memref<64x64xf32, #tpu.memory_space<hbm>>
      %dma_wait3A_244 = arith.constant 0 : i32
      %dma_wait3A_245 = arith.constant 0 : i32
      %dma_wait3A_246 = tpu.memref_slice %arg9[%add3A_11, %dma_wait3A_244, %dma_wait3A_245] : memref<128x64x64xf32, #tpu.memory_space<hbm>> -> memref<1x64x64xf32, #tpu.memory_space<hbm>>
      %dma_wait3A_247 = tpu.memref_squeeze %dma_wait3A_246 : memref<1x64x64xf32, #tpu.memory_space<hbm>> -> memref<64x64xf32, #tpu.memory_space<hbm>>
      tpu.wait_dma2 semaphore(%run_scoped3A : memref<!tpu.dma_semaphore, #tpu.memory_space<semaphore_mem>>) src(%arg18 : memref<64x64xf32, #tpu.memory_space<vmem>>) dst(%dma_wait3A_247 : memref<64x64xf32, #tpu.memory_space<hbm>>)
      tpu.yield
    }) : () -> ()
    %mul3A_57 = arith.constant 4 : i32
    %mul3A_58 = arith.muli %add3A, %mul3A_57 : i32
    %add3A_59 = arith.constant 1 : i32
    %add3A_60 = arith.addi %mul3A_58, %add3A_59 : i32
    "tpu.region"() ({
      %run_scoped3A = tpu.sem_alloc : memref<!tpu.dma_semaphore, #tpu.memory_space<semaphore_mem>>
      %dma_start3A = arith.constant 0 : i32
      %dma_start3A_234 = tpu.memref_slice %arg2[%add3A_60, %dma_start3A] : memref<128x64xf32, #tpu.memory_space<hbm>> -> memref<1x64xf32, #tpu.memory_space<hbm>>
      %dma_start3A_235 = tpu.memref_squeeze %dma_start3A_234 : memref<1x64xf32, #tpu.memory_space<hbm>> -> memref<64xf32, #tpu.memory_space<hbm>>
      %dma_start3A_236 = arith.constant 0 : i32
      %dma_start3A_237 = tpu.memref_slice %arg2[%add3A_60, %dma_start3A_236] : memref<128x64xf32, #tpu.memory_space<hbm>> -> memref<1x64xf32, #tpu.memory_space<hbm>>
      %dma_start3A_238 = tpu.memref_squeeze %dma_start3A_237 : memref<1x64xf32, #tpu.memory_space<hbm>> -> memref<64xf32, #tpu.memory_space<hbm>>
      tpu.enqueue_dma source(%dma_start3A_238 : memref<64xf32, #tpu.memory_space<hbm>>) target(%arg10 : memref<64xf32, #tpu.memory_space<vmem>>) target_semaphore(%run_scoped3A : memref<!tpu.dma_semaphore, #tpu.memory_space<semaphore_mem>>)
      %dma_wait3A = arith.constant 0 : i32
      %dma_wait3A_239 = tpu.memref_slice %arg2[%add3A_60, %dma_wait3A] : memref<128x64xf32, #tpu.memory_space<hbm>> -> memref<1x64xf32, #tpu.memory_space<hbm>>
      %dma_wait3A_240 = tpu.memref_squeeze %dma_wait3A_239 : memref<1x64xf32, #tpu.memory_space<hbm>> -> memref<64xf32, #tpu.memory_space<hbm>>
      %dma_wait3A_241 = arith.constant 0 : i32
      %dma_wait3A_242 = tpu.memref_slice %arg2[%add3A_60, %dma_wait3A_241] : memref<128x64xf32, #tpu.memory_space<hbm>> -> memref<1x64xf32, #tpu.memory_space<hbm>>
      %dma_wait3A_243 = tpu.memref_squeeze %dma_wait3A_242 : memref<1x64xf32, #tpu.memory_space<hbm>> -> memref<64xf32, #tpu.memory_space<hbm>>
      tpu.wait_dma2 semaphore(%run_scoped3A : memref<!tpu.dma_semaphore, #tpu.memory_space<semaphore_mem>>) src(%dma_wait3A_243 : memref<64xf32, #tpu.memory_space<hbm>>) dst(%arg10 : memref<64xf32, #tpu.memory_space<vmem>>)
      tpu.yield
    }) : () -> ()
    "tpu.region"() ({
      %run_scoped3A = tpu.sem_alloc : memref<!tpu.dma_semaphore, #tpu.memory_space<semaphore_mem>>
      %dma_start3A = arith.constant 0 : i32
      %dma_start3A_234 = tpu.memref_slice %arg3[%add3A_60, %dma_start3A] : memref<128x16xi32, #tpu.memory_space<hbm>> -> memref<1x16xi32, #tpu.memory_space<hbm>>
      %dma_start3A_235 = tpu.memref_squeeze %dma_start3A_234 : memref<1x16xi32, #tpu.memory_space<hbm>> -> memref<16xi32, #tpu.memory_space<hbm>>
      %dma_start3A_236 = arith.constant 0 : i32
      %dma_start3A_237 = tpu.memref_slice %arg3[%add3A_60, %dma_start3A_236] : memref<128x16xi32, #tpu.memory_space<hbm>> -> memref<1x16xi32, #tpu.memory_space<hbm>>
      %dma_start3A_238 = tpu.memref_squeeze %dma_start3A_237 : memref<1x16xi32, #tpu.memory_space<hbm>> -> memref<16xi32, #tpu.memory_space<hbm>>
      tpu.enqueue_dma source(%dma_start3A_238 : memref<16xi32, #tpu.memory_space<hbm>>) target(%arg11 : memref<16xi32, #tpu.memory_space<vmem>>) target_semaphore(%run_scoped3A : memref<!tpu.dma_semaphore, #tpu.memory_space<semaphore_mem>>)
      %dma_wait3A = arith.constant 0 : i32
      %dma_wait3A_239 = tpu.memref_slice %arg3[%add3A_60, %dma_wait3A] : memref<128x16xi32, #tpu.memory_space<hbm>> -> memref<1x16xi32, #tpu.memory_space<hbm>>
      %dma_wait3A_240 = tpu.memref_squeeze %dma_wait3A_239 : memref<1x16xi32, #tpu.memory_space<hbm>> -> memref<16xi32, #tpu.memory_space<hbm>>
      %dma_wait3A_241 = arith.constant 0 : i32
      %dma_wait3A_242 = tpu.memref_slice %arg3[%add3A_60, %dma_wait3A_241] : memref<128x16xi32, #tpu.memory_space<hbm>> -> memref<1x16xi32, #tpu.memory_space<hbm>>
      %dma_wait3A_243 = tpu.memref_squeeze %dma_wait3A_242 : memref<1x16xi32, #tpu.memory_space<hbm>> -> memref<16xi32, #tpu.memory_space<hbm>>
      tpu.wait_dma2 semaphore(%run_scoped3A : memref<!tpu.dma_semaphore, #tpu.memory_space<semaphore_mem>>) src(%dma_wait3A_243 : memref<16xi32, #tpu.memory_space<hbm>>) dst(%arg11 : memref<16xi32, #tpu.memory_space<vmem>>)
      tpu.yield
    }) : () -> ()
    "tpu.region"() ({
      %run_scoped3A = tpu.sem_alloc : memref<!tpu.dma_semaphore, #tpu.memory_space<semaphore_mem>>
      %dma_start3A = arith.constant 0 : i32
      %dma_start3A_234 = arith.constant 0 : i32
      %dma_start3A_235 = tpu.memref_slice %arg4[%add3A_60, %dma_start3A, %dma_start3A_234] : memref<128x63x64xf32, #tpu.memory_space<hbm>> -> memref<1x63x64xf32, #tpu.memory_space<hbm>>
      %dma_start3A_236 = tpu.memref_squeeze %dma_start3A_235 : memref<1x63x64xf32, #tpu.memory_space<hbm>> -> memref<63x64xf32, #tpu.memory_space<hbm>>
      %dma_start3A_237 = arith.constant 0 : i32
      %dma_start3A_238 = arith.constant 0 : i32
      %dma_start3A_239 = tpu.memref_slice %arg4[%add3A_60, %dma_start3A_237, %dma_start3A_238] : memref<128x63x64xf32, #tpu.memory_space<hbm>> -> memref<1x63x64xf32, #tpu.memory_space<hbm>>
      %dma_start3A_240 = tpu.memref_squeeze %dma_start3A_239 : memref<1x63x64xf32, #tpu.memory_space<hbm>> -> memref<63x64xf32, #tpu.memory_space<hbm>>
      tpu.enqueue_dma source(%dma_start3A_240 : memref<63x64xf32, #tpu.memory_space<hbm>>) target(%arg12 : memref<63x64xf32, #tpu.memory_space<vmem>>) target_semaphore(%run_scoped3A : memref<!tpu.dma_semaphore, #tpu.memory_space<semaphore_mem>>)
      %dma_wait3A = arith.constant 0 : i32
      %dma_wait3A_241 = arith.constant 0 : i32
      %dma_wait3A_242 = tpu.memref_slice %arg4[%add3A_60, %dma_wait3A, %dma_wait3A_241] : memref<128x63x64xf32, #tpu.memory_space<hbm>> -> memref<1x63x64xf32, #tpu.memory_space<hbm>>
      %dma_wait3A_243 = tpu.memref_squeeze %dma_wait3A_242 : memref<1x63x64xf32, #tpu.memory_space<hbm>> -> memref<63x64xf32, #tpu.memory_space<hbm>>
      %dma_wait3A_244 = arith.constant 0 : i32
      %dma_wait3A_245 = arith.constant 0 : i32
      %dma_wait3A_246 = tpu.memref_slice %arg4[%add3A_60, %dma_wait3A_244, %dma_wait3A_245] : memref<128x63x64xf32, #tpu.memory_space<hbm>> -> memref<1x63x64xf32, #tpu.memory_space<hbm>>
      %dma_wait3A_247 = tpu.memref_squeeze %dma_wait3A_246 : memref<1x63x64xf32, #tpu.memory_space<hbm>> -> memref<63x64xf32, #tpu.memory_space<hbm>>
      tpu.wait_dma2 semaphore(%run_scoped3A : memref<!tpu.dma_semaphore, #tpu.memory_space<semaphore_mem>>) src(%dma_wait3A_247 : memref<63x64xf32, #tpu.memory_space<hbm>>) dst(%arg12 : memref<63x64xf32, #tpu.memory_space<vmem>>)
      tpu.yield
    }) : () -> ()
    "tpu.region"() ({
      %run_scoped3A = tpu.sem_alloc : memref<!tpu.dma_semaphore, #tpu.memory_space<semaphore_mem>>
      %dma_start3A = arith.constant 0 : i32
      %dma_start3A_234 = arith.constant 0 : i32
      %dma_start3A_235 = tpu.memref_slice %arg5[%add3A_60, %dma_start3A, %dma_start3A_234] : memref<128x63x64xf32, #tpu.memory_space<hbm>> -> memref<1x63x64xf32, #tpu.memory_space<hbm>>
      %dma_start3A_236 = tpu.memref_squeeze %dma_start3A_235 : memref<1x63x64xf32, #tpu.memory_space<hbm>> -> memref<63x64xf32, #tpu.memory_space<hbm>>
      %dma_start3A_237 = arith.constant 0 : i32
      %dma_start3A_238 = arith.constant 0 : i32
      %dma_start3A_239 = tpu.memref_slice %arg5[%add3A_60, %dma_start3A_237, %dma_start3A_238] : memref<128x63x64xf32, #tpu.memory_space<hbm>> -> memref<1x63x64xf32, #tpu.memory_space<hbm>>
      %dma_start3A_240 = tpu.memref_squeeze %dma_start3A_239 : memref<1x63x64xf32, #tpu.memory_space<hbm>> -> memref<63x64xf32, #tpu.memory_space<hbm>>
      tpu.enqueue_dma source(%dma_start3A_240 : memref<63x64xf32, #tpu.memory_space<hbm>>) target(%arg13 : memref<63x64xf32, #tpu.memory_space<vmem>>) target_semaphore(%run_scoped3A : memref<!tpu.dma_semaphore, #tpu.memory_space<semaphore_mem>>)
      %dma_wait3A = arith.constant 0 : i32
      %dma_wait3A_241 = arith.constant 0 : i32
      %dma_wait3A_242 = tpu.memref_slice %arg5[%add3A_60, %dma_wait3A, %dma_wait3A_241] : memref<128x63x64xf32, #tpu.memory_space<hbm>> -> memref<1x63x64xf32, #tpu.memory_space<hbm>>
      %dma_wait3A_243 = tpu.memref_squeeze %dma_wait3A_242 : memref<1x63x64xf32, #tpu.memory_space<hbm>> -> memref<63x64xf32, #tpu.memory_space<hbm>>
      %dma_wait3A_244 = arith.constant 0 : i32
      %dma_wait3A_245 = arith.constant 0 : i32
      %dma_wait3A_246 = tpu.memref_slice %arg5[%add3A_60, %dma_wait3A_244, %dma_wait3A_245] : memref<128x63x64xf32, #tpu.memory_space<hbm>> -> memref<1x63x64xf32, #tpu.memory_space<hbm>>
      %dma_wait3A_247 = tpu.memref_squeeze %dma_wait3A_246 : memref<1x63x64xf32, #tpu.memory_space<hbm>> -> memref<63x64xf32, #tpu.memory_space<hbm>>
      tpu.wait_dma2 semaphore(%run_scoped3A : memref<!tpu.dma_semaphore, #tpu.memory_space<semaphore_mem>>) src(%dma_wait3A_247 : memref<63x64xf32, #tpu.memory_space<hbm>>) dst(%arg13 : memref<63x64xf32, #tpu.memory_space<vmem>>)
      tpu.yield
    }) : () -> ()
    "tpu.region"() ({
      %run_scoped3A = tpu.sem_alloc : memref<!tpu.dma_semaphore, #tpu.memory_space<semaphore_mem>>
      %dma_start3A = arith.constant 0 : i32
      %dma_start3A_234 = arith.constant 0 : i32
      %dma_start3A_235 = tpu.memref_slice %arg6[%add3A_60, %dma_start3A, %dma_start3A_234] : memref<128x64x64xf32, #tpu.memory_space<hbm>> -> memref<1x64x64xf32, #tpu.memory_space<hbm>>
      %dma_start3A_236 = tpu.memref_squeeze %dma_start3A_235 : memref<1x64x64xf32, #tpu.memory_space<hbm>> -> memref<64x64xf32, #tpu.memory_space<hbm>>
      %dma_start3A_237 = arith.constant 0 : i32
      %dma_start3A_238 = arith.constant 0 : i32
      %dma_start3A_239 = tpu.memref_slice %arg6[%add3A_60, %dma_start3A_237, %dma_start3A_238] : memref<128x64x64xf32, #tpu.memory_space<hbm>> -> memref<1x64x64xf32, #tpu.memory_space<hbm>>
      %dma_start3A_240 = tpu.memref_squeeze %dma_start3A_239 : memref<1x64x64xf32, #tpu.memory_space<hbm>> -> memref<64x64xf32, #tpu.memory_space<hbm>>
      tpu.enqueue_dma source(%dma_start3A_240 : memref<64x64xf32, #tpu.memory_space<hbm>>) target(%arg14 : memref<64x64xf32, #tpu.memory_space<vmem>>) target_semaphore(%run_scoped3A : memref<!tpu.dma_semaphore, #tpu.memory_space<semaphore_mem>>)
      %dma_wait3A = arith.constant 0 : i32
      %dma_wait3A_241 = arith.constant 0 : i32
      %dma_wait3A_242 = tpu.memref_slice %arg6[%add3A_60, %dma_wait3A, %dma_wait3A_241] : memref<128x64x64xf32, #tpu.memory_space<hbm>> -> memref<1x64x64xf32, #tpu.memory_space<hbm>>
      %dma_wait3A_243 = tpu.memref_squeeze %dma_wait3A_242 : memref<1x64x64xf32, #tpu.memory_space<hbm>> -> memref<64x64xf32, #tpu.memory_space<hbm>>
      %dma_wait3A_244 = arith.constant 0 : i32
      %dma_wait3A_245 = arith.constant 0 : i32
      %dma_wait3A_246 = tpu.memref_slice %arg6[%add3A_60, %dma_wait3A_244, %dma_wait3A_245] : memref<128x64x64xf32, #tpu.memory_space<hbm>> -> memref<1x64x64xf32, #tpu.memory_space<hbm>>
      %dma_wait3A_247 = tpu.memref_squeeze %dma_wait3A_246 : memref<1x64x64xf32, #tpu.memory_space<hbm>> -> memref<64x64xf32, #tpu.memory_space<hbm>>
      tpu.wait_dma2 semaphore(%run_scoped3A : memref<!tpu.dma_semaphore, #tpu.memory_space<semaphore_mem>>) src(%dma_wait3A_247 : memref<64x64xf32, #tpu.memory_space<hbm>>) dst(%arg14 : memref<64x64xf32, #tpu.memory_space<vmem>>)
      tpu.yield
    }) : () -> ()
    %get3A_61 = arith.constant 0 : index
    %get3A_62 = tpu.vector_load %arg11[%get3A_61] {strides = array<i32>} : memref<16xi32, #tpu.memory_space<vmem>>, vector<16xi32>,
    %slice3A_63 = vector.extract_strided_slice %get3A_62 {offsets = [0], sizes = [1], strides = [1]} : vector<16xi32> to vector<1xi32>
    %squeeze3A_64 = vector.extract %slice3A_63[0] : i32 from vector<1xi32>
    %swap3A_65 = arith.constant 0 : index
    %swap3A_66 = tpu.vector_load %arg15[%swap3A_65] {strides = array<i32>} : memref<64xf32, #tpu.memory_space<vmem>>, vector<16xf32>,
    tpu.vector_store %arg15[%swap3A_65], %broadcast_in_dim3A_3 {strides = array<i32>} : memref<64xf32, #tpu.memory_space<vmem>>, vector<16xf32>,
    %swap3A_67 = arith.constant 0 : index
    %swap3A_68 = tpu.vector_load %arg16[%swap3A_67] {strides = array<i32>} : memref<64xi32, #tpu.memory_space<vmem>>, vector<16xi32>,
    tpu.vector_store %arg16[%swap3A_67], %broadcast_in_dim3A_7 {strides = array<i32>} : memref<64xi32, #tpu.memory_space<vmem>>, vector<16xi32>,
    %swap3A_69 = arith.constant 0 : index
    %swap3A_70 = tpu.vector_load %arg17[%swap3A_69] {strides = array<i32>} : memref<64xf32, #tpu.memory_space<vmem>>, vector<16xf32>,
    tpu.vector_store %arg17[%swap3A_69], %broadcast_in_dim3A_5 {strides = array<i32>} : memref<64xf32, #tpu.memory_space<vmem>>, vector<16xf32>,
    %swap3A_71 = arith.constant 16 : index
    %swap3A_72 = tpu.vector_load %arg15[%swap3A_71] {strides = array<i32>} : memref<64xf32, #tpu.memory_space<vmem>>, vector<16xf32>,
    tpu.vector_store %arg15[%swap3A_71], %broadcast_in_dim3A_3 {strides = array<i32>} : memref<64xf32, #tpu.memory_space<vmem>>, vector<16xf32>,
    %swap3A_73 = arith.constant 16 : index
    %swap3A_74 = tpu.vector_load %arg16[%swap3A_73] {strides = array<i32>} : memref<64xi32, #tpu.memory_space<vmem>>, vector<16xi32>,
    tpu.vector_store %arg16[%swap3A_73], %broadcast_in_dim3A_7 {strides = array<i32>} : memref<64xi32, #tpu.memory_space<vmem>>, vector<16xi32>,
    %swap3A_75 = arith.constant 16 : index
    %swap3A_76 = tpu.vector_load %arg17[%swap3A_75] {strides = array<i32>} : memref<64xf32, #tpu.memory_space<vmem>>, vector<16xf32>,
    tpu.vector_store %arg17[%swap3A_75], %broadcast_in_dim3A_5 {strides = array<i32>} : memref<64xf32, #tpu.memory_space<vmem>>, vector<16xf32>,
    %swap3A_77 = arith.constant 32 : index
    %swap3A_78 = tpu.vector_load %arg15[%swap3A_77] {strides = array<i32>} : memref<64xf32, #tpu.memory_space<vmem>>, vector<16xf32>,
    tpu.vector_store %arg15[%swap3A_77], %broadcast_in_dim3A_3 {strides = array<i32>} : memref<64xf32, #tpu.memory_space<vmem>>, vector<16xf32>,
    %swap3A_79 = arith.constant 32 : index
    %swap3A_80 = tpu.vector_load %arg16[%swap3A_79] {strides = array<i32>} : memref<64xi32, #tpu.memory_space<vmem>>, vector<16xi32>,
    tpu.vector_store %arg16[%swap3A_79], %broadcast_in_dim3A_7 {strides = array<i32>} : memref<64xi32, #tpu.memory_space<vmem>>, vector<16xi32>,
    %swap3A_81 = arith.constant 32 : index
    %swap3A_82 = tpu.vector_load %arg17[%swap3A_81] {strides = array<i32>} : memref<64xf32, #tpu.memory_space<vmem>>, vector<16xf32>,
    tpu.vector_store %arg17[%swap3A_81], %broadcast_in_dim3A_5 {strides = array<i32>} : memref<64xf32, #tpu.memory_space<vmem>>, vector<16xf32>,
    %swap3A_83 = arith.constant 48 : index
    %swap3A_84 = tpu.vector_load %arg15[%swap3A_83] {strides = array<i32>} : memref<64xf32, #tpu.memory_space<vmem>>, vector<16xf32>,
    tpu.vector_store %arg15[%swap3A_83], %broadcast_in_dim3A_3 {strides = array<i32>} : memref<64xf32, #tpu.memory_space<vmem>>, vector<16xf32>,
    %swap3A_85 = arith.constant 48 : index
    %swap3A_86 = tpu.vector_load %arg16[%swap3A_85] {strides = array<i32>} : memref<64xi32, #tpu.memory_space<vmem>>, vector<16xi32>,
    tpu.vector_store %arg16[%swap3A_85], %broadcast_in_dim3A_7 {strides = array<i32>} : memref<64xi32, #tpu.memory_space<vmem>>, vector<16xi32>,
    %swap3A_87 = arith.constant 48 : index
    %swap3A_88 = tpu.vector_load %arg17[%swap3A_87] {strides = array<i32>} : memref<64xf32, #tpu.memory_space<vmem>>, vector<16xf32>,
    tpu.vector_store %arg17[%swap3A_87], %broadcast_in_dim3A_5 {strides = array<i32>} : memref<64xf32, #tpu.memory_space<vmem>>, vector<16xf32>,
    %scan3A_89 = arith.constant 0 : i32
    %scan3A_90 = arith.constant 0 : i32
    %scan3A_91 = arith.constant 63 : i32
    %scan3A_92 = arith.addi %scan3A_90, %scan3A_91 : i32
    %scan3A_93 = arith.constant 1 : i32
    %scan3A_94 = scf.for %scan3A_234 = %scan3A_90 to %scan3A_92 step %scan3A_93 iter_args(%scan3A_235 = %scan3A_89) -> (i32)  : i32 {
      %sub3A = arith.constant 2 : i32
      %sub3A_236 = arith.subi %squeeze3A_64, %sub3A : i32
      %le3A = arith.cmpi sle, %scan3A_234, %sub3A_236 : i32
      %lt3A_237 = arith.constant 64 : i32
      %lt3A_238 = arith.cmpi slt, %scan3A_235, %lt3A_237 : i32
      %and3A = arith.andi %le3A, %lt3A_238 : i1
      %convert_element_type3A_239 = arith.extui %and3A : i1 to i32
      %cond3A_240 = arith.constant 0 : i32
      %cond3A_241 = arith.cmpi ne, %convert_element_type3A_239, %cond3A_240 : i32
      scf.if %cond3A_241 {
        %add3A_306 = vector.broadcast %scan3A_234 : i32 to vector<16xi32>
        %add3A_307 = arith.addi %broadcast_in_dim3A_7, %add3A_306 : vector<16xi32>
        %gather3A = tpu.vector_load_idx %arg10[%add3A_307] : memref<64xf32, #tpu.memory_space<vmem>>[vector<16xi32>], vector<16xf32>,
        %add3A_308 = vector.broadcast %scan3A_235 : i32 to vector<16xi32>
        %add3A_309 = arith.addi %broadcast_in_dim3A_7, %add3A_308 : vector<16xi32>
        tpu.vector_store_idx %arg15[%add3A_309], %gather3A masked %eq3A_2 : memref<64xf32, #tpu.memory_space<vmem>>[vector<16xi32>], vector<16xf32>, vector<16xi1>
        %add3A_310 = vector.broadcast %scan3A_235 : i32 to vector<16xi32>
        %add3A_311 = arith.addi %broadcast_in_dim3A_7, %add3A_310 : vector<16xi32>
        %add3A_312 = vector.broadcast %scan3A_234 : i32 to vector<16xi32>
        %add3A_313 = arith.addi %broadcast_in_dim3A_7, %add3A_312 : vector<16xi32>
        tpu.vector_store_idx %arg16[%add3A_311], %add3A_313 masked %eq3A_2 : memref<64xi32, #tpu.memory_space<vmem>>[vector<16xi32>], vector<16xi32>, vector<16xi1>
      } else {
      }
      %add3A_242 = arith.constant 1 : i32
      %add3A_243 = arith.addi %scan3A_235, %add3A_242 : i32
      %select_n3A_244 = arith.select %and3A, %add3A_243, %scan3A_235 : i32
      %get3A_245 = arith.index_cast %scan3A_234 : i32 to index
      %get3A_246 = arith.constant 0 : index
      %get3A_247 = tpu.vector_load %arg12[%get3A_245, %get3A_246] {strides = array<i32>} : memref<63x64xf32, #tpu.memory_space<vmem>>, vector<16xf32>,
      %lt3A_248 = arith.constant 1.500000e+00 : f32
      %lt3A_249 = vector.broadcast %lt3A_248 : f32 to vector<16xf32>
      %lt3A_250 = arith.cmpf olt, %get3A_247, %lt3A_249 : vector<16xf32>
      %convert_element_type3A_251 = arith.extui %lt3A_250 : vector<16xi1> to vector<16xi32>
      %reduce_sum3A = arith.constant true
      %reduce_sum3A_252 = vector.broadcast %reduce_sum3A : i1 to vector<16xi1>
      %reduce_sum3A_253 = tpu.scan <sum>, %convert_element_type3A_251 masked %reduce_sum3A_252 : vector<16xi32>, vector<16xi1> -> vector<16xi32>
      %reduce_sum3A_254 = vector.extract %reduce_sum3A_253[15] : i32 from vector<16xi32>
      %add3A_255 = arith.constant 0 : i32
      %add3A_256 = arith.addi %add3A_255, %reduce_sum3A_254 : i32
      %get3A_257 = arith.index_cast %scan3A_234 : i32 to index
      %get3A_258 = arith.constant 16 : index
      %get3A_259 = tpu.vector_load %arg12[%get3A_257, %get3A_258] {strides = array<i32>} : memref<63x64xf32, #tpu.memory_space<vmem>>, vector<16xf32>,
      %lt3A_260 = arith.constant 1.500000e+00 : f32
      %lt3A_261 = vector.broadcast %lt3A_260 : f32 to vector<16xf32>
      %lt3A_262 = arith.cmpf olt, %get3A_259, %lt3A_261 : vector<16xf32>
      %convert_element_type3A_263 = arith.extui %lt3A_262 : vector<16xi1> to vector<16xi32>
      %reduce_sum3A_264 = arith.constant true
      %reduce_sum3A_265 = vector.broadcast %reduce_sum3A_264 : i1 to vector<16xi1>
      %reduce_sum3A_266 = tpu.scan <sum>, %convert_element_type3A_263 masked %reduce_sum3A_265 : vector<16xi32>, vector<16xi1> -> vector<16xi32>
      %reduce_sum3A_267 = vector.extract %reduce_sum3A_266[15] : i32 from vector<16xi32>
      %add3A_268 = arith.addi %add3A_256, %reduce_sum3A_267 : i32
      %get3A_269 = arith.index_cast %scan3A_234 : i32 to index
      %get3A_270 = arith.constant 32 : index
      %get3A_271 = tpu.vector_load %arg12[%get3A_269, %get3A_270] {strides = array<i32>} : memref<63x64xf32, #tpu.memory_space<vmem>>, vector<16xf32>,
      %lt3A_272 = arith.constant 1.500000e+00 : f32
      %lt3A_273 = vector.broadcast %lt3A_272 : f32 to vector<16xf32>
      %lt3A_274 = arith.cmpf olt, %get3A_271, %lt3A_273 : vector<16xf32>
      %convert_element_type3A_275 = arith.extui %lt3A_274 : vector<16xi1> to vector<16xi32>
      %reduce_sum3A_276 = arith.constant true
      %reduce_sum3A_277 = vector.broadcast %reduce_sum3A_276 : i1 to vector<16xi1>
      %reduce_sum3A_278 = tpu.scan <sum>, %convert_element_type3A_275 masked %reduce_sum3A_277 : vector<16xi32>, vector<16xi1> -> vector<16xi32>
      %reduce_sum3A_279 = vector.extract %reduce_sum3A_278[15] : i32 from vector<16xi32>
      %add3A_280 = arith.addi %add3A_268, %reduce_sum3A_279 : i32
      %get3A_281 = arith.index_cast %scan3A_234 : i32 to index
      %get3A_282 = arith.constant 48 : index
      %get3A_283 = tpu.vector_load %arg12[%get3A_281, %get3A_282] {strides = array<i32>} : memref<63x64xf32, #tpu.memory_space<vmem>>, vector<16xf32>,
      %lt3A_284 = arith.constant 1.500000e+00 : f32
      %lt3A_285 = vector.broadcast %lt3A_284 : f32 to vector<16xf32>
      %lt3A_286 = arith.cmpf olt, %get3A_283, %lt3A_285 : vector<16xf32>
      %convert_element_type3A_287 = arith.extui %lt3A_286 : vector<16xi1> to vector<16xi32>
      %reduce_sum3A_288 = arith.constant true
      %reduce_sum3A_289 = vector.broadcast %reduce_sum3A_288 : i1 to vector<16xi1>
      %reduce_sum3A_290 = tpu.scan <sum>, %convert_element_type3A_287 masked %reduce_sum3A_289 : vector<16xi32>, vector<16xi1> -> vector<16xi32>
      %reduce_sum3A_291 = vector.extract %reduce_sum3A_290[15] : i32 from vector<16xi32>
      %add3A_292 = arith.addi %add3A_280, %reduce_sum3A_291 : i32
      %sub3A_293 = arith.constant 64 : i32
      %sub3A_294 = arith.subi %sub3A_293, %select_n3A_244 : i32
      %min3A = arith.minsi %add3A_292, %sub3A_294 : i32
      %max3A = arith.constant 0 : i32
      %max3A_295 = arith.maxsi %min3A, %max3A : i32
      %gt3A = arith.constant 0 : i32
      %gt3A_296 = arith.cmpi sgt, %add3A_292, %gt3A : i32
      %and3A_297 = arith.andi %and3A, %gt3A_296 : i1
      %lt3A_298 = arith.constant 64 : i32
      %lt3A_299 = arith.cmpi slt, %select_n3A_244, %lt3A_298 : i32
      %and3A_300 = arith.andi %and3A_297, %lt3A_299 : i1
      %convert_element_type3A_301 = arith.extui %and3A_300 : i1 to i32
      %cond3A_302 = arith.constant 0 : i32
      %cond3A_303 = arith.cmpi ne, %convert_element_type3A_301, %cond3A_302 : i32
      scf.if %cond3A_303 {
        %masked_sort3A = arith.constant dense<true> : vector<16xi1>
        %masked_sort3A_306, %masked_sort3A_307, %masked_sort3A_308 = tpu.sort %get3A_247, %iota3A masked %masked_sort3A : (vector<16xf32>, vector<16xi32>, vector<16xi1>) -> (vector<16xi1>, vector<16xf32>, vector<16xi32>)
        %add3A_309 = arith.constant 16 : i32
        %add3A_310 = vector.broadcast %add3A_309 : i32 to vector<16xi32>
        %add3A_311 = arith.addi %iota3A, %add3A_310 : vector<16xi32>
        %masked_sort3A_312 = arith.constant dense<true> : vector<16xi1>
        %masked_sort3A_313, %masked_sort3A_314, %masked_sort3A_315 = tpu.sort %get3A_259, %add3A_311 masked %masked_sort3A_312 : (vector<16xf32>, vector<16xi32>, vector<16xi1>) -> (vector<16xi1>, vector<16xf32>, vector<16xi32>)
        %add3A_316 = arith.constant 32 : i32
        %add3A_317 = vector.broadcast %add3A_316 : i32 to vector<16xi32>
        %add3A_318 = arith.addi %iota3A, %add3A_317 : vector<16xi32>
        %masked_sort3A_319 = arith.constant dense<true> : vector<16xi1>
        %masked_sort3A_320, %masked_sort3A_321, %masked_sort3A_322 = tpu.sort %get3A_271, %add3A_318 masked %masked_sort3A_319 : (vector<16xf32>, vector<16xi32>, vector<16xi1>) -> (vector<16xi1>, vector<16xf32>, vector<16xi32>)
        %add3A_323 = arith.constant 48 : i32
        %add3A_324 = vector.broadcast %add3A_323 : i32 to vector<16xi32>
        %add3A_325 = arith.addi %iota3A, %add3A_324 : vector<16xi32>
        %masked_sort3A_326 = arith.constant dense<true> : vector<16xi1>
        %masked_sort3A_327, %masked_sort3A_328, %masked_sort3A_329 = tpu.sort %get3A_283, %add3A_325 masked %masked_sort3A_326 : (vector<16xf32>, vector<16xi32>, vector<16xi1>) -> (vector<16xi1>, vector<16xf32>, vector<16xi32>)
        %rev3A = arith.constant 15 : i32
        %rev3A_330 = vector.broadcast %rev3A : i32 to vector<16xi32>
        %rev3A_331 = tpu.iota {dimensions = array<i32: 0>} : vector<16xi32>
        %rev3A_332 = arith.subi %rev3A_330, %rev3A_331 : vector<16xi32>
        %rev3A_333 = tpu.dynamic_gather %masked_sort3A_314[%rev3A_332] in [0] : vector<16xf32>, vector<16xi32> -> vector<16xf32>
        %rev3A_334 = arith.constant 15 : i32
        %rev3A_335 = vector.broadcast %rev3A_334 : i32 to vector<16xi32>
        %rev3A_336 = tpu.iota {dimensions = array<i32: 0>} : vector<16xi32>
        %rev3A_337 = arith.subi %rev3A_335, %rev3A_336 : vector<16xi32>
        %rev3A_338 = tpu.dynamic_gather %masked_sort3A_315[%rev3A_337] in [0] : vector<16xi32>, vector<16xi32> -> vector<16xi32>
        %le3A_339 = arith.cmpf ole, %masked_sort3A_307, %rev3A_333 : vector<16xf32>
        %select_n3A_340 = arith.select %le3A_339, %masked_sort3A_307, %rev3A_333 : vector<16xi1>, vector<16xf32>
        %select_n3A_341 = arith.select %le3A_339, %masked_sort3A_308, %rev3A_338 : vector<16xi1>, vector<16xi32>
        %select_n3A_342 = arith.select %le3A_339, %rev3A_333, %masked_sort3A_307 : vector<16xi1>, vector<16xf32>
        %select_n3A_343 = arith.select %le3A_339, %rev3A_338, %masked_sort3A_308 : vector<16xi1>, vector<16xi32>
        %masked_sort3A_344 = arith.constant dense<true> : vector<16xi1>
        %masked_sort3A_345, %masked_sort3A_346, %masked_sort3A_347 = tpu.sort %select_n3A_340, %select_n3A_341 masked %masked_sort3A_344 : (vector<16xf32>, vector<16xi32>, vector<16xi1>) -> (vector<16xi1>, vector<16xf32>, vector<16xi32>)
        %masked_sort3A_348 = arith.constant dense<true> : vector<16xi1>
        %masked_sort3A_349, %masked_sort3A_350, %masked_sort3A_351 = tpu.sort %select_n3A_342, %select_n3A_343 masked %masked_sort3A_348 : (vector<16xf32>, vector<16xi32>, vector<16xi1>) -> (vector<16xi1>, vector<16xf32>, vector<16xi32>)
        %rev3A_352 = arith.constant 15 : i32
        %rev3A_353 = vector.broadcast %rev3A_352 : i32 to vector<16xi32>
        %rev3A_354 = tpu.iota {dimensions = array<i32: 0>} : vector<16xi32>
        %rev3A_355 = arith.subi %rev3A_353, %rev3A_354 : vector<16xi32>
        %rev3A_356 = tpu.dynamic_gather %masked_sort3A_328[%rev3A_355] in [0] : vector<16xf32>, vector<16xi32> -> vector<16xf32>
        %rev3A_357 = arith.constant 15 : i32
        %rev3A_358 = vector.broadcast %rev3A_357 : i32 to vector<16xi32>
        %rev3A_359 = tpu.iota {dimensions = array<i32: 0>} : vector<16xi32>
        %rev3A_360 = arith.subi %rev3A_358, %rev3A_359 : vector<16xi32>
        %rev3A_361 = tpu.dynamic_gather %masked_sort3A_329[%rev3A_360] in [0] : vector<16xi32>, vector<16xi32> -> vector<16xi32>
        %le3A_362 = arith.cmpf ole, %masked_sort3A_321, %rev3A_356 : vector<16xf32>
        %select_n3A_363 = arith.select %le3A_362, %masked_sort3A_321, %rev3A_356 : vector<16xi1>, vector<16xf32>
        %select_n3A_364 = arith.select %le3A_362, %masked_sort3A_322, %rev3A_361 : vector<16xi1>, vector<16xi32>
        %select_n3A_365 = arith.select %le3A_362, %rev3A_356, %masked_sort3A_321 : vector<16xi1>, vector<16xf32>
        %select_n3A_366 = arith.select %le3A_362, %rev3A_361, %masked_sort3A_322 : vector<16xi1>, vector<16xi32>
        %masked_sort3A_367 = arith.constant dense<true> : vector<16xi1>
        %masked_sort3A_368, %masked_sort3A_369, %masked_sort3A_370 = tpu.sort %select_n3A_363, %select_n3A_364 masked %masked_sort3A_367 : (vector<16xf32>, vector<16xi32>, vector<16xi1>) -> (vector<16xi1>, vector<16xf32>, vector<16xi32>)
        %masked_sort3A_371 = arith.constant dense<true> : vector<16xi1>
        %masked_sort3A_372, %masked_sort3A_373, %masked_sort3A_374 = tpu.sort %select_n3A_365, %select_n3A_366 masked %masked_sort3A_371 : (vector<16xf32>, vector<16xi32>, vector<16xi1>) -> (vector<16xi1>, vector<16xf32>, vector<16xi32>)
        %rev3A_375 = arith.constant 15 : i32
        %rev3A_376 = vector.broadcast %rev3A_375 : i32 to vector<16xi32>
        %rev3A_377 = tpu.iota {dimensions = array<i32: 0>} : vector<16xi32>
        %rev3A_378 = arith.subi %rev3A_376, %rev3A_377 : vector<16xi32>
        %rev3A_379 = tpu.dynamic_gather %masked_sort3A_373[%rev3A_378] in [0] : vector<16xf32>, vector<16xi32> -> vector<16xf32>
        %rev3A_380 = arith.constant 15 : i32
        %rev3A_381 = vector.broadcast %rev3A_380 : i32 to vector<16xi32>
        %rev3A_382 = tpu.iota {dimensions = array<i32: 0>} : vector<16xi32>
        %rev3A_383 = arith.subi %rev3A_381, %rev3A_382 : vector<16xi32>
        %rev3A_384 = tpu.dynamic_gather %masked_sort3A_374[%rev3A_383] in [0] : vector<16xi32>, vector<16xi32> -> vector<16xi32>
        %rev3A_385 = arith.constant 15 : i32
        %rev3A_386 = vector.broadcast %rev3A_385 : i32 to vector<16xi32>
        %rev3A_387 = tpu.iota {dimensions = array<i32: 0>} : vector<16xi32>
        %rev3A_388 = arith.subi %rev3A_386, %rev3A_387 : vector<16xi32>
        %rev3A_389 = tpu.dynamic_gather %masked_sort3A_369[%rev3A_388] in [0] : vector<16xf32>, vector<16xi32> -> vector<16xf32>
        %rev3A_390 = arith.constant 15 : i32
        %rev3A_391 = vector.broadcast %rev3A_390 : i32 to vector<16xi32>
        %rev3A_392 = tpu.iota {dimensions = array<i32: 0>} : vector<16xi32>
        %rev3A_393 = arith.subi %rev3A_391, %rev3A_392 : vector<16xi32>
        %rev3A_394 = tpu.dynamic_gather %masked_sort3A_370[%rev3A_393] in [0] : vector<16xi32>, vector<16xi32> -> vector<16xi32>
        %le3A_395 = arith.cmpf ole, %masked_sort3A_346, %rev3A_379 : vector<16xf32>
        %le3A_396 = arith.cmpf ole, %masked_sort3A_350, %rev3A_389 : vector<16xf32>
        %select_n3A_397 = arith.select %le3A_395, %masked_sort3A_346, %rev3A_379 : vector<16xi1>, vector<16xf32>
        %select_n3A_398 = arith.select %le3A_395, %masked_sort3A_347, %rev3A_384 : vector<16xi1>, vector<16xi32>
        %select_n3A_399 = arith.select %le3A_396, %masked_sort3A_350, %rev3A_389 : vector<16xi1>, vector<16xf32>
        %select_n3A_400 = arith.select %le3A_396, %masked_sort3A_351, %rev3A_394 : vector<16xi1>, vector<16xi32>
        %select_n3A_401 = arith.select %le3A_395, %rev3A_379, %masked_sort3A_346 : vector<16xi1>, vector<16xf32>
        %select_n3A_402 = arith.select %le3A_395, %rev3A_384, %masked_sort3A_347 : vector<16xi1>, vector<16xi32>
        %select_n3A_403 = arith.select %le3A_396, %rev3A_389, %masked_sort3A_350 : vector<16xi1>, vector<16xf32>
        %select_n3A_404 = arith.select %le3A_396, %rev3A_394, %masked_sort3A_351 : vector<16xi1>, vector<16xi32>
        %le3A_405 = arith.cmpf ole, %select_n3A_397, %select_n3A_399 : vector<16xf32>
        %select_n3A_406 = arith.select %le3A_405, %select_n3A_397, %select_n3A_399 : vector<16xi1>, vector<16xf32>
        %select_n3A_407 = arith.select %le3A_405, %select_n3A_398, %select_n3A_400 : vector<16xi1>, vector<16xi32>
        %select_n3A_408 = arith.select %le3A_405, %select_n3A_399, %select_n3A_397 : vector<16xi1>, vector<16xf32>
        %select_n3A_409 = arith.select %le3A_405, %select_n3A_400, %select_n3A_398 : vector<16xi1>, vector<16xi32>
        %masked_sort3A_410 = arith.constant dense<true> : vector<16xi1>
        %masked_sort3A_411, %masked_sort3A_412, %masked_sort3A_413 = tpu.sort %select_n3A_406, %select_n3A_407 masked %masked_sort3A_410 : (vector<16xf32>, vector<16xi32>, vector<16xi1>) -> (vector<16xi1>, vector<16xf32>, vector<16xi32>)
        %masked_sort3A_414 = arith.constant dense<true> : vector<16xi1>
        %masked_sort3A_415, %masked_sort3A_416, %masked_sort3A_417 = tpu.sort %select_n3A_408, %select_n3A_409 masked %masked_sort3A_414 : (vector<16xf32>, vector<16xi32>, vector<16xi1>) -> (vector<16xi1>, vector<16xf32>, vector<16xi32>)
        %le3A_418 = arith.cmpf ole, %select_n3A_401, %select_n3A_403 : vector<16xf32>
        %select_n3A_419 = arith.select %le3A_418, %select_n3A_401, %select_n3A_403 : vector<16xi1>, vector<16xf32>
        %select_n3A_420 = arith.select %le3A_418, %select_n3A_402, %select_n3A_404 : vector<16xi1>, vector<16xi32>
        %select_n3A_421 = arith.select %le3A_418, %select_n3A_403, %select_n3A_401 : vector<16xi1>, vector<16xf32>
        %select_n3A_422 = arith.select %le3A_418, %select_n3A_404, %select_n3A_402 : vector<16xi1>, vector<16xi32>
        %masked_sort3A_423 = arith.constant dense<true> : vector<16xi1>
        %masked_sort3A_424, %masked_sort3A_425, %masked_sort3A_426 = tpu.sort %select_n3A_419, %select_n3A_420 masked %masked_sort3A_423 : (vector<16xf32>, vector<16xi32>, vector<16xi1>) -> (vector<16xi1>, vector<16xf32>, vector<16xi32>)
        %masked_sort3A_427 = arith.constant dense<true> : vector<16xi1>
        %masked_sort3A_428, %masked_sort3A_429, %masked_sort3A_430 = tpu.sort %select_n3A_421, %select_n3A_422 masked %masked_sort3A_427 : (vector<16xf32>, vector<16xi32>, vector<16xi1>) -> (vector<16xi1>, vector<16xf32>, vector<16xi32>)
        %add3A_431 = arith.constant 0 : i32
        %add3A_432 = vector.broadcast %add3A_431 : i32 to vector<16xi32>
        %add3A_433 = arith.addi %iota3A, %add3A_432 : vector<16xi32>
        %lt3A_434 = vector.broadcast %max3A_295 : i32 to vector<16xi32>
        %lt3A_435 = arith.cmpi slt, %add3A_433, %lt3A_434 : vector<16xi32>
        %add3A_436 = vector.broadcast %select_n3A_244 : i32 to vector<16xi32>
        %add3A_437 = arith.addi %add3A_436, %add3A_433 : vector<16xi32>
        tpu.vector_store_idx %arg15[%add3A_437], %masked_sort3A_412 masked %lt3A_435 : memref<64xf32, #tpu.memory_space<vmem>>[vector<16xi32>], vector<16xf32>, vector<16xi1>
        %add3A_438 = vector.broadcast %scan3A_234 : i32 to vector<16xi32>
        %add3A_439 = arith.addi %broadcast_in_dim3A_7, %add3A_438 : vector<16xi32>
        tpu.vector_store_idx %arg16[%add3A_437], %add3A_439 masked %lt3A_435 : memref<64xi32, #tpu.memory_space<vmem>>[vector<16xi32>], vector<16xi32>, vector<16xi1>
        %add3A_440 = vector.broadcast %scan3A_234 : i32 to vector<16xi32>
        %add3A_441 = arith.addi %broadcast_in_dim3A_7, %add3A_440 : vector<16xi32>
        %gather3A = tpu.vector_load_idx %arg13[%add3A_441, %masked_sort3A_413] masked %lt3A_435 : memref<63x64xf32, #tpu.memory_space<vmem>>[vector<16xi32>, vector<16xi32>], vector<16xf32>, vector<16xi1>
        tpu.vector_store_idx %arg17[%add3A_437], %gather3A masked %lt3A_435 : memref<64xf32, #tpu.memory_space<vmem>>[vector<16xi32>], vector<16xf32>, vector<16xi1>
        %add3A_442 = arith.constant 16 : i32
        %add3A_443 = vector.broadcast %add3A_442 : i32 to vector<16xi32>
        %add3A_444 = arith.addi %iota3A, %add3A_443 : vector<16xi32>
        %lt3A_445 = vector.broadcast %max3A_295 : i32 to vector<16xi32>
        %lt3A_446 = arith.cmpi slt, %add3A_444, %lt3A_445 : vector<16xi32>
        %add3A_447 = vector.broadcast %select_n3A_244 : i32 to vector<16xi32>
        %add3A_448 = arith.addi %add3A_447, %add3A_444 : vector<16xi32>
        tpu.vector_store_idx %arg15[%add3A_448], %masked_sort3A_416 masked %lt3A_446 : memref<64xf32, #tpu.memory_space<vmem>>[vector<16xi32>], vector<16xf32>, vector<16xi1>
        %add3A_449 = vector.broadcast %scan3A_234 : i32 to vector<16xi32>
        %add3A_450 = arith.addi %broadcast_in_dim3A_7, %add3A_449 : vector<16xi32>
        tpu.vector_store_idx %arg16[%add3A_448], %add3A_450 masked %lt3A_446 : memref<64xi32, #tpu.memory_space<vmem>>[vector<16xi32>], vector<16xi32>, vector<16xi1>
        %add3A_451 = vector.broadcast %scan3A_234 : i32 to vector<16xi32>
        %add3A_452 = arith.addi %broadcast_in_dim3A_7, %add3A_451 : vector<16xi32>
        %gather3A_453 = tpu.vector_load_idx %arg13[%add3A_452, %masked_sort3A_417] masked %lt3A_446 : memref<63x64xf32, #tpu.memory_space<vmem>>[vector<16xi32>, vector<16xi32>], vector<16xf32>, vector<16xi1>
        tpu.vector_store_idx %arg17[%add3A_448], %gather3A_453 masked %lt3A_446 : memref<64xf32, #tpu.memory_space<vmem>>[vector<16xi32>], vector<16xf32>, vector<16xi1>
        %add3A_454 = arith.constant 32 : i32
        %add3A_455 = vector.broadcast %add3A_454 : i32 to vector<16xi32>
        %add3A_456 = arith.addi %iota3A, %add3A_455 : vector<16xi32>
        %lt3A_457 = vector.broadcast %max3A_295 : i32 to vector<16xi32>
        %lt3A_458 = arith.cmpi slt, %add3A_456, %lt3A_457 : vector<16xi32>
        %add3A_459 = vector.broadcast %select_n3A_244 : i32 to vector<16xi32>
        %add3A_460 = arith.addi %add3A_459, %add3A_456 : vector<16xi32>
        tpu.vector_store_idx %arg15[%add3A_460], %masked_sort3A_425 masked %lt3A_458 : memref<64xf32, #tpu.memory_space<vmem>>[vector<16xi32>], vector<16xf32>, vector<16xi1>
        %add3A_461 = vector.broadcast %scan3A_234 : i32 to vector<16xi32>
        %add3A_462 = arith.addi %broadcast_in_dim3A_7, %add3A_461 : vector<16xi32>
        tpu.vector_store_idx %arg16[%add3A_460], %add3A_462 masked %lt3A_458 : memref<64xi32, #tpu.memory_space<vmem>>[vector<16xi32>], vector<16xi32>, vector<16xi1>
        %add3A_463 = vector.broadcast %scan3A_234 : i32 to vector<16xi32>
        %add3A_464 = arith.addi %broadcast_in_dim3A_7, %add3A_463 : vector<16xi32>
        %gather3A_465 = tpu.vector_load_idx %arg13[%add3A_464, %masked_sort3A_426] masked %lt3A_458 : memref<63x64xf32, #tpu.memory_space<vmem>>[vector<16xi32>, vector<16xi32>], vector<16xf32>, vector<16xi1>
        tpu.vector_store_idx %arg17[%add3A_460], %gather3A_465 masked %lt3A_458 : memref<64xf32, #tpu.memory_space<vmem>>[vector<16xi32>], vector<16xf32>, vector<16xi1>
        %add3A_466 = arith.constant 48 : i32
        %add3A_467 = vector.broadcast %add3A_466 : i32 to vector<16xi32>
        %add3A_468 = arith.addi %iota3A, %add3A_467 : vector<16xi32>
        %lt3A_469 = vector.broadcast %max3A_295 : i32 to vector<16xi32>
        %lt3A_470 = arith.cmpi slt, %add3A_468, %lt3A_469 : vector<16xi32>
        %add3A_471 = vector.broadcast %select_n3A_244 : i32 to vector<16xi32>
        %add3A_472 = arith.addi %add3A_471, %add3A_468 : vector<16xi32>
        tpu.vector_store_idx %arg15[%add3A_472], %masked_sort3A_429 masked %lt3A_470 : memref<64xf32, #tpu.memory_space<vmem>>[vector<16xi32>], vector<16xf32>, vector<16xi1>
        %add3A_473 = vector.broadcast %scan3A_234 : i32 to vector<16xi32>
        %add3A_474 = arith.addi %broadcast_in_dim3A_7, %add3A_473 : vector<16xi32>
        tpu.vector_store_idx %arg16[%add3A_472], %add3A_474 masked %lt3A_470 : memref<64xi32, #tpu.memory_space<vmem>>[vector<16xi32>], vector<16xi32>, vector<16xi1>
        %add3A_475 = vector.broadcast %scan3A_234 : i32 to vector<16xi32>
        %add3A_476 = arith.addi %broadcast_in_dim3A_7, %add3A_475 : vector<16xi32>
        %gather3A_477 = tpu.vector_load_idx %arg13[%add3A_476, %masked_sort3A_430] masked %lt3A_470 : memref<63x64xf32, #tpu.memory_space<vmem>>[vector<16xi32>, vector<16xi32>], vector<16xf32>, vector<16xi1>
        tpu.vector_store_idx %arg17[%add3A_472], %gather3A_477 masked %lt3A_470 : memref<64xf32, #tpu.memory_space<vmem>>[vector<16xi32>], vector<16xf32>, vector<16xi1>
      } else {
      }
      %add3A_304 = arith.addi %select_n3A_244, %max3A_295 : i32
      %select_n3A_305 = arith.select %and3A_300, %add3A_304, %select_n3A_244 : i32
      scf.yield %select_n3A_305 : i32
    }
    %scan3A_95 = arith.constant 63 : i32
    %lt3A_96 = arith.constant 64 : i32
    %lt3A_97 = arith.cmpi slt, %scan3A_94, %lt3A_96 : i32
    %convert_element_type3A_98 = arith.extui %lt3A_97 : i1 to i32
    %cond3A_99 = arith.constant 0 : i32
    %cond3A_100 = arith.cmpi ne, %convert_element_type3A_98, %cond3A_99 : i32
    scf.if %cond3A_100 {
      %sub3A = arith.constant 1 : i32
      %sub3A_234 = arith.subi %squeeze3A_64, %sub3A : i32
      %add3A_235 = vector.broadcast %sub3A_234 : i32 to vector<16xi32>
      %add3A_236 = arith.addi %broadcast_in_dim3A_7, %add3A_235 : vector<16xi32>
      %gather3A = tpu.vector_load_idx %arg10[%add3A_236] : memref<64xf32, #tpu.memory_space<vmem>>[vector<16xi32>], vector<16xf32>,
      %add3A_237 = vector.broadcast %scan3A_94 : i32 to vector<16xi32>
      %add3A_238 = arith.addi %broadcast_in_dim3A_7, %add3A_237 : vector<16xi32>
      tpu.vector_store_idx %arg15[%add3A_238], %gather3A masked %eq3A_2 : memref<64xf32, #tpu.memory_space<vmem>>[vector<16xi32>], vector<16xf32>, vector<16xi1>
      %add3A_239 = vector.broadcast %scan3A_94 : i32 to vector<16xi32>
      %add3A_240 = arith.addi %broadcast_in_dim3A_7, %add3A_239 : vector<16xi32>
      %sub3A_241 = arith.constant 1 : i32
      %sub3A_242 = arith.subi %squeeze3A_64, %sub3A_241 : i32
      %add3A_243 = vector.broadcast %sub3A_242 : i32 to vector<16xi32>
      %add3A_244 = arith.addi %broadcast_in_dim3A_7, %add3A_243 : vector<16xi32>
      tpu.vector_store_idx %arg16[%add3A_240], %add3A_244 masked %eq3A_2 : memref<64xi32, #tpu.memory_space<vmem>>[vector<16xi32>], vector<16xi32>, vector<16xi1>
    } else {
    }
    %add3A_101 = arith.constant 1 : i32
    %add3A_102 = arith.addi %scan3A_94, %add3A_101 : i32
    %select_n3A_103 = arith.select %lt3A_97, %add3A_102, %scan3A_94 : i32
    %jit3A_104 = arith.constant 0 : i32
    %broadcast_in_dim3A_105 = vector.broadcast %select_n3A_103 : i32 to vector<16xi32>
    %broadcast_in_dim3A_106 = vector.broadcast %jit3A_104 : i32 to vector<16xi32>
    %select_n3A_107 = arith.select %eq3A_2, %broadcast_in_dim3A_105, %broadcast_in_dim3A_106 : vector<16xi1>, vector<16xi32>
    %swap3A_108 = arith.constant 0 : index
    %swap3A_109 = tpu.vector_load %arg19[%swap3A_108] {strides = array<i32>} : memref<16xi32, #tpu.memory_space<vmem>>, vector<16xi32>,
    tpu.vector_store %arg19[%swap3A_108], %select_n3A_107 {strides = array<i32>} : memref<16xi32, #tpu.memory_space<vmem>>, vector<16xi32>,
    %scan3A_110 = arith.constant 0 : i32
    %scan3A_111 = arith.constant 0 : i32
    %scan3A_112 = arith.constant 64 : i32
    %scan3A_113 = arith.addi %scan3A_111, %scan3A_112 : i32
    %scan3A_114 = arith.constant 1 : i32
    scf.for %scan3A_234 = %scan3A_111 to %scan3A_113 step %scan3A_114  : i32 {
      %add3A_235 = vector.broadcast %scan3A_234 : i32 to vector<16xi32>
      %add3A_236 = arith.addi %broadcast_in_dim3A_7, %add3A_235 : vector<16xi32>
      %gather3A = tpu.vector_load_idx %arg16[%add3A_236] : memref<64xi32, #tpu.memory_space<vmem>>[vector<16xi32>], vector<16xi32>,
      %slice3A_237 = vector.extract_strided_slice %gather3A {offsets = [0], sizes = [1], strides = [1]} : vector<16xi32> to vector<1xi32>
      %squeeze3A_238 = vector.extract %slice3A_237[0] : i32 from vector<1xi32>
      %add3A_239 = vector.broadcast %scan3A_234 : i32 to vector<16xi32>
      %add3A_240 = arith.addi %broadcast_in_dim3A_7, %add3A_239 : vector<16xi32>
      %gather3A_241 = tpu.vector_load_idx %arg17[%add3A_240] : memref<64xf32, #tpu.memory_space<vmem>>[vector<16xi32>], vector<16xf32>,
      %add3A_242 = arith.constant 1 : i32
      %add3A_243 = arith.addi %squeeze3A_238, %add3A_242 : i32
      %min3A = arith.constant 63 : i32
      %min3A_244 = arith.minsi %add3A_243, %min3A : i32
      %lt3A_245 = arith.cmpi slt, %scan3A_234, %select_n3A_103 : i32
      %convert_element_type3A_246 = arith.extui %lt3A_245 : i1 to i32
      %convert_element_type3A_247 = arith.sitofp %convert_element_type3A_246 : i32 to f32
      %get3A_248 = arith.index_cast %squeeze3A_238 : i32 to index
      %get3A_249 = arith.constant 0 : index
      %get3A_250 = tpu.vector_load %arg14[%get3A_248, %get3A_249] {strides = array<i32>} : memref<64x64xf32, #tpu.memory_space<vmem>>, vector<16xf32>,
      %get3A_251 = arith.index_cast %min3A_244 : i32 to index
      %get3A_252 = arith.constant 0 : index
      %get3A_253 = tpu.vector_load %arg14[%get3A_251, %get3A_252] {strides = array<i32>} : memref<64x64xf32, #tpu.memory_space<vmem>>, vector<16xf32>,
      %sub3A = arith.subf %get3A_253, %get3A_250 : vector<16xf32>
      %mul3A_254 = arith.mulf %gather3A_241, %sub3A : vector<16xf32>
      %add3A_255 = arith.addf %get3A_250, %mul3A_254 : vector<16xf32>
      %max3A = arith.constant 0.000000e+00 : f32
      %max3A_256 = vector.broadcast %max3A : f32 to vector<16xf32>
      %max3A_257 = arith.maximumf %add3A_255, %max3A_256 : vector<16xf32>
      %mul3A_258 = vector.broadcast %convert_element_type3A_247 : f32 to vector<16xf32>
      %mul3A_259 = arith.mulf %max3A_257, %mul3A_258 : vector<16xf32>
      %swap3A_260 = arith.index_cast %scan3A_234 : i32 to index
      %swap3A_261 = arith.constant 0 : index
      %swap3A_262 = tpu.vector_load %arg18[%swap3A_260, %swap3A_261] {strides = array<i32>} : memref<64x64xf32, #tpu.memory_space<vmem>>, vector<16xf32>,
      tpu.vector_store %arg18[%swap3A_260, %swap3A_261], %mul3A_259 {strides = array<i32>} : memref<64x64xf32, #tpu.memory_space<vmem>>, vector<16xf32>,
      %get3A_263 = arith.index_cast %squeeze3A_238 : i32 to index
      %get3A_264 = arith.constant 16 : index
      %get3A_265 = tpu.vector_load %arg14[%get3A_263, %get3A_264] {strides = array<i32>} : memref<64x64xf32, #tpu.memory_space<vmem>>, vector<16xf32>,
      %get3A_266 = arith.index_cast %min3A_244 : i32 to index
      %get3A_267 = arith.constant 16 : index
      %get3A_268 = tpu.vector_load %arg14[%get3A_266, %get3A_267] {strides = array<i32>} : memref<64x64xf32, #tpu.memory_space<vmem>>, vector<16xf32>,
      %sub3A_269 = arith.subf %get3A_268, %get3A_265 : vector<16xf32>
      %mul3A_270 = arith.mulf %gather3A_241, %sub3A_269 : vector<16xf32>
      %add3A_271 = arith.addf %get3A_265, %mul3A_270 : vector<16xf32>
      %max3A_272 = arith.constant 0.000000e+00 : f32
      %max3A_273 = vector.broadcast %max3A_272 : f32 to vector<16xf32>
      %max3A_274 = arith.maximumf %add3A_271, %max3A_273 : vector<16xf32>
      %mul3A_275 = vector.broadcast %convert_element_type3A_247 : f32 to vector<16xf32>
      %mul3A_276 = arith.mulf %max3A_274, %mul3A_275 : vector<16xf32>
      %swap3A_277 = arith.index_cast %scan3A_234 : i32 to index
      %swap3A_278 = arith.constant 16 : index
      %swap3A_279 = tpu.vector_load %arg18[%swap3A_277, %swap3A_278] {strides = array<i32>} : memref<64x64xf32, #tpu.memory_space<vmem>>, vector<16xf32>,
      tpu.vector_store %arg18[%swap3A_277, %swap3A_278], %mul3A_276 {strides = array<i32>} : memref<64x64xf32, #tpu.memory_space<vmem>>, vector<16xf32>,
      %get3A_280 = arith.index_cast %squeeze3A_238 : i32 to index
      %get3A_281 = arith.constant 32 : index
      %get3A_282 = tpu.vector_load %arg14[%get3A_280, %get3A_281] {strides = array<i32>} : memref<64x64xf32, #tpu.memory_space<vmem>>, vector<16xf32>,
      %get3A_283 = arith.index_cast %min3A_244 : i32 to index
      %get3A_284 = arith.constant 32 : index
      %get3A_285 = tpu.vector_load %arg14[%get3A_283, %get3A_284] {strides = array<i32>} : memref<64x64xf32, #tpu.memory_space<vmem>>, vector<16xf32>,
      %sub3A_286 = arith.subf %get3A_285, %get3A_282 : vector<16xf32>
      %mul3A_287 = arith.mulf %gather3A_241, %sub3A_286 : vector<16xf32>
      %add3A_288 = arith.addf %get3A_282, %mul3A_287 : vector<16xf32>
      %max3A_289 = arith.constant 0.000000e+00 : f32
      %max3A_290 = vector.broadcast %max3A_289 : f32 to vector<16xf32>
      %max3A_291 = arith.maximumf %add3A_288, %max3A_290 : vector<16xf32>
      %mul3A_292 = vector.broadcast %convert_element_type3A_247 : f32 to vector<16xf32>
      %mul3A_293 = arith.mulf %max3A_291, %mul3A_292 : vector<16xf32>
      %swap3A_294 = arith.index_cast %scan3A_234 : i32 to index
      %swap3A_295 = arith.constant 32 : index
      %swap3A_296 = tpu.vector_load %arg18[%swap3A_294, %swap3A_295] {strides = array<i32>} : memref<64x64xf32, #tpu.memory_space<vmem>>, vector<16xf32>,
      tpu.vector_store %arg18[%swap3A_294, %swap3A_295], %mul3A_293 {strides = array<i32>} : memref<64x64xf32, #tpu.memory_space<vmem>>, vector<16xf32>,
      %get3A_297 = arith.index_cast %squeeze3A_238 : i32 to index
      %get3A_298 = arith.constant 48 : index
      %get3A_299 = tpu.vector_load %arg14[%get3A_297, %get3A_298] {strides = array<i32>} : memref<64x64xf32, #tpu.memory_space<vmem>>, vector<16xf32>,
      %get3A_300 = arith.index_cast %min3A_244 : i32 to index
      %get3A_301 = arith.constant 48 : index
      %get3A_302 = tpu.vector_load %arg14[%get3A_300, %get3A_301] {strides = array<i32>} : memref<64x64xf32, #tpu.memory_space<vmem>>, vector<16xf32>,
      %sub3A_303 = arith.subf %get3A_302, %get3A_299 : vector<16xf32>
      %mul3A_304 = arith.mulf %gather3A_241, %sub3A_303 : vector<16xf32>
      %add3A_305 = arith.addf %get3A_299, %mul3A_304 : vector<16xf32>
      %max3A_306 = arith.constant 0.000000e+00 : f32
      %max3A_307 = vector.broadcast %max3A_306 : f32 to vector<16xf32>
      %max3A_308 = arith.maximumf %add3A_305, %max3A_307 : vector<16xf32>
      %mul3A_309 = vector.broadcast %convert_element_type3A_247 : f32 to vector<16xf32>
      %mul3A_310 = arith.mulf %max3A_308, %mul3A_309 : vector<16xf32>
      %swap3A_311 = arith.index_cast %scan3A_234 : i32 to index
      %swap3A_312 = arith.constant 48 : index
      %swap3A_313 = tpu.vector_load %arg18[%swap3A_311, %swap3A_312] {strides = array<i32>} : memref<64x64xf32, #tpu.memory_space<vmem>>, vector<16xf32>,
      tpu.vector_store %arg18[%swap3A_311, %swap3A_312], %mul3A_310 {strides = array<i32>} : memref<64x64xf32, #tpu.memory_space<vmem>>, vector<16xf32>,
    }
    %scan3A_115 = arith.constant 64 : i32
    "tpu.region"() ({
      %run_scoped3A = tpu.sem_alloc : memref<!tpu.dma_semaphore, #tpu.memory_space<semaphore_mem>>
      %dma_start3A = arith.constant 0 : i32
      %dma_start3A_234 = tpu.memref_slice %arg7[%add3A_60, %dma_start3A] : memref<128x64xf32, #tpu.memory_space<hbm>> -> memref<1x64xf32, #tpu.memory_space<hbm>>
      %dma_start3A_235 = tpu.memref_squeeze %dma_start3A_234 : memref<1x64xf32, #tpu.memory_space<hbm>> -> memref<64xf32, #tpu.memory_space<hbm>>
      %dma_start3A_236 = arith.constant 0 : i32
      %dma_start3A_237 = tpu.memref_slice %arg7[%add3A_60, %dma_start3A_236] : memref<128x64xf32, #tpu.memory_space<hbm>> -> memref<1x64xf32, #tpu.memory_space<hbm>>
      %dma_start3A_238 = tpu.memref_squeeze %dma_start3A_237 : memref<1x64xf32, #tpu.memory_space<hbm>> -> memref<64xf32, #tpu.memory_space<hbm>>
      tpu.enqueue_dma source(%arg15 : memref<64xf32, #tpu.memory_space<vmem>>) target(%dma_start3A_238 : memref<64xf32, #tpu.memory_space<hbm>>) target_semaphore(%run_scoped3A : memref<!tpu.dma_semaphore, #tpu.memory_space<semaphore_mem>>)
      %dma_wait3A = arith.constant 0 : i32
      %dma_wait3A_239 = tpu.memref_slice %arg7[%add3A_60, %dma_wait3A] : memref<128x64xf32, #tpu.memory_space<hbm>> -> memref<1x64xf32, #tpu.memory_space<hbm>>
      %dma_wait3A_240 = tpu.memref_squeeze %dma_wait3A_239 : memref<1x64xf32, #tpu.memory_space<hbm>> -> memref<64xf32, #tpu.memory_space<hbm>>
      %dma_wait3A_241 = arith.constant 0 : i32
      %dma_wait3A_242 = tpu.memref_slice %arg7[%add3A_60, %dma_wait3A_241] : memref<128x64xf32, #tpu.memory_space<hbm>> -> memref<1x64xf32, #tpu.memory_space<hbm>>
      %dma_wait3A_243 = tpu.memref_squeeze %dma_wait3A_242 : memref<1x64xf32, #tpu.memory_space<hbm>> -> memref<64xf32, #tpu.memory_space<hbm>>
      tpu.wait_dma2 semaphore(%run_scoped3A : memref<!tpu.dma_semaphore, #tpu.memory_space<semaphore_mem>>) src(%arg15 : memref<64xf32, #tpu.memory_space<vmem>>) dst(%dma_wait3A_243 : memref<64xf32, #tpu.memory_space<hbm>>)
      tpu.yield
    }) : () -> ()
    "tpu.region"() ({
      %run_scoped3A = tpu.sem_alloc : memref<!tpu.dma_semaphore, #tpu.memory_space<semaphore_mem>>
      %dma_start3A = arith.constant 0 : i32
      %dma_start3A_234 = tpu.memref_slice %arg8[%add3A_60, %dma_start3A] : memref<128x16xi32, #tpu.memory_space<hbm>> -> memref<1x16xi32, #tpu.memory_space<hbm>>
      %dma_start3A_235 = tpu.memref_squeeze %dma_start3A_234 : memref<1x16xi32, #tpu.memory_space<hbm>> -> memref<16xi32, #tpu.memory_space<hbm>>
      %dma_start3A_236 = arith.constant 0 : i32
      %dma_start3A_237 = tpu.memref_slice %arg8[%add3A_60, %dma_start3A_236] : memref<128x16xi32, #tpu.memory_space<hbm>> -> memref<1x16xi32, #tpu.memory_space<hbm>>
      %dma_start3A_238 = tpu.memref_squeeze %dma_start3A_237 : memref<1x16xi32, #tpu.memory_space<hbm>> -> memref<16xi32, #tpu.memory_space<hbm>>
      tpu.enqueue_dma source(%arg19 : memref<16xi32, #tpu.memory_space<vmem>>) target(%dma_start3A_238 : memref<16xi32, #tpu.memory_space<hbm>>) target_semaphore(%run_scoped3A : memref<!tpu.dma_semaphore, #tpu.memory_space<semaphore_mem>>)
      %dma_wait3A = arith.constant 0 : i32
      %dma_wait3A_239 = tpu.memref_slice %arg8[%add3A_60, %dma_wait3A] : memref<128x16xi32, #tpu.memory_space<hbm>> -> memref<1x16xi32, #tpu.memory_space<hbm>>
      %dma_wait3A_240 = tpu.memref_squeeze %dma_wait3A_239 : memref<1x16xi32, #tpu.memory_space<hbm>> -> memref<16xi32, #tpu.memory_space<hbm>>
      %dma_wait3A_241 = arith.constant 0 : i32
      %dma_wait3A_242 = tpu.memref_slice %arg8[%add3A_60, %dma_wait3A_241] : memref<128x16xi32, #tpu.memory_space<hbm>> -> memref<1x16xi32, #tpu.memory_space<hbm>>
      %dma_wait3A_243 = tpu.memref_squeeze %dma_wait3A_242 : memref<1x16xi32, #tpu.memory_space<hbm>> -> memref<16xi32, #tpu.memory_space<hbm>>
      tpu.wait_dma2 semaphore(%run_scoped3A : memref<!tpu.dma_semaphore, #tpu.memory_space<semaphore_mem>>) src(%arg19 : memref<16xi32, #tpu.memory_space<vmem>>) dst(%dma_wait3A_243 : memref<16xi32, #tpu.memory_space<hbm>>)
      tpu.yield
    }) : () -> ()
    "tpu.region"() ({
      %run_scoped3A = tpu.sem_alloc : memref<!tpu.dma_semaphore, #tpu.memory_space<semaphore_mem>>
      %dma_start3A = arith.constant 0 : i32
      %dma_start3A_234 = arith.constant 0 : i32
      %dma_start3A_235 = tpu.memref_slice %arg9[%add3A_60, %dma_start3A, %dma_start3A_234] : memref<128x64x64xf32, #tpu.memory_space<hbm>> -> memref<1x64x64xf32, #tpu.memory_space<hbm>>
      %dma_start3A_236 = tpu.memref_squeeze %dma_start3A_235 : memref<1x64x64xf32, #tpu.memory_space<hbm>> -> memref<64x64xf32, #tpu.memory_space<hbm>>
      %dma_start3A_237 = arith.constant 0 : i32
      %dma_start3A_238 = arith.constant 0 : i32
      %dma_start3A_239 = tpu.memref_slice %arg9[%add3A_60, %dma_start3A_237, %dma_start3A_238] : memref<128x64x64xf32, #tpu.memory_space<hbm>> -> memref<1x64x64xf32, #tpu.memory_space<hbm>>
      %dma_start3A_240 = tpu.memref_squeeze %dma_start3A_239 : memref<1x64x64xf32, #tpu.memory_space<hbm>> -> memref<64x64xf32, #tpu.memory_space<hbm>>
      tpu.enqueue_dma source(%arg18 : memref<64x64xf32, #tpu.memory_space<vmem>>) target(%dma_start3A_240 : memref<64x64xf32, #tpu.memory_space<hbm>>) target_semaphore(%run_scoped3A : memref<!tpu.dma_semaphore, #tpu.memory_space<semaphore_mem>>)
      %dma_wait3A = arith.constant 0 : i32
      %dma_wait3A_241 = arith.constant 0 : i32
      %dma_wait3A_242 = tpu.memref_slice %arg9[%add3A_60, %dma_wait3A, %dma_wait3A_241] : memref<128x64x64xf32, #tpu.memory_space<hbm>> -> memref<1x64x64xf32, #tpu.memory_space<hbm>>
      %dma_wait3A_243 = tpu.memref_squeeze %dma_wait3A_242 : memref<1x64x64xf32, #tpu.memory_space<hbm>> -> memref<64x64xf32, #tpu.memory_space<hbm>>
      %dma_wait3A_244 = arith.constant 0 : i32
      %dma_wait3A_245 = arith.constant 0 : i32
      %dma_wait3A_246 = tpu.memref_slice %arg9[%add3A_60, %dma_wait3A_244, %dma_wait3A_245] : memref<128x64x64xf32, #tpu.memory_space<hbm>> -> memref<1x64x64xf32, #tpu.memory_space<hbm>>
      %dma_wait3A_247 = tpu.memref_squeeze %dma_wait3A_246 : memref<1x64x64xf32, #tpu.memory_space<hbm>> -> memref<64x64xf32, #tpu.memory_space<hbm>>
      tpu.wait_dma2 semaphore(%run_scoped3A : memref<!tpu.dma_semaphore, #tpu.memory_space<semaphore_mem>>) src(%arg18 : memref<64x64xf32, #tpu.memory_space<vmem>>) dst(%dma_wait3A_247 : memref<64x64xf32, #tpu.memory_space<hbm>>)
      tpu.yield
    }) : () -> ()
    %mul3A_116 = arith.constant 4 : i32
    %mul3A_117 = arith.muli %add3A, %mul3A_116 : i32
    %add3A_118 = arith.constant 2 : i32
    %add3A_119 = arith.addi %mul3A_117, %add3A_118 : i32
    "tpu.region"() ({
      %run_scoped3A = tpu.sem_alloc : memref<!tpu.dma_semaphore, #tpu.memory_space<semaphore_mem>>
      %dma_start3A = arith.constant 0 : i32
      %dma_start3A_234 = tpu.memref_slice %arg2[%add3A_119, %dma_start3A] : memref<128x64xf32, #tpu.memory_space<hbm>> -> memref<1x64xf32, #tpu.memory_space<hbm>>
      %dma_start3A_235 = tpu.memref_squeeze %dma_start3A_234 : memref<1x64xf32, #tpu.memory_space<hbm>> -> memref<64xf32, #tpu.memory_space<hbm>>
      %dma_start3A_236 = arith.constant 0 : i32
      %dma_start3A_237 = tpu.memref_slice %arg2[%add3A_119, %dma_start3A_236] : memref<128x64xf32, #tpu.memory_space<hbm>> -> memref<1x64xf32, #tpu.memory_space<hbm>>
      %dma_start3A_238 = tpu.memref_squeeze %dma_start3A_237 : memref<1x64xf32, #tpu.memory_space<hbm>> -> memref<64xf32, #tpu.memory_space<hbm>>
      tpu.enqueue_dma source(%dma_start3A_238 : memref<64xf32, #tpu.memory_space<hbm>>) target(%arg10 : memref<64xf32, #tpu.memory_space<vmem>>) target_semaphore(%run_scoped3A : memref<!tpu.dma_semaphore, #tpu.memory_space<semaphore_mem>>)
      %dma_wait3A = arith.constant 0 : i32
      %dma_wait3A_239 = tpu.memref_slice %arg2[%add3A_119, %dma_wait3A] : memref<128x64xf32, #tpu.memory_space<hbm>> -> memref<1x64xf32, #tpu.memory_space<hbm>>
      %dma_wait3A_240 = tpu.memref_squeeze %dma_wait3A_239 : memref<1x64xf32, #tpu.memory_space<hbm>> -> memref<64xf32, #tpu.memory_space<hbm>>
      %dma_wait3A_241 = arith.constant 0 : i32
      %dma_wait3A_242 = tpu.memref_slice %arg2[%add3A_119, %dma_wait3A_241] : memref<128x64xf32, #tpu.memory_space<hbm>> -> memref<1x64xf32, #tpu.memory_space<hbm>>
      %dma_wait3A_243 = tpu.memref_squeeze %dma_wait3A_242 : memref<1x64xf32, #tpu.memory_space<hbm>> -> memref<64xf32, #tpu.memory_space<hbm>>
      tpu.wait_dma2 semaphore(%run_scoped3A : memref<!tpu.dma_semaphore, #tpu.memory_space<semaphore_mem>>) src(%dma_wait3A_243 : memref<64xf32, #tpu.memory_space<hbm>>) dst(%arg10 : memref<64xf32, #tpu.memory_space<vmem>>)
      tpu.yield
    }) : () -> ()
    "tpu.region"() ({
      %run_scoped3A = tpu.sem_alloc : memref<!tpu.dma_semaphore, #tpu.memory_space<semaphore_mem>>
      %dma_start3A = arith.constant 0 : i32
      %dma_start3A_234 = tpu.memref_slice %arg3[%add3A_119, %dma_start3A] : memref<128x16xi32, #tpu.memory_space<hbm>> -> memref<1x16xi32, #tpu.memory_space<hbm>>
      %dma_start3A_235 = tpu.memref_squeeze %dma_start3A_234 : memref<1x16xi32, #tpu.memory_space<hbm>> -> memref<16xi32, #tpu.memory_space<hbm>>
      %dma_start3A_236 = arith.constant 0 : i32
      %dma_start3A_237 = tpu.memref_slice %arg3[%add3A_119, %dma_start3A_236] : memref<128x16xi32, #tpu.memory_space<hbm>> -> memref<1x16xi32, #tpu.memory_space<hbm>>
      %dma_start3A_238 = tpu.memref_squeeze %dma_start3A_237 : memref<1x16xi32, #tpu.memory_space<hbm>> -> memref<16xi32, #tpu.memory_space<hbm>>
      tpu.enqueue_dma source(%dma_start3A_238 : memref<16xi32, #tpu.memory_space<hbm>>) target(%arg11 : memref<16xi32, #tpu.memory_space<vmem>>) target_semaphore(%run_scoped3A : memref<!tpu.dma_semaphore, #tpu.memory_space<semaphore_mem>>)
      %dma_wait3A = arith.constant 0 : i32
      %dma_wait3A_239 = tpu.memref_slice %arg3[%add3A_119, %dma_wait3A] : memref<128x16xi32, #tpu.memory_space<hbm>> -> memref<1x16xi32, #tpu.memory_space<hbm>>
      %dma_wait3A_240 = tpu.memref_squeeze %dma_wait3A_239 : memref<1x16xi32, #tpu.memory_space<hbm>> -> memref<16xi32, #tpu.memory_space<hbm>>
      %dma_wait3A_241 = arith.constant 0 : i32
      %dma_wait3A_242 = tpu.memref_slice %arg3[%add3A_119, %dma_wait3A_241] : memref<128x16xi32, #tpu.memory_space<hbm>> -> memref<1x16xi32, #tpu.memory_space<hbm>>
      %dma_wait3A_243 = tpu.memref_squeeze %dma_wait3A_242 : memref<1x16xi32, #tpu.memory_space<hbm>> -> memref<16xi32, #tpu.memory_space<hbm>>
      tpu.wait_dma2 semaphore(%run_scoped3A : memref<!tpu.dma_semaphore, #tpu.memory_space<semaphore_mem>>) src(%dma_wait3A_243 : memref<16xi32, #tpu.memory_space<hbm>>) dst(%arg11 : memref<16xi32, #tpu.memory_space<vmem>>)
      tpu.yield
    }) : () -> ()
    "tpu.region"() ({
      %run_scoped3A = tpu.sem_alloc : memref<!tpu.dma_semaphore, #tpu.memory_space<semaphore_mem>>
      %dma_start3A = arith.constant 0 : i32
      %dma_start3A_234 = arith.constant 0 : i32
      %dma_start3A_235 = tpu.memref_slice %arg4[%add3A_119, %dma_start3A, %dma_start3A_234] : memref<128x63x64xf32, #tpu.memory_space<hbm>> -> memref<1x63x64xf32, #tpu.memory_space<hbm>>
      %dma_start3A_236 = tpu.memref_squeeze %dma_start3A_235 : memref<1x63x64xf32, #tpu.memory_space<hbm>> -> memref<63x64xf32, #tpu.memory_space<hbm>>
      %dma_start3A_237 = arith.constant 0 : i32
      %dma_start3A_238 = arith.constant 0 : i32
      %dma_start3A_239 = tpu.memref_slice %arg4[%add3A_119, %dma_start3A_237, %dma_start3A_238] : memref<128x63x64xf32, #tpu.memory_space<hbm>> -> memref<1x63x64xf32, #tpu.memory_space<hbm>>
      %dma_start3A_240 = tpu.memref_squeeze %dma_start3A_239 : memref<1x63x64xf32, #tpu.memory_space<hbm>> -> memref<63x64xf32, #tpu.memory_space<hbm>>
      tpu.enqueue_dma source(%dma_start3A_240 : memref<63x64xf32, #tpu.memory_space<hbm>>) target(%arg12 : memref<63x64xf32, #tpu.memory_space<vmem>>) target_semaphore(%run_scoped3A : memref<!tpu.dma_semaphore, #tpu.memory_space<semaphore_mem>>)
      %dma_wait3A = arith.constant 0 : i32
      %dma_wait3A_241 = arith.constant 0 : i32
      %dma_wait3A_242 = tpu.memref_slice %arg4[%add3A_119, %dma_wait3A, %dma_wait3A_241] : memref<128x63x64xf32, #tpu.memory_space<hbm>> -> memref<1x63x64xf32, #tpu.memory_space<hbm>>
      %dma_wait3A_243 = tpu.memref_squeeze %dma_wait3A_242 : memref<1x63x64xf32, #tpu.memory_space<hbm>> -> memref<63x64xf32, #tpu.memory_space<hbm>>
      %dma_wait3A_244 = arith.constant 0 : i32
      %dma_wait3A_245 = arith.constant 0 : i32
      %dma_wait3A_246 = tpu.memref_slice %arg4[%add3A_119, %dma_wait3A_244, %dma_wait3A_245] : memref<128x63x64xf32, #tpu.memory_space<hbm>> -> memref<1x63x64xf32, #tpu.memory_space<hbm>>
      %dma_wait3A_247 = tpu.memref_squeeze %dma_wait3A_246 : memref<1x63x64xf32, #tpu.memory_space<hbm>> -> memref<63x64xf32, #tpu.memory_space<hbm>>
      tpu.wait_dma2 semaphore(%run_scoped3A : memref<!tpu.dma_semaphore, #tpu.memory_space<semaphore_mem>>) src(%dma_wait3A_247 : memref<63x64xf32, #tpu.memory_space<hbm>>) dst(%arg12 : memref<63x64xf32, #tpu.memory_space<vmem>>)
      tpu.yield
    }) : () -> ()
    "tpu.region"() ({
      %run_scoped3A = tpu.sem_alloc : memref<!tpu.dma_semaphore, #tpu.memory_space<semaphore_mem>>
      %dma_start3A = arith.constant 0 : i32
      %dma_start3A_234 = arith.constant 0 : i32
      %dma_start3A_235 = tpu.memref_slice %arg5[%add3A_119, %dma_start3A, %dma_start3A_234] : memref<128x63x64xf32, #tpu.memory_space<hbm>> -> memref<1x63x64xf32, #tpu.memory_space<hbm>>
      %dma_start3A_236 = tpu.memref_squeeze %dma_start3A_235 : memref<1x63x64xf32, #tpu.memory_space<hbm>> -> memref<63x64xf32, #tpu.memory_space<hbm>>
      %dma_start3A_237 = arith.constant 0 : i32
      %dma_start3A_238 = arith.constant 0 : i32
      %dma_start3A_239 = tpu.memref_slice %arg5[%add3A_119, %dma_start3A_237, %dma_start3A_238] : memref<128x63x64xf32, #tpu.memory_space<hbm>> -> memref<1x63x64xf32, #tpu.memory_space<hbm>>
      %dma_start3A_240 = tpu.memref_squeeze %dma_start3A_239 : memref<1x63x64xf32, #tpu.memory_space<hbm>> -> memref<63x64xf32, #tpu.memory_space<hbm>>
      tpu.enqueue_dma source(%dma_start3A_240 : memref<63x64xf32, #tpu.memory_space<hbm>>) target(%arg13 : memref<63x64xf32, #tpu.memory_space<vmem>>) target_semaphore(%run_scoped3A : memref<!tpu.dma_semaphore, #tpu.memory_space<semaphore_mem>>)
      %dma_wait3A = arith.constant 0 : i32
      %dma_wait3A_241 = arith.constant 0 : i32
      %dma_wait3A_242 = tpu.memref_slice %arg5[%add3A_119, %dma_wait3A, %dma_wait3A_241] : memref<128x63x64xf32, #tpu.memory_space<hbm>> -> memref<1x63x64xf32, #tpu.memory_space<hbm>>
      %dma_wait3A_243 = tpu.memref_squeeze %dma_wait3A_242 : memref<1x63x64xf32, #tpu.memory_space<hbm>> -> memref<63x64xf32, #tpu.memory_space<hbm>>
      %dma_wait3A_244 = arith.constant 0 : i32
      %dma_wait3A_245 = arith.constant 0 : i32
      %dma_wait3A_246 = tpu.memref_slice %arg5[%add3A_119, %dma_wait3A_244, %dma_wait3A_245] : memref<128x63x64xf32, #tpu.memory_space<hbm>> -> memref<1x63x64xf32, #tpu.memory_space<hbm>>
      %dma_wait3A_247 = tpu.memref_squeeze %dma_wait3A_246 : memref<1x63x64xf32, #tpu.memory_space<hbm>> -> memref<63x64xf32, #tpu.memory_space<hbm>>
      tpu.wait_dma2 semaphore(%run_scoped3A : memref<!tpu.dma_semaphore, #tpu.memory_space<semaphore_mem>>) src(%dma_wait3A_247 : memref<63x64xf32, #tpu.memory_space<hbm>>) dst(%arg13 : memref<63x64xf32, #tpu.memory_space<vmem>>)
      tpu.yield
    }) : () -> ()
    "tpu.region"() ({
      %run_scoped3A = tpu.sem_alloc : memref<!tpu.dma_semaphore, #tpu.memory_space<semaphore_mem>>
      %dma_start3A = arith.constant 0 : i32
      %dma_start3A_234 = arith.constant 0 : i32
      %dma_start3A_235 = tpu.memref_slice %arg6[%add3A_119, %dma_start3A, %dma_start3A_234] : memref<128x64x64xf32, #tpu.memory_space<hbm>> -> memref<1x64x64xf32, #tpu.memory_space<hbm>>
      %dma_start3A_236 = tpu.memref_squeeze %dma_start3A_235 : memref<1x64x64xf32, #tpu.memory_space<hbm>> -> memref<64x64xf32, #tpu.memory_space<hbm>>
      %dma_start3A_237 = arith.constant 0 : i32
      %dma_start3A_238 = arith.constant 0 : i32
      %dma_start3A_239 = tpu.memref_slice %arg6[%add3A_119, %dma_start3A_237, %dma_start3A_238] : memref<128x64x64xf32, #tpu.memory_space<hbm>> -> memref<1x64x64xf32, #tpu.memory_space<hbm>>
      %dma_start3A_240 = tpu.memref_squeeze %dma_start3A_239 : memref<1x64x64xf32, #tpu.memory_space<hbm>> -> memref<64x64xf32, #tpu.memory_space<hbm>>
      tpu.enqueue_dma source(%dma_start3A_240 : memref<64x64xf32, #tpu.memory_space<hbm>>) target(%arg14 : memref<64x64xf32, #tpu.memory_space<vmem>>) target_semaphore(%run_scoped3A : memref<!tpu.dma_semaphore, #tpu.memory_space<semaphore_mem>>)
      %dma_wait3A = arith.constant 0 : i32
      %dma_wait3A_241 = arith.constant 0 : i32
      %dma_wait3A_242 = tpu.memref_slice %arg6[%add3A_119, %dma_wait3A, %dma_wait3A_241] : memref<128x64x64xf32, #tpu.memory_space<hbm>> -> memref<1x64x64xf32, #tpu.memory_space<hbm>>
      %dma_wait3A_243 = tpu.memref_squeeze %dma_wait3A_242 : memref<1x64x64xf32, #tpu.memory_space<hbm>> -> memref<64x64xf32, #tpu.memory_space<hbm>>
      %dma_wait3A_244 = arith.constant 0 : i32
      %dma_wait3A_245 = arith.constant 0 : i32
      %dma_wait3A_246 = tpu.memref_slice %arg6[%add3A_119, %dma_wait3A_244, %dma_wait3A_245] : memref<128x64x64xf32, #tpu.memory_space<hbm>> -> memref<1x64x64xf32, #tpu.memory_space<hbm>>
      %dma_wait3A_247 = tpu.memref_squeeze %dma_wait3A_246 : memref<1x64x64xf32, #tpu.memory_space<hbm>> -> memref<64x64xf32, #tpu.memory_space<hbm>>
      tpu.wait_dma2 semaphore(%run_scoped3A : memref<!tpu.dma_semaphore, #tpu.memory_space<semaphore_mem>>) src(%dma_wait3A_247 : memref<64x64xf32, #tpu.memory_space<hbm>>) dst(%arg14 : memref<64x64xf32, #tpu.memory_space<vmem>>)
      tpu.yield
    }) : () -> ()
    %get3A_120 = arith.constant 0 : index
    %get3A_121 = tpu.vector_load %arg11[%get3A_120] {strides = array<i32>} : memref<16xi32, #tpu.memory_space<vmem>>, vector<16xi32>,
    %slice3A_122 = vector.extract_strided_slice %get3A_121 {offsets = [0], sizes = [1], strides = [1]} : vector<16xi32> to vector<1xi32>
    %squeeze3A_123 = vector.extract %slice3A_122[0] : i32 from vector<1xi32>
    %swap3A_124 = arith.constant 0 : index
    %swap3A_125 = tpu.vector_load %arg15[%swap3A_124] {strides = array<i32>} : memref<64xf32, #tpu.memory_space<vmem>>, vector<16xf32>,
    tpu.vector_store %arg15[%swap3A_124], %broadcast_in_dim3A_3 {strides = array<i32>} : memref<64xf32, #tpu.memory_space<vmem>>, vector<16xf32>,
    %swap3A_126 = arith.constant 0 : index
    %swap3A_127 = tpu.vector_load %arg16[%swap3A_126] {strides = array<i32>} : memref<64xi32, #tpu.memory_space<vmem>>, vector<16xi32>,
    tpu.vector_store %arg16[%swap3A_126], %broadcast_in_dim3A_7 {strides = array<i32>} : memref<64xi32, #tpu.memory_space<vmem>>, vector<16xi32>,
    %swap3A_128 = arith.constant 0 : index
    %swap3A_129 = tpu.vector_load %arg17[%swap3A_128] {strides = array<i32>} : memref<64xf32, #tpu.memory_space<vmem>>, vector<16xf32>,
    tpu.vector_store %arg17[%swap3A_128], %broadcast_in_dim3A_5 {strides = array<i32>} : memref<64xf32, #tpu.memory_space<vmem>>, vector<16xf32>,
    %swap3A_130 = arith.constant 16 : index
    %swap3A_131 = tpu.vector_load %arg15[%swap3A_130] {strides = array<i32>} : memref<64xf32, #tpu.memory_space<vmem>>, vector<16xf32>,
    tpu.vector_store %arg15[%swap3A_130], %broadcast_in_dim3A_3 {strides = array<i32>} : memref<64xf32, #tpu.memory_space<vmem>>, vector<16xf32>,
    %swap3A_132 = arith.constant 16 : index
    %swap3A_133 = tpu.vector_load %arg16[%swap3A_132] {strides = array<i32>} : memref<64xi32, #tpu.memory_space<vmem>>, vector<16xi32>,
    tpu.vector_store %arg16[%swap3A_132], %broadcast_in_dim3A_7 {strides = array<i32>} : memref<64xi32, #tpu.memory_space<vmem>>, vector<16xi32>,
    %swap3A_134 = arith.constant 16 : index
    %swap3A_135 = tpu.vector_load %arg17[%swap3A_134] {strides = array<i32>} : memref<64xf32, #tpu.memory_space<vmem>>, vector<16xf32>,
    tpu.vector_store %arg17[%swap3A_134], %broadcast_in_dim3A_5 {strides = array<i32>} : memref<64xf32, #tpu.memory_space<vmem>>, vector<16xf32>,
    %swap3A_136 = arith.constant 32 : index
    %swap3A_137 = tpu.vector_load %arg15[%swap3A_136] {strides = array<i32>} : memref<64xf32, #tpu.memory_space<vmem>>, vector<16xf32>,
    tpu.vector_store %arg15[%swap3A_136], %broadcast_in_dim3A_3 {strides = array<i32>} : memref<64xf32, #tpu.memory_space<vmem>>, vector<16xf32>,
    %swap3A_138 = arith.constant 32 : index
    %swap3A_139 = tpu.vector_load %arg16[%swap3A_138] {strides = array<i32>} : memref<64xi32, #tpu.memory_space<vmem>>, vector<16xi32>,
    tpu.vector_store %arg16[%swap3A_138], %broadcast_in_dim3A_7 {strides = array<i32>} : memref<64xi32, #tpu.memory_space<vmem>>, vector<16xi32>,
    %swap3A_140 = arith.constant 32 : index
    %swap3A_141 = tpu.vector_load %arg17[%swap3A_140] {strides = array<i32>} : memref<64xf32, #tpu.memory_space<vmem>>, vector<16xf32>,
    tpu.vector_store %arg17[%swap3A_140], %broadcast_in_dim3A_5 {strides = array<i32>} : memref<64xf32, #tpu.memory_space<vmem>>, vector<16xf32>,
    %swap3A_142 = arith.constant 48 : index
    %swap3A_143 = tpu.vector_load %arg15[%swap3A_142] {strides = array<i32>} : memref<64xf32, #tpu.memory_space<vmem>>, vector<16xf32>,
    tpu.vector_store %arg15[%swap3A_142], %broadcast_in_dim3A_3 {strides = array<i32>} : memref<64xf32, #tpu.memory_space<vmem>>, vector<16xf32>,
    %swap3A_144 = arith.constant 48 : index
    %swap3A_145 = tpu.vector_load %arg16[%swap3A_144] {strides = array<i32>} : memref<64xi32, #tpu.memory_space<vmem>>, vector<16xi32>,
    tpu.vector_store %arg16[%swap3A_144], %broadcast_in_dim3A_7 {strides = array<i32>} : memref<64xi32, #tpu.memory_space<vmem>>, vector<16xi32>,
    %swap3A_146 = arith.constant 48 : index
    %swap3A_147 = tpu.vector_load %arg17[%swap3A_146] {strides = array<i32>} : memref<64xf32, #tpu.memory_space<vmem>>, vector<16xf32>,
    tpu.vector_store %arg17[%swap3A_146], %broadcast_in_dim3A_5 {strides = array<i32>} : memref<64xf32, #tpu.memory_space<vmem>>, vector<16xf32>,
    %scan3A_148 = arith.constant 0 : i32
    %scan3A_149 = arith.constant 0 : i32
    %scan3A_150 = arith.constant 63 : i32
    %scan3A_151 = arith.addi %scan3A_149, %scan3A_150 : i32
    %scan3A_152 = arith.constant 1 : i32
    %scan3A_153 = scf.for %scan3A_234 = %scan3A_149 to %scan3A_151 step %scan3A_152 iter_args(%scan3A_235 = %scan3A_148) -> (i32)  : i32 {
      %sub3A = arith.constant 2 : i32
      %sub3A_236 = arith.subi %squeeze3A_123, %sub3A : i32
      %le3A = arith.cmpi sle, %scan3A_234, %sub3A_236 : i32
      %lt3A_237 = arith.constant 64 : i32
      %lt3A_238 = arith.cmpi slt, %scan3A_235, %lt3A_237 : i32
      %and3A = arith.andi %le3A, %lt3A_238 : i1
      %convert_element_type3A_239 = arith.extui %and3A : i1 to i32
      %cond3A_240 = arith.constant 0 : i32
      %cond3A_241 = arith.cmpi ne, %convert_element_type3A_239, %cond3A_240 : i32
      scf.if %cond3A_241 {
        %add3A_306 = vector.broadcast %scan3A_234 : i32 to vector<16xi32>
        %add3A_307 = arith.addi %broadcast_in_dim3A_7, %add3A_306 : vector<16xi32>
        %gather3A = tpu.vector_load_idx %arg10[%add3A_307] : memref<64xf32, #tpu.memory_space<vmem>>[vector<16xi32>], vector<16xf32>,
        %add3A_308 = vector.broadcast %scan3A_235 : i32 to vector<16xi32>
        %add3A_309 = arith.addi %broadcast_in_dim3A_7, %add3A_308 : vector<16xi32>
        tpu.vector_store_idx %arg15[%add3A_309], %gather3A masked %eq3A_2 : memref<64xf32, #tpu.memory_space<vmem>>[vector<16xi32>], vector<16xf32>, vector<16xi1>
        %add3A_310 = vector.broadcast %scan3A_235 : i32 to vector<16xi32>
        %add3A_311 = arith.addi %broadcast_in_dim3A_7, %add3A_310 : vector<16xi32>
        %add3A_312 = vector.broadcast %scan3A_234 : i32 to vector<16xi32>
        %add3A_313 = arith.addi %broadcast_in_dim3A_7, %add3A_312 : vector<16xi32>
        tpu.vector_store_idx %arg16[%add3A_311], %add3A_313 masked %eq3A_2 : memref<64xi32, #tpu.memory_space<vmem>>[vector<16xi32>], vector<16xi32>, vector<16xi1>
      } else {
      }
      %add3A_242 = arith.constant 1 : i32
      %add3A_243 = arith.addi %scan3A_235, %add3A_242 : i32
      %select_n3A_244 = arith.select %and3A, %add3A_243, %scan3A_235 : i32
      %get3A_245 = arith.index_cast %scan3A_234 : i32 to index
      %get3A_246 = arith.constant 0 : index
      %get3A_247 = tpu.vector_load %arg12[%get3A_245, %get3A_246] {strides = array<i32>} : memref<63x64xf32, #tpu.memory_space<vmem>>, vector<16xf32>,
      %lt3A_248 = arith.constant 1.500000e+00 : f32
      %lt3A_249 = vector.broadcast %lt3A_248 : f32 to vector<16xf32>
      %lt3A_250 = arith.cmpf olt, %get3A_247, %lt3A_249 : vector<16xf32>
      %convert_element_type3A_251 = arith.extui %lt3A_250 : vector<16xi1> to vector<16xi32>
      %reduce_sum3A = arith.constant true
      %reduce_sum3A_252 = vector.broadcast %reduce_sum3A : i1 to vector<16xi1>
      %reduce_sum3A_253 = tpu.scan <sum>, %convert_element_type3A_251 masked %reduce_sum3A_252 : vector<16xi32>, vector<16xi1> -> vector<16xi32>
      %reduce_sum3A_254 = vector.extract %reduce_sum3A_253[15] : i32 from vector<16xi32>
      %add3A_255 = arith.constant 0 : i32
      %add3A_256 = arith.addi %add3A_255, %reduce_sum3A_254 : i32
      %get3A_257 = arith.index_cast %scan3A_234 : i32 to index
      %get3A_258 = arith.constant 16 : index
      %get3A_259 = tpu.vector_load %arg12[%get3A_257, %get3A_258] {strides = array<i32>} : memref<63x64xf32, #tpu.memory_space<vmem>>, vector<16xf32>,
      %lt3A_260 = arith.constant 1.500000e+00 : f32
      %lt3A_261 = vector.broadcast %lt3A_260 : f32 to vector<16xf32>
      %lt3A_262 = arith.cmpf olt, %get3A_259, %lt3A_261 : vector<16xf32>
      %convert_element_type3A_263 = arith.extui %lt3A_262 : vector<16xi1> to vector<16xi32>
      %reduce_sum3A_264 = arith.constant true
      %reduce_sum3A_265 = vector.broadcast %reduce_sum3A_264 : i1 to vector<16xi1>
      %reduce_sum3A_266 = tpu.scan <sum>, %convert_element_type3A_263 masked %reduce_sum3A_265 : vector<16xi32>, vector<16xi1> -> vector<16xi32>
      %reduce_sum3A_267 = vector.extract %reduce_sum3A_266[15] : i32 from vector<16xi32>
      %add3A_268 = arith.addi %add3A_256, %reduce_sum3A_267 : i32
      %get3A_269 = arith.index_cast %scan3A_234 : i32 to index
      %get3A_270 = arith.constant 32 : index
      %get3A_271 = tpu.vector_load %arg12[%get3A_269, %get3A_270] {strides = array<i32>} : memref<63x64xf32, #tpu.memory_space<vmem>>, vector<16xf32>,
      %lt3A_272 = arith.constant 1.500000e+00 : f32
      %lt3A_273 = vector.broadcast %lt3A_272 : f32 to vector<16xf32>
      %lt3A_274 = arith.cmpf olt, %get3A_271, %lt3A_273 : vector<16xf32>
      %convert_element_type3A_275 = arith.extui %lt3A_274 : vector<16xi1> to vector<16xi32>
      %reduce_sum3A_276 = arith.constant true
      %reduce_sum3A_277 = vector.broadcast %reduce_sum3A_276 : i1 to vector<16xi1>
      %reduce_sum3A_278 = tpu.scan <sum>, %convert_element_type3A_275 masked %reduce_sum3A_277 : vector<16xi32>, vector<16xi1> -> vector<16xi32>
      %reduce_sum3A_279 = vector.extract %reduce_sum3A_278[15] : i32 from vector<16xi32>
      %add3A_280 = arith.addi %add3A_268, %reduce_sum3A_279 : i32
      %get3A_281 = arith.index_cast %scan3A_234 : i32 to index
      %get3A_282 = arith.constant 48 : index
      %get3A_283 = tpu.vector_load %arg12[%get3A_281, %get3A_282] {strides = array<i32>} : memref<63x64xf32, #tpu.memory_space<vmem>>, vector<16xf32>,
      %lt3A_284 = arith.constant 1.500000e+00 : f32
      %lt3A_285 = vector.broadcast %lt3A_284 : f32 to vector<16xf32>
      %lt3A_286 = arith.cmpf olt, %get3A_283, %lt3A_285 : vector<16xf32>
      %convert_element_type3A_287 = arith.extui %lt3A_286 : vector<16xi1> to vector<16xi32>
      %reduce_sum3A_288 = arith.constant true
      %reduce_sum3A_289 = vector.broadcast %reduce_sum3A_288 : i1 to vector<16xi1>
      %reduce_sum3A_290 = tpu.scan <sum>, %convert_element_type3A_287 masked %reduce_sum3A_289 : vector<16xi32>, vector<16xi1> -> vector<16xi32>
      %reduce_sum3A_291 = vector.extract %reduce_sum3A_290[15] : i32 from vector<16xi32>
      %add3A_292 = arith.addi %add3A_280, %reduce_sum3A_291 : i32
      %sub3A_293 = arith.constant 64 : i32
      %sub3A_294 = arith.subi %sub3A_293, %select_n3A_244 : i32
      %min3A = arith.minsi %add3A_292, %sub3A_294 : i32
      %max3A = arith.constant 0 : i32
      %max3A_295 = arith.maxsi %min3A, %max3A : i32
      %gt3A = arith.constant 0 : i32
      %gt3A_296 = arith.cmpi sgt, %add3A_292, %gt3A : i32
      %and3A_297 = arith.andi %and3A, %gt3A_296 : i1
      %lt3A_298 = arith.constant 64 : i32
      %lt3A_299 = arith.cmpi slt, %select_n3A_244, %lt3A_298 : i32
      %and3A_300 = arith.andi %and3A_297, %lt3A_299 : i1
      %convert_element_type3A_301 = arith.extui %and3A_300 : i1 to i32
      %cond3A_302 = arith.constant 0 : i32
      %cond3A_303 = arith.cmpi ne, %convert_element_type3A_301, %cond3A_302 : i32
      scf.if %cond3A_303 {
        %masked_sort3A = arith.constant dense<true> : vector<16xi1>
        %masked_sort3A_306, %masked_sort3A_307, %masked_sort3A_308 = tpu.sort %get3A_247, %iota3A masked %masked_sort3A : (vector<16xf32>, vector<16xi32>, vector<16xi1>) -> (vector<16xi1>, vector<16xf32>, vector<16xi32>)
        %add3A_309 = arith.constant 16 : i32
        %add3A_310 = vector.broadcast %add3A_309 : i32 to vector<16xi32>
        %add3A_311 = arith.addi %iota3A, %add3A_310 : vector<16xi32>
        %masked_sort3A_312 = arith.constant dense<true> : vector<16xi1>
        %masked_sort3A_313, %masked_sort3A_314, %masked_sort3A_315 = tpu.sort %get3A_259, %add3A_311 masked %masked_sort3A_312 : (vector<16xf32>, vector<16xi32>, vector<16xi1>) -> (vector<16xi1>, vector<16xf32>, vector<16xi32>)
        %add3A_316 = arith.constant 32 : i32
        %add3A_317 = vector.broadcast %add3A_316 : i32 to vector<16xi32>
        %add3A_318 = arith.addi %iota3A, %add3A_317 : vector<16xi32>
        %masked_sort3A_319 = arith.constant dense<true> : vector<16xi1>
        %masked_sort3A_320, %masked_sort3A_321, %masked_sort3A_322 = tpu.sort %get3A_271, %add3A_318 masked %masked_sort3A_319 : (vector<16xf32>, vector<16xi32>, vector<16xi1>) -> (vector<16xi1>, vector<16xf32>, vector<16xi32>)
        %add3A_323 = arith.constant 48 : i32
        %add3A_324 = vector.broadcast %add3A_323 : i32 to vector<16xi32>
        %add3A_325 = arith.addi %iota3A, %add3A_324 : vector<16xi32>
        %masked_sort3A_326 = arith.constant dense<true> : vector<16xi1>
        %masked_sort3A_327, %masked_sort3A_328, %masked_sort3A_329 = tpu.sort %get3A_283, %add3A_325 masked %masked_sort3A_326 : (vector<16xf32>, vector<16xi32>, vector<16xi1>) -> (vector<16xi1>, vector<16xf32>, vector<16xi32>)
        %rev3A = arith.constant 15 : i32
        %rev3A_330 = vector.broadcast %rev3A : i32 to vector<16xi32>
        %rev3A_331 = tpu.iota {dimensions = array<i32: 0>} : vector<16xi32>
        %rev3A_332 = arith.subi %rev3A_330, %rev3A_331 : vector<16xi32>
        %rev3A_333 = tpu.dynamic_gather %masked_sort3A_314[%rev3A_332] in [0] : vector<16xf32>, vector<16xi32> -> vector<16xf32>
        %rev3A_334 = arith.constant 15 : i32
        %rev3A_335 = vector.broadcast %rev3A_334 : i32 to vector<16xi32>
        %rev3A_336 = tpu.iota {dimensions = array<i32: 0>} : vector<16xi32>
        %rev3A_337 = arith.subi %rev3A_335, %rev3A_336 : vector<16xi32>
        %rev3A_338 = tpu.dynamic_gather %masked_sort3A_315[%rev3A_337] in [0] : vector<16xi32>, vector<16xi32> -> vector<16xi32>
        %le3A_339 = arith.cmpf ole, %masked_sort3A_307, %rev3A_333 : vector<16xf32>
        %select_n3A_340 = arith.select %le3A_339, %masked_sort3A_307, %rev3A_333 : vector<16xi1>, vector<16xf32>
        %select_n3A_341 = arith.select %le3A_339, %masked_sort3A_308, %rev3A_338 : vector<16xi1>, vector<16xi32>
        %select_n3A_342 = arith.select %le3A_339, %rev3A_333, %masked_sort3A_307 : vector<16xi1>, vector<16xf32>
        %select_n3A_343 = arith.select %le3A_339, %rev3A_338, %masked_sort3A_308 : vector<16xi1>, vector<16xi32>
        %masked_sort3A_344 = arith.constant dense<true> : vector<16xi1>
        %masked_sort3A_345, %masked_sort3A_346, %masked_sort3A_347 = tpu.sort %select_n3A_340, %select_n3A_341 masked %masked_sort3A_344 : (vector<16xf32>, vector<16xi32>, vector<16xi1>) -> (vector<16xi1>, vector<16xf32>, vector<16xi32>)
        %masked_sort3A_348 = arith.constant dense<true> : vector<16xi1>
        %masked_sort3A_349, %masked_sort3A_350, %masked_sort3A_351 = tpu.sort %select_n3A_342, %select_n3A_343 masked %masked_sort3A_348 : (vector<16xf32>, vector<16xi32>, vector<16xi1>) -> (vector<16xi1>, vector<16xf32>, vector<16xi32>)
        %rev3A_352 = arith.constant 15 : i32
        %rev3A_353 = vector.broadcast %rev3A_352 : i32 to vector<16xi32>
        %rev3A_354 = tpu.iota {dimensions = array<i32: 0>} : vector<16xi32>
        %rev3A_355 = arith.subi %rev3A_353, %rev3A_354 : vector<16xi32>
        %rev3A_356 = tpu.dynamic_gather %masked_sort3A_328[%rev3A_355] in [0] : vector<16xf32>, vector<16xi32> -> vector<16xf32>
        %rev3A_357 = arith.constant 15 : i32
        %rev3A_358 = vector.broadcast %rev3A_357 : i32 to vector<16xi32>
        %rev3A_359 = tpu.iota {dimensions = array<i32: 0>} : vector<16xi32>
        %rev3A_360 = arith.subi %rev3A_358, %rev3A_359 : vector<16xi32>
        %rev3A_361 = tpu.dynamic_gather %masked_sort3A_329[%rev3A_360] in [0] : vector<16xi32>, vector<16xi32> -> vector<16xi32>
        %le3A_362 = arith.cmpf ole, %masked_sort3A_321, %rev3A_356 : vector<16xf32>
        %select_n3A_363 = arith.select %le3A_362, %masked_sort3A_321, %rev3A_356 : vector<16xi1>, vector<16xf32>
        %select_n3A_364 = arith.select %le3A_362, %masked_sort3A_322, %rev3A_361 : vector<16xi1>, vector<16xi32>
        %select_n3A_365 = arith.select %le3A_362, %rev3A_356, %masked_sort3A_321 : vector<16xi1>, vector<16xf32>
        %select_n3A_366 = arith.select %le3A_362, %rev3A_361, %masked_sort3A_322 : vector<16xi1>, vector<16xi32>
        %masked_sort3A_367 = arith.constant dense<true> : vector<16xi1>
        %masked_sort3A_368, %masked_sort3A_369, %masked_sort3A_370 = tpu.sort %select_n3A_363, %select_n3A_364 masked %masked_sort3A_367 : (vector<16xf32>, vector<16xi32>, vector<16xi1>) -> (vector<16xi1>, vector<16xf32>, vector<16xi32>)
        %masked_sort3A_371 = arith.constant dense<true> : vector<16xi1>
        %masked_sort3A_372, %masked_sort3A_373, %masked_sort3A_374 = tpu.sort %select_n3A_365, %select_n3A_366 masked %masked_sort3A_371 : (vector<16xf32>, vector<16xi32>, vector<16xi1>) -> (vector<16xi1>, vector<16xf32>, vector<16xi32>)
        %rev3A_375 = arith.constant 15 : i32
        %rev3A_376 = vector.broadcast %rev3A_375 : i32 to vector<16xi32>
        %rev3A_377 = tpu.iota {dimensions = array<i32: 0>} : vector<16xi32>
        %rev3A_378 = arith.subi %rev3A_376, %rev3A_377 : vector<16xi32>
        %rev3A_379 = tpu.dynamic_gather %masked_sort3A_373[%rev3A_378] in [0] : vector<16xf32>, vector<16xi32> -> vector<16xf32>
        %rev3A_380 = arith.constant 15 : i32
        %rev3A_381 = vector.broadcast %rev3A_380 : i32 to vector<16xi32>
        %rev3A_382 = tpu.iota {dimensions = array<i32: 0>} : vector<16xi32>
        %rev3A_383 = arith.subi %rev3A_381, %rev3A_382 : vector<16xi32>
        %rev3A_384 = tpu.dynamic_gather %masked_sort3A_374[%rev3A_383] in [0] : vector<16xi32>, vector<16xi32> -> vector<16xi32>
        %rev3A_385 = arith.constant 15 : i32
        %rev3A_386 = vector.broadcast %rev3A_385 : i32 to vector<16xi32>
        %rev3A_387 = tpu.iota {dimensions = array<i32: 0>} : vector<16xi32>
        %rev3A_388 = arith.subi %rev3A_386, %rev3A_387 : vector<16xi32>
        %rev3A_389 = tpu.dynamic_gather %masked_sort3A_369[%rev3A_388] in [0] : vector<16xf32>, vector<16xi32> -> vector<16xf32>
        %rev3A_390 = arith.constant 15 : i32
        %rev3A_391 = vector.broadcast %rev3A_390 : i32 to vector<16xi32>
        %rev3A_392 = tpu.iota {dimensions = array<i32: 0>} : vector<16xi32>
        %rev3A_393 = arith.subi %rev3A_391, %rev3A_392 : vector<16xi32>
        %rev3A_394 = tpu.dynamic_gather %masked_sort3A_370[%rev3A_393] in [0] : vector<16xi32>, vector<16xi32> -> vector<16xi32>
        %le3A_395 = arith.cmpf ole, %masked_sort3A_346, %rev3A_379 : vector<16xf32>
        %le3A_396 = arith.cmpf ole, %masked_sort3A_350, %rev3A_389 : vector<16xf32>
        %select_n3A_397 = arith.select %le3A_395, %masked_sort3A_346, %rev3A_379 : vector<16xi1>, vector<16xf32>
        %select_n3A_398 = arith.select %le3A_395, %masked_sort3A_347, %rev3A_384 : vector<16xi1>, vector<16xi32>
        %select_n3A_399 = arith.select %le3A_396, %masked_sort3A_350, %rev3A_389 : vector<16xi1>, vector<16xf32>
        %select_n3A_400 = arith.select %le3A_396, %masked_sort3A_351, %rev3A_394 : vector<16xi1>, vector<16xi32>
        %select_n3A_401 = arith.select %le3A_395, %rev3A_379, %masked_sort3A_346 : vector<16xi1>, vector<16xf32>
        %select_n3A_402 = arith.select %le3A_395, %rev3A_384, %masked_sort3A_347 : vector<16xi1>, vector<16xi32>
        %select_n3A_403 = arith.select %le3A_396, %rev3A_389, %masked_sort3A_350 : vector<16xi1>, vector<16xf32>
        %select_n3A_404 = arith.select %le3A_396, %rev3A_394, %masked_sort3A_351 : vector<16xi1>, vector<16xi32>
        %le3A_405 = arith.cmpf ole, %select_n3A_397, %select_n3A_399 : vector<16xf32>
        %select_n3A_406 = arith.select %le3A_405, %select_n3A_397, %select_n3A_399 : vector<16xi1>, vector<16xf32>
        %select_n3A_407 = arith.select %le3A_405, %select_n3A_398, %select_n3A_400 : vector<16xi1>, vector<16xi32>
        %select_n3A_408 = arith.select %le3A_405, %select_n3A_399, %select_n3A_397 : vector<16xi1>, vector<16xf32>
        %select_n3A_409 = arith.select %le3A_405, %select_n3A_400, %select_n3A_398 : vector<16xi1>, vector<16xi32>
        %masked_sort3A_410 = arith.constant dense<true> : vector<16xi1>
        %masked_sort3A_411, %masked_sort3A_412, %masked_sort3A_413 = tpu.sort %select_n3A_406, %select_n3A_407 masked %masked_sort3A_410 : (vector<16xf32>, vector<16xi32>, vector<16xi1>) -> (vector<16xi1>, vector<16xf32>, vector<16xi32>)
        %masked_sort3A_414 = arith.constant dense<true> : vector<16xi1>
        %masked_sort3A_415, %masked_sort3A_416, %masked_sort3A_417 = tpu.sort %select_n3A_408, %select_n3A_409 masked %masked_sort3A_414 : (vector<16xf32>, vector<16xi32>, vector<16xi1>) -> (vector<16xi1>, vector<16xf32>, vector<16xi32>)
        %le3A_418 = arith.cmpf ole, %select_n3A_401, %select_n3A_403 : vector<16xf32>
        %select_n3A_419 = arith.select %le3A_418, %select_n3A_401, %select_n3A_403 : vector<16xi1>, vector<16xf32>
        %select_n3A_420 = arith.select %le3A_418, %select_n3A_402, %select_n3A_404 : vector<16xi1>, vector<16xi32>
        %select_n3A_421 = arith.select %le3A_418, %select_n3A_403, %select_n3A_401 : vector<16xi1>, vector<16xf32>
        %select_n3A_422 = arith.select %le3A_418, %select_n3A_404, %select_n3A_402 : vector<16xi1>, vector<16xi32>
        %masked_sort3A_423 = arith.constant dense<true> : vector<16xi1>
        %masked_sort3A_424, %masked_sort3A_425, %masked_sort3A_426 = tpu.sort %select_n3A_419, %select_n3A_420 masked %masked_sort3A_423 : (vector<16xf32>, vector<16xi32>, vector<16xi1>) -> (vector<16xi1>, vector<16xf32>, vector<16xi32>)
        %masked_sort3A_427 = arith.constant dense<true> : vector<16xi1>
        %masked_sort3A_428, %masked_sort3A_429, %masked_sort3A_430 = tpu.sort %select_n3A_421, %select_n3A_422 masked %masked_sort3A_427 : (vector<16xf32>, vector<16xi32>, vector<16xi1>) -> (vector<16xi1>, vector<16xf32>, vector<16xi32>)
        %add3A_431 = arith.constant 0 : i32
        %add3A_432 = vector.broadcast %add3A_431 : i32 to vector<16xi32>
        %add3A_433 = arith.addi %iota3A, %add3A_432 : vector<16xi32>
        %lt3A_434 = vector.broadcast %max3A_295 : i32 to vector<16xi32>
        %lt3A_435 = arith.cmpi slt, %add3A_433, %lt3A_434 : vector<16xi32>
        %add3A_436 = vector.broadcast %select_n3A_244 : i32 to vector<16xi32>
        %add3A_437 = arith.addi %add3A_436, %add3A_433 : vector<16xi32>
        tpu.vector_store_idx %arg15[%add3A_437], %masked_sort3A_412 masked %lt3A_435 : memref<64xf32, #tpu.memory_space<vmem>>[vector<16xi32>], vector<16xf32>, vector<16xi1>
        %add3A_438 = vector.broadcast %scan3A_234 : i32 to vector<16xi32>
        %add3A_439 = arith.addi %broadcast_in_dim3A_7, %add3A_438 : vector<16xi32>
        tpu.vector_store_idx %arg16[%add3A_437], %add3A_439 masked %lt3A_435 : memref<64xi32, #tpu.memory_space<vmem>>[vector<16xi32>], vector<16xi32>, vector<16xi1>
        %add3A_440 = vector.broadcast %scan3A_234 : i32 to vector<16xi32>
        %add3A_441 = arith.addi %broadcast_in_dim3A_7, %add3A_440 : vector<16xi32>
        %gather3A = tpu.vector_load_idx %arg13[%add3A_441, %masked_sort3A_413] masked %lt3A_435 : memref<63x64xf32, #tpu.memory_space<vmem>>[vector<16xi32>, vector<16xi32>], vector<16xf32>, vector<16xi1>
        tpu.vector_store_idx %arg17[%add3A_437], %gather3A masked %lt3A_435 : memref<64xf32, #tpu.memory_space<vmem>>[vector<16xi32>], vector<16xf32>, vector<16xi1>
        %add3A_442 = arith.constant 16 : i32
        %add3A_443 = vector.broadcast %add3A_442 : i32 to vector<16xi32>
        %add3A_444 = arith.addi %iota3A, %add3A_443 : vector<16xi32>
        %lt3A_445 = vector.broadcast %max3A_295 : i32 to vector<16xi32>
        %lt3A_446 = arith.cmpi slt, %add3A_444, %lt3A_445 : vector<16xi32>
        %add3A_447 = vector.broadcast %select_n3A_244 : i32 to vector<16xi32>
        %add3A_448 = arith.addi %add3A_447, %add3A_444 : vector<16xi32>
        tpu.vector_store_idx %arg15[%add3A_448], %masked_sort3A_416 masked %lt3A_446 : memref<64xf32, #tpu.memory_space<vmem>>[vector<16xi32>], vector<16xf32>, vector<16xi1>
        %add3A_449 = vector.broadcast %scan3A_234 : i32 to vector<16xi32>
        %add3A_450 = arith.addi %broadcast_in_dim3A_7, %add3A_449 : vector<16xi32>
        tpu.vector_store_idx %arg16[%add3A_448], %add3A_450 masked %lt3A_446 : memref<64xi32, #tpu.memory_space<vmem>>[vector<16xi32>], vector<16xi32>, vector<16xi1>
        %add3A_451 = vector.broadcast %scan3A_234 : i32 to vector<16xi32>
        %add3A_452 = arith.addi %broadcast_in_dim3A_7, %add3A_451 : vector<16xi32>
        %gather3A_453 = tpu.vector_load_idx %arg13[%add3A_452, %masked_sort3A_417] masked %lt3A_446 : memref<63x64xf32, #tpu.memory_space<vmem>>[vector<16xi32>, vector<16xi32>], vector<16xf32>, vector<16xi1>
        tpu.vector_store_idx %arg17[%add3A_448], %gather3A_453 masked %lt3A_446 : memref<64xf32, #tpu.memory_space<vmem>>[vector<16xi32>], vector<16xf32>, vector<16xi1>
        %add3A_454 = arith.constant 32 : i32
        %add3A_455 = vector.broadcast %add3A_454 : i32 to vector<16xi32>
        %add3A_456 = arith.addi %iota3A, %add3A_455 : vector<16xi32>
        %lt3A_457 = vector.broadcast %max3A_295 : i32 to vector<16xi32>
        %lt3A_458 = arith.cmpi slt, %add3A_456, %lt3A_457 : vector<16xi32>
        %add3A_459 = vector.broadcast %select_n3A_244 : i32 to vector<16xi32>
        %add3A_460 = arith.addi %add3A_459, %add3A_456 : vector<16xi32>
        tpu.vector_store_idx %arg15[%add3A_460], %masked_sort3A_425 masked %lt3A_458 : memref<64xf32, #tpu.memory_space<vmem>>[vector<16xi32>], vector<16xf32>, vector<16xi1>
        %add3A_461 = vector.broadcast %scan3A_234 : i32 to vector<16xi32>
        %add3A_462 = arith.addi %broadcast_in_dim3A_7, %add3A_461 : vector<16xi32>
        tpu.vector_store_idx %arg16[%add3A_460], %add3A_462 masked %lt3A_458 : memref<64xi32, #tpu.memory_space<vmem>>[vector<16xi32>], vector<16xi32>, vector<16xi1>
        %add3A_463 = vector.broadcast %scan3A_234 : i32 to vector<16xi32>
        %add3A_464 = arith.addi %broadcast_in_dim3A_7, %add3A_463 : vector<16xi32>
        %gather3A_465 = tpu.vector_load_idx %arg13[%add3A_464, %masked_sort3A_426] masked %lt3A_458 : memref<63x64xf32, #tpu.memory_space<vmem>>[vector<16xi32>, vector<16xi32>], vector<16xf32>, vector<16xi1>
        tpu.vector_store_idx %arg17[%add3A_460], %gather3A_465 masked %lt3A_458 : memref<64xf32, #tpu.memory_space<vmem>>[vector<16xi32>], vector<16xf32>, vector<16xi1>
        %add3A_466 = arith.constant 48 : i32
        %add3A_467 = vector.broadcast %add3A_466 : i32 to vector<16xi32>
        %add3A_468 = arith.addi %iota3A, %add3A_467 : vector<16xi32>
        %lt3A_469 = vector.broadcast %max3A_295 : i32 to vector<16xi32>
        %lt3A_470 = arith.cmpi slt, %add3A_468, %lt3A_469 : vector<16xi32>
        %add3A_471 = vector.broadcast %select_n3A_244 : i32 to vector<16xi32>
        %add3A_472 = arith.addi %add3A_471, %add3A_468 : vector<16xi32>
        tpu.vector_store_idx %arg15[%add3A_472], %masked_sort3A_429 masked %lt3A_470 : memref<64xf32, #tpu.memory_space<vmem>>[vector<16xi32>], vector<16xf32>, vector<16xi1>
        %add3A_473 = vector.broadcast %scan3A_234 : i32 to vector<16xi32>
        %add3A_474 = arith.addi %broadcast_in_dim3A_7, %add3A_473 : vector<16xi32>
        tpu.vector_store_idx %arg16[%add3A_472], %add3A_474 masked %lt3A_470 : memref<64xi32, #tpu.memory_space<vmem>>[vector<16xi32>], vector<16xi32>, vector<16xi1>
        %add3A_475 = vector.broadcast %scan3A_234 : i32 to vector<16xi32>
        %add3A_476 = arith.addi %broadcast_in_dim3A_7, %add3A_475 : vector<16xi32>
        %gather3A_477 = tpu.vector_load_idx %arg13[%add3A_476, %masked_sort3A_430] masked %lt3A_470 : memref<63x64xf32, #tpu.memory_space<vmem>>[vector<16xi32>, vector<16xi32>], vector<16xf32>, vector<16xi1>
        tpu.vector_store_idx %arg17[%add3A_472], %gather3A_477 masked %lt3A_470 : memref<64xf32, #tpu.memory_space<vmem>>[vector<16xi32>], vector<16xf32>, vector<16xi1>
      } else {
      }
      %add3A_304 = arith.addi %select_n3A_244, %max3A_295 : i32
      %select_n3A_305 = arith.select %and3A_300, %add3A_304, %select_n3A_244 : i32
      scf.yield %select_n3A_305 : i32
    }
    %scan3A_154 = arith.constant 63 : i32
    %lt3A_155 = arith.constant 64 : i32
    %lt3A_156 = arith.cmpi slt, %scan3A_153, %lt3A_155 : i32
    %convert_element_type3A_157 = arith.extui %lt3A_156 : i1 to i32
    %cond3A_158 = arith.constant 0 : i32
    %cond3A_159 = arith.cmpi ne, %convert_element_type3A_157, %cond3A_158 : i32
    scf.if %cond3A_159 {
      %sub3A = arith.constant 1 : i32
      %sub3A_234 = arith.subi %squeeze3A_123, %sub3A : i32
      %add3A_235 = vector.broadcast %sub3A_234 : i32 to vector<16xi32>
      %add3A_236 = arith.addi %broadcast_in_dim3A_7, %add3A_235 : vector<16xi32>
      %gather3A = tpu.vector_load_idx %arg10[%add3A_236] : memref<64xf32, #tpu.memory_space<vmem>>[vector<16xi32>], vector<16xf32>,
      %add3A_237 = vector.broadcast %scan3A_153 : i32 to vector<16xi32>
      %add3A_238 = arith.addi %broadcast_in_dim3A_7, %add3A_237 : vector<16xi32>
      tpu.vector_store_idx %arg15[%add3A_238], %gather3A masked %eq3A_2 : memref<64xf32, #tpu.memory_space<vmem>>[vector<16xi32>], vector<16xf32>, vector<16xi1>
      %add3A_239 = vector.broadcast %scan3A_153 : i32 to vector<16xi32>
      %add3A_240 = arith.addi %broadcast_in_dim3A_7, %add3A_239 : vector<16xi32>
      %sub3A_241 = arith.constant 1 : i32
      %sub3A_242 = arith.subi %squeeze3A_123, %sub3A_241 : i32
      %add3A_243 = vector.broadcast %sub3A_242 : i32 to vector<16xi32>
      %add3A_244 = arith.addi %broadcast_in_dim3A_7, %add3A_243 : vector<16xi32>
      tpu.vector_store_idx %arg16[%add3A_240], %add3A_244 masked %eq3A_2 : memref<64xi32, #tpu.memory_space<vmem>>[vector<16xi32>], vector<16xi32>, vector<16xi1>
    } else {
    }
    %add3A_160 = arith.constant 1 : i32
    %add3A_161 = arith.addi %scan3A_153, %add3A_160 : i32
    %select_n3A_162 = arith.select %lt3A_156, %add3A_161, %scan3A_153 : i32
    %jit3A_163 = arith.constant 0 : i32
    %broadcast_in_dim3A_164 = vector.broadcast %select_n3A_162 : i32 to vector<16xi32>
    %broadcast_in_dim3A_165 = vector.broadcast %jit3A_163 : i32 to vector<16xi32>
    %select_n3A_166 = arith.select %eq3A_2, %broadcast_in_dim3A_164, %broadcast_in_dim3A_165 : vector<16xi1>, vector<16xi32>
    %swap3A_167 = arith.constant 0 : index
    %swap3A_168 = tpu.vector_load %arg19[%swap3A_167] {strides = array<i32>} : memref<16xi32, #tpu.memory_space<vmem>>, vector<16xi32>,
    tpu.vector_store %arg19[%swap3A_167], %select_n3A_166 {strides = array<i32>} : memref<16xi32, #tpu.memory_space<vmem>>, vector<16xi32>,
    %scan3A_169 = arith.constant 0 : i32
    %scan3A_170 = arith.constant 0 : i32
    %scan3A_171 = arith.constant 64 : i32
    %scan3A_172 = arith.addi %scan3A_170, %scan3A_171 : i32
    %scan3A_173 = arith.constant 1 : i32
    scf.for %scan3A_234 = %scan3A_170 to %scan3A_172 step %scan3A_173  : i32 {
      %add3A_235 = vector.broadcast %scan3A_234 : i32 to vector<16xi32>
      %add3A_236 = arith.addi %broadcast_in_dim3A_7, %add3A_235 : vector<16xi32>
      %gather3A = tpu.vector_load_idx %arg16[%add3A_236] : memref<64xi32, #tpu.memory_space<vmem>>[vector<16xi32>], vector<16xi32>,
      %slice3A_237 = vector.extract_strided_slice %gather3A {offsets = [0], sizes = [1], strides = [1]} : vector<16xi32> to vector<1xi32>
      %squeeze3A_238 = vector.extract %slice3A_237[0] : i32 from vector<1xi32>
      %add3A_239 = vector.broadcast %scan3A_234 : i32 to vector<16xi32>
      %add3A_240 = arith.addi %broadcast_in_dim3A_7, %add3A_239 : vector<16xi32>
      %gather3A_241 = tpu.vector_load_idx %arg17[%add3A_240] : memref<64xf32, #tpu.memory_space<vmem>>[vector<16xi32>], vector<16xf32>,
      %add3A_242 = arith.constant 1 : i32
      %add3A_243 = arith.addi %squeeze3A_238, %add3A_242 : i32
      %min3A = arith.constant 63 : i32
      %min3A_244 = arith.minsi %add3A_243, %min3A : i32
      %lt3A_245 = arith.cmpi slt, %scan3A_234, %select_n3A_162 : i32
      %convert_element_type3A_246 = arith.extui %lt3A_245 : i1 to i32
      %convert_element_type3A_247 = arith.sitofp %convert_element_type3A_246 : i32 to f32
      %get3A_248 = arith.index_cast %squeeze3A_238 : i32 to index
      %get3A_249 = arith.constant 0 : index
      %get3A_250 = tpu.vector_load %arg14[%get3A_248, %get3A_249] {strides = array<i32>} : memref<64x64xf32, #tpu.memory_space<vmem>>, vector<16xf32>,
      %get3A_251 = arith.index_cast %min3A_244 : i32 to index
      %get3A_252 = arith.constant 0 : index
      %get3A_253 = tpu.vector_load %arg14[%get3A_251, %get3A_252] {strides = array<i32>} : memref<64x64xf32, #tpu.memory_space<vmem>>, vector<16xf32>,
      %sub3A = arith.subf %get3A_253, %get3A_250 : vector<16xf32>
      %mul3A_254 = arith.mulf %gather3A_241, %sub3A : vector<16xf32>
      %add3A_255 = arith.addf %get3A_250, %mul3A_254 : vector<16xf32>
      %max3A = arith.constant 0.000000e+00 : f32
      %max3A_256 = vector.broadcast %max3A : f32 to vector<16xf32>
      %max3A_257 = arith.maximumf %add3A_255, %max3A_256 : vector<16xf32>
      %mul3A_258 = vector.broadcast %convert_element_type3A_247 : f32 to vector<16xf32>
      %mul3A_259 = arith.mulf %max3A_257, %mul3A_258 : vector<16xf32>
      %swap3A_260 = arith.index_cast %scan3A_234 : i32 to index
      %swap3A_261 = arith.constant 0 : index
      %swap3A_262 = tpu.vector_load %arg18[%swap3A_260, %swap3A_261] {strides = array<i32>} : memref<64x64xf32, #tpu.memory_space<vmem>>, vector<16xf32>,
      tpu.vector_store %arg18[%swap3A_260, %swap3A_261], %mul3A_259 {strides = array<i32>} : memref<64x64xf32, #tpu.memory_space<vmem>>, vector<16xf32>,
      %get3A_263 = arith.index_cast %squeeze3A_238 : i32 to index
      %get3A_264 = arith.constant 16 : index
      %get3A_265 = tpu.vector_load %arg14[%get3A_263, %get3A_264] {strides = array<i32>} : memref<64x64xf32, #tpu.memory_space<vmem>>, vector<16xf32>,
      %get3A_266 = arith.index_cast %min3A_244 : i32 to index
      %get3A_267 = arith.constant 16 : index
      %get3A_268 = tpu.vector_load %arg14[%get3A_266, %get3A_267] {strides = array<i32>} : memref<64x64xf32, #tpu.memory_space<vmem>>, vector<16xf32>,
      %sub3A_269 = arith.subf %get3A_268, %get3A_265 : vector<16xf32>
      %mul3A_270 = arith.mulf %gather3A_241, %sub3A_269 : vector<16xf32>
      %add3A_271 = arith.addf %get3A_265, %mul3A_270 : vector<16xf32>
      %max3A_272 = arith.constant 0.000000e+00 : f32
      %max3A_273 = vector.broadcast %max3A_272 : f32 to vector<16xf32>
      %max3A_274 = arith.maximumf %add3A_271, %max3A_273 : vector<16xf32>
      %mul3A_275 = vector.broadcast %convert_element_type3A_247 : f32 to vector<16xf32>
      %mul3A_276 = arith.mulf %max3A_274, %mul3A_275 : vector<16xf32>
      %swap3A_277 = arith.index_cast %scan3A_234 : i32 to index
      %swap3A_278 = arith.constant 16 : index
      %swap3A_279 = tpu.vector_load %arg18[%swap3A_277, %swap3A_278] {strides = array<i32>} : memref<64x64xf32, #tpu.memory_space<vmem>>, vector<16xf32>,
      tpu.vector_store %arg18[%swap3A_277, %swap3A_278], %mul3A_276 {strides = array<i32>} : memref<64x64xf32, #tpu.memory_space<vmem>>, vector<16xf32>,
      %get3A_280 = arith.index_cast %squeeze3A_238 : i32 to index
      %get3A_281 = arith.constant 32 : index
      %get3A_282 = tpu.vector_load %arg14[%get3A_280, %get3A_281] {strides = array<i32>} : memref<64x64xf32, #tpu.memory_space<vmem>>, vector<16xf32>,
      %get3A_283 = arith.index_cast %min3A_244 : i32 to index
      %get3A_284 = arith.constant 32 : index
      %get3A_285 = tpu.vector_load %arg14[%get3A_283, %get3A_284] {strides = array<i32>} : memref<64x64xf32, #tpu.memory_space<vmem>>, vector<16xf32>,
      %sub3A_286 = arith.subf %get3A_285, %get3A_282 : vector<16xf32>
      %mul3A_287 = arith.mulf %gather3A_241, %sub3A_286 : vector<16xf32>
      %add3A_288 = arith.addf %get3A_282, %mul3A_287 : vector<16xf32>
      %max3A_289 = arith.constant 0.000000e+00 : f32
      %max3A_290 = vector.broadcast %max3A_289 : f32 to vector<16xf32>
      %max3A_291 = arith.maximumf %add3A_288, %max3A_290 : vector<16xf32>
      %mul3A_292 = vector.broadcast %convert_element_type3A_247 : f32 to vector<16xf32>
      %mul3A_293 = arith.mulf %max3A_291, %mul3A_292 : vector<16xf32>
      %swap3A_294 = arith.index_cast %scan3A_234 : i32 to index
      %swap3A_295 = arith.constant 32 : index
      %swap3A_296 = tpu.vector_load %arg18[%swap3A_294, %swap3A_295] {strides = array<i32>} : memref<64x64xf32, #tpu.memory_space<vmem>>, vector<16xf32>,
      tpu.vector_store %arg18[%swap3A_294, %swap3A_295], %mul3A_293 {strides = array<i32>} : memref<64x64xf32, #tpu.memory_space<vmem>>, vector<16xf32>,
      %get3A_297 = arith.index_cast %squeeze3A_238 : i32 to index
      %get3A_298 = arith.constant 48 : index
      %get3A_299 = tpu.vector_load %arg14[%get3A_297, %get3A_298] {strides = array<i32>} : memref<64x64xf32, #tpu.memory_space<vmem>>, vector<16xf32>,
      %get3A_300 = arith.index_cast %min3A_244 : i32 to index
      %get3A_301 = arith.constant 48 : index
      %get3A_302 = tpu.vector_load %arg14[%get3A_300, %get3A_301] {strides = array<i32>} : memref<64x64xf32, #tpu.memory_space<vmem>>, vector<16xf32>,
      %sub3A_303 = arith.subf %get3A_302, %get3A_299 : vector<16xf32>
      %mul3A_304 = arith.mulf %gather3A_241, %sub3A_303 : vector<16xf32>
      %add3A_305 = arith.addf %get3A_299, %mul3A_304 : vector<16xf32>
      %max3A_306 = arith.constant 0.000000e+00 : f32
      %max3A_307 = vector.broadcast %max3A_306 : f32 to vector<16xf32>
      %max3A_308 = arith.maximumf %add3A_305, %max3A_307 : vector<16xf32>
      %mul3A_309 = vector.broadcast %convert_element_type3A_247 : f32 to vector<16xf32>
      %mul3A_310 = arith.mulf %max3A_308, %mul3A_309 : vector<16xf32>
      %swap3A_311 = arith.index_cast %scan3A_234 : i32 to index
      %swap3A_312 = arith.constant 48 : index
      %swap3A_313 = tpu.vector_load %arg18[%swap3A_311, %swap3A_312] {strides = array<i32>} : memref<64x64xf32, #tpu.memory_space<vmem>>, vector<16xf32>,
      tpu.vector_store %arg18[%swap3A_311, %swap3A_312], %mul3A_310 {strides = array<i32>} : memref<64x64xf32, #tpu.memory_space<vmem>>, vector<16xf32>,
    }
    %scan3A_174 = arith.constant 64 : i32
    "tpu.region"() ({
      %run_scoped3A = tpu.sem_alloc : memref<!tpu.dma_semaphore, #tpu.memory_space<semaphore_mem>>
      %dma_start3A = arith.constant 0 : i32
      %dma_start3A_234 = tpu.memref_slice %arg7[%add3A_119, %dma_start3A] : memref<128x64xf32, #tpu.memory_space<hbm>> -> memref<1x64xf32, #tpu.memory_space<hbm>>
      %dma_start3A_235 = tpu.memref_squeeze %dma_start3A_234 : memref<1x64xf32, #tpu.memory_space<hbm>> -> memref<64xf32, #tpu.memory_space<hbm>>
      %dma_start3A_236 = arith.constant 0 : i32
      %dma_start3A_237 = tpu.memref_slice %arg7[%add3A_119, %dma_start3A_236] : memref<128x64xf32, #tpu.memory_space<hbm>> -> memref<1x64xf32, #tpu.memory_space<hbm>>
      %dma_start3A_238 = tpu.memref_squeeze %dma_start3A_237 : memref<1x64xf32, #tpu.memory_space<hbm>> -> memref<64xf32, #tpu.memory_space<hbm>>
      tpu.enqueue_dma source(%arg15 : memref<64xf32, #tpu.memory_space<vmem>>) target(%dma_start3A_238 : memref<64xf32, #tpu.memory_space<hbm>>) target_semaphore(%run_scoped3A : memref<!tpu.dma_semaphore, #tpu.memory_space<semaphore_mem>>)
      %dma_wait3A = arith.constant 0 : i32
      %dma_wait3A_239 = tpu.memref_slice %arg7[%add3A_119, %dma_wait3A] : memref<128x64xf32, #tpu.memory_space<hbm>> -> memref<1x64xf32, #tpu.memory_space<hbm>>
      %dma_wait3A_240 = tpu.memref_squeeze %dma_wait3A_239 : memref<1x64xf32, #tpu.memory_space<hbm>> -> memref<64xf32, #tpu.memory_space<hbm>>
      %dma_wait3A_241 = arith.constant 0 : i32
      %dma_wait3A_242 = tpu.memref_slice %arg7[%add3A_119, %dma_wait3A_241] : memref<128x64xf32, #tpu.memory_space<hbm>> -> memref<1x64xf32, #tpu.memory_space<hbm>>
      %dma_wait3A_243 = tpu.memref_squeeze %dma_wait3A_242 : memref<1x64xf32, #tpu.memory_space<hbm>> -> memref<64xf32, #tpu.memory_space<hbm>>
      tpu.wait_dma2 semaphore(%run_scoped3A : memref<!tpu.dma_semaphore, #tpu.memory_space<semaphore_mem>>) src(%arg15 : memref<64xf32, #tpu.memory_space<vmem>>) dst(%dma_wait3A_243 : memref<64xf32, #tpu.memory_space<hbm>>)
      tpu.yield
    }) : () -> ()
    "tpu.region"() ({
      %run_scoped3A = tpu.sem_alloc : memref<!tpu.dma_semaphore, #tpu.memory_space<semaphore_mem>>
      %dma_start3A = arith.constant 0 : i32
      %dma_start3A_234 = tpu.memref_slice %arg8[%add3A_119, %dma_start3A] : memref<128x16xi32, #tpu.memory_space<hbm>> -> memref<1x16xi32, #tpu.memory_space<hbm>>
      %dma_start3A_235 = tpu.memref_squeeze %dma_start3A_234 : memref<1x16xi32, #tpu.memory_space<hbm>> -> memref<16xi32, #tpu.memory_space<hbm>>
      %dma_start3A_236 = arith.constant 0 : i32
      %dma_start3A_237 = tpu.memref_slice %arg8[%add3A_119, %dma_start3A_236] : memref<128x16xi32, #tpu.memory_space<hbm>> -> memref<1x16xi32, #tpu.memory_space<hbm>>
      %dma_start3A_238 = tpu.memref_squeeze %dma_start3A_237 : memref<1x16xi32, #tpu.memory_space<hbm>> -> memref<16xi32, #tpu.memory_space<hbm>>
      tpu.enqueue_dma source(%arg19 : memref<16xi32, #tpu.memory_space<vmem>>) target(%dma_start3A_238 : memref<16xi32, #tpu.memory_space<hbm>>) target_semaphore(%run_scoped3A : memref<!tpu.dma_semaphore, #tpu.memory_space<semaphore_mem>>)
      %dma_wait3A = arith.constant 0 : i32
      %dma_wait3A_239 = tpu.memref_slice %arg8[%add3A_119, %dma_wait3A] : memref<128x16xi32, #tpu.memory_space<hbm>> -> memref<1x16xi32, #tpu.memory_space<hbm>>
      %dma_wait3A_240 = tpu.memref_squeeze %dma_wait3A_239 : memref<1x16xi32, #tpu.memory_space<hbm>> -> memref<16xi32, #tpu.memory_space<hbm>>
      %dma_wait3A_241 = arith.constant 0 : i32
      %dma_wait3A_242 = tpu.memref_slice %arg8[%add3A_119, %dma_wait3A_241] : memref<128x16xi32, #tpu.memory_space<hbm>> -> memref<1x16xi32, #tpu.memory_space<hbm>>
      %dma_wait3A_243 = tpu.memref_squeeze %dma_wait3A_242 : memref<1x16xi32, #tpu.memory_space<hbm>> -> memref<16xi32, #tpu.memory_space<hbm>>
      tpu.wait_dma2 semaphore(%run_scoped3A : memref<!tpu.dma_semaphore, #tpu.memory_space<semaphore_mem>>) src(%arg19 : memref<16xi32, #tpu.memory_space<vmem>>) dst(%dma_wait3A_243 : memref<16xi32, #tpu.memory_space<hbm>>)
      tpu.yield
    }) : () -> ()
    "tpu.region"() ({
      %run_scoped3A = tpu.sem_alloc : memref<!tpu.dma_semaphore, #tpu.memory_space<semaphore_mem>>
      %dma_start3A = arith.constant 0 : i32
      %dma_start3A_234 = arith.constant 0 : i32
      %dma_start3A_235 = tpu.memref_slice %arg9[%add3A_119, %dma_start3A, %dma_start3A_234] : memref<128x64x64xf32, #tpu.memory_space<hbm>> -> memref<1x64x64xf32, #tpu.memory_space<hbm>>
      %dma_start3A_236 = tpu.memref_squeeze %dma_start3A_235 : memref<1x64x64xf32, #tpu.memory_space<hbm>> -> memref<64x64xf32, #tpu.memory_space<hbm>>
      %dma_start3A_237 = arith.constant 0 : i32
      %dma_start3A_238 = arith.constant 0 : i32
      %dma_start3A_239 = tpu.memref_slice %arg9[%add3A_119, %dma_start3A_237, %dma_start3A_238] : memref<128x64x64xf32, #tpu.memory_space<hbm>> -> memref<1x64x64xf32, #tpu.memory_space<hbm>>
      %dma_start3A_240 = tpu.memref_squeeze %dma_start3A_239 : memref<1x64x64xf32, #tpu.memory_space<hbm>> -> memref<64x64xf32, #tpu.memory_space<hbm>>
      tpu.enqueue_dma source(%arg18 : memref<64x64xf32, #tpu.memory_space<vmem>>) target(%dma_start3A_240 : memref<64x64xf32, #tpu.memory_space<hbm>>) target_semaphore(%run_scoped3A : memref<!tpu.dma_semaphore, #tpu.memory_space<semaphore_mem>>)
      %dma_wait3A = arith.constant 0 : i32
      %dma_wait3A_241 = arith.constant 0 : i32
      %dma_wait3A_242 = tpu.memref_slice %arg9[%add3A_119, %dma_wait3A, %dma_wait3A_241] : memref<128x64x64xf32, #tpu.memory_space<hbm>> -> memref<1x64x64xf32, #tpu.memory_space<hbm>>
      %dma_wait3A_243 = tpu.memref_squeeze %dma_wait3A_242 : memref<1x64x64xf32, #tpu.memory_space<hbm>> -> memref<64x64xf32, #tpu.memory_space<hbm>>
      %dma_wait3A_244 = arith.constant 0 : i32
      %dma_wait3A_245 = arith.constant 0 : i32
      %dma_wait3A_246 = tpu.memref_slice %arg9[%add3A_119, %dma_wait3A_244, %dma_wait3A_245] : memref<128x64x64xf32, #tpu.memory_space<hbm>> -> memref<1x64x64xf32, #tpu.memory_space<hbm>>
      %dma_wait3A_247 = tpu.memref_squeeze %dma_wait3A_246 : memref<1x64x64xf32, #tpu.memory_space<hbm>> -> memref<64x64xf32, #tpu.memory_space<hbm>>
      tpu.wait_dma2 semaphore(%run_scoped3A : memref<!tpu.dma_semaphore, #tpu.memory_space<semaphore_mem>>) src(%arg18 : memref<64x64xf32, #tpu.memory_space<vmem>>) dst(%dma_wait3A_247 : memref<64x64xf32, #tpu.memory_space<hbm>>)
      tpu.yield
    }) : () -> ()
    %mul3A_175 = arith.constant 4 : i32
    %mul3A_176 = arith.muli %add3A, %mul3A_175 : i32
    %add3A_177 = arith.constant 3 : i32
    %add3A_178 = arith.addi %mul3A_176, %add3A_177 : i32
    "tpu.region"() ({
      %run_scoped3A = tpu.sem_alloc : memref<!tpu.dma_semaphore, #tpu.memory_space<semaphore_mem>>
      %dma_start3A = arith.constant 0 : i32
      %dma_start3A_234 = tpu.memref_slice %arg2[%add3A_178, %dma_start3A] : memref<128x64xf32, #tpu.memory_space<hbm>> -> memref<1x64xf32, #tpu.memory_space<hbm>>
      %dma_start3A_235 = tpu.memref_squeeze %dma_start3A_234 : memref<1x64xf32, #tpu.memory_space<hbm>> -> memref<64xf32, #tpu.memory_space<hbm>>
      %dma_start3A_236 = arith.constant 0 : i32
      %dma_start3A_237 = tpu.memref_slice %arg2[%add3A_178, %dma_start3A_236] : memref<128x64xf32, #tpu.memory_space<hbm>> -> memref<1x64xf32, #tpu.memory_space<hbm>>
      %dma_start3A_238 = tpu.memref_squeeze %dma_start3A_237 : memref<1x64xf32, #tpu.memory_space<hbm>> -> memref<64xf32, #tpu.memory_space<hbm>>
      tpu.enqueue_dma source(%dma_start3A_238 : memref<64xf32, #tpu.memory_space<hbm>>) target(%arg10 : memref<64xf32, #tpu.memory_space<vmem>>) target_semaphore(%run_scoped3A : memref<!tpu.dma_semaphore, #tpu.memory_space<semaphore_mem>>)
      %dma_wait3A = arith.constant 0 : i32
      %dma_wait3A_239 = tpu.memref_slice %arg2[%add3A_178, %dma_wait3A] : memref<128x64xf32, #tpu.memory_space<hbm>> -> memref<1x64xf32, #tpu.memory_space<hbm>>
      %dma_wait3A_240 = tpu.memref_squeeze %dma_wait3A_239 : memref<1x64xf32, #tpu.memory_space<hbm>> -> memref<64xf32, #tpu.memory_space<hbm>>
      %dma_wait3A_241 = arith.constant 0 : i32
      %dma_wait3A_242 = tpu.memref_slice %arg2[%add3A_178, %dma_wait3A_241] : memref<128x64xf32, #tpu.memory_space<hbm>> -> memref<1x64xf32, #tpu.memory_space<hbm>>
      %dma_wait3A_243 = tpu.memref_squeeze %dma_wait3A_242 : memref<1x64xf32, #tpu.memory_space<hbm>> -> memref<64xf32, #tpu.memory_space<hbm>>
      tpu.wait_dma2 semaphore(%run_scoped3A : memref<!tpu.dma_semaphore, #tpu.memory_space<semaphore_mem>>) src(%dma_wait3A_243 : memref<64xf32, #tpu.memory_space<hbm>>) dst(%arg10 : memref<64xf32, #tpu.memory_space<vmem>>)
      tpu.yield
    }) : () -> ()
    "tpu.region"() ({
      %run_scoped3A = tpu.sem_alloc : memref<!tpu.dma_semaphore, #tpu.memory_space<semaphore_mem>>
      %dma_start3A = arith.constant 0 : i32
      %dma_start3A_234 = tpu.memref_slice %arg3[%add3A_178, %dma_start3A] : memref<128x16xi32, #tpu.memory_space<hbm>> -> memref<1x16xi32, #tpu.memory_space<hbm>>
      %dma_start3A_235 = tpu.memref_squeeze %dma_start3A_234 : memref<1x16xi32, #tpu.memory_space<hbm>> -> memref<16xi32, #tpu.memory_space<hbm>>
      %dma_start3A_236 = arith.constant 0 : i32
      %dma_start3A_237 = tpu.memref_slice %arg3[%add3A_178, %dma_start3A_236] : memref<128x16xi32, #tpu.memory_space<hbm>> -> memref<1x16xi32, #tpu.memory_space<hbm>>
      %dma_start3A_238 = tpu.memref_squeeze %dma_start3A_237 : memref<1x16xi32, #tpu.memory_space<hbm>> -> memref<16xi32, #tpu.memory_space<hbm>>
      tpu.enqueue_dma source(%dma_start3A_238 : memref<16xi32, #tpu.memory_space<hbm>>) target(%arg11 : memref<16xi32, #tpu.memory_space<vmem>>) target_semaphore(%run_scoped3A : memref<!tpu.dma_semaphore, #tpu.memory_space<semaphore_mem>>)
      %dma_wait3A = arith.constant 0 : i32
      %dma_wait3A_239 = tpu.memref_slice %arg3[%add3A_178, %dma_wait3A] : memref<128x16xi32, #tpu.memory_space<hbm>> -> memref<1x16xi32, #tpu.memory_space<hbm>>
      %dma_wait3A_240 = tpu.memref_squeeze %dma_wait3A_239 : memref<1x16xi32, #tpu.memory_space<hbm>> -> memref<16xi32, #tpu.memory_space<hbm>>
      %dma_wait3A_241 = arith.constant 0 : i32
      %dma_wait3A_242 = tpu.memref_slice %arg3[%add3A_178, %dma_wait3A_241] : memref<128x16xi32, #tpu.memory_space<hbm>> -> memref<1x16xi32, #tpu.memory_space<hbm>>
      %dma_wait3A_243 = tpu.memref_squeeze %dma_wait3A_242 : memref<1x16xi32, #tpu.memory_space<hbm>> -> memref<16xi32, #tpu.memory_space<hbm>>
      tpu.wait_dma2 semaphore(%run_scoped3A : memref<!tpu.dma_semaphore, #tpu.memory_space<semaphore_mem>>) src(%dma_wait3A_243 : memref<16xi32, #tpu.memory_space<hbm>>) dst(%arg11 : memref<16xi32, #tpu.memory_space<vmem>>)
      tpu.yield
    }) : () -> ()
    "tpu.region"() ({
      %run_scoped3A = tpu.sem_alloc : memref<!tpu.dma_semaphore, #tpu.memory_space<semaphore_mem>>
      %dma_start3A = arith.constant 0 : i32
      %dma_start3A_234 = arith.constant 0 : i32
      %dma_start3A_235 = tpu.memref_slice %arg4[%add3A_178, %dma_start3A, %dma_start3A_234] : memref<128x63x64xf32, #tpu.memory_space<hbm>> -> memref<1x63x64xf32, #tpu.memory_space<hbm>>
      %dma_start3A_236 = tpu.memref_squeeze %dma_start3A_235 : memref<1x63x64xf32, #tpu.memory_space<hbm>> -> memref<63x64xf32, #tpu.memory_space<hbm>>
      %dma_start3A_237 = arith.constant 0 : i32
      %dma_start3A_238 = arith.constant 0 : i32
      %dma_start3A_239 = tpu.memref_slice %arg4[%add3A_178, %dma_start3A_237, %dma_start3A_238] : memref<128x63x64xf32, #tpu.memory_space<hbm>> -> memref<1x63x64xf32, #tpu.memory_space<hbm>>
      %dma_start3A_240 = tpu.memref_squeeze %dma_start3A_239 : memref<1x63x64xf32, #tpu.memory_space<hbm>> -> memref<63x64xf32, #tpu.memory_space<hbm>>
      tpu.enqueue_dma source(%dma_start3A_240 : memref<63x64xf32, #tpu.memory_space<hbm>>) target(%arg12 : memref<63x64xf32, #tpu.memory_space<vmem>>) target_semaphore(%run_scoped3A : memref<!tpu.dma_semaphore, #tpu.memory_space<semaphore_mem>>)
      %dma_wait3A = arith.constant 0 : i32
      %dma_wait3A_241 = arith.constant 0 : i32
      %dma_wait3A_242 = tpu.memref_slice %arg4[%add3A_178, %dma_wait3A, %dma_wait3A_241] : memref<128x63x64xf32, #tpu.memory_space<hbm>> -> memref<1x63x64xf32, #tpu.memory_space<hbm>>
      %dma_wait3A_243 = tpu.memref_squeeze %dma_wait3A_242 : memref<1x63x64xf32, #tpu.memory_space<hbm>> -> memref<63x64xf32, #tpu.memory_space<hbm>>
      %dma_wait3A_244 = arith.constant 0 : i32
      %dma_wait3A_245 = arith.constant 0 : i32
      %dma_wait3A_246 = tpu.memref_slice %arg4[%add3A_178, %dma_wait3A_244, %dma_wait3A_245] : memref<128x63x64xf32, #tpu.memory_space<hbm>> -> memref<1x63x64xf32, #tpu.memory_space<hbm>>
      %dma_wait3A_247 = tpu.memref_squeeze %dma_wait3A_246 : memref<1x63x64xf32, #tpu.memory_space<hbm>> -> memref<63x64xf32, #tpu.memory_space<hbm>>
      tpu.wait_dma2 semaphore(%run_scoped3A : memref<!tpu.dma_semaphore, #tpu.memory_space<semaphore_mem>>) src(%dma_wait3A_247 : memref<63x64xf32, #tpu.memory_space<hbm>>) dst(%arg12 : memref<63x64xf32, #tpu.memory_space<vmem>>)
      tpu.yield
    }) : () -> ()
    "tpu.region"() ({
      %run_scoped3A = tpu.sem_alloc : memref<!tpu.dma_semaphore, #tpu.memory_space<semaphore_mem>>
      %dma_start3A = arith.constant 0 : i32
      %dma_start3A_234 = arith.constant 0 : i32
      %dma_start3A_235 = tpu.memref_slice %arg5[%add3A_178, %dma_start3A, %dma_start3A_234] : memref<128x63x64xf32, #tpu.memory_space<hbm>> -> memref<1x63x64xf32, #tpu.memory_space<hbm>>
      %dma_start3A_236 = tpu.memref_squeeze %dma_start3A_235 : memref<1x63x64xf32, #tpu.memory_space<hbm>> -> memref<63x64xf32, #tpu.memory_space<hbm>>
      %dma_start3A_237 = arith.constant 0 : i32
      %dma_start3A_238 = arith.constant 0 : i32
      %dma_start3A_239 = tpu.memref_slice %arg5[%add3A_178, %dma_start3A_237, %dma_start3A_238] : memref<128x63x64xf32, #tpu.memory_space<hbm>> -> memref<1x63x64xf32, #tpu.memory_space<hbm>>
      %dma_start3A_240 = tpu.memref_squeeze %dma_start3A_239 : memref<1x63x64xf32, #tpu.memory_space<hbm>> -> memref<63x64xf32, #tpu.memory_space<hbm>>
      tpu.enqueue_dma source(%dma_start3A_240 : memref<63x64xf32, #tpu.memory_space<hbm>>) target(%arg13 : memref<63x64xf32, #tpu.memory_space<vmem>>) target_semaphore(%run_scoped3A : memref<!tpu.dma_semaphore, #tpu.memory_space<semaphore_mem>>)
      %dma_wait3A = arith.constant 0 : i32
      %dma_wait3A_241 = arith.constant 0 : i32
      %dma_wait3A_242 = tpu.memref_slice %arg5[%add3A_178, %dma_wait3A, %dma_wait3A_241] : memref<128x63x64xf32, #tpu.memory_space<hbm>> -> memref<1x63x64xf32, #tpu.memory_space<hbm>>
      %dma_wait3A_243 = tpu.memref_squeeze %dma_wait3A_242 : memref<1x63x64xf32, #tpu.memory_space<hbm>> -> memref<63x64xf32, #tpu.memory_space<hbm>>
      %dma_wait3A_244 = arith.constant 0 : i32
      %dma_wait3A_245 = arith.constant 0 : i32
      %dma_wait3A_246 = tpu.memref_slice %arg5[%add3A_178, %dma_wait3A_244, %dma_wait3A_245] : memref<128x63x64xf32, #tpu.memory_space<hbm>> -> memref<1x63x64xf32, #tpu.memory_space<hbm>>
      %dma_wait3A_247 = tpu.memref_squeeze %dma_wait3A_246 : memref<1x63x64xf32, #tpu.memory_space<hbm>> -> memref<63x64xf32, #tpu.memory_space<hbm>>
      tpu.wait_dma2 semaphore(%run_scoped3A : memref<!tpu.dma_semaphore, #tpu.memory_space<semaphore_mem>>) src(%dma_wait3A_247 : memref<63x64xf32, #tpu.memory_space<hbm>>) dst(%arg13 : memref<63x64xf32, #tpu.memory_space<vmem>>)
      tpu.yield
    }) : () -> ()
    "tpu.region"() ({
      %run_scoped3A = tpu.sem_alloc : memref<!tpu.dma_semaphore, #tpu.memory_space<semaphore_mem>>
      %dma_start3A = arith.constant 0 : i32
      %dma_start3A_234 = arith.constant 0 : i32
      %dma_start3A_235 = tpu.memref_slice %arg6[%add3A_178, %dma_start3A, %dma_start3A_234] : memref<128x64x64xf32, #tpu.memory_space<hbm>> -> memref<1x64x64xf32, #tpu.memory_space<hbm>>
      %dma_start3A_236 = tpu.memref_squeeze %dma_start3A_235 : memref<1x64x64xf32, #tpu.memory_space<hbm>> -> memref<64x64xf32, #tpu.memory_space<hbm>>
      %dma_start3A_237 = arith.constant 0 : i32
      %dma_start3A_238 = arith.constant 0 : i32
      %dma_start3A_239 = tpu.memref_slice %arg6[%add3A_178, %dma_start3A_237, %dma_start3A_238] : memref<128x64x64xf32, #tpu.memory_space<hbm>> -> memref<1x64x64xf32, #tpu.memory_space<hbm>>
      %dma_start3A_240 = tpu.memref_squeeze %dma_start3A_239 : memref<1x64x64xf32, #tpu.memory_space<hbm>> -> memref<64x64xf32, #tpu.memory_space<hbm>>
      tpu.enqueue_dma source(%dma_start3A_240 : memref<64x64xf32, #tpu.memory_space<hbm>>) target(%arg14 : memref<64x64xf32, #tpu.memory_space<vmem>>) target_semaphore(%run_scoped3A : memref<!tpu.dma_semaphore, #tpu.memory_space<semaphore_mem>>)
      %dma_wait3A = arith.constant 0 : i32
      %dma_wait3A_241 = arith.constant 0 : i32
      %dma_wait3A_242 = tpu.memref_slice %arg6[%add3A_178, %dma_wait3A, %dma_wait3A_241] : memref<128x64x64xf32, #tpu.memory_space<hbm>> -> memref<1x64x64xf32, #tpu.memory_space<hbm>>
      %dma_wait3A_243 = tpu.memref_squeeze %dma_wait3A_242 : memref<1x64x64xf32, #tpu.memory_space<hbm>> -> memref<64x64xf32, #tpu.memory_space<hbm>>
      %dma_wait3A_244 = arith.constant 0 : i32
      %dma_wait3A_245 = arith.constant 0 : i32
      %dma_wait3A_246 = tpu.memref_slice %arg6[%add3A_178, %dma_wait3A_244, %dma_wait3A_245] : memref<128x64x64xf32, #tpu.memory_space<hbm>> -> memref<1x64x64xf32, #tpu.memory_space<hbm>>
      %dma_wait3A_247 = tpu.memref_squeeze %dma_wait3A_246 : memref<1x64x64xf32, #tpu.memory_space<hbm>> -> memref<64x64xf32, #tpu.memory_space<hbm>>
      tpu.wait_dma2 semaphore(%run_scoped3A : memref<!tpu.dma_semaphore, #tpu.memory_space<semaphore_mem>>) src(%dma_wait3A_247 : memref<64x64xf32, #tpu.memory_space<hbm>>) dst(%arg14 : memref<64x64xf32, #tpu.memory_space<vmem>>)
      tpu.yield
    }) : () -> ()
    %get3A_179 = arith.constant 0 : index
    %get3A_180 = tpu.vector_load %arg11[%get3A_179] {strides = array<i32>} : memref<16xi32, #tpu.memory_space<vmem>>, vector<16xi32>,
    %slice3A_181 = vector.extract_strided_slice %get3A_180 {offsets = [0], sizes = [1], strides = [1]} : vector<16xi32> to vector<1xi32>
    %squeeze3A_182 = vector.extract %slice3A_181[0] : i32 from vector<1xi32>
    %swap3A_183 = arith.constant 0 : index
    %swap3A_184 = tpu.vector_load %arg15[%swap3A_183] {strides = array<i32>} : memref<64xf32, #tpu.memory_space<vmem>>, vector<16xf32>,
    tpu.vector_store %arg15[%swap3A_183], %broadcast_in_dim3A_3 {strides = array<i32>} : memref<64xf32, #tpu.memory_space<vmem>>, vector<16xf32>,
    %swap3A_185 = arith.constant 0 : index
    %swap3A_186 = tpu.vector_load %arg16[%swap3A_185] {strides = array<i32>} : memref<64xi32, #tpu.memory_space<vmem>>, vector<16xi32>,
    tpu.vector_store %arg16[%swap3A_185], %broadcast_in_dim3A_7 {strides = array<i32>} : memref<64xi32, #tpu.memory_space<vmem>>, vector<16xi32>,
    %swap3A_187 = arith.constant 0 : index
    %swap3A_188 = tpu.vector_load %arg17[%swap3A_187] {strides = array<i32>} : memref<64xf32, #tpu.memory_space<vmem>>, vector<16xf32>,
    tpu.vector_store %arg17[%swap3A_187], %broadcast_in_dim3A_5 {strides = array<i32>} : memref<64xf32, #tpu.memory_space<vmem>>, vector<16xf32>,
    %swap3A_189 = arith.constant 16 : index
    %swap3A_190 = tpu.vector_load %arg15[%swap3A_189] {strides = array<i32>} : memref<64xf32, #tpu.memory_space<vmem>>, vector<16xf32>,
    tpu.vector_store %arg15[%swap3A_189], %broadcast_in_dim3A_3 {strides = array<i32>} : memref<64xf32, #tpu.memory_space<vmem>>, vector<16xf32>,
    %swap3A_191 = arith.constant 16 : index
    %swap3A_192 = tpu.vector_load %arg16[%swap3A_191] {strides = array<i32>} : memref<64xi32, #tpu.memory_space<vmem>>, vector<16xi32>,
    tpu.vector_store %arg16[%swap3A_191], %broadcast_in_dim3A_7 {strides = array<i32>} : memref<64xi32, #tpu.memory_space<vmem>>, vector<16xi32>,
    %swap3A_193 = arith.constant 16 : index
    %swap3A_194 = tpu.vector_load %arg17[%swap3A_193] {strides = array<i32>} : memref<64xf32, #tpu.memory_space<vmem>>, vector<16xf32>,
    tpu.vector_store %arg17[%swap3A_193], %broadcast_in_dim3A_5 {strides = array<i32>} : memref<64xf32, #tpu.memory_space<vmem>>, vector<16xf32>,
    %swap3A_195 = arith.constant 32 : index
    %swap3A_196 = tpu.vector_load %arg15[%swap3A_195] {strides = array<i32>} : memref<64xf32, #tpu.memory_space<vmem>>, vector<16xf32>,
    tpu.vector_store %arg15[%swap3A_195], %broadcast_in_dim3A_3 {strides = array<i32>} : memref<64xf32, #tpu.memory_space<vmem>>, vector<16xf32>,
    %swap3A_197 = arith.constant 32 : index
    %swap3A_198 = tpu.vector_load %arg16[%swap3A_197] {strides = array<i32>} : memref<64xi32, #tpu.memory_space<vmem>>, vector<16xi32>,
    tpu.vector_store %arg16[%swap3A_197], %broadcast_in_dim3A_7 {strides = array<i32>} : memref<64xi32, #tpu.memory_space<vmem>>, vector<16xi32>,
    %swap3A_199 = arith.constant 32 : index
    %swap3A_200 = tpu.vector_load %arg17[%swap3A_199] {strides = array<i32>} : memref<64xf32, #tpu.memory_space<vmem>>, vector<16xf32>,
    tpu.vector_store %arg17[%swap3A_199], %broadcast_in_dim3A_5 {strides = array<i32>} : memref<64xf32, #tpu.memory_space<vmem>>, vector<16xf32>,
    %swap3A_201 = arith.constant 48 : index
    %swap3A_202 = tpu.vector_load %arg15[%swap3A_201] {strides = array<i32>} : memref<64xf32, #tpu.memory_space<vmem>>, vector<16xf32>,
    tpu.vector_store %arg15[%swap3A_201], %broadcast_in_dim3A_3 {strides = array<i32>} : memref<64xf32, #tpu.memory_space<vmem>>, vector<16xf32>,
    %swap3A_203 = arith.constant 48 : index
    %swap3A_204 = tpu.vector_load %arg16[%swap3A_203] {strides = array<i32>} : memref<64xi32, #tpu.memory_space<vmem>>, vector<16xi32>,
    tpu.vector_store %arg16[%swap3A_203], %broadcast_in_dim3A_7 {strides = array<i32>} : memref<64xi32, #tpu.memory_space<vmem>>, vector<16xi32>,
    %swap3A_205 = arith.constant 48 : index
    %swap3A_206 = tpu.vector_load %arg17[%swap3A_205] {strides = array<i32>} : memref<64xf32, #tpu.memory_space<vmem>>, vector<16xf32>,
    tpu.vector_store %arg17[%swap3A_205], %broadcast_in_dim3A_5 {strides = array<i32>} : memref<64xf32, #tpu.memory_space<vmem>>, vector<16xf32>,
    %scan3A_207 = arith.constant 0 : i32
    %scan3A_208 = arith.constant 0 : i32
    %scan3A_209 = arith.constant 63 : i32
    %scan3A_210 = arith.addi %scan3A_208, %scan3A_209 : i32
    %scan3A_211 = arith.constant 1 : i32
    %scan3A_212 = scf.for %scan3A_234 = %scan3A_208 to %scan3A_210 step %scan3A_211 iter_args(%scan3A_235 = %scan3A_207) -> (i32)  : i32 {
      %sub3A = arith.constant 2 : i32
      %sub3A_236 = arith.subi %squeeze3A_182, %sub3A : i32
      %le3A = arith.cmpi sle, %scan3A_234, %sub3A_236 : i32
      %lt3A_237 = arith.constant 64 : i32
      %lt3A_238 = arith.cmpi slt, %scan3A_235, %lt3A_237 : i32
      %and3A = arith.andi %le3A, %lt3A_238 : i1
      %convert_element_type3A_239 = arith.extui %and3A : i1 to i32
      %cond3A_240 = arith.constant 0 : i32
      %cond3A_241 = arith.cmpi ne, %convert_element_type3A_239, %cond3A_240 : i32
      scf.if %cond3A_241 {
        %add3A_306 = vector.broadcast %scan3A_234 : i32 to vector<16xi32>
        %add3A_307 = arith.addi %broadcast_in_dim3A_7, %add3A_306 : vector<16xi32>
        %gather3A = tpu.vector_load_idx %arg10[%add3A_307] : memref<64xf32, #tpu.memory_space<vmem>>[vector<16xi32>], vector<16xf32>,
        %add3A_308 = vector.broadcast %scan3A_235 : i32 to vector<16xi32>
        %add3A_309 = arith.addi %broadcast_in_dim3A_7, %add3A_308 : vector<16xi32>
        tpu.vector_store_idx %arg15[%add3A_309], %gather3A masked %eq3A_2 : memref<64xf32, #tpu.memory_space<vmem>>[vector<16xi32>], vector<16xf32>, vector<16xi1>
        %add3A_310 = vector.broadcast %scan3A_235 : i32 to vector<16xi32>
        %add3A_311 = arith.addi %broadcast_in_dim3A_7, %add3A_310 : vector<16xi32>
        %add3A_312 = vector.broadcast %scan3A_234 : i32 to vector<16xi32>
        %add3A_313 = arith.addi %broadcast_in_dim3A_7, %add3A_312 : vector<16xi32>
        tpu.vector_store_idx %arg16[%add3A_311], %add3A_313 masked %eq3A_2 : memref<64xi32, #tpu.memory_space<vmem>>[vector<16xi32>], vector<16xi32>, vector<16xi1>
      } else {
      }
      %add3A_242 = arith.constant 1 : i32
      %add3A_243 = arith.addi %scan3A_235, %add3A_242 : i32
      %select_n3A_244 = arith.select %and3A, %add3A_243, %scan3A_235 : i32
      %get3A_245 = arith.index_cast %scan3A_234 : i32 to index
      %get3A_246 = arith.constant 0 : index
      %get3A_247 = tpu.vector_load %arg12[%get3A_245, %get3A_246] {strides = array<i32>} : memref<63x64xf32, #tpu.memory_space<vmem>>, vector<16xf32>,
      %lt3A_248 = arith.constant 1.500000e+00 : f32
      %lt3A_249 = vector.broadcast %lt3A_248 : f32 to vector<16xf32>
      %lt3A_250 = arith.cmpf olt, %get3A_247, %lt3A_249 : vector<16xf32>
      %convert_element_type3A_251 = arith.extui %lt3A_250 : vector<16xi1> to vector<16xi32>
      %reduce_sum3A = arith.constant true
      %reduce_sum3A_252 = vector.broadcast %reduce_sum3A : i1 to vector<16xi1>
      %reduce_sum3A_253 = tpu.scan <sum>, %convert_element_type3A_251 masked %reduce_sum3A_252 : vector<16xi32>, vector<16xi1> -> vector<16xi32>
      %reduce_sum3A_254 = vector.extract %reduce_sum3A_253[15] : i32 from vector<16xi32>
      %add3A_255 = arith.constant 0 : i32
      %add3A_256 = arith.addi %add3A_255, %reduce_sum3A_254 : i32
      %get3A_257 = arith.index_cast %scan3A_234 : i32 to index
      %get3A_258 = arith.constant 16 : index
      %get3A_259 = tpu.vector_load %arg12[%get3A_257, %get3A_258] {strides = array<i32>} : memref<63x64xf32, #tpu.memory_space<vmem>>, vector<16xf32>,
      %lt3A_260 = arith.constant 1.500000e+00 : f32
      %lt3A_261 = vector.broadcast %lt3A_260 : f32 to vector<16xf32>
      %lt3A_262 = arith.cmpf olt, %get3A_259, %lt3A_261 : vector<16xf32>
      %convert_element_type3A_263 = arith.extui %lt3A_262 : vector<16xi1> to vector<16xi32>
      %reduce_sum3A_264 = arith.constant true
      %reduce_sum3A_265 = vector.broadcast %reduce_sum3A_264 : i1 to vector<16xi1>
      %reduce_sum3A_266 = tpu.scan <sum>, %convert_element_type3A_263 masked %reduce_sum3A_265 : vector<16xi32>, vector<16xi1> -> vector<16xi32>
      %reduce_sum3A_267 = vector.extract %reduce_sum3A_266[15] : i32 from vector<16xi32>
      %add3A_268 = arith.addi %add3A_256, %reduce_sum3A_267 : i32
      %get3A_269 = arith.index_cast %scan3A_234 : i32 to index
      %get3A_270 = arith.constant 32 : index
      %get3A_271 = tpu.vector_load %arg12[%get3A_269, %get3A_270] {strides = array<i32>} : memref<63x64xf32, #tpu.memory_space<vmem>>, vector<16xf32>,
      %lt3A_272 = arith.constant 1.500000e+00 : f32
      %lt3A_273 = vector.broadcast %lt3A_272 : f32 to vector<16xf32>
      %lt3A_274 = arith.cmpf olt, %get3A_271, %lt3A_273 : vector<16xf32>
      %convert_element_type3A_275 = arith.extui %lt3A_274 : vector<16xi1> to vector<16xi32>
      %reduce_sum3A_276 = arith.constant true
      %reduce_sum3A_277 = vector.broadcast %reduce_sum3A_276 : i1 to vector<16xi1>
      %reduce_sum3A_278 = tpu.scan <sum>, %convert_element_type3A_275 masked %reduce_sum3A_277 : vector<16xi32>, vector<16xi1> -> vector<16xi32>
      %reduce_sum3A_279 = vector.extract %reduce_sum3A_278[15] : i32 from vector<16xi32>
      %add3A_280 = arith.addi %add3A_268, %reduce_sum3A_279 : i32
      %get3A_281 = arith.index_cast %scan3A_234 : i32 to index
      %get3A_282 = arith.constant 48 : index
      %get3A_283 = tpu.vector_load %arg12[%get3A_281, %get3A_282] {strides = array<i32>} : memref<63x64xf32, #tpu.memory_space<vmem>>, vector<16xf32>,
      %lt3A_284 = arith.constant 1.500000e+00 : f32
      %lt3A_285 = vector.broadcast %lt3A_284 : f32 to vector<16xf32>
      %lt3A_286 = arith.cmpf olt, %get3A_283, %lt3A_285 : vector<16xf32>
      %convert_element_type3A_287 = arith.extui %lt3A_286 : vector<16xi1> to vector<16xi32>
      %reduce_sum3A_288 = arith.constant true
      %reduce_sum3A_289 = vector.broadcast %reduce_sum3A_288 : i1 to vector<16xi1>
      %reduce_sum3A_290 = tpu.scan <sum>, %convert_element_type3A_287 masked %reduce_sum3A_289 : vector<16xi32>, vector<16xi1> -> vector<16xi32>
      %reduce_sum3A_291 = vector.extract %reduce_sum3A_290[15] : i32 from vector<16xi32>
      %add3A_292 = arith.addi %add3A_280, %reduce_sum3A_291 : i32
      %sub3A_293 = arith.constant 64 : i32
      %sub3A_294 = arith.subi %sub3A_293, %select_n3A_244 : i32
      %min3A = arith.minsi %add3A_292, %sub3A_294 : i32
      %max3A = arith.constant 0 : i32
      %max3A_295 = arith.maxsi %min3A, %max3A : i32
      %gt3A = arith.constant 0 : i32
      %gt3A_296 = arith.cmpi sgt, %add3A_292, %gt3A : i32
      %and3A_297 = arith.andi %and3A, %gt3A_296 : i1
      %lt3A_298 = arith.constant 64 : i32
      %lt3A_299 = arith.cmpi slt, %select_n3A_244, %lt3A_298 : i32
      %and3A_300 = arith.andi %and3A_297, %lt3A_299 : i1
      %convert_element_type3A_301 = arith.extui %and3A_300 : i1 to i32
      %cond3A_302 = arith.constant 0 : i32
      %cond3A_303 = arith.cmpi ne, %convert_element_type3A_301, %cond3A_302 : i32
      scf.if %cond3A_303 {
        %masked_sort3A = arith.constant dense<true> : vector<16xi1>
        %masked_sort3A_306, %masked_sort3A_307, %masked_sort3A_308 = tpu.sort %get3A_247, %iota3A masked %masked_sort3A : (vector<16xf32>, vector<16xi32>, vector<16xi1>) -> (vector<16xi1>, vector<16xf32>, vector<16xi32>)
        %add3A_309 = arith.constant 16 : i32
        %add3A_310 = vector.broadcast %add3A_309 : i32 to vector<16xi32>
        %add3A_311 = arith.addi %iota3A, %add3A_310 : vector<16xi32>
        %masked_sort3A_312 = arith.constant dense<true> : vector<16xi1>
        %masked_sort3A_313, %masked_sort3A_314, %masked_sort3A_315 = tpu.sort %get3A_259, %add3A_311 masked %masked_sort3A_312 : (vector<16xf32>, vector<16xi32>, vector<16xi1>) -> (vector<16xi1>, vector<16xf32>, vector<16xi32>)
        %add3A_316 = arith.constant 32 : i32
        %add3A_317 = vector.broadcast %add3A_316 : i32 to vector<16xi32>
        %add3A_318 = arith.addi %iota3A, %add3A_317 : vector<16xi32>
        %masked_sort3A_319 = arith.constant dense<true> : vector<16xi1>
        %masked_sort3A_320, %masked_sort3A_321, %masked_sort3A_322 = tpu.sort %get3A_271, %add3A_318 masked %masked_sort3A_319 : (vector<16xf32>, vector<16xi32>, vector<16xi1>) -> (vector<16xi1>, vector<16xf32>, vector<16xi32>)
        %add3A_323 = arith.constant 48 : i32
        %add3A_324 = vector.broadcast %add3A_323 : i32 to vector<16xi32>
        %add3A_325 = arith.addi %iota3A, %add3A_324 : vector<16xi32>
        %masked_sort3A_326 = arith.constant dense<true> : vector<16xi1>
        %masked_sort3A_327, %masked_sort3A_328, %masked_sort3A_329 = tpu.sort %get3A_283, %add3A_325 masked %masked_sort3A_326 : (vector<16xf32>, vector<16xi32>, vector<16xi1>) -> (vector<16xi1>, vector<16xf32>, vector<16xi32>)
        %rev3A = arith.constant 15 : i32
        %rev3A_330 = vector.broadcast %rev3A : i32 to vector<16xi32>
        %rev3A_331 = tpu.iota {dimensions = array<i32: 0>} : vector<16xi32>
        %rev3A_332 = arith.subi %rev3A_330, %rev3A_331 : vector<16xi32>
        %rev3A_333 = tpu.dynamic_gather %masked_sort3A_314[%rev3A_332] in [0] : vector<16xf32>, vector<16xi32> -> vector<16xf32>
        %rev3A_334 = arith.constant 15 : i32
        %rev3A_335 = vector.broadcast %rev3A_334 : i32 to vector<16xi32>
        %rev3A_336 = tpu.iota {dimensions = array<i32: 0>} : vector<16xi32>
        %rev3A_337 = arith.subi %rev3A_335, %rev3A_336 : vector<16xi32>
        %rev3A_338 = tpu.dynamic_gather %masked_sort3A_315[%rev3A_337] in [0] : vector<16xi32>, vector<16xi32> -> vector<16xi32>
        %le3A_339 = arith.cmpf ole, %masked_sort3A_307, %rev3A_333 : vector<16xf32>
        %select_n3A_340 = arith.select %le3A_339, %masked_sort3A_307, %rev3A_333 : vector<16xi1>, vector<16xf32>
        %select_n3A_341 = arith.select %le3A_339, %masked_sort3A_308, %rev3A_338 : vector<16xi1>, vector<16xi32>
        %select_n3A_342 = arith.select %le3A_339, %rev3A_333, %masked_sort3A_307 : vector<16xi1>, vector<16xf32>
        %select_n3A_343 = arith.select %le3A_339, %rev3A_338, %masked_sort3A_308 : vector<16xi1>, vector<16xi32>
        %masked_sort3A_344 = arith.constant dense<true> : vector<16xi1>
        %masked_sort3A_345, %masked_sort3A_346, %masked_sort3A_347 = tpu.sort %select_n3A_340, %select_n3A_341 masked %masked_sort3A_344 : (vector<16xf32>, vector<16xi32>, vector<16xi1>) -> (vector<16xi1>, vector<16xf32>, vector<16xi32>)
        %masked_sort3A_348 = arith.constant dense<true> : vector<16xi1>
        %masked_sort3A_349, %masked_sort3A_350, %masked_sort3A_351 = tpu.sort %select_n3A_342, %select_n3A_343 masked %masked_sort3A_348 : (vector<16xf32>, vector<16xi32>, vector<16xi1>) -> (vector<16xi1>, vector<16xf32>, vector<16xi32>)
        %rev3A_352 = arith.constant 15 : i32
        %rev3A_353 = vector.broadcast %rev3A_352 : i32 to vector<16xi32>
        %rev3A_354 = tpu.iota {dimensions = array<i32: 0>} : vector<16xi32>
        %rev3A_355 = arith.subi %rev3A_353, %rev3A_354 : vector<16xi32>
        %rev3A_356 = tpu.dynamic_gather %masked_sort3A_328[%rev3A_355] in [0] : vector<16xf32>, vector<16xi32> -> vector<16xf32>
        %rev3A_357 = arith.constant 15 : i32
        %rev3A_358 = vector.broadcast %rev3A_357 : i32 to vector<16xi32>
        %rev3A_359 = tpu.iota {dimensions = array<i32: 0>} : vector<16xi32>
        %rev3A_360 = arith.subi %rev3A_358, %rev3A_359 : vector<16xi32>
        %rev3A_361 = tpu.dynamic_gather %masked_sort3A_329[%rev3A_360] in [0] : vector<16xi32>, vector<16xi32> -> vector<16xi32>
        %le3A_362 = arith.cmpf ole, %masked_sort3A_321, %rev3A_356 : vector<16xf32>
        %select_n3A_363 = arith.select %le3A_362, %masked_sort3A_321, %rev3A_356 : vector<16xi1>, vector<16xf32>
        %select_n3A_364 = arith.select %le3A_362, %masked_sort3A_322, %rev3A_361 : vector<16xi1>, vector<16xi32>
        %select_n3A_365 = arith.select %le3A_362, %rev3A_356, %masked_sort3A_321 : vector<16xi1>, vector<16xf32>
        %select_n3A_366 = arith.select %le3A_362, %rev3A_361, %masked_sort3A_322 : vector<16xi1>, vector<16xi32>
        %masked_sort3A_367 = arith.constant dense<true> : vector<16xi1>
        %masked_sort3A_368, %masked_sort3A_369, %masked_sort3A_370 = tpu.sort %select_n3A_363, %select_n3A_364 masked %masked_sort3A_367 : (vector<16xf32>, vector<16xi32>, vector<16xi1>) -> (vector<16xi1>, vector<16xf32>, vector<16xi32>)
        %masked_sort3A_371 = arith.constant dense<true> : vector<16xi1>
        %masked_sort3A_372, %masked_sort3A_373, %masked_sort3A_374 = tpu.sort %select_n3A_365, %select_n3A_366 masked %masked_sort3A_371 : (vector<16xf32>, vector<16xi32>, vector<16xi1>) -> (vector<16xi1>, vector<16xf32>, vector<16xi32>)
        %rev3A_375 = arith.constant 15 : i32
        %rev3A_376 = vector.broadcast %rev3A_375 : i32 to vector<16xi32>
        %rev3A_377 = tpu.iota {dimensions = array<i32: 0>} : vector<16xi32>
        %rev3A_378 = arith.subi %rev3A_376, %rev3A_377 : vector<16xi32>
        %rev3A_379 = tpu.dynamic_gather %masked_sort3A_373[%rev3A_378] in [0] : vector<16xf32>, vector<16xi32> -> vector<16xf32>
        %rev3A_380 = arith.constant 15 : i32
        %rev3A_381 = vector.broadcast %rev3A_380 : i32 to vector<16xi32>
        %rev3A_382 = tpu.iota {dimensions = array<i32: 0>} : vector<16xi32>
        %rev3A_383 = arith.subi %rev3A_381, %rev3A_382 : vector<16xi32>
        %rev3A_384 = tpu.dynamic_gather %masked_sort3A_374[%rev3A_383] in [0] : vector<16xi32>, vector<16xi32> -> vector<16xi32>
        %rev3A_385 = arith.constant 15 : i32
        %rev3A_386 = vector.broadcast %rev3A_385 : i32 to vector<16xi32>
        %rev3A_387 = tpu.iota {dimensions = array<i32: 0>} : vector<16xi32>
        %rev3A_388 = arith.subi %rev3A_386, %rev3A_387 : vector<16xi32>
        %rev3A_389 = tpu.dynamic_gather %masked_sort3A_369[%rev3A_388] in [0] : vector<16xf32>, vector<16xi32> -> vector<16xf32>
        %rev3A_390 = arith.constant 15 : i32
        %rev3A_391 = vector.broadcast %rev3A_390 : i32 to vector<16xi32>
        %rev3A_392 = tpu.iota {dimensions = array<i32: 0>} : vector<16xi32>
        %rev3A_393 = arith.subi %rev3A_391, %rev3A_392 : vector<16xi32>
        %rev3A_394 = tpu.dynamic_gather %masked_sort3A_370[%rev3A_393] in [0] : vector<16xi32>, vector<16xi32> -> vector<16xi32>
        %le3A_395 = arith.cmpf ole, %masked_sort3A_346, %rev3A_379 : vector<16xf32>
        %le3A_396 = arith.cmpf ole, %masked_sort3A_350, %rev3A_389 : vector<16xf32>
        %select_n3A_397 = arith.select %le3A_395, %masked_sort3A_346, %rev3A_379 : vector<16xi1>, vector<16xf32>
        %select_n3A_398 = arith.select %le3A_395, %masked_sort3A_347, %rev3A_384 : vector<16xi1>, vector<16xi32>
        %select_n3A_399 = arith.select %le3A_396, %masked_sort3A_350, %rev3A_389 : vector<16xi1>, vector<16xf32>
        %select_n3A_400 = arith.select %le3A_396, %masked_sort3A_351, %rev3A_394 : vector<16xi1>, vector<16xi32>
        %select_n3A_401 = arith.select %le3A_395, %rev3A_379, %masked_sort3A_346 : vector<16xi1>, vector<16xf32>
        %select_n3A_402 = arith.select %le3A_395, %rev3A_384, %masked_sort3A_347 : vector<16xi1>, vector<16xi32>
        %select_n3A_403 = arith.select %le3A_396, %rev3A_389, %masked_sort3A_350 : vector<16xi1>, vector<16xf32>
        %select_n3A_404 = arith.select %le3A_396, %rev3A_394, %masked_sort3A_351 : vector<16xi1>, vector<16xi32>
        %le3A_405 = arith.cmpf ole, %select_n3A_397, %select_n3A_399 : vector<16xf32>
        %select_n3A_406 = arith.select %le3A_405, %select_n3A_397, %select_n3A_399 : vector<16xi1>, vector<16xf32>
        %select_n3A_407 = arith.select %le3A_405, %select_n3A_398, %select_n3A_400 : vector<16xi1>, vector<16xi32>
        %select_n3A_408 = arith.select %le3A_405, %select_n3A_399, %select_n3A_397 : vector<16xi1>, vector<16xf32>
        %select_n3A_409 = arith.select %le3A_405, %select_n3A_400, %select_n3A_398 : vector<16xi1>, vector<16xi32>
        %masked_sort3A_410 = arith.constant dense<true> : vector<16xi1>
        %masked_sort3A_411, %masked_sort3A_412, %masked_sort3A_413 = tpu.sort %select_n3A_406, %select_n3A_407 masked %masked_sort3A_410 : (vector<16xf32>, vector<16xi32>, vector<16xi1>) -> (vector<16xi1>, vector<16xf32>, vector<16xi32>)
        %masked_sort3A_414 = arith.constant dense<true> : vector<16xi1>
        %masked_sort3A_415, %masked_sort3A_416, %masked_sort3A_417 = tpu.sort %select_n3A_408, %select_n3A_409 masked %masked_sort3A_414 : (vector<16xf32>, vector<16xi32>, vector<16xi1>) -> (vector<16xi1>, vector<16xf32>, vector<16xi32>)
        %le3A_418 = arith.cmpf ole, %select_n3A_401, %select_n3A_403 : vector<16xf32>
        %select_n3A_419 = arith.select %le3A_418, %select_n3A_401, %select_n3A_403 : vector<16xi1>, vector<16xf32>
        %select_n3A_420 = arith.select %le3A_418, %select_n3A_402, %select_n3A_404 : vector<16xi1>, vector<16xi32>
        %select_n3A_421 = arith.select %le3A_418, %select_n3A_403, %select_n3A_401 : vector<16xi1>, vector<16xf32>
        %select_n3A_422 = arith.select %le3A_418, %select_n3A_404, %select_n3A_402 : vector<16xi1>, vector<16xi32>
        %masked_sort3A_423 = arith.constant dense<true> : vector<16xi1>
        %masked_sort3A_424, %masked_sort3A_425, %masked_sort3A_426 = tpu.sort %select_n3A_419, %select_n3A_420 masked %masked_sort3A_423 : (vector<16xf32>, vector<16xi32>, vector<16xi1>) -> (vector<16xi1>, vector<16xf32>, vector<16xi32>)
        %masked_sort3A_427 = arith.constant dense<true> : vector<16xi1>
        %masked_sort3A_428, %masked_sort3A_429, %masked_sort3A_430 = tpu.sort %select_n3A_421, %select_n3A_422 masked %masked_sort3A_427 : (vector<16xf32>, vector<16xi32>, vector<16xi1>) -> (vector<16xi1>, vector<16xf32>, vector<16xi32>)
        %add3A_431 = arith.constant 0 : i32
        %add3A_432 = vector.broadcast %add3A_431 : i32 to vector<16xi32>
        %add3A_433 = arith.addi %iota3A, %add3A_432 : vector<16xi32>
        %lt3A_434 = vector.broadcast %max3A_295 : i32 to vector<16xi32>
        %lt3A_435 = arith.cmpi slt, %add3A_433, %lt3A_434 : vector<16xi32>
        %add3A_436 = vector.broadcast %select_n3A_244 : i32 to vector<16xi32>
        %add3A_437 = arith.addi %add3A_436, %add3A_433 : vector<16xi32>
        tpu.vector_store_idx %arg15[%add3A_437], %masked_sort3A_412 masked %lt3A_435 : memref<64xf32, #tpu.memory_space<vmem>>[vector<16xi32>], vector<16xf32>, vector<16xi1>
        %add3A_438 = vector.broadcast %scan3A_234 : i32 to vector<16xi32>
        %add3A_439 = arith.addi %broadcast_in_dim3A_7, %add3A_438 : vector<16xi32>
        tpu.vector_store_idx %arg16[%add3A_437], %add3A_439 masked %lt3A_435 : memref<64xi32, #tpu.memory_space<vmem>>[vector<16xi32>], vector<16xi32>, vector<16xi1>
        %add3A_440 = vector.broadcast %scan3A_234 : i32 to vector<16xi32>
        %add3A_441 = arith.addi %broadcast_in_dim3A_7, %add3A_440 : vector<16xi32>
        %gather3A = tpu.vector_load_idx %arg13[%add3A_441, %masked_sort3A_413] masked %lt3A_435 : memref<63x64xf32, #tpu.memory_space<vmem>>[vector<16xi32>, vector<16xi32>], vector<16xf32>, vector<16xi1>
        tpu.vector_store_idx %arg17[%add3A_437], %gather3A masked %lt3A_435 : memref<64xf32, #tpu.memory_space<vmem>>[vector<16xi32>], vector<16xf32>, vector<16xi1>
        %add3A_442 = arith.constant 16 : i32
        %add3A_443 = vector.broadcast %add3A_442 : i32 to vector<16xi32>
        %add3A_444 = arith.addi %iota3A, %add3A_443 : vector<16xi32>
        %lt3A_445 = vector.broadcast %max3A_295 : i32 to vector<16xi32>
        %lt3A_446 = arith.cmpi slt, %add3A_444, %lt3A_445 : vector<16xi32>
        %add3A_447 = vector.broadcast %select_n3A_244 : i32 to vector<16xi32>
        %add3A_448 = arith.addi %add3A_447, %add3A_444 : vector<16xi32>
        tpu.vector_store_idx %arg15[%add3A_448], %masked_sort3A_416 masked %lt3A_446 : memref<64xf32, #tpu.memory_space<vmem>>[vector<16xi32>], vector<16xf32>, vector<16xi1>
        %add3A_449 = vector.broadcast %scan3A_234 : i32 to vector<16xi32>
        %add3A_450 = arith.addi %broadcast_in_dim3A_7, %add3A_449 : vector<16xi32>
        tpu.vector_store_idx %arg16[%add3A_448], %add3A_450 masked %lt3A_446 : memref<64xi32, #tpu.memory_space<vmem>>[vector<16xi32>], vector<16xi32>, vector<16xi1>
        %add3A_451 = vector.broadcast %scan3A_234 : i32 to vector<16xi32>
        %add3A_452 = arith.addi %broadcast_in_dim3A_7, %add3A_451 : vector<16xi32>
        %gather3A_453 = tpu.vector_load_idx %arg13[%add3A_452, %masked_sort3A_417] masked %lt3A_446 : memref<63x64xf32, #tpu.memory_space<vmem>>[vector<16xi32>, vector<16xi32>], vector<16xf32>, vector<16xi1>
        tpu.vector_store_idx %arg17[%add3A_448], %gather3A_453 masked %lt3A_446 : memref<64xf32, #tpu.memory_space<vmem>>[vector<16xi32>], vector<16xf32>, vector<16xi1>
        %add3A_454 = arith.constant 32 : i32
        %add3A_455 = vector.broadcast %add3A_454 : i32 to vector<16xi32>
        %add3A_456 = arith.addi %iota3A, %add3A_455 : vector<16xi32>
        %lt3A_457 = vector.broadcast %max3A_295 : i32 to vector<16xi32>
        %lt3A_458 = arith.cmpi slt, %add3A_456, %lt3A_457 : vector<16xi32>
        %add3A_459 = vector.broadcast %select_n3A_244 : i32 to vector<16xi32>
        %add3A_460 = arith.addi %add3A_459, %add3A_456 : vector<16xi32>
        tpu.vector_store_idx %arg15[%add3A_460], %masked_sort3A_425 masked %lt3A_458 : memref<64xf32, #tpu.memory_space<vmem>>[vector<16xi32>], vector<16xf32>, vector<16xi1>
        %add3A_461 = vector.broadcast %scan3A_234 : i32 to vector<16xi32>
        %add3A_462 = arith.addi %broadcast_in_dim3A_7, %add3A_461 : vector<16xi32>
        tpu.vector_store_idx %arg16[%add3A_460], %add3A_462 masked %lt3A_458 : memref<64xi32, #tpu.memory_space<vmem>>[vector<16xi32>], vector<16xi32>, vector<16xi1>
        %add3A_463 = vector.broadcast %scan3A_234 : i32 to vector<16xi32>
        %add3A_464 = arith.addi %broadcast_in_dim3A_7, %add3A_463 : vector<16xi32>
        %gather3A_465 = tpu.vector_load_idx %arg13[%add3A_464, %masked_sort3A_426] masked %lt3A_458 : memref<63x64xf32, #tpu.memory_space<vmem>>[vector<16xi32>, vector<16xi32>], vector<16xf32>, vector<16xi1>
        tpu.vector_store_idx %arg17[%add3A_460], %gather3A_465 masked %lt3A_458 : memref<64xf32, #tpu.memory_space<vmem>>[vector<16xi32>], vector<16xf32>, vector<16xi1>
        %add3A_466 = arith.constant 48 : i32
        %add3A_467 = vector.broadcast %add3A_466 : i32 to vector<16xi32>
        %add3A_468 = arith.addi %iota3A, %add3A_467 : vector<16xi32>
        %lt3A_469 = vector.broadcast %max3A_295 : i32 to vector<16xi32>
        %lt3A_470 = arith.cmpi slt, %add3A_468, %lt3A_469 : vector<16xi32>
        %add3A_471 = vector.broadcast %select_n3A_244 : i32 to vector<16xi32>
        %add3A_472 = arith.addi %add3A_471, %add3A_468 : vector<16xi32>
        tpu.vector_store_idx %arg15[%add3A_472], %masked_sort3A_429 masked %lt3A_470 : memref<64xf32, #tpu.memory_space<vmem>>[vector<16xi32>], vector<16xf32>, vector<16xi1>
        %add3A_473 = vector.broadcast %scan3A_234 : i32 to vector<16xi32>
        %add3A_474 = arith.addi %broadcast_in_dim3A_7, %add3A_473 : vector<16xi32>
        tpu.vector_store_idx %arg16[%add3A_472], %add3A_474 masked %lt3A_470 : memref<64xi32, #tpu.memory_space<vmem>>[vector<16xi32>], vector<16xi32>, vector<16xi1>
        %add3A_475 = vector.broadcast %scan3A_234 : i32 to vector<16xi32>
        %add3A_476 = arith.addi %broadcast_in_dim3A_7, %add3A_475 : vector<16xi32>
        %gather3A_477 = tpu.vector_load_idx %arg13[%add3A_476, %masked_sort3A_430] masked %lt3A_470 : memref<63x64xf32, #tpu.memory_space<vmem>>[vector<16xi32>, vector<16xi32>], vector<16xf32>, vector<16xi1>
        tpu.vector_store_idx %arg17[%add3A_472], %gather3A_477 masked %lt3A_470 : memref<64xf32, #tpu.memory_space<vmem>>[vector<16xi32>], vector<16xf32>, vector<16xi1>
      } else {
      }
      %add3A_304 = arith.addi %select_n3A_244, %max3A_295 : i32
      %select_n3A_305 = arith.select %and3A_300, %add3A_304, %select_n3A_244 : i32
      scf.yield %select_n3A_305 : i32
    }
    %scan3A_213 = arith.constant 63 : i32
    %lt3A_214 = arith.constant 64 : i32
    %lt3A_215 = arith.cmpi slt, %scan3A_212, %lt3A_214 : i32
    %convert_element_type3A_216 = arith.extui %lt3A_215 : i1 to i32
    %cond3A_217 = arith.constant 0 : i32
    %cond3A_218 = arith.cmpi ne, %convert_element_type3A_216, %cond3A_217 : i32
    scf.if %cond3A_218 {
      %sub3A = arith.constant 1 : i32
      %sub3A_234 = arith.subi %squeeze3A_182, %sub3A : i32
      %add3A_235 = vector.broadcast %sub3A_234 : i32 to vector<16xi32>
      %add3A_236 = arith.addi %broadcast_in_dim3A_7, %add3A_235 : vector<16xi32>
      %gather3A = tpu.vector_load_idx %arg10[%add3A_236] : memref<64xf32, #tpu.memory_space<vmem>>[vector<16xi32>], vector<16xf32>,
      %add3A_237 = vector.broadcast %scan3A_212 : i32 to vector<16xi32>
      %add3A_238 = arith.addi %broadcast_in_dim3A_7, %add3A_237 : vector<16xi32>
      tpu.vector_store_idx %arg15[%add3A_238], %gather3A masked %eq3A_2 : memref<64xf32, #tpu.memory_space<vmem>>[vector<16xi32>], vector<16xf32>, vector<16xi1>
      %add3A_239 = vector.broadcast %scan3A_212 : i32 to vector<16xi32>
      %add3A_240 = arith.addi %broadcast_in_dim3A_7, %add3A_239 : vector<16xi32>
      %sub3A_241 = arith.constant 1 : i32
      %sub3A_242 = arith.subi %squeeze3A_182, %sub3A_241 : i32
      %add3A_243 = vector.broadcast %sub3A_242 : i32 to vector<16xi32>
      %add3A_244 = arith.addi %broadcast_in_dim3A_7, %add3A_243 : vector<16xi32>
      tpu.vector_store_idx %arg16[%add3A_240], %add3A_244 masked %eq3A_2 : memref<64xi32, #tpu.memory_space<vmem>>[vector<16xi32>], vector<16xi32>, vector<16xi1>
    } else {
    }
    %add3A_219 = arith.constant 1 : i32
    %add3A_220 = arith.addi %scan3A_212, %add3A_219 : i32
    %select_n3A_221 = arith.select %lt3A_215, %add3A_220, %scan3A_212 : i32
    %jit3A_222 = arith.constant 0 : i32
    %broadcast_in_dim3A_223 = vector.broadcast %select_n3A_221 : i32 to vector<16xi32>
    %broadcast_in_dim3A_224 = vector.broadcast %jit3A_222 : i32 to vector<16xi32>
    %select_n3A_225 = arith.select %eq3A_2, %broadcast_in_dim3A_223, %broadcast_in_dim3A_224 : vector<16xi1>, vector<16xi32>
    %swap3A_226 = arith.constant 0 : index
    %swap3A_227 = tpu.vector_load %arg19[%swap3A_226] {strides = array<i32>} : memref<16xi32, #tpu.memory_space<vmem>>, vector<16xi32>,
    tpu.vector_store %arg19[%swap3A_226], %select_n3A_225 {strides = array<i32>} : memref<16xi32, #tpu.memory_space<vmem>>, vector<16xi32>,
    %scan3A_228 = arith.constant 0 : i32
    %scan3A_229 = arith.constant 0 : i32
    %scan3A_230 = arith.constant 64 : i32
    %scan3A_231 = arith.addi %scan3A_229, %scan3A_230 : i32
    %scan3A_232 = arith.constant 1 : i32
    scf.for %scan3A_234 = %scan3A_229 to %scan3A_231 step %scan3A_232  : i32 {
      %add3A_235 = vector.broadcast %scan3A_234 : i32 to vector<16xi32>
      %add3A_236 = arith.addi %broadcast_in_dim3A_7, %add3A_235 : vector<16xi32>
      %gather3A = tpu.vector_load_idx %arg16[%add3A_236] : memref<64xi32, #tpu.memory_space<vmem>>[vector<16xi32>], vector<16xi32>,
      %slice3A_237 = vector.extract_strided_slice %gather3A {offsets = [0], sizes = [1], strides = [1]} : vector<16xi32> to vector<1xi32>
      %squeeze3A_238 = vector.extract %slice3A_237[0] : i32 from vector<1xi32>
      %add3A_239 = vector.broadcast %scan3A_234 : i32 to vector<16xi32>
      %add3A_240 = arith.addi %broadcast_in_dim3A_7, %add3A_239 : vector<16xi32>
      %gather3A_241 = tpu.vector_load_idx %arg17[%add3A_240] : memref<64xf32, #tpu.memory_space<vmem>>[vector<16xi32>], vector<16xf32>,
      %add3A_242 = arith.constant 1 : i32
      %add3A_243 = arith.addi %squeeze3A_238, %add3A_242 : i32
      %min3A = arith.constant 63 : i32
      %min3A_244 = arith.minsi %add3A_243, %min3A : i32
      %lt3A_245 = arith.cmpi slt, %scan3A_234, %select_n3A_221 : i32
      %convert_element_type3A_246 = arith.extui %lt3A_245 : i1 to i32
      %convert_element_type3A_247 = arith.sitofp %convert_element_type3A_246 : i32 to f32
      %get3A_248 = arith.index_cast %squeeze3A_238 : i32 to index
      %get3A_249 = arith.constant 0 : index
      %get3A_250 = tpu.vector_load %arg14[%get3A_248, %get3A_249] {strides = array<i32>} : memref<64x64xf32, #tpu.memory_space<vmem>>, vector<16xf32>,
      %get3A_251 = arith.index_cast %min3A_244 : i32 to index
      %get3A_252 = arith.constant 0 : index
      %get3A_253 = tpu.vector_load %arg14[%get3A_251, %get3A_252] {strides = array<i32>} : memref<64x64xf32, #tpu.memory_space<vmem>>, vector<16xf32>,
      %sub3A = arith.subf %get3A_253, %get3A_250 : vector<16xf32>
      %mul3A_254 = arith.mulf %gather3A_241, %sub3A : vector<16xf32>
      %add3A_255 = arith.addf %get3A_250, %mul3A_254 : vector<16xf32>
      %max3A = arith.constant 0.000000e+00 : f32
      %max3A_256 = vector.broadcast %max3A : f32 to vector<16xf32>
      %max3A_257 = arith.maximumf %add3A_255, %max3A_256 : vector<16xf32>
      %mul3A_258 = vector.broadcast %convert_element_type3A_247 : f32 to vector<16xf32>
      %mul3A_259 = arith.mulf %max3A_257, %mul3A_258 : vector<16xf32>
      %swap3A_260 = arith.index_cast %scan3A_234 : i32 to index
      %swap3A_261 = arith.constant 0 : index
      %swap3A_262 = tpu.vector_load %arg18[%swap3A_260, %swap3A_261] {strides = array<i32>} : memref<64x64xf32, #tpu.memory_space<vmem>>, vector<16xf32>,
      tpu.vector_store %arg18[%swap3A_260, %swap3A_261], %mul3A_259 {strides = array<i32>} : memref<64x64xf32, #tpu.memory_space<vmem>>, vector<16xf32>,
      %get3A_263 = arith.index_cast %squeeze3A_238 : i32 to index
      %get3A_264 = arith.constant 16 : index
      %get3A_265 = tpu.vector_load %arg14[%get3A_263, %get3A_264] {strides = array<i32>} : memref<64x64xf32, #tpu.memory_space<vmem>>, vector<16xf32>,
      %get3A_266 = arith.index_cast %min3A_244 : i32 to index
      %get3A_267 = arith.constant 16 : index
      %get3A_268 = tpu.vector_load %arg14[%get3A_266, %get3A_267] {strides = array<i32>} : memref<64x64xf32, #tpu.memory_space<vmem>>, vector<16xf32>,
      %sub3A_269 = arith.subf %get3A_268, %get3A_265 : vector<16xf32>
      %mul3A_270 = arith.mulf %gather3A_241, %sub3A_269 : vector<16xf32>
      %add3A_271 = arith.addf %get3A_265, %mul3A_270 : vector<16xf32>
      %max3A_272 = arith.constant 0.000000e+00 : f32
      %max3A_273 = vector.broadcast %max3A_272 : f32 to vector<16xf32>
      %max3A_274 = arith.maximumf %add3A_271, %max3A_273 : vector<16xf32>
      %mul3A_275 = vector.broadcast %convert_element_type3A_247 : f32 to vector<16xf32>
      %mul3A_276 = arith.mulf %max3A_274, %mul3A_275 : vector<16xf32>
      %swap3A_277 = arith.index_cast %scan3A_234 : i32 to index
      %swap3A_278 = arith.constant 16 : index
      %swap3A_279 = tpu.vector_load %arg18[%swap3A_277, %swap3A_278] {strides = array<i32>} : memref<64x64xf32, #tpu.memory_space<vmem>>, vector<16xf32>,
      tpu.vector_store %arg18[%swap3A_277, %swap3A_278], %mul3A_276 {strides = array<i32>} : memref<64x64xf32, #tpu.memory_space<vmem>>, vector<16xf32>,
      %get3A_280 = arith.index_cast %squeeze3A_238 : i32 to index
      %get3A_281 = arith.constant 32 : index
      %get3A_282 = tpu.vector_load %arg14[%get3A_280, %get3A_281] {strides = array<i32>} : memref<64x64xf32, #tpu.memory_space<vmem>>, vector<16xf32>,
      %get3A_283 = arith.index_cast %min3A_244 : i32 to index
      %get3A_284 = arith.constant 32 : index
      %get3A_285 = tpu.vector_load %arg14[%get3A_283, %get3A_284] {strides = array<i32>} : memref<64x64xf32, #tpu.memory_space<vmem>>, vector<16xf32>,
      %sub3A_286 = arith.subf %get3A_285, %get3A_282 : vector<16xf32>
      %mul3A_287 = arith.mulf %gather3A_241, %sub3A_286 : vector<16xf32>
      %add3A_288 = arith.addf %get3A_282, %mul3A_287 : vector<16xf32>
      %max3A_289 = arith.constant 0.000000e+00 : f32
      %max3A_290 = vector.broadcast %max3A_289 : f32 to vector<16xf32>
      %max3A_291 = arith.maximumf %add3A_288, %max3A_290 : vector<16xf32>
      %mul3A_292 = vector.broadcast %convert_element_type3A_247 : f32 to vector<16xf32>
      %mul3A_293 = arith.mulf %max3A_291, %mul3A_292 : vector<16xf32>
      %swap3A_294 = arith.index_cast %scan3A_234 : i32 to index
      %swap3A_295 = arith.constant 32 : index
      %swap3A_296 = tpu.vector_load %arg18[%swap3A_294, %swap3A_295] {strides = array<i32>} : memref<64x64xf32, #tpu.memory_space<vmem>>, vector<16xf32>,
      tpu.vector_store %arg18[%swap3A_294, %swap3A_295], %mul3A_293 {strides = array<i32>} : memref<64x64xf32, #tpu.memory_space<vmem>>, vector<16xf32>,
      %get3A_297 = arith.index_cast %squeeze3A_238 : i32 to index
      %get3A_298 = arith.constant 48 : index
      %get3A_299 = tpu.vector_load %arg14[%get3A_297, %get3A_298] {strides = array<i32>} : memref<64x64xf32, #tpu.memory_space<vmem>>, vector<16xf32>,
      %get3A_300 = arith.index_cast %min3A_244 : i32 to index
      %get3A_301 = arith.constant 48 : index
      %get3A_302 = tpu.vector_load %arg14[%get3A_300, %get3A_301] {strides = array<i32>} : memref<64x64xf32, #tpu.memory_space<vmem>>, vector<16xf32>,
      %sub3A_303 = arith.subf %get3A_302, %get3A_299 : vector<16xf32>
      %mul3A_304 = arith.mulf %gather3A_241, %sub3A_303 : vector<16xf32>
      %add3A_305 = arith.addf %get3A_299, %mul3A_304 : vector<16xf32>
      %max3A_306 = arith.constant 0.000000e+00 : f32
      %max3A_307 = vector.broadcast %max3A_306 : f32 to vector<16xf32>
      %max3A_308 = arith.maximumf %add3A_305, %max3A_307 : vector<16xf32>
      %mul3A_309 = vector.broadcast %convert_element_type3A_247 : f32 to vector<16xf32>
      %mul3A_310 = arith.mulf %max3A_308, %mul3A_309 : vector<16xf32>
      %swap3A_311 = arith.index_cast %scan3A_234 : i32 to index
      %swap3A_312 = arith.constant 48 : index
      %swap3A_313 = tpu.vector_load %arg18[%swap3A_311, %swap3A_312] {strides = array<i32>} : memref<64x64xf32, #tpu.memory_space<vmem>>, vector<16xf32>,
      tpu.vector_store %arg18[%swap3A_311, %swap3A_312], %mul3A_310 {strides = array<i32>} : memref<64x64xf32, #tpu.memory_space<vmem>>, vector<16xf32>,
    }
    %scan3A_233 = arith.constant 64 : i32
    "tpu.region"() ({
      %run_scoped3A = tpu.sem_alloc : memref<!tpu.dma_semaphore, #tpu.memory_space<semaphore_mem>>
      %dma_start3A = arith.constant 0 : i32
      %dma_start3A_234 = tpu.memref_slice %arg7[%add3A_178, %dma_start3A] : memref<128x64xf32, #tpu.memory_space<hbm>> -> memref<1x64xf32, #tpu.memory_space<hbm>>
      %dma_start3A_235 = tpu.memref_squeeze %dma_start3A_234 : memref<1x64xf32, #tpu.memory_space<hbm>> -> memref<64xf32, #tpu.memory_space<hbm>>
      %dma_start3A_236 = arith.constant 0 : i32
      %dma_start3A_237 = tpu.memref_slice %arg7[%add3A_178, %dma_start3A_236] : memref<128x64xf32, #tpu.memory_space<hbm>> -> memref<1x64xf32, #tpu.memory_space<hbm>>
      %dma_start3A_238 = tpu.memref_squeeze %dma_start3A_237 : memref<1x64xf32, #tpu.memory_space<hbm>> -> memref<64xf32, #tpu.memory_space<hbm>>
      tpu.enqueue_dma source(%arg15 : memref<64xf32, #tpu.memory_space<vmem>>) target(%dma_start3A_238 : memref<64xf32, #tpu.memory_space<hbm>>) target_semaphore(%run_scoped3A : memref<!tpu.dma_semaphore, #tpu.memory_space<semaphore_mem>>)
      %dma_wait3A = arith.constant 0 : i32
      %dma_wait3A_239 = tpu.memref_slice %arg7[%add3A_178, %dma_wait3A] : memref<128x64xf32, #tpu.memory_space<hbm>> -> memref<1x64xf32, #tpu.memory_space<hbm>>
      %dma_wait3A_240 = tpu.memref_squeeze %dma_wait3A_239 : memref<1x64xf32, #tpu.memory_space<hbm>> -> memref<64xf32, #tpu.memory_space<hbm>>
      %dma_wait3A_241 = arith.constant 0 : i32
      %dma_wait3A_242 = tpu.memref_slice %arg7[%add3A_178, %dma_wait3A_241] : memref<128x64xf32, #tpu.memory_space<hbm>> -> memref<1x64xf32, #tpu.memory_space<hbm>>
      %dma_wait3A_243 = tpu.memref_squeeze %dma_wait3A_242 : memref<1x64xf32, #tpu.memory_space<hbm>> -> memref<64xf32, #tpu.memory_space<hbm>>
      tpu.wait_dma2 semaphore(%run_scoped3A : memref<!tpu.dma_semaphore, #tpu.memory_space<semaphore_mem>>) src(%arg15 : memref<64xf32, #tpu.memory_space<vmem>>) dst(%dma_wait3A_243 : memref<64xf32, #tpu.memory_space<hbm>>)
      tpu.yield
    }) : () -> ()
    "tpu.region"() ({
      %run_scoped3A = tpu.sem_alloc : memref<!tpu.dma_semaphore, #tpu.memory_space<semaphore_mem>>
      %dma_start3A = arith.constant 0 : i32
      %dma_start3A_234 = tpu.memref_slice %arg8[%add3A_178, %dma_start3A] : memref<128x16xi32, #tpu.memory_space<hbm>> -> memref<1x16xi32, #tpu.memory_space<hbm>>
      %dma_start3A_235 = tpu.memref_squeeze %dma_start3A_234 : memref<1x16xi32, #tpu.memory_space<hbm>> -> memref<16xi32, #tpu.memory_space<hbm>>
      %dma_start3A_236 = arith.constant 0 : i32
      %dma_start3A_237 = tpu.memref_slice %arg8[%add3A_178, %dma_start3A_236] : memref<128x16xi32, #tpu.memory_space<hbm>> -> memref<1x16xi32, #tpu.memory_space<hbm>>
      %dma_start3A_238 = tpu.memref_squeeze %dma_start3A_237 : memref<1x16xi32, #tpu.memory_space<hbm>> -> memref<16xi32, #tpu.memory_space<hbm>>
      tpu.enqueue_dma source(%arg19 : memref<16xi32, #tpu.memory_space<vmem>>) target(%dma_start3A_238 : memref<16xi32, #tpu.memory_space<hbm>>) target_semaphore(%run_scoped3A : memref<!tpu.dma_semaphore, #tpu.memory_space<semaphore_mem>>)
      %dma_wait3A = arith.constant 0 : i32
      %dma_wait3A_239 = tpu.memref_slice %arg8[%add3A_178, %dma_wait3A] : memref<128x16xi32, #tpu.memory_space<hbm>> -> memref<1x16xi32, #tpu.memory_space<hbm>>
      %dma_wait3A_240 = tpu.memref_squeeze %dma_wait3A_239 : memref<1x16xi32, #tpu.memory_space<hbm>> -> memref<16xi32, #tpu.memory_space<hbm>>
      %dma_wait3A_241 = arith.constant 0 : i32
      %dma_wait3A_242 = tpu.memref_slice %arg8[%add3A_178, %dma_wait3A_241] : memref<128x16xi32, #tpu.memory_space<hbm>> -> memref<1x16xi32, #tpu.memory_space<hbm>>
      %dma_wait3A_243 = tpu.memref_squeeze %dma_wait3A_242 : memref<1x16xi32, #tpu.memory_space<hbm>> -> memref<16xi32, #tpu.memory_space<hbm>>
      tpu.wait_dma2 semaphore(%run_scoped3A : memref<!tpu.dma_semaphore, #tpu.memory_space<semaphore_mem>>) src(%arg19 : memref<16xi32, #tpu.memory_space<vmem>>) dst(%dma_wait3A_243 : memref<16xi32, #tpu.memory_space<hbm>>)
      tpu.yield
    }) : () -> ()
    "tpu.region"() ({
      %run_scoped3A = tpu.sem_alloc : memref<!tpu.dma_semaphore, #tpu.memory_space<semaphore_mem>>
      %dma_start3A = arith.constant 0 : i32
      %dma_start3A_234 = arith.constant 0 : i32
      %dma_start3A_235 = tpu.memref_slice %arg9[%add3A_178, %dma_start3A, %dma_start3A_234] : memref<128x64x64xf32, #tpu.memory_space<hbm>> -> memref<1x64x64xf32, #tpu.memory_space<hbm>>
      %dma_start3A_236 = tpu.memref_squeeze %dma_start3A_235 : memref<1x64x64xf32, #tpu.memory_space<hbm>> -> memref<64x64xf32, #tpu.memory_space<hbm>>
      %dma_start3A_237 = arith.constant 0 : i32
      %dma_start3A_238 = arith.constant 0 : i32
      %dma_start3A_239 = tpu.memref_slice %arg9[%add3A_178, %dma_start3A_237, %dma_start3A_238] : memref<128x64x64xf32, #tpu.memory_space<hbm>> -> memref<1x64x64xf32, #tpu.memory_space<hbm>>
      %dma_start3A_240 = tpu.memref_squeeze %dma_start3A_239 : memref<1x64x64xf32, #tpu.memory_space<hbm>> -> memref<64x64xf32, #tpu.memory_space<hbm>>
      tpu.enqueue_dma source(%arg18 : memref<64x64xf32, #tpu.memory_space<vmem>>) target(%dma_start3A_240 : memref<64x64xf32, #tpu.memory_space<hbm>>) target_semaphore(%run_scoped3A : memref<!tpu.dma_semaphore, #tpu.memory_space<semaphore_mem>>)
      %dma_wait3A = arith.constant 0 : i32
      %dma_wait3A_241 = arith.constant 0 : i32
      %dma_wait3A_242 = tpu.memref_slice %arg9[%add3A_178, %dma_wait3A, %dma_wait3A_241] : memref<128x64x64xf32, #tpu.memory_space<hbm>> -> memref<1x64x64xf32, #tpu.memory_space<hbm>>
      %dma_wait3A_243 = tpu.memref_squeeze %dma_wait3A_242 : memref<1x64x64xf32, #tpu.memory_space<hbm>> -> memref<64x64xf32, #tpu.memory_space<hbm>>
      %dma_wait3A_244 = arith.constant 0 : i32
      %dma_wait3A_245 = arith.constant 0 : i32
      %dma_wait3A_246 = tpu.memref_slice %arg9[%add3A_178, %dma_wait3A_244, %dma_wait3A_245] : memref<128x64x64xf32, #tpu.memory_space<hbm>> -> memref<1x64x64xf32, #tpu.memory_space<hbm>>
      %dma_wait3A_247 = tpu.memref_squeeze %dma_wait3A_246 : memref<1x64x64xf32, #tpu.memory_space<hbm>> -> memref<64x64xf32, #tpu.memory_space<hbm>>
      tpu.wait_dma2 semaphore(%run_scoped3A : memref<!tpu.dma_semaphore, #tpu.memory_space<semaphore_mem>>) src(%arg18 : memref<64x64xf32, #tpu.memory_space<vmem>>) dst(%dma_wait3A_247 : memref<64x64xf32, #tpu.memory_space<hbm>>)
      tpu.yield
    }) : () -> ()
    return
  }
}

module attributes {stable_mosaic.version = 14 : i64} {
  func.func @_tc_a_body(%arg0: memref<128x64xf32, #tpu.memory_space<vmem>>, %arg1: memref<128x64xf32, #tpu.memory_space<vmem>>, %arg2: memref<64x64xf32, #tpu.memory_space<vmem>>, %arg3: memref<1x64xf32, #tpu.memory_space<vmem>>, %arg4: memref<128x64xf32, #tpu.memory_space<vmem>>, %arg5: memref<128x64xf32, #tpu.memory_space<vmem>>, %arg6: memref<128x64xf32, #tpu.memory_space<vmem>>) attributes {dimension_semantics = [], scalar_prefetch = 0 : i64, scratch_operands = 0 : i64, tpu.core_type = #tpu.core_type<tc>} {
    %get3A = arith.constant 0 : index
    %get3A_0 = arith.constant 0 : index
    %get3A_1 = vector.load %arg0[%get3A, %get3A_0] : memref<128x64xf32, #tpu.memory_space<vmem>>, vector<128x64xf32>
    %get3A_2 = arith.constant 0 : index
    %get3A_3 = arith.constant 0 : index
    %get3A_4 = vector.load %arg1[%get3A_2, %get3A_3] : memref<128x64xf32, #tpu.memory_space<vmem>>, vector<128x64xf32>
    %sub3A = arith.subf %get3A_1, %get3A_4 : vector<128x64xf32>
    %get3A_5 = arith.constant 0 : index
    %get3A_6 = arith.constant 0 : index
    %get3A_7 = vector.load %arg2[%get3A_5, %get3A_6] : memref<64x64xf32, #tpu.memory_space<vmem>>, vector<64x64xf32>
    %dot_general3A = arith.constant dense<0.000000e+00> : vector<128x64xf32>
    %dot_general3A_8 = tpu.matmul %sub3A, %get3A_7, %dot_general3A {dimension_numbers = #tpu.dot_dimension_numbers<[1], [0], [0], [1], [0, 0, 1, 1], [], []>, transpose_lhs_hint = false} : vector<128x64xf32>, vector<64x64xf32>, vector<128x64xf32> -> vector<128x64xf32>
    %get3A_9 = arith.constant 0 : index
    %get3A_10 = arith.constant 0 : index
    %get3A_11 = vector.load %arg1[%get3A_9, %get3A_10] : memref<128x64xf32, #tpu.memory_space<vmem>>, vector<128x64xf32>
    %dot_general3A_12 = arith.constant dense<0.000000e+00> : vector<128x64xf32>
    %dot_general3A_13 = tpu.matmul %get3A_11, %get3A_7, %dot_general3A_12 {dimension_numbers = #tpu.dot_dimension_numbers<[1], [0], [0], [1], [0, 0, 1, 1], [], []>, transpose_lhs_hint = false} : vector<128x64xf32>, vector<64x64xf32>, vector<128x64xf32> -> vector<128x64xf32>
    %get3A_14 = arith.constant 0 : index
    %get3A_15 = arith.constant 0 : index
    %get3A_16 = vector.load %arg3[%get3A_14, %get3A_15] : memref<1x64xf32, #tpu.memory_space<vmem>>, vector<1x64xf32>
    %add3A = vector.broadcast %get3A_16 : vector<1x64xf32> to vector<128x64xf32>
    %add3A_17 = arith.addf %dot_general3A_13, %add3A : vector<128x64xf32>
    %add3A_18 = arith.addf %dot_general3A_8, %add3A_17 : vector<128x64xf32>
    %sub3A_19 = arith.subf %add3A_18, %add3A_17 : vector<128x64xf32>
    %abs3A = math.absf %sub3A_19 : vector<128x64xf32>
    %gt3A = arith.constant 9.99999997E-7 : f32
    %gt3A_20 = vector.broadcast %gt3A : f32 to vector<128x64xf32>
    %gt3A_21 = arith.cmpf ogt, %abs3A, %gt3A_20 : vector<128x64xf32>
    %broadcast_in_dim3A = arith.constant 1.000000e+00 : f32
    %broadcast_in_dim3A_22 = vector.broadcast %broadcast_in_dim3A : f32 to vector<128x64xf32>
    %select_n3A = arith.select %gt3A_21, %sub3A_19, %broadcast_in_dim3A_22 : vector<128x64xi1>, vector<128x64xf32>
    %neg3A = arith.constant 0.000000e+00 : f32
    %neg3A_23 = vector.broadcast %neg3A : f32 to vector<128x64xf32>
    %neg3A_24 = arith.subf %neg3A_23, %add3A_17 : vector<128x64xf32>
    %div3A = arith.divf %neg3A_24, %select_n3A : vector<128x64xf32>
    %gt3A_25 = arith.constant 9.99999997E-7 : f32
    %gt3A_26 = vector.broadcast %gt3A_25 : f32 to vector<128x64xf32>
    %gt3A_27 = arith.cmpf ogt, %div3A, %gt3A_26 : vector<128x64xf32>
    %and3A = arith.andi %gt3A_21, %gt3A_27 : vector<128x64xi1>
    %lt3A = arith.constant 0.999998986 : f32
    %lt3A_28 = vector.broadcast %lt3A : f32 to vector<128x64xf32>
    %lt3A_29 = arith.cmpf olt, %div3A, %lt3A_28 : vector<128x64xf32>
    %and3A_30 = arith.andi %and3A, %lt3A_29 : vector<128x64xi1>
    %swap3A = arith.constant 0 : index
    %swap3A_31 = arith.constant 0 : index
    %swap3A_32 = vector.load %arg4[%swap3A, %swap3A_31] : memref<128x64xf32, #tpu.memory_space<vmem>>, vector<128x64xf32>
    tpu.vector_store %arg4[%swap3A, %swap3A_31], %dot_general3A_8 {strides = array<i32>} : memref<128x64xf32, #tpu.memory_space<vmem>>, vector<128x64xf32>,
    %swap3A_33 = arith.constant 0 : index
    %swap3A_34 = arith.constant 0 : index
    %swap3A_35 = vector.load %arg5[%swap3A_33, %swap3A_34] : memref<128x64xf32, #tpu.memory_space<vmem>>, vector<128x64xf32>
    tpu.vector_store %arg5[%swap3A_33, %swap3A_34], %add3A_17 {strides = array<i32>} : memref<128x64xf32, #tpu.memory_space<vmem>>, vector<128x64xf32>,
    %broadcast_in_dim3A_36 = arith.constant 2.000000e+00 : f32
    %broadcast_in_dim3A_37 = vector.broadcast %broadcast_in_dim3A_36 : f32 to vector<128x64xf32>
    %select_n3A_38 = arith.select %and3A_30, %div3A, %broadcast_in_dim3A_37 : vector<128x64xi1>, vector<128x64xf32>
    %swap3A_39 = arith.constant 0 : index
    %swap3A_40 = arith.constant 0 : index
    %swap3A_41 = vector.load %arg6[%swap3A_39, %swap3A_40] : memref<128x64xf32, #tpu.memory_space<vmem>>, vector<128x64xf32>
    tpu.vector_store %arg6[%swap3A_39, %swap3A_40], %select_n3A_38 {strides = array<i32>} : memref<128x64xf32, #tpu.memory_space<vmem>>, vector<128x64xf32>,
    return
  }
}

module attributes {stable_mosaic.version = 14 : i64} {
  func.func @_tc_c_body(%arg0: memref<128x64x64xf32, #tpu.memory_space<vmem>>, %arg1: memref<64x8xf32, #tpu.memory_space<vmem>>, %arg2: memref<1x8xf32, #tpu.memory_space<vmem>>, %arg3: memref<128x1xi32, #tpu.memory_space<vmem>>, %arg4: memref<128x64x8xf32, #tpu.memory_space<vmem>>, %arg5: memref<128x64xi32, #tpu.memory_space<vmem>>) attributes {dimension_semantics = [], scalar_prefetch = 0 : i64, scratch_operands = 0 : i64, tpu.core_type = #tpu.core_type<tc>} {
    %get3A = arith.constant 0 : index
    %get3A_0 = arith.constant 0 : index
    %get3A_1 = arith.constant 0 : index
    %get3A_2 = vector.load %arg0[%get3A, %get3A_0, %get3A_1] : memref<128x64x64xf32, #tpu.memory_space<vmem>>, vector<128x64x64xf32>
    %reshape3A = vector.shape_cast %get3A_2 : vector<128x64x64xf32> to vector<8192x64xf32>
    %get3A_3 = arith.constant 0 : index
    %get3A_4 = arith.constant 0 : index
    %get3A_5 = vector.load %arg1[%get3A_3, %get3A_4] : memref<64x8xf32, #tpu.memory_space<vmem>>, vector<64x8xf32>
    %dot_general3A = arith.constant dense<0.000000e+00> : vector<8192x8xf32>
    %dot_general3A_6 = tpu.matmul %reshape3A, %get3A_5, %dot_general3A {dimension_numbers = #tpu.dot_dimension_numbers<[1], [0], [0], [1], [0, 0, 1, 1], [], []>, transpose_lhs_hint = false} : vector<8192x64xf32>, vector<64x8xf32>, vector<8192x8xf32> -> vector<8192x8xf32>
    %get3A_7 = arith.constant 0 : index
    %get3A_8 = arith.constant 0 : index
    %get3A_9 = vector.load %arg2[%get3A_7, %get3A_8] : memref<1x8xf32, #tpu.memory_space<vmem>>, vector<1x8xf32>
    %add3A = vector.broadcast %get3A_9 : vector<1x8xf32> to vector<8192x8xf32>
    %add3A_10 = arith.addf %dot_general3A_6, %add3A : vector<8192x8xf32>
    %reshape3A_11 = vector.shape_cast %add3A_10 : vector<8192x8xf32> to vector<128x64x8xf32>
    %iota3A = tpu.iota {dimensions = array<i32: 1>} : vector<128x64xi32>
    %get3A_12 = arith.constant 0 : index
    %get3A_13 = arith.constant 0 : index
    %get3A_14 = vector.load %arg3[%get3A_12, %get3A_13] : memref<128x1xi32, #tpu.memory_space<vmem>>, vector<128x1xi32>
    %lt3A = vector.broadcast %get3A_14 : vector<128x1xi32> to vector<128x64xi32>
    %lt3A_15 = arith.cmpi slt, %iota3A, %lt3A : vector<128x64xi32>
    %convert_element_type3A = arith.extui %lt3A_15 : vector<128x64xi1> to vector<128x64xi32>
    %convert_element_type3A_16 = arith.sitofp %convert_element_type3A : vector<128x64xi32> to vector<128x64xf32>
    %broadcast_in_dim3A = vector.shape_cast %convert_element_type3A_16 : vector<128x64xf32> to vector<128x64x1xf32>
    %mul3A = vector.broadcast %broadcast_in_dim3A : vector<128x64x1xf32> to vector<128x64x8xf32>
    %mul3A_17 = arith.mulf %reshape3A_11, %mul3A : vector<128x64x8xf32>
    %swap3A = arith.constant 0 : index
    %swap3A_18 = arith.constant 0 : index
    %swap3A_19 = arith.constant 0 : index
    %swap3A_20 = vector.load %arg4[%swap3A, %swap3A_18, %swap3A_19] : memref<128x64x8xf32, #tpu.memory_space<vmem>>, vector<128x64x8xf32>
    tpu.vector_store %arg4[%swap3A, %swap3A_18, %swap3A_19], %mul3A_17 {strides = array<i32>} : memref<128x64x8xf32, #tpu.memory_space<vmem>>, vector<128x64x8xf32>,
    %convert_element_type3A_21 = arith.extui %lt3A_15 : vector<128x64xi1> to vector<128x64xi32>
    %swap3A_22 = arith.constant 0 : index
    %swap3A_23 = arith.constant 0 : index
    %swap3A_24 = vector.load %arg5[%swap3A_22, %swap3A_23] : memref<128x64xi32, #tpu.memory_space<vmem>>, vector<128x64xi32>
    tpu.vector_store %arg5[%swap3A_22, %swap3A_23], %convert_element_type3A_21 {strides = array<i32>} : memref<128x64xi32, #tpu.memory_space<vmem>>, vector<128x64xi32>,
    return
  }
}

module attributes {stable_mosaic.version = 14 : i64} {
  func.func @_tc_b_body(%arg0: memref<128x64xf32, #tpu.memory_space<vmem>>, %arg1: memref<128x64xf32, #tpu.memory_space<vmem>>, %arg2: memref<128x64xf32, #tpu.memory_space<vmem>>, %arg3: memref<128x1xi32, #tpu.memory_space<vmem>>, %arg4: memref<128x1xi32, #tpu.memory_space<vmem>>, %arg5: memref<64x64xf32, #tpu.memory_space<vmem>>, %arg6: memref<1x64xf32, #tpu.memory_space<vmem>>, %arg7: memref<128x64x64xf32, #tpu.memory_space<vmem>>, %arg8: memref<128x63x64xf32, #tpu.memory_space<vmem>>, %arg9: memref<128x63x64xf32, #tpu.memory_space<vmem>>) attributes {dimension_semantics = [], scalar_prefetch = 0 : i64, scratch_operands = 0 : i64, tpu.core_type = #tpu.core_type<tc>} {
    %get3A = arith.constant 0 : index
    %get3A_0 = arith.constant 0 : index
    %get3A_1 = vector.load %arg0[%get3A, %get3A_0] : memref<128x64xf32, #tpu.memory_space<vmem>>, vector<128x64xf32>
    %get3A_2 = arith.constant 0 : index
    %get3A_3 = arith.constant 0 : index
    %get3A_4 = vector.load %arg1[%get3A_2, %get3A_3] : memref<128x64xf32, #tpu.memory_space<vmem>>, vector<128x64xf32>
    %get3A_5 = arith.constant 0 : index
    %get3A_6 = arith.constant 0 : index
    %get3A_7 = vector.load %arg2[%get3A_5, %get3A_6] : memref<128x64xf32, #tpu.memory_space<vmem>>, vector<128x64xf32>
    %get3A_8 = arith.constant 0 : index
    %get3A_9 = arith.constant 0 : index
    %get3A_10 = vector.load %arg3[%get3A_8, %get3A_9] : memref<128x1xi32, #tpu.memory_space<vmem>>, vector<128x1xi32>
    %get3A_11 = arith.constant 0 : index
    %get3A_12 = arith.constant 0 : index
    %get3A_13 = vector.load %arg4[%get3A_11, %get3A_12] : memref<128x1xi32, #tpu.memory_space<vmem>>, vector<128x1xi32>
    %add3A = arith.addf %get3A_1, %get3A_4 : vector<128x64xf32>
    %sub3A = arith.subf %add3A, %get3A_4 : vector<128x64xf32>
    %iota3A = tpu.iota {dimensions = array<i32: 1>} : vector<128x64xi32>
    %eq3A = vector.broadcast %get3A_13 : vector<128x1xi32> to vector<128x64xi32>
    %eq3A_14 = arith.cmpi eq, %iota3A, %eq3A : vector<128x64xi32>
    %convert_element_type3A = arith.extui %eq3A_14 : vector<128x64xi1> to vector<128x64xi32>
    %convert_element_type3A_15 = arith.sitofp %convert_element_type3A : vector<128x64xi32> to vector<128x64xf32>
    %jit3A = arith.constant 0.000000e+00 : f32
    %broadcast_in_dim3A = vector.broadcast %jit3A : f32 to vector<128x64xf32>
    %select_n3A = arith.select %eq3A_14, %broadcast_in_dim3A, %get3A_7 : vector<128x64xi1>, vector<128x64xf32>
    %broadcast_in_dim3A_16 = vector.shape_cast %convert_element_type3A_15 : vector<128x64xf32> to vector<128x64x1xf32>
    %broadcast_in_dim3A_17 = vector.shape_cast %get3A_1 : vector<128x64xf32> to vector<128x1x64xf32>
    %mul3A = vector.broadcast %broadcast_in_dim3A_16 : vector<128x64x1xf32> to vector<128x64x64xf32>
    %mul3A_18 = vector.broadcast %broadcast_in_dim3A_17 : vector<128x1x64xf32> to vector<128x64x64xf32>
    %mul3A_19 = arith.mulf %mul3A, %mul3A_18 : vector<128x64x64xf32>
    %broadcast_in_dim3A_20 = vector.shape_cast %get3A_4 : vector<128x64xf32> to vector<128x1x64xf32>
    %add3A_21 = vector.broadcast %broadcast_in_dim3A_20 : vector<128x1x64xf32> to vector<128x64x64xf32>
    %add3A_22 = arith.addf %mul3A_19, %add3A_21 : vector<128x64x64xf32>
    %broadcast_in_dim3A_23 = vector.shape_cast %select_n3A : vector<128x64xf32> to vector<128x64x1xf32>
    %broadcast_in_dim3A_24 = vector.shape_cast %sub3A : vector<128x64xf32> to vector<128x1x64xf32>
    %mul3A_25 = vector.broadcast %broadcast_in_dim3A_23 : vector<128x64x1xf32> to vector<128x64x64xf32>
    %mul3A_26 = vector.broadcast %broadcast_in_dim3A_24 : vector<128x1x64xf32> to vector<128x64x64xf32>
    %mul3A_27 = arith.mulf %mul3A_25, %mul3A_26 : vector<128x64x64xf32>
    %add3A_28 = arith.addf %add3A_22, %mul3A_27 : vector<128x64x64xf32>
    %lt3A = vector.broadcast %get3A_10 : vector<128x1xi32> to vector<128x64xi32>
    %lt3A_29 = arith.cmpi slt, %iota3A, %lt3A : vector<128x64xi32>
    %convert_element_type3A_30 = arith.extui %lt3A_29 : vector<128x64xi1> to vector<128x64xi32>
    %convert_element_type3A_31 = arith.sitofp %convert_element_type3A_30 : vector<128x64xi32> to vector<128x64xf32>
    %max3A = arith.constant 0.000000e+00 : f32
    %max3A_32 = vector.broadcast %max3A : f32 to vector<128x64x64xf32>
    %max3A_33 = arith.maximumf %add3A_28, %max3A_32 : vector<128x64x64xf32>
    %broadcast_in_dim3A_34 = vector.shape_cast %convert_element_type3A_31 : vector<128x64xf32> to vector<128x64x1xf32>
    %mul3A_35 = vector.broadcast %broadcast_in_dim3A_34 : vector<128x64x1xf32> to vector<128x64x64xf32>
    %mul3A_36 = arith.mulf %max3A_33, %mul3A_35 : vector<128x64x64xf32>
    %reshape3A = vector.shape_cast %mul3A_36 : vector<128x64x64xf32> to vector<8192x64xf32>
    %get3A_37 = arith.constant 0 : index
    %get3A_38 = arith.constant 0 : index
    %get3A_39 = vector.load %arg5[%get3A_37, %get3A_38] : memref<64x64xf32, #tpu.memory_space<vmem>>, vector<64x64xf32>
    %dot_general3A = arith.constant dense<0.000000e+00> : vector<8192x64xf32>
    %dot_general3A_40 = tpu.matmul %reshape3A, %get3A_39, %dot_general3A {dimension_numbers = #tpu.dot_dimension_numbers<[1], [0], [0], [1], [0, 0, 1, 1], [], []>, transpose_lhs_hint = false} : vector<8192x64xf32>, vector<64x64xf32>, vector<8192x64xf32> -> vector<8192x64xf32>
    %get3A_41 = arith.constant 0 : index
    %get3A_42 = arith.constant 0 : index
    %get3A_43 = vector.load %arg6[%get3A_41, %get3A_42] : memref<1x64xf32, #tpu.memory_space<vmem>>, vector<1x64xf32>
    %add3A_44 = vector.broadcast %get3A_43 : vector<1x64xf32> to vector<8192x64xf32>
    %add3A_45 = arith.addf %dot_general3A_40, %add3A_44 : vector<8192x64xf32>
    %reshape3A_46 = vector.shape_cast %add3A_45 : vector<8192x64xf32> to vector<128x64x64xf32>
    %swap3A = arith.constant 0 : index
    %swap3A_47 = arith.constant 0 : index
    %swap3A_48 = arith.constant 0 : index
    %swap3A_49 = vector.load %arg7[%swap3A, %swap3A_47, %swap3A_48] : memref<128x64x64xf32, #tpu.memory_space<vmem>>, vector<128x64x64xf32>
    tpu.vector_store %arg7[%swap3A, %swap3A_47, %swap3A_48], %reshape3A_46 {strides = array<i32>} : memref<128x64x64xf32, #tpu.memory_space<vmem>>, vector<128x64x64xf32>,
    %slice3A = vector.extract_strided_slice %get3A_7 {offsets = [0, 0], sizes = [128, 63], strides = [1, 1]} : vector<128x64xf32> to vector<128x63xf32>
    %slice3A_50 = vector.extract_strided_slice %get3A_7 {offsets = [0, 1], sizes = [128, 63], strides = [1, 1]} : vector<128x64xf32> to vector<128x63xf32>
    %sub3A_51 = arith.subf %slice3A_50, %slice3A : vector<128x63xf32>
    %slice3A_52 = vector.extract_strided_slice %reshape3A_46 {offsets = [0, 0, 0], sizes = [128, 63, 64], strides = [1, 1, 1]} : vector<128x64x64xf32> to vector<128x63x64xf32>
    %slice3A_53 = vector.extract_strided_slice %reshape3A_46 {offsets = [0, 1, 0], sizes = [128, 63, 64], strides = [1, 1, 1]} : vector<128x64x64xf32> to vector<128x63x64xf32>
    %sub3A_54 = arith.subf %slice3A_53, %slice3A_52 : vector<128x63x64xf32>
    %abs3A = math.absf %sub3A_54 : vector<128x63x64xf32>
    %gt3A = arith.constant 9.99999997E-7 : f32
    %gt3A_55 = vector.broadcast %gt3A : f32 to vector<128x63x64xf32>
    %gt3A_56 = arith.cmpf ogt, %abs3A, %gt3A_55 : vector<128x63x64xf32>
    %broadcast_in_dim3A_57 = arith.constant 1.000000e+00 : f32
    %broadcast_in_dim3A_58 = vector.broadcast %broadcast_in_dim3A_57 : f32 to vector<128x63x64xf32>
    %select_n3A_59 = arith.select %gt3A_56, %sub3A_54, %broadcast_in_dim3A_58 : vector<128x63x64xi1>, vector<128x63x64xf32>
    %neg3A = arith.constant 0.000000e+00 : f32
    %neg3A_60 = vector.broadcast %neg3A : f32 to vector<128x63x64xf32>
    %neg3A_61 = arith.subf %neg3A_60, %slice3A_52 : vector<128x63x64xf32>
    %div3A = arith.divf %neg3A_61, %select_n3A_59 : vector<128x63x64xf32>
    %gt3A_62 = arith.constant 9.99999997E-7 : f32
    %gt3A_63 = vector.broadcast %gt3A_62 : f32 to vector<128x63x64xf32>
    %gt3A_64 = arith.cmpf ogt, %div3A, %gt3A_63 : vector<128x63x64xf32>
    %and3A = arith.andi %gt3A_56, %gt3A_64 : vector<128x63x64xi1>
    %lt3A_65 = arith.constant 0.999998986 : f32
    %lt3A_66 = vector.broadcast %lt3A_65 : f32 to vector<128x63x64xf32>
    %lt3A_67 = arith.cmpf olt, %div3A, %lt3A_66 : vector<128x63x64xf32>
    %and3A_68 = arith.andi %and3A, %lt3A_67 : vector<128x63x64xi1>
    %broadcast_in_dim3A_69 = vector.shape_cast %slice3A : vector<128x63xf32> to vector<128x63x1xf32>
    %broadcast_in_dim3A_70 = vector.shape_cast %sub3A_51 : vector<128x63xf32> to vector<128x63x1xf32>
    %mul3A_71 = vector.broadcast %broadcast_in_dim3A_70 : vector<128x63x1xf32> to vector<128x63x64xf32>
    %mul3A_72 = arith.mulf %div3A, %mul3A_71 : vector<128x63x64xf32>
    %add3A_73 = vector.broadcast %broadcast_in_dim3A_69 : vector<128x63x1xf32> to vector<128x63x64xf32>
    %add3A_74 = arith.addf %add3A_73, %mul3A_72 : vector<128x63x64xf32>
    %broadcast_in_dim3A_75 = arith.constant 2.000000e+00 : f32
    %broadcast_in_dim3A_76 = vector.broadcast %broadcast_in_dim3A_75 : f32 to vector<128x63x64xf32>
    %select_n3A_77 = arith.select %and3A_68, %add3A_74, %broadcast_in_dim3A_76 : vector<128x63x64xi1>, vector<128x63x64xf32>
    %iota3A_78 = tpu.iota {dimensions = array<i32: 1>} : vector<128x63xi32>
    %sub3A_79 = arith.constant 1 : i32
    %sub3A_80 = vector.broadcast %sub3A_79 : i32 to vector<128x1xi32>
    %sub3A_81 = arith.subi %get3A_10, %sub3A_80 : vector<128x1xi32>
    %lt3A_82 = vector.broadcast %sub3A_81 : vector<128x1xi32> to vector<128x63xi32>
    %lt3A_83 = arith.cmpi slt, %iota3A_78, %lt3A_82 : vector<128x63xi32>
    %convert_element_type3A_84 = arith.extui %lt3A_83 : vector<128x63xi1> to vector<128x63xi32>
    %convert_element_type3A_85 = arith.sitofp %convert_element_type3A_84 : vector<128x63xi32> to vector<128x63xf32>
    %broadcast_in_dim3A_86 = vector.shape_cast %convert_element_type3A_85 : vector<128x63xf32> to vector<128x63x1xf32>
    %mul3A_87 = vector.broadcast %broadcast_in_dim3A_86 : vector<128x63x1xf32> to vector<128x63x64xf32>
    %mul3A_88 = arith.mulf %select_n3A_77, %mul3A_87 : vector<128x63x64xf32>
    %sub3A_89 = arith.constant 1.000000e+00 : f32
    %sub3A_90 = vector.broadcast %sub3A_89 : f32 to vector<128x63x1xf32>
    %sub3A_91 = arith.subf %sub3A_90, %broadcast_in_dim3A_86 : vector<128x63x1xf32>
    %mul3A_92 = arith.constant 2.000000e+00 : f32
    %mul3A_93 = vector.broadcast %mul3A_92 : f32 to vector<128x63x1xf32>
    %mul3A_94 = arith.mulf %sub3A_91, %mul3A_93 : vector<128x63x1xf32>
    %add3A_95 = vector.broadcast %mul3A_94 : vector<128x63x1xf32> to vector<128x63x64xf32>
    %add3A_96 = arith.addf %mul3A_88, %add3A_95 : vector<128x63x64xf32>
    %swap3A_97 = arith.constant 0 : index
    %swap3A_98 = arith.constant 0 : index
    %swap3A_99 = arith.constant 0 : index
    %swap3A_100 = vector.load %arg8[%swap3A_97, %swap3A_98, %swap3A_99] : memref<128x63x64xf32, #tpu.memory_space<vmem>>, vector<128x63x64xf32>
    tpu.vector_store %arg8[%swap3A_97, %swap3A_98, %swap3A_99], %add3A_96 {strides = array<i32>} : memref<128x63x64xf32, #tpu.memory_space<vmem>>, vector<128x63x64xf32>,
    %swap3A_101 = arith.constant 0 : index
    %swap3A_102 = arith.constant 0 : index
    %swap3A_103 = arith.constant 0 : index
    %swap3A_104 = vector.load %arg9[%swap3A_101, %swap3A_102, %swap3A_103] : memref<128x63x64xf32, #tpu.memory_space<vmem>>, vector<128x63x64xf32>
    tpu.vector_store %arg9[%swap3A_101, %swap3A_102, %swap3A_103], %div3A {strides = array<i32>} : memref<128x63x64xf32, #tpu.memory_space<vmem>>, vector<128x63x64xf32>,
    return
  }
}

</mosaic_0001>

<sc_bundles>
// kernel: kernel.10.cloned.1.call-start
scs
__scs_entry_jumppad:
0x0: {  	(pc) =	sbr.rel $0x88, $3  }
0x1: {  	(tag) =	ssettag $0x0;
	lr =	simm.s32 $0x1  }
0x2: {  	[smem:$0x3F99] =	sst lr;
	_ =	strace $0xD0000000  }
0x3: {  	_ = 	snop  }
0x4: {  	_ = 	snop  }
0x5: {  	_ = 	snop  }
0x6: {  	_ = 	snop  }
0x7: {  	_ = 	snop  }
__scs_overlays_trampoline_lowered:
0x8: {  	[smem:$0x3FA8] =	sst s0  }
0x9: {  	[smem:$0x3FA9] =	sst s1  }
0xa: {  	[smem:$0x3FAA] =	sst s2  }
0xb: {  	[smem:$0x3FAB] =	sst s3  }
0xc: {  	[smem:$0x3FAC] =	sst s4  }
0xd: {  	[smem:$0x3FAD] =	sst s5  }
0xe: {  	[smem:$0x3FAE] =	sst s6  }
0xf: {  	[smem:$0x3FAF] =	sst s7  }
0x10: {  	[smem:$0x3FB0] =	sst s8  }
0x11: {  	[smem:$0x3FB1] =	sst s9;
	s0 =	simm.s32 @!p0 $0x0  }
0x12: {  	s1 =	sld [smem:$0x3F97];
	s0 =	simm.s32 @p0 $0x1  }
0x13: {  	[smem:$0x3FB2] =	sst s0;
	s0 =	simm.s32 @!p1 $0x0  }
0x14: {  	s2 =	sld [smem:$0x3F96];
	s0 =	simm.s32 @p1 $0x1  }
0x15: {  	[smem:$0x3FB3] =	sst s0;
	s0 =	simm.s32 @!p2 $0x0  }
0x16: {  	s3 =	sld [smem:$0x3FDB];
	s0 =	simm.s32 @p2 $0x1  }
0x17: {  	s4 =	simm.s32 $0x1BF5;
	[smem:$0x3FB5] =	sst s0  }
0x18: {  	s0 =	sld [smem:$0x3F98];
	_ =	swait.ge [sflag:s4], $0x0  }
0x19: {  	s7 =	sld [smem:$0x3F99]  }
0x1a: {  	s8 =	sadd.s32 $0xFFFFE003, lr  }
0x1b: {  	s9 =	sadd.s32 $0xFFFFFEF7, lr;
	s5 =	simm.s32 $0xFFFFFFFF;
	p2 =	slt.u32 s8, $0xFFFFF086  }
0x1c: {  	p1 =	slt.u32 s9, $0xF7A;
	s5 =	simm.s32 @!p2 $0x0  }
0x1d: {  	s5 =	simm.s32 @p1 $0x1;
	p0 =	seq.s32 s7, s2  }
0x1e: {  	s7 =	smul.u32 @!p0 $0xF7A, s2;
	p2 =	seq.s32 @!p0 s5, $0x0  }
0x1f: {  	s9 =	smul.u32 $0xF7A, s1;
	s8 =	simm.s32 @!p0 $0x1BF5;
	p2 =	por !p2, p0  }
0x20: {  	[sflag:s8] =	ssyncset.s32 @!p0 $0xFFFFF086;
	s6 =	sadd.s32 @!p0 s3, s7;
	s7 =	simm.s32 @!p0 $0x108  }
0x21: {  	s3 =	sadd.s32 s3, s9;
	s6 =	sadd.s32 @!p0 $0x88, s6;
	s7 =	simm.s32 @p2 $0x1082  }
0x22: {  	[simem:s7], [sflag:s8] =	dma.local @!p0 [hbm:s6], $0xF7A  }
0x23: {  	s9 =	sor.u32 $0xD0000000, s2;
	s6 =	simm.s32 $0x108;
	_ =	swait.ge @!p0 [sflag:s8], $0x0  }
0x24: {  	s3 =	sadd.s32 $0x88, s3;
	s6 =	simm.s32 @!p1 $0x1082;
	[sflag:s4] =	ssyncset.s32 $0xFFFFF086  }
0x25: {  	[simem:s6], [sflag:s4] =	dma.local [hbm:s3], $0xF7A  }
0x26: {  	[smem:$0x3F99] =	sst s1;
	(tag) =	ssettag s2;
	_ =	strace s9  }
0x27: {  	s1 =	sld [smem:$0x3FA9]  }
0x28: {  	s2 =	sld [smem:$0x3FAA]  }
0x29: {  	s4 =	sld [smem:$0x3FAC]  }
0x2a: {  	p0 =	seq.s32 s5, $0x0;
	s5 =	sld [smem:$0x3FAD]  }
0x2b: {  	s6 =	sld [smem:$0x3FAE]  }
0x2c: {  	s7 =	sld [smem:$0x3FAF]  }
0x2d: {  	s3 =	simm.s32 $0x108;
	s8 =	sld [smem:$0x3FB0]  }
0x2e: {  	s3 =	simm.s32 @!p0 $0x1082;
	s9 =	sld [smem:$0x3FB1]  }
0x2f: {  	lr =	sadd.s32 s0, s3;
	s0 =	sld [smem:$0x3FA8]  }
0x30: {  	s3 =	sld [smem:$0x3FAB]  }
0x31: {  	[smem:$0x3FB4] =	sst s10  }
0x32: {  	s10 =	sld [smem:$0x3FB2];
	_ =	sdelay $0x3  }
0x33: {  	p0 =	seq.s32 s10, $0x1;
	s10 =	sld [smem:$0x3FB4];
	_ =	sdelay $0x3  }
0x34: {  	[smem:$0x3FB4] =	sst s10  }
0x35: {  	s10 =	sld [smem:$0x3FB3];
	_ =	sdelay $0x3  }
0x36: {  	p1 =	seq.s32 s10, $0x1;
	s10 =	sld [smem:$0x3FB4];
	_ =	sdelay $0x3  }
0x37: {  	[smem:$0x3FB4] =	sst s10  }
0x38: {  	s10 =	sld [smem:$0x3FB5]  }
0x39: {  	_ = 	snop;
	(pc) =	sbr.ind lr, $3  }
0x3a: {  	_ = 	snop  }
0x3b: {  	_ = 	snop  }
0x3c: {  	p2 =	seq.s32 s10, $0x1;
	s10 =	sld [smem:$0x3FB4]  }
0x3d: {  	_ =	shalt  }
0x3e: {  	_ =	shalt  }
0x3f: {  	_ =	shalt  }
0x40: {  	_ =	shalt  }
0x41: {  	_ =	shalt  }
0x42: {  	_ =	shalt  }
0x43: {  	_ =	shalt  }
0x44: {  	_ =	shalt  }
0x45: {  	_ =	shalt  }
0x46: {  	_ =	shalt  }
0x47: {  	_ =	shalt  }
0x48: {  	_ =	shalt  }
0x49: {  	_ =	shalt  }
0x4a: {  	_ =	shalt  }
0x4b: {  	_ =	shalt  }
0x4c: {  	_ =	shalt  }
0x4d: {  	_ =	shalt  }
0x4e: {  	_ =	shalt  }
0x4f: {  	_ =	shalt  }
0x50: {  	_ =	shalt  }
0x51: {  	_ =	shalt  }
0x52: {  	_ =	shalt  }
0x53: {  	_ =	shalt  }
0x54: {  	_ =	shalt  }
0x55: {  	_ =	shalt  }
0x56: {  	_ =	shalt  }
0x57: {  	_ =	shalt  }
0x58: {  	_ =	shalt  }
0x59: {  	_ =	shalt  }
0x5a: {  	_ =	shalt  }
0x5b: {  	_ =	shalt  }
0x5c: {  	_ =	shalt  }
0x5d: {  	_ =	shalt  }
0x5e: {  	_ =	shalt  }
0x5f: {  	_ =	shalt  }
0x60: {  	_ =	shalt  }
0x61: {  	_ =	shalt  }
0x62: {  	_ =	shalt  }
0x63: {  	_ =	shalt  }
0x64: {  	_ =	shalt  }
0x65: {  	_ =	shalt  }
0x66: {  	_ =	shalt  }
0x67: {  	_ =	shalt  }
0x68: {  	_ =	shalt  }
0x69: {  	_ =	shalt  }
0x6a: {  	_ =	shalt  }
0x6b: {  	_ =	shalt  }
0x6c: {  	_ =	shalt  }
0x6d: {  	_ =	shalt  }
0x6e: {  	_ =	shalt  }
0x6f: {  	_ =	shalt  }
0x70: {  	_ =	shalt  }
0x71: {  	_ =	shalt  }
0x72: {  	_ =	shalt  }
0x73: {  	_ =	shalt  }
0x74: {  	_ =	shalt  }
0x75: {  	_ =	shalt  }
0x76: {  	_ =	shalt  }
0x77: {  	_ =	shalt  }
0x78: {  	_ =	shalt  }
0x79: {  	_ =	shalt  }
0x7a: {  	_ =	shalt  }
0x7b: {  	_ =	shalt  }
0x7c: {  	_ =	shalt  }
0x7d: {  	_ =	shalt  }
0x7e: {  	_ =	shalt  }
0x7f: {  	_ =	shalt  }
0x80: {  	_ =	shalt  }
0x81: {  	_ =	shalt  }
0x82: {  	_ =	shalt  }
0x83: {  	_ =	shalt  }
0x84: {  	_ =	shalt  }
0x85: {  	_ =	shalt  }
0x86: {  	_ =	shalt  }
0x87: {  	_ =	shalt  }
.Lfunc_end0:
.L_simem_size_0:
called_computation.1_lowered:
.L_overlay_start_0:
0x88: {  	s2 =	sld [smem:$0x3FD9]  }
0x89: {  	s3 =	sld [smem:$0x3FFE];
	_ =	sdelay $0x1  }
0x8a: {  	s1 =	srdreg.scid  }
0x8b: {  	s0 =	sand.u32 $0x1, s1  }
0x8c: {  	s14 =	sshll.u32 s0, $0xA;
	s2 =	sadd.s32 s3, s2  }
0x8d: {  	s2 =	sadd.s32 s2, s14  }
0x8e: {  	[smem:$0x3FC0] =	sst s2  }
0x8f: {  	_ = 	snop  }
0x90: {  	s2 =	sld [smem:$0x3FD0];
	_ =	sdelay $0x2  }
0x91: {  	s15 =	simm.s32 $0xA;
	s4 =	simm.s32 $0x10  }
0x92: {  	[smem:s4], [sflag:s15] =	dma.local [hbm:s2], $0x1  }
0x93: {  	_ =	swait.eq [sflag:s15], $0x1  }
0x94: {  	[sflag:s15] =	ssyncset.done $0x0  }
0x95: {  	[sflag:s15] =	ssyncadd.s32 $0xFFFFFFFF  }
0x96: {  	s16 =	sld [smem:$0x12];
	(tm) =	ssettm $0x1  }
0x97: {  	s17 =	sld [smem:$0x3FFB];
	_ =	sdelay $0x3  }
0x98: {  	_ =	strace s17  }
0x99: {  	s3 =	sld [smem:$0x3FFC];
	_ =	sdelay $0x3  }
0x9a: {  	_ =	strace s3  }
0x9b: {  	s3 =	sld [smem:$0x3FFD];
	_ =	sdelay $0x3  }
0x9c: {  	_ =	strace s3  }
0x9d: {  	_ =	strace $0x8FFFFFFF  }
0x9e: {  	s18 =	sld [smem:$0x3FDB];
	_ =	sdelay $0x1  }
0x9f: {  	s19 =	simm.s32 $_scs_section_size  }
0xa0: {  	s5 =	simm.s32 $_size__tile_overlayer_lowered;
	s6 =	simm.s32 $_tile_overlayer_lowered  }
0xa1: {  	s22 =	simm.s32 $0x1BFF;
	s21 =	sshll.u32 s6, $0x1;
	s3 =	sadd.s32 s19, s18  }
0xa2: {  	s7 =	simm.s32 $0x0;
	s20 =	sshll.u32 s5, $0x1;
	s5 =	sadd.s32 s21, s3  }
0xa3: {  	[timem:s7], [sflag:s22] =	dma.local [hbm:s5], s20  }
0xa4: {  	_ =	swait.ge [sflag:s22], s20  }
0xa5: {  	s4 =	ssub.s32 $0x0, s20;
	[sflag:s22] =	ssyncset.done $0x0  }
0xa6: {  	[sflag:s22] =	ssyncadd.s32 s4;
	_ =	sdelay $0x1  }
0xa7: {  	s23 =	simm.s32 $0x1B8B  }
0xa8: {  	_ =	swait.ge [sflag:s23], $0x1  }
0xa9: {  	[sflag:s23] =	ssyncset.done $0x0  }
0xaa: {  	s25 =	simm.s32 $0x1B8E;
	s24 =	sld [smem:$0x3FFE];
	[sflag:s23] =	ssyncadd.s32 $0xFFFFFFFF  }
0xab: {  	s26 =	simm.s32 $execute0_lowered;
	[smem:$0x3FD2] =	sst s25  }
0xac: {  	s5 =	sshll.u32 s26, $0x1;
	_ =	strace $0x80000049;
	[dreg:$0x1] =	wrdreg $0xFFFFFFFF  }
0xad: {  	s28 =	simm.s32 $_size_execute0_lowered;
	s3 =	sadd.s32 s3, s5;
	[dreg:$0x0] =	wrdreg $0x0  }
0xae: {  	s5 =	sshll.u32 s28, $0x1;
	[dreg:$0x2] =	wrdreg s3  }
0xaf: {  	[dreg:$0x3] =	wrdreg s5  }
0xb0: {  	[dreg:$0x4] =	wrdreg $0xC0  }
0xb1: {  	_ =	task [dreg:s7], $0x5FFFF  }
0xb2: {  	[dreg:$0x1] =	wrdreg $0xFFFFFFFF  }
0xb3: {  	[dreg:$0x0] =	wrdreg $0x60  }
0xb4: {  	[dreg:$0x2] =	wrdreg s24  }
0xb5: {  	[dreg:$0x3] =	wrdreg s16  }
0xb6: {  	[dreg:$0x4] =	wrdreg $0x9  }
0xb7: {  	_ =	task.clear_ibuf [dreg:s7], $0x5FFFF;
	_ =	strace $0x90000049  }
0xb8: {  	s29 =	simm.s32 $0x9;
	_ =	strace $0x8000004B  }
0xb9: {  	_ =	swait.ge [sflag:s29], $0x1  }
0xba: {  	[sflag:s29] =	ssyncadd.s32 $0xFFFFFFFF  }
0xbb: {  	_ =	strace $0x9000004B  }
0xbc: {  	_ =	sfence  }
0xbd: {  	s30 =	sld [smem:$0x0];
	_ =	sdelay $0x2  }
0xbe: {  	s31 =	sshll.u32 s1, $0xD;
	s1 =	sshrl.u32 s1, $0x2  }
0xbf: {  	s3 =	sand.u32 $0x4000, s31;
	s1 =	sadd.s32 s1, s30  }
0xc0: {  	s0 =	sor.u32 s3, s0;
	s1 =	sshll.u32 s1, $0x11  }
0xc1: {  	s0 =	sor.u32 s1, s0  }
0xc2: {  	s0 =	sadd.s32 $0x8F2B, s0  }
0xc3: {  	[sflag:s0] =	ssyncadd.remote.s32 $0x1  }
0xc4: {  	_ =	sfence.sel $0xFFFF  }
0xc5: {  	[dreg:$0x0] =	wrdreg $0xFFFFFFFF;
	(pc) =	sbr.abs _section_cstart, $3  }
0xc6: {  	[dreg:$0x1] =	wrdreg $0xFFFFFFFF  }
0xc7: {  	_ =	task.clear_ibuf [dreg:s7], $0x2FFFF;
	_ =	strace $0x9FFFFFFF  }
0xc8: {  	(tm) =	ssettm $0x7FFFFFFF  }
0xc9: {  	_ =	shalt  }
tec
execute0_lowered:
.L_overlay_start_1:
0x0: {  	(tag) =	ssettag $0x1  }
0x1: {  	s0 =	rddreg [dreg:$0x0];
	s3 =	srdreg.scid  }
0x2: {  	s2 =	rddreg [dreg:$0x1];
	s10 =	stileid.u32;
	s3 =	sand.u32 $0x1, s3  }
0x3: {  	s1 =	simm.s32 $0x0;
	s6 =	sshll.u32 s10, $0x2;
	s5 =	sshll.u32 s3, $0x6  }
0x4: {  	[smem:$0x7FF] =	sst s1;
	s4 =	sadd.s32 $0x3000, s0;
	s5 =	sor.u32 s6, s5  }
0x5: {  	s7 =	sadd.s32 $0x3800, s0;
	s10 =	sshll.u32 s10, $0x9;
	s9 =	sshll.u32 s5, $0x7  }
0x6: {  	s8 =	sadd.s32 $0x24000, s0;
	s10 =	sand.u32 $0x200, s10;
	s9 =	sand.u32 $0x3C00, s9  }
0x7: {  	s3 =	ssub.s32 $0x2, s3;
	s6 =	sadd.s32 $0x84000, s0;
	s10 =	sor.u32 s10, s9  }
0x8: {  	s11 =	sshrl.u32 s3, $0x1;
	s12 =	sor.u32 $0x1, s5;
	s14 =	sshrl.u32 s10, $0x3  }
0x9: {  	s11 =	ssub.s32 s3, s11;
	s15 =	sshll.u32 s12, $0x7;
	s13 =	sadd.s32 s4, s14  }
0xa: {  	s10 =	sand.u32 $0x280, s15;
	s16 =	sadd.s32 s7, s14;
	[dreg:$0x3] =	wrdreg s13  }
0xb: {  	s17 =	sadd.s32 s6, s14;
	s10 =	sor.u32 s9, s10;
	[dreg:$0x4] =	wrdreg s16  }
0xc: {  	s3 =	sadd.s32 s2, s14;
	[dreg:$0x5] =	wrdreg s17;
	s18 =	sshrl.u32 s10, $0x3  }
0xd: {  	s13 =	sor.u32 $0x2, s5;
	[dreg:$0x6] =	wrdreg s3;
	s14 =	sadd.s32 s4, s18  }
0xe: {  	s19 =	sshll.u32 s13, $0x7;
	s15 =	sadd.s32 s7, s18;
	[dreg:$0x7] =	wrdreg s14  }
0xf: {  	s16 =	sadd.s32 s6, s18;
	s3 =	sadd.s32 s2, s18;
	[dreg:$0x8] =	wrdreg s15  }
0x10: {  	s10 =	sand.u32 $0x300, s19;
	s14 =	sor.u32 $0x3, s5;
	[dreg:$0x9] =	wrdreg s16  }
0x11: {  	[dreg:$0xa] =	wrdreg s3;
	s16 =	sshll.u32 s5, $0xA;
	s19 =	sshll.u32 s12, $0xA  }
0x12: {  	s12 =	simm.s32 $0x6200;
	s10 =	sor.u32 s9, s10;
	s20 =	sshll.u32 s14, $0x7  }
0x13: {  	s5 =	sadd.s32 s8, s16;
	s10 =	sshrl.u32 s10, $0x3;
	s15 =	sand.u32 $0x380, s20  }
0x14: {  	[dreg:$0x13] =	wrdreg s5;
	s20 =	sshll.u32 s13, $0xA;
	s5 =	simm.s32 $0x1  }
0x15: {  	s13 =	simm.s32 $0x8280;
	s21 =	sadd.s32 s4, s10;
	s22 =	sor.u32 s9, s15  }
0x16: {  	s23 =	sadd.s32 s7, s10;
	s24 =	sadd.s32 s6, s10;
	[dreg:$0xb] =	wrdreg s21  }
0x17: {  	s25 =	sadd.s32 s2, s10;
	s9 =	sadd.s32 $0x44000, s0;
	[dreg:$0xc] =	wrdreg s23  }
0x18: {  	s10 =	sadd.s32 $0x4000, s0;
	s15 =	sadd.s32 $0x64000, s0;
	[dreg:$0xd] =	wrdreg s24  }
0x19: {  	s3 =	sshrl.u32 s22, $0x3;
	[dreg:$0xe] =	wrdreg s25;
	s17 =	sadd.s32 s9, s16  }
0x1a: {  	s18 =	sadd.s32 s10, s16;
	s0 =	sadd.s32 s15, s16;
	s21 =	sadd.s32 s8, s19  }
0x1b: {  	s22 =	sadd.s32 s9, s19;
	s23 =	sadd.s32 s10, s19;
	[dreg:$0x14] =	wrdreg s17  }
0x1c: {  	s25 =	sadd.s32 s15, s19;
	s29 =	sadd.s32 s9, s20;
	[dreg:$0x15] =	wrdreg s18  }
0x1d: {  	s30 =	sadd.s32 s10, s20;
	s31 =	sadd.s32 s15, s20;
	[dreg:$0x16] =	wrdreg s0  }
0x1e: {  	s24 =	sshll.u32 s14, $0xA;
	s14 =	simm.s32 $0x6280;
	[dreg:$0x17] =	wrdreg s21  }
0x1f: {  	s4 =	sadd.s32 s4, s3;
	s26 =	sadd.s32 s7, s3;
	[dreg:$0x18] =	wrdreg s22  }
0x20: {  	s7 =	sadd.s32 s6, s3;
	s2 =	sadd.s32 s2, s3;
	[dreg:$0x19] =	wrdreg s23  }
0x21: {  	s28 =	sadd.s32 s8, s24;
	s0 =	sadd.s32 s9, s24;
	[dreg:$0xf] =	wrdreg s4  }
0x22: {  	s3 =	sadd.s32 s15, s24;
	s6 =	simm.s32 $0x80;
	[dreg:$0x10] =	wrdreg s26  }
0x23: {  	v0 =	vlaneseq.u32;
	s9 =	simm.s32 $0x4100;
	s15 =	simm.s32 $0x0;
	[dreg:$0x11] =	wrdreg s7  }
0x24: {  	v1 =	vimm.f32 $1.000000000e+00;
	v2 =	vimm.s32 $0x0;
	v7 =	vmul.u32 $0xFFFFFFFF, v0;
	[dreg:$0x12] =	wrdreg s2;
	s26 =	sadd.s32 s8, s20;
	s2 =	sadd.s32 s10, s24  }
0x25: {  	vm0 =	vcmask $0x300;
	v4 =	vor.u32 $0x10, v0;
	v5 =	vor.u32 $0x20, v0;
	s4 =	smax.u32 s11, $0x1;
	s7 =	simm.s32 $0x100;
	s8 =	simm.s32 $0x2100  }
0x26: {  	v3 =	vimm.f32 $0.0e+00;
	v6 =	vor.u32 $0x30, v0;
	v7 =	vadd.s32 $0xF, v7;
	s10 =	simm.s32 $0x6100;
	s11 =	simm.s32 $0x6180;
	_ =	strace $0x8000004A  }
.LBB2_1:
0x27: {  	s16 =	rddreg [dreg:$0x3]  }
0x28: {  	[tilespmem:s1], [sflag:$0x1] =	stream.linear.gather [hbm4b:s16+s1], $0x80, $0x38;
	[tilespmem:$0x8300] =	vst v63  }
0x29: {  	_ =	swait.ge [sflag:s5], $0x80  }
0x2a: {  	[sflag:s5] =	ssyncset.done $0x0  }
0x2b: {  	s21 =	rddreg [dreg:$0x4];
	[sflag:s5] =	ssyncadd.s32 $0xFFFFFF80  }
0x2c: {  	[tilespmem:s6], [sflag:$0x1] =	stream.linear.gather [hbm4b:s21+s1], $0x80, $0x38;
	[tilespmem:$0x8300] =	vst v63  }
0x2d: {  	_ =	swait.ge [sflag:s5], $0x80  }
0x2e: {  	[sflag:s5] =	ssyncset.done $0x0  }
0x2f: {  	s22 =	rddreg [dreg:$0x13];
	[sflag:s5] =	ssyncadd.s32 $0xFFFFFF80  }
0x30: {  	[tilespmem:s7], [sflag:$0x1] =	stream.linear.gather [hbm4b:s22+s1], $0x1F80, $0x38;
	[tilespmem:$0x8300] =	vst v63  }
0x31: {  	_ =	swait.ge [sflag:s5], $0x1F80  }
0x32: {  	[sflag:s5] =	ssyncset.done $0x0  }
0x33: {  	s23 =	rddreg [dreg:$0x14];
	[sflag:s5] =	ssyncadd.s32 $0xFFFFE080  }
0x34: {  	[tilespmem:s8], [sflag:$0x1] =	stream.linear.gather [hbm4b:s23+s1], $0x1F80, $0x38;
	[tilespmem:$0x8300] =	vst v63  }
0x35: {  	_ =	swait.ge [sflag:s5], $0x1F80  }
0x36: {  	[sflag:s5] =	ssyncset.done $0x0  }
0x37: {  	s24 =	rddreg [dreg:$0x15];
	[sflag:s5] =	ssyncadd.s32 $0xFFFFE080  }
0x38: {  	[tilespmem:s9], [sflag:$0x1] =	stream.linear.gather [hbm4b:s24+s1], $0x2000, $0x38;
	[tilespmem:$0x8300] =	vst v63  }
0x39: {  	_ =	swait.ge [sflag:s5], $0x2000  }
0x3a: {  	[sflag:s5] =	ssyncset.done $0x0  }
0x3b: {  	[sflag:s5] =	ssyncadd.s32 $0xFFFFE000  }
0x3c: {  	v8 =	vld [tilespmem:$0x80];
	_ =	sdelay $0x4  }
0x3d: {  	(v2sf) =	vpush v8, $0x0;
	_ =	sdelay $0x4  }
0x3e: {  	[tilespmem:$0x6100] =	vst v1  }
0x3f: {  	[tilespmem:$0x6180] =	vst v2  }
0x40: {  	[tilespmem:$0x6200] =	vst v3  }
0x41: {  	[tilespmem:$0x6110] =	vst v1  }
0x42: {  	[tilespmem:$0x6190] =	vst v2  }
0x43: {  	[tilespmem:$0x6210] =	vst v3  }
0x44: {  	[tilespmem:$0x6120] =	vst v1  }
.Ltmp0:
0x45: {  	[tilespmem:$0x61A0] =	vst v2;
	(pc) =	sbr.rel .LBB2_2-.Ltmp0, $4  }
0x46: {  	[tilespmem:$0x6220] =	vst v3  }
0x47: {  	[tilespmem:$0x6130] =	vst v1  }
0x48: {  	s18 =	simm.s32 $0x120;
	[tilespmem:$0x61B0] =	vst v2;
	s16 =	spop (v2sf)  }
0x49: {  	s20 =	simm.s32 $0x0;
	s19 =	simm.s32 $0x0;
	[tilespmem:$0x6230] =	vst v3;
	s17 =	sadd.s32 $0xFFFFFFFE, s16  }
.LBB2_4:
0x4a: {  	s19 =	sadd.s32 $0x1, s19  }
0x4b: {  	p0 =	sne.s32 s19, $0x3F  }
.Ltmp1:
0x4c: {  	_ = 	snop;
	(pc) =	sbr.rel @!p0 .LBB2_5-.Ltmp1, $2  }
0x4d: {  	_ =	sdelay $0x2  }
0x4e: {  	s20 =	sadd.s32 s20, s21;
	s18 =	sadd.s32 $0x80, s18  }
.LBB2_2:
0x4f: {  	p0 =	sle.s32 s19, s17;
	p1 =	slt.s32 s20, $0x40  }
0x50: {  	p0 =	por !p0, !p1  }
0x51: {  	p0 =	por !p0, !p0  }
0x52: {  	v8 =	vmov @p0 s19;
	_ =	sdelay $0x3  }
0x53: {  	s21 =	simm.s32 @p0 $0x0  }
0x54: {  	v10 =	vmov @p0 s20;
	v9 =	vld.idx.msk @p0 [tilespmem:v8+s21+$0x0], $0xffff;
	_ =	sdelay $0x3  }
0x55: {  	s21 =	simm.s32 @p0 $0x6100  }
0x56: {  	[tilespmem:v10+s21+$0x0] =	vst.idx.msk @p0 $0x1, v9;
	s21 =	simm.s32 @p0 $0x6180  }
0x57: {  	[tilespmem:v10+s21+$0x0] =	vst.idx.msk @p0 $0x1, v8  }
0x58: {  	v8 =	vld [tilespmem:s18+$0xFFFFFFE0]  }
0x59: {  	v9 =	vld [tilespmem:s18+$0xFFFFFFF0]  }
0x5a: {  	v10 =	vld [tilespmem:s18+$0x0]  }
0x5b: {  	v11 =	vld [tilespmem:s18+$0x10];
	_ =	sdelay $0x1  }
0x5c: {  	vm1 =	vlt.f32 v8, $1.500000000e+00  }
0x5d: {  	v12 =	vsel vm1, $0x1, v2;
	vm1 =	vlt.f32 v9, $1.500000000e+00  }
0x5e: {  	(xrf0) =	vadd.scan.msk.s32 $0xffff, v12;
	v58 =	vsel vm1, $0x1, v2;
	vm1 =	vlt.f32 v10, $1.500000000e+00  }
0x5f: {  	(xrf0) =	vadd.scan.msk.s32 $0xffff, v58;
	v59 =	vsel vm1, $0x1, v2;
	vm1 =	vlt.f32 v11, $1.500000000e+00  }
0x60: {  	(xrf0) =	vadd.scan.msk.s32 $0xffff, v59;
	v60 =	vsel vm1, $0x1, v2  }
0x61: {  	(xrf0) =	vadd.scan.msk.s32 $0xffff, v60;
	_ =	sdelay $0x2  }
0x62: {  	v61, _, _ =	vpop (xrf0)  }
0x63: {  	v13, _, _ =	vpop (xrf0);
	(v2sf) =	vpush v61, $0xF  }
0x64: {  	v62, _, _ =	vpop (xrf0);
	(v2sf) =	vpush v13, $0xF  }
0x65: {  	(v2sf) =	vpush v62, $0xF;
	v63, _, _ =	vpop (xrf0)  }
0x66: {  	(v2sf) =	vpush v63, $0xF;
	_ =	sdelay $0xb  }
0x67: {  	s24 =	spop (v2sf)  }
0x68: {  	s22 =	spop (v2sf)  }
0x69: {  	s23 =	spop (v2sf);
	s21 =	sadd.s32 s24, s22;
	s22 =	simm.s32 $0x1  }
0x6a: {  	s22 =	simm.s32 @!p0 $0x0;
	s21 =	sadd.s32 s23, s21;
	s24 =	spop (v2sf)  }
0x6b: {  	s20 =	sadd.s32 s22, s20;
	s22 =	sadd.s32 s24, s21  }
0x6c: {  	p6 =	sgt.s32 s22, $0x0;
	p2 =	slt.s32 s20, $0x40  }
0x6d: {  	p1 =	por !p2, !p6  }
0x6e: {  	p1 =	por !p1, !p1  }
0x6f: {  	p0 =	por !p0, !p1  }
0x70: {  	p0 =	por !p0, !p0  }
.Ltmp2:
0x71: {  	_ = 	snop;
	(pc) =	sbr.rel @!p0 .LBB2_4-.Ltmp2, $2  }
0x72: {  	_ =	sdelay $0x2  }
0x73: {  	s21 =	simm.s32 $0x0  }
0x74: {  	(xrf1) =	vsort.ascd.msk.f32 $0xffff, v8, v0  }
0x75: {  	(xrf1) =	vsort.ascd.msk.f32 $0xffff, v9, v4  }
0x76: {  	(xrf1) =	vsort.ascd.msk.f32 $0xffff, v10, v5  }
0x77: {  	(xrf1) =	vsort.ascd.msk.f32 $0xffff, v11, v6;
	_ =	sdelay $0xa  }
0x78: {  	v8, v28, _ =	vpop (xrf1)  }
0x79: {  	v29, v30, _ =	vpop (xrf1)  }
0x7a: {  	v10 =	vperm.xlane v29, v7;
	v12, v13, _ =	vpop (xrf1)  }
0x7b: {  	v11 =	vperm.xlane v30, v7;
	v14, v15, _ =	vpop (xrf1)  }
0x7c: {  	vm1 =	vle.f32 v8, v10;
	v14 =	vperm.xlane v14, v7;
	v31 =	vperm.xlane v15, v7  }
0x7d: {  	v16 =	vsel vm1, v8, v10;
	v17 =	vsel vm1, v28, v11;
	v8 =	vsel vm1, v10, v8  }
0x7e: {  	v9 =	vsel vm1, v11, v28;
	(xrf1) =	vsort.ascd.msk.f32 $0xffff, v16, v17;
	vm1 =	vle.f32 v12, v14  }
0x7f: {  	(xrf1) =	vsort.ascd.msk.f32 $0xffff, v8, v9;
	v8 =	vsel vm1, v12, v14;
	v32 =	vsel vm1, v13, v31  }
0x80: {  	v33 =	vsel vm1, v14, v12;
	v10 =	vsel vm1, v31, v13;
	(xrf1) =	vsort.ascd.msk.f32 $0xffff, v8, v32  }
0x81: {  	(xrf1) =	vsort.ascd.msk.f32 $0xffff, v33, v10;
	_ =	sdelay $0xa  }
0x82: {  	v8, v9, _ =	vpop (xrf1)  }
0x83: {  	v10, v11, _ =	vpop (xrf1)  }
0x84: {  	v34, v35, _ =	vpop (xrf1)  }
0x85: {  	v37, v36, _ =	vpop (xrf1)  }
0x86: {  	v12 =	vperm.xlane v34, v7;
	v14 =	vperm.xlane v37, v7  }
0x87: {  	v13 =	vperm.xlane v35, v7  }
0x88: {  	v15 =	vperm.xlane v36, v7;
	vm2 =	vle.f32 v10, v12;
	vm1 =	vle.f32 v8, v14  }
0x89: {  	v39 =	vsel vm2, v10, v12;
	v38 =	vsel vm1, v8, v14  }
0x8a: {  	v19 =	vsel vm2, v11, v13;
	v18 =	vsel vm1, v9, v15;
	vm3 =	vle.f32 v38, v39  }
0x8b: {  	v20 =	vsel vm3, v38, v39;
	v21 =	vsel vm3, v18, v19  }
0x8c: {  	(xrf1) =	vsort.ascd.msk.f32 $0xffff, v20, v21;
	_ =	sdelay $0x6  }
0x8d: {  	s21 =	ssub.s32 $0x40, s20;
	v16 =	vsel vm3, v39, v38;
	v40 =	vsel vm3, v19, v18  }
0x8e: {  	p0 =	slt.s32 s22, s21;
	(xrf1) =	vsort.ascd.msk.f32 $0xffff, v16, v40  }
0x8f: {  	s21 =	smov.u32 @p0 s22  }
0x90: {  	p0 =	sgt.s32 s21, $0x0  }
0x91: {  	v45 =	vmov s19;
	s21 =	simm.s32 @!p0 $0x0  }
0x92: {  	v46 =	vadd.s32 s20, v0;
	v48 =	vshll.u32 v45, $0x7;
	v41 =	vmov s21  }
0x93: {  	v10 =	vsel vm2, v12, v10;
	v11 =	vsel vm2, v13, v11;
	v8 =	vsel vm1, v14, v8  }
0x94: {  	vm2 =	vgt.u32 v41, v0;
	v9 =	vsel vm1, v15, v9;
	vm1 =	vle.f32 v8, v10;
	v42, v43, _ =	vpop (xrf1)  }
0x95: {  	v12 =	vsel vm1, v8, v10;
	v44 =	vsel vm1, v9, v11;
	v47 =	vand.u32 $0xFFFFFF80, v43  }
0x96: {  	(xrf1) =	vsort.ascd.msk.f32 $0xffff, v12, v44;
	v49 =	vand.u32 $0x7F, v43;
	v50 =	vadd.s32 v48, v47  }
0x97: {  	v12 =	vor.u32 v49, v50;
	_ =	sdelay $0x2  }
0x98: {  	[tilespmem:v46+s10+$0x0] =	vst.idx.msk vm2, v42  }
0x99: {  	[tilespmem:v46+s11+$0x0] =	vst.idx.msk vm2, v45  }
0x9a: {  	v54 =	vadd.s32 s20, v4;
	vm3 =	vgt.u32 v41, v4;
	v52, v51, _ =	vpop (xrf1);
	v53 =	vld.idx.msk [tilespmem:v12+s8+$0x0], vm2  }
0x9b: {  	v8 =	vsel vm1, v10, v8;
	v9 =	vsel vm1, v11, v9;
	v55 =	vand.u32 $0xFFFFFF80, v51  }
0x9c: {  	(xrf1) =	vsort.ascd.msk.f32 $0xffff, v8, v9;
	v8 =	vand.u32 $0x7F, v51;
	v56 =	vadd.s32 v48, v55  }
0x9d: {  	v8 =	vor.u32 v8, v56;
	_ =	sdelay $0x1  }
0x9e: {  	[tilespmem:v46+s12+$0x0] =	vst.idx.msk vm2, v53  }
0x9f: {  	[tilespmem:v54+s10+$0x0] =	vst.idx.msk vm3, v52  }
0xa0: {  	[tilespmem:v54+s11+$0x0] =	vst.idx.msk vm3, v45  }
0xa1: {  	vm1 =	vgt.u32 v41, v5;
	v57, v58, _ =	vpop (xrf1);
	v8 =	vld.idx.msk [tilespmem:v8+s8+$0x0], vm3  }
0xa2: {  	v59 =	vadd.s32 s20, v5;
	v60 =	vand.u32 $0xFFFFFF80, v58  }
0xa3: {  	v10 =	vand.u32 $0x7F, v58;
	v14 =	vadd.s32 v48, v60  }
0xa4: {  	v10 =	vor.u32 v10, v14;
	_ =	sdelay $0x1  }
0xa5: {  	[tilespmem:v54+s12+$0x0] =	vst.idx.msk vm3, v8  }
0xa6: {  	[tilespmem:v59+s10+$0x0] =	vst.idx.msk vm1, v57  }
0xa7: {  	[tilespmem:v59+s11+$0x0] =	vst.idx.msk vm1, v45  }
0xa8: {  	vm2 =	vgt.u32 v41, v6;
	v8, v61, _ =	vpop (xrf1);
	v10 =	vld.idx.msk [tilespmem:v10+s8+$0x0], vm1  }
0xa9: {  	v62 =	vadd.s32 s20, v6;
	v63 =	vand.u32 $0xFFFFFF80, v61  }
0xaa: {  	v9 =	vand.u32 $0x7F, v61;
	v13 =	vadd.s32 v48, v63  }
0xab: {  	v9 =	vor.u32 v9, v13;
	_ =	sdelay $0x1  }
0xac: {  	[tilespmem:v59+s12+$0x0] =	vst.idx.msk vm1, v10  }
0xad: {  	[tilespmem:v62+s10+$0x0] =	vst.idx.msk vm2, v8  }
0xae: {  	[tilespmem:v62+s11+$0x0] =	vst.idx.msk vm2, v45  }
0xaf: {  	v8 =	vld.idx.msk [tilespmem:v9+s8+$0x0], vm2  }
.Ltmp3:
0xb0: {  	_ = 	snop;
	(pc) =	sbr.rel .LBB2_4-.Ltmp3, $2  }
0xb1: {  	_ =	sdelay $0x2  }
0xb2: {  	[tilespmem:v62+s12+$0x0] =	vst.idx.msk vm2, v8  }
.LBB2_5:
0xb3: {  	p0 =	sgt.s32 s20, $0x3F  }
0xb4: {  	s16 =	sadd.s32 @!p0 $0xFFFFFFFF, s16  }
0xb5: {  	v8 =	vmov @!p0 s16;
	_ =	sdelay $0x3  }
0xb6: {  	s16 =	simm.s32 @!p0 $0x0  }
0xb7: {  	v10 =	vmov @!p0 s20;
	v9 =	vld.idx.msk @!p0 [tilespmem:v8+s16+$0x0], $0xffff;
	_ =	sdelay $0x1  }
0xb8: {  	p1 =	slt.s32 s20, $0x40;
	s17 =	simm.s32 $0x0;
	s16 =	simm.s32 $0x1  }
0xb9: {  	v11 =	vmov s17;
	s16 =	simm.s32 @!p1 $0x0  }
0xba: {  	s17 =	simm.s32 @!p0 $0x6100;
	s16 =	sadd.s32 s16, s20  }
0xbb: {  	[tilespmem:v10+s17+$0x0] =	vst.idx.msk @!p0 $0x1, v9;
	s17 =	simm.s32 @!p0 $0x6180;
	v9 =	vmov s16  }
0xbc: {  	[tilespmem:v10+s17+$0x0] =	vst.idx.msk @!p0 $0x1, v8;
	v8 =	vnsel vm0, $0x0, v9  }
0xbd: {  	[tilespmem:$0x8280] =	vst v8  }
0xbe: {  	v8 =	vld.idx.msk [tilespmem:v11+s11+$0x0], $0xffff;
	_ =	sdelay $0x4  }
0xbf: {  	(v2sf) =	vpush v8, $0x0;
	_ =	sdelay $0xe  }
0xc0: {  	s23 =	spop (v2sf)  }
0xc1: {  	s18 =	sadd.s32 $0x1, s23  }
0xc2: {  	p0 =	slt.s32 s18, $0x3F  }
0xc3: {  	s17 =	sshll.u32 s23, $0x9;
	s18 =	simm.s32 @!p0 $0x3F  }
0xc4: {  	s19 =	sshra.s32 s17, $0x2;
	s24 =	sshll.u32 s18, $0x9  }
0xc5: {  	v8 =	vld [tilespmem:s19+$0x4100];
	s18 =	sshra.s32 s24, $0x2  }
0xc6: {  	v9 =	vld [tilespmem:s18+$0x4100];
	_ =	sdelay $0x1  }
0xc7: {  	v10 =	vld.idx.msk [tilespmem:v11+s12+$0x0], $0xffff;
	_ =	sdelay $0x2  }
0xc8: {  	v9 =	vsub.f32 v9, v8;
	_ =	sdelay $0x1  }
0xc9: {  	v9 =	vmul.f32 v9, v10;
	_ =	sdelay $0x1  }
0xca: {  	v8 =	vadd.f32 v9, v8  }
0xcb: {  	s21 =	simm.f32 $1.000000000e+00;
	p0 =	sgt.s32 s16, $0x0  }
0xcc: {  	s21 =	simm.s32 @!p0 $0x0;
	v8 =	vmax.f32 v8, $0.0e+00  }
0xcd: {  	v8 =	vmul.f32 s21, v8  }
0xce: {  	s17 =	simm.s32 $0x62A0  }
0xcf: {  	[tilespmem:s17+$0xFFFFFFE0] =	vst v8  }
0xd0: {  	v8 =	vld [tilespmem:s19+$0x4110]  }
0xd1: {  	v9 =	vld [tilespmem:s18+$0x4110];
	_ =	sdelay $0x4  }
0xd2: {  	v9 =	vsub.f32 v9, v8;
	_ =	sdelay $0x1  }
0xd3: {  	v9 =	vmul.f32 v9, v10;
	_ =	sdelay $0x1  }
0xd4: {  	v8 =	vadd.f32 v9, v8;
	_ =	sdelay $0x1  }
0xd5: {  	v8 =	vmax.f32 v8, $0.0e+00  }
0xd6: {  	v8 =	vmul.f32 s21, v8;
	_ =	sdelay $0x1  }
0xd7: {  	[tilespmem:s17+$0xFFFFFFF0] =	vst v8  }
0xd8: {  	v8 =	vld [tilespmem:s19+$0x4120]  }
0xd9: {  	v9 =	vld [tilespmem:s18+$0x4120];
	_ =	sdelay $0x4  }
0xda: {  	v9 =	vsub.f32 v9, v8;
	_ =	sdelay $0x1  }
0xdb: {  	v9 =	vmul.f32 v9, v10;
	_ =	sdelay $0x1  }
0xdc: {  	v8 =	vadd.f32 v9, v8;
	_ =	sdelay $0x1  }
0xdd: {  	v8 =	vmax.f32 v8, $0.0e+00  }
0xde: {  	v8 =	vmul.f32 s21, v8;
	_ =	sdelay $0x1  }
0xdf: {  	[tilespmem:s17+$0x0] =	vst v8  }
0xe0: {  	v9 =	vld [tilespmem:s19+$0x4130]  }
0xe1: {  	v8 =	vld [tilespmem:s18+$0x4130];
	_ =	sdelay $0x4  }
0xe2: {  	v8 =	vsub.f32 v8, v9;
	_ =	sdelay $0x1  }
0xe3: {  	v10 =	vmul.f32 v8, v10  }
0xe4: {  	s18 =	simm.s32 $0x1  }
0xe5: {  	s20 =	simm.s32 $0x62A0;
	s19 =	simm.s32 $0x2;
	v8 =	vmov s18;
	v9 =	vadd.f32 v10, v9  }
.LBB2_6:
0xe6: {  	p0 =	sne.s32 s19, $0x3F  }
0xe7: {  	s17 =	sadd.s32 $0x80, s17;
	s24 =	smov.u32 s19;
	s19 =	sadd.s32 $0x1, s19  }
0xe8: {  	v9 =	vmax.f32 v9, $0.0e+00  }
0xe9: {  	v9 =	vmul.f32 s21, v9;
	_ =	sdelay $0x1  }
0xea: {  	[tilespmem:s20+$0x10] =	vst v9;
	s20 =	smov.u32 s17  }
0xeb: {  	v9 =	vld.idx.msk [tilespmem:v8+s11+$0x0], $0xffff;
	_ =	sdelay $0x5  }
0xec: {  	(v2sf) =	vpush v9, $0x0;
	_ =	sdelay $0xe  }
0xed: {  	s21 =	spop (v2sf)  }
0xee: {  	s23 =	sadd.s32 $0x1, s21  }
0xef: {  	p1 =	slt.s32 s23, $0x3F  }
0xf0: {  	s21 =	sshll.u32 s21, $0x9;
	s23 =	simm.s32 @!p1 $0x3F  }
0xf1: {  	s22 =	sshra.s32 s21, $0x2;
	s21 =	sshll.u32 s23, $0x9  }
0xf2: {  	v9 =	vld [tilespmem:s22+$0x4100];
	s23 =	sshra.s32 s21, $0x2  }
0xf3: {  	v10 =	vld [tilespmem:s23+$0x4100]  }
0xf4: {  	v8 =	vld.idx.msk [tilespmem:v8+s12+$0x0], $0xffff;
	_ =	sdelay $0x3  }
0xf5: {  	v10 =	vsub.f32 v10, v9;
	_ =	sdelay $0x1  }
0xf6: {  	v10 =	vmul.f32 v10, v8;
	_ =	sdelay $0x1  }
0xf7: {  	v9 =	vadd.f32 v10, v9  }
0xf8: {  	p1 =	slt.s32 s18, s16;
	s18 =	smov.u32 s24;
	s21 =	simm.f32 $1.000000000e+00  }
0xf9: {  	s21 =	simm.s32 @!p1 $0x0;
	v9 =	vmax.f32 v9, $0.0e+00  }
0xfa: {  	v9 =	vmul.f32 s21, v9;
	_ =	sdelay $0x1  }
0xfb: {  	[tilespmem:s17+$0xFFFFFFE0] =	vst v9  }
0xfc: {  	v9 =	vld [tilespmem:s22+$0x4110]  }
0xfd: {  	v10 =	vld [tilespmem:s23+$0x4110];
	_ =	sdelay $0x4  }
0xfe: {  	v10 =	vsub.f32 v10, v9;
	_ =	sdelay $0x1  }
0xff: {  	v10 =	vmul.f32 v10, v8;
	_ =	sdelay $0x1  }
0x100: {  	v9 =	vadd.f32 v10, v9;
	_ =	sdelay $0x1  }
0x101: {  	v9 =	vmax.f32 v9, $0.0e+00  }
0x102: {  	v9 =	vmul.f32 s21, v9;
	_ =	sdelay $0x1  }
0x103: {  	[tilespmem:s17+$0xFFFFFFF0] =	vst v9  }
0x104: {  	v9 =	vld [tilespmem:s22+$0x4120]  }
0x105: {  	v10 =	vld [tilespmem:s23+$0x4120];
	_ =	sdelay $0x4  }
0x106: {  	v10 =	vsub.f32 v10, v9;
	_ =	sdelay $0x1  }
0x107: {  	v10 =	vmul.f32 v10, v8;
	_ =	sdelay $0x1  }
0x108: {  	v9 =	vadd.f32 v10, v9;
	_ =	sdelay $0x1  }
0x109: {  	v9 =	vmax.f32 v9, $0.0e+00  }
0x10a: {  	v9 =	vmul.f32 s21, v9;
	_ =	sdelay $0x1  }
0x10b: {  	[tilespmem:s17+$0x0] =	vst v9  }
0x10c: {  	v9 =	vld [tilespmem:s22+$0x4130]  }
0x10d: {  	v10 =	vld [tilespmem:s23+$0x4130];
	_ =	sdelay $0x4  }
.Ltmp4:
0x10e: {  	v10 =	vsub.f32 v10, v9;
	(pc) =	sbr.rel @p0 .LBB2_6-.Ltmp4, $3  }
0x10f: {  	_ = 	snop  }
0x110: {  	v10 =	vmul.f32 v10, v8;
	_ =	sdelay $0x1  }
0x111: {  	v8 =	vmov s18;
	v9 =	vadd.f32 v10, v9  }
0x112: {  	_ = 	snop  }
0x113: {  	v9 =	vmax.f32 v9, $0.0e+00  }
0x114: {  	v9 =	vmul.f32 s21, v9;
	_ =	sdelay $0x1  }
0x115: {  	[tilespmem:s20+$0x10] =	vst v9  }
0x116: {  	v9 =	vld.idx.msk [tilespmem:v8+s11+$0x0], $0xffff;
	_ =	sdelay $0x4  }
0x117: {  	(v2sf) =	vpush v9, $0x0;
	_ =	sdelay $0xe  }
0x118: {  	s19 =	spop (v2sf)  }
0x119: {  	s20 =	sadd.s32 $0x1, s19  }
0x11a: {  	p0 =	slt.s32 s20, $0x3F  }
0x11b: {  	s19 =	sshll.u32 s19, $0x9;
	s20 =	simm.s32 @!p0 $0x3F  }
0x11c: {  	s19 =	sshra.s32 s19, $0x2;
	s20 =	sshll.u32 s20, $0x9  }
0x11d: {  	v60 =	vld [tilespmem:s19+$0x4100];
	s20 =	sshra.s32 s20, $0x2  }
0x11e: {  	v10 =	vld [tilespmem:s20+$0x4100];
	_ =	sdelay $0x1  }
0x11f: {  	v8 =	vld.idx.msk [tilespmem:v8+s12+$0x0], $0xffff;
	_ =	sdelay $0x2  }
0x120: {  	v10 =	vsub.f32 v10, v60;
	_ =	sdelay $0x1  }
0x121: {  	v10 =	vmul.f32 v10, v8;
	_ =	sdelay $0x1  }
0x122: {  	v9 =	vadd.f32 v10, v60  }
0x123: {  	p0 =	slt.s32 s18, s16;
	s16 =	simm.f32 $1.000000000e+00  }
0x124: {  	s16 =	simm.s32 @!p0 $0x0;
	v9 =	vmax.f32 v9, $0.0e+00  }
0x125: {  	v9 =	vmul.f32 s16, v9  }
0x126: {  	s17 =	sadd.s32 $0x80, s17  }
0x127: {  	[tilespmem:s17+$0xFFFFFFE0] =	vst v9  }
0x128: {  	v9 =	vld [tilespmem:s19+$0x4110]  }
0x129: {  	v61 =	vld [tilespmem:s20+$0x4110];
	_ =	sdelay $0x4  }
0x12a: {  	v10 =	vsub.f32 v61, v9;
	_ =	sdelay $0x1  }
0x12b: {  	v10 =	vmul.f32 v10, v8;
	_ =	sdelay $0x1  }
0x12c: {  	v9 =	vadd.f32 v10, v9;
	_ =	sdelay $0x1  }
0x12d: {  	v9 =	vmax.f32 v9, $0.0e+00  }
0x12e: {  	v9 =	vmul.f32 s16, v9;
	_ =	sdelay $0x1  }
0x12f: {  	[tilespmem:s17+$0xFFFFFFF0] =	vst v9  }
0x130: {  	v9 =	vld [tilespmem:s19+$0x4120]  }
0x131: {  	v62 =	vld [tilespmem:s20+$0x4120];
	_ =	sdelay $0x4  }
0x132: {  	v10 =	vsub.f32 v62, v9;
	_ =	sdelay $0x1  }
0x133: {  	v10 =	vmul.f32 v10, v8;
	_ =	sdelay $0x1  }
0x134: {  	v9 =	vadd.f32 v10, v9;
	_ =	sdelay $0x1  }
0x135: {  	v9 =	vmax.f32 v9, $0.0e+00  }
0x136: {  	v9 =	vmul.f32 s16, v9;
	_ =	sdelay $0x1  }
0x137: {  	[tilespmem:s17+$0x0] =	vst v9  }
0x138: {  	v9 =	vld [tilespmem:s19+$0x4130]  }
0x139: {  	v63 =	vld [tilespmem:s20+$0x4130];
	_ =	sdelay $0x4  }
0x13a: {  	v10 =	vsub.f32 v63, v9;
	_ =	sdelay $0x1  }
0x13b: {  	v8 =	vmul.f32 v10, v8;
	_ =	sdelay $0x1  }
0x13c: {  	v8 =	vadd.f32 v8, v9;
	_ =	sdelay $0x1  }
0x13d: {  	v8 =	vmax.f32 v8, $0.0e+00  }
0x13e: {  	v8 =	vmul.f32 s16, v8;
	_ =	sdelay $0x1  }
0x13f: {  	s24 =	rddreg [dreg:$0x5];
	s20 =	simm.s32 $0x0;
	[tilespmem:s17+$0x10] =	vst v8  }
0x140: {  	[hbm4b:s24+s20] =	stream.linear.scatter [tilespmem:s10], [sflag:$0x1], $0x80, $0x38;
	[tilespmem:$0x8300] =	vst v63  }
0x141: {  	_ =	swait.ge [sflag:s5], $0x80  }
0x142: {  	[sflag:s5] =	ssyncset.done $0x0  }
0x143: {  	s17 =	rddreg [dreg:$0x6];
	[sflag:s5] =	ssyncadd.s32 $0xFFFFFF80  }
0x144: {  	[hbm4b:s17+s20] =	stream.linear.scatter [tilespmem:s13], [sflag:$0x1], $0x80, $0x38;
	[tilespmem:$0x8300] =	vst v63  }
0x145: {  	_ =	swait.ge [sflag:s5], $0x80  }
0x146: {  	[sflag:s5] =	ssyncset.done $0x0  }
0x147: {  	s18 =	rddreg [dreg:$0x16];
	[sflag:s5] =	ssyncadd.s32 $0xFFFFFF80  }
0x148: {  	[hbm4b:s18+s20] =	stream.linear.scatter [tilespmem:s14], [sflag:$0x1], $0x2000, $0x38;
	[tilespmem:$0x8300] =	vst v63  }
0x149: {  	_ =	swait.ge [sflag:s5], $0x2000  }
0x14a: {  	[sflag:s5] =	ssyncset.done $0x0  }
0x14b: {  	s19 =	rddreg [dreg:$0x7];
	[sflag:s5] =	ssyncadd.s32 $0xFFFFE000  }
0x14c: {  	[tilespmem:s20], [sflag:$0x1] =	stream.linear.gather [hbm4b:s19+s20], $0x80, $0x38;
	[tilespmem:$0x8300] =	vst v63  }
0x14d: {  	_ =	swait.ge [sflag:s5], $0x80  }
0x14e: {  	[sflag:s5] =	ssyncset.done $0x0  }
0x14f: {  	s21 =	rddreg [dreg:$0x8];
	[sflag:s5] =	ssyncadd.s32 $0xFFFFFF80  }
0x150: {  	[tilespmem:s6], [sflag:$0x1] =	stream.linear.gather [hbm4b:s21+s20], $0x80, $0x38;
	[tilespmem:$0x8300] =	vst v63  }
0x151: {  	_ =	swait.ge [sflag:s5], $0x80  }
0x152: {  	[sflag:s5] =	ssyncset.done $0x0  }
0x153: {  	s22 =	rddreg [dreg:$0x17];
	[sflag:s5] =	ssyncadd.s32 $0xFFFFFF80  }
0x154: {  	[tilespmem:s7], [sflag:$0x1] =	stream.linear.gather [hbm4b:s22+s20], $0x1F80, $0x38;
	[tilespmem:$0x8300] =	vst v63  }
0x155: {  	_ =	swait.ge [sflag:s5], $0x1F80  }
0x156: {  	[sflag:s5] =	ssyncset.done $0x0  }
0x157: {  	s23 =	rddreg [dreg:$0x18];
	[sflag:s5] =	ssyncadd.s32 $0xFFFFE080  }
0x158: {  	[tilespmem:s8], [sflag:$0x1] =	stream.linear.gather [hbm4b:s23+s20], $0x1F80, $0x38;
	[tilespmem:$0x8300] =	vst v63  }
0x159: {  	_ =	swait.ge [sflag:s5], $0x1F80  }
0x15a: {  	[sflag:s5] =	ssyncset.done $0x0  }
0x15b: {  	s24 =	rddreg [dreg:$0x19];
	[sflag:s5] =	ssyncadd.s32 $0xFFFFE080  }
0x15c: {  	[tilespmem:s9], [sflag:$0x1] =	stream.linear.gather [hbm4b:s24+s20], $0x2000, $0x38;
	[tilespmem:$0x8300] =	vst v63  }
0x15d: {  	_ =	swait.ge [sflag:s5], $0x2000  }
0x15e: {  	[sflag:s5] =	ssyncset.done $0x0  }
0x15f: {  	[sflag:s5] =	ssyncadd.s32 $0xFFFFE000  }
0x160: {  	v8 =	vld [tilespmem:$0x80];
	_ =	sdelay $0x4  }
0x161: {  	(v2sf) =	vpush v8, $0x0;
	_ =	sdelay $0x4  }
0x162: {  	[tilespmem:$0x6100] =	vst v1  }
0x163: {  	[tilespmem:$0x6180] =	vst v2  }
0x164: {  	[tilespmem:$0x6200] =	vst v3  }
0x165: {  	[tilespmem:$0x6110] =	vst v1  }
0x166: {  	[tilespmem:$0x6190] =	vst v2  }
0x167: {  	[tilespmem:$0x6210] =	vst v3  }
0x168: {  	[tilespmem:$0x6120] =	vst v1  }
.Ltmp5:
0x169: {  	[tilespmem:$0x61A0] =	vst v2;
	(pc) =	sbr.rel .LBB2_8-.Ltmp5, $4  }
0x16a: {  	[tilespmem:$0x6220] =	vst v3  }
0x16b: {  	[tilespmem:$0x6130] =	vst v1  }
0x16c: {  	[tilespmem:$0x61B0] =	vst v2;
	s16 =	spop (v2sf)  }
0x16d: {  	s18 =	simm.s32 $0x120;
	s19 =	simm.s32 $0x0;
	[tilespmem:$0x6230] =	vst v3;
	s17 =	sadd.s32 $0xFFFFFFFE, s16  }
.LBB2_10:
0x16e: {  	s19 =	sadd.s32 $0x1, s19  }
0x16f: {  	p0 =	sne.s32 s19, $0x3F  }
.Ltmp6:
0x170: {  	_ = 	snop;
	(pc) =	sbr.rel @!p0 .LBB2_11-.Ltmp6, $2  }
0x171: {  	_ =	sdelay $0x2  }
0x172: {  	s20 =	sadd.s32 s20, s21;
	s18 =	sadd.s32 $0x80, s18  }
.LBB2_8:
0x173: {  	p0 =	sle.s32 s19, s17;
	p1 =	slt.s32 s20, $0x40  }
0x174: {  	p0 =	por !p0, !p1  }
0x175: {  	p0 =	por !p0, !p0  }
0x176: {  	v8 =	vmov @p0 s19;
	_ =	sdelay $0x3  }
0x177: {  	s21 =	simm.s32 @p0 $0x0  }
0x178: {  	v10 =	vmov @p0 s20;
	v9 =	vld.idx.msk @p0 [tilespmem:v8+s21+$0x0], $0xffff;
	_ =	sdelay $0x3  }
0x179: {  	s21 =	simm.s32 @p0 $0x6100  }
0x17a: {  	[tilespmem:v10+s21+$0x0] =	vst.idx.msk @p0 $0x1, v9;
	s21 =	simm.s32 @p0 $0x6180  }
0x17b: {  	[tilespmem:v10+s21+$0x0] =	vst.idx.msk @p0 $0x1, v8  }
0x17c: {  	v8 =	vld [tilespmem:s18+$0xFFFFFFE0]  }
0x17d: {  	v9 =	vld [tilespmem:s18+$0xFFFFFFF0]  }
0x17e: {  	v10 =	vld [tilespmem:s18+$0x0]  }
0x17f: {  	v11 =	vld [tilespmem:s18+$0x10];
	_ =	sdelay $0x1  }
0x180: {  	vm1 =	vlt.f32 v8, $1.500000000e+00  }
0x181: {  	v12 =	vsel vm1, $0x1, v2;
	vm1 =	vlt.f32 v9, $1.500000000e+00  }
0x182: {  	(xrf0) =	vadd.scan.msk.s32 $0xffff, v12;
	v58 =	vsel vm1, $0x1, v2;
	vm1 =	vlt.f32 v10, $1.500000000e+00  }
0x183: {  	(xrf0) =	vadd.scan.msk.s32 $0xffff, v58;
	v59 =	vsel vm1, $0x1, v2;
	vm1 =	vlt.f32 v11, $1.500000000e+00  }
0x184: {  	(xrf0) =	vadd.scan.msk.s32 $0xffff, v59;
	v60 =	vsel vm1, $0x1, v2  }
0x185: {  	(xrf0) =	vadd.scan.msk.s32 $0xffff, v60;
	_ =	sdelay $0x2  }
0x186: {  	v61, _, _ =	vpop (xrf0)  }
0x187: {  	v13, _, _ =	vpop (xrf0);
	(v2sf) =	vpush v61, $0xF  }
0x188: {  	v62, _, _ =	vpop (xrf0);
	(v2sf) =	vpush v13, $0xF  }
0x189: {  	(v2sf) =	vpush v62, $0xF;
	v63, _, _ =	vpop (xrf0)  }
0x18a: {  	(v2sf) =	vpush v63, $0xF;
	_ =	sdelay $0xb  }
0x18b: {  	s24 =	spop (v2sf)  }
0x18c: {  	s22 =	spop (v2sf)  }
0x18d: {  	s23 =	spop (v2sf);
	s21 =	sadd.s32 s24, s22;
	s22 =	simm.s32 $0x1  }
0x18e: {  	s22 =	simm.s32 @!p0 $0x0;
	s21 =	sadd.s32 s23, s21;
	s24 =	spop (v2sf)  }
0x18f: {  	s20 =	sadd.s32 s22, s20;
	s22 =	sadd.s32 s24, s21  }
0x190: {  	p6 =	sgt.s32 s22, $0x0;
	p2 =	slt.s32 s20, $0x40  }
0x191: {  	p1 =	por !p2, !p6  }
0x192: {  	p1 =	por !p1, !p1  }
0x193: {  	p0 =	por !p0, !p1  }
0x194: {  	p0 =	por !p0, !p0  }
.Ltmp7:
0x195: {  	_ = 	snop;
	(pc) =	sbr.rel @!p0 .LBB2_10-.Ltmp7, $2  }
0x196: {  	_ =	sdelay $0x2  }
0x197: {  	s21 =	simm.s32 $0x0  }
0x198: {  	(xrf1) =	vsort.ascd.msk.f32 $0xffff, v8, v0  }
0x199: {  	(xrf1) =	vsort.ascd.msk.f32 $0xffff, v9, v4  }
0x19a: {  	(xrf1) =	vsort.ascd.msk.f32 $0xffff, v10, v5  }
0x19b: {  	(xrf1) =	vsort.ascd.msk.f32 $0xffff, v11, v6;
	_ =	sdelay $0xa  }
0x19c: {  	v8, v28, _ =	vpop (xrf1)  }
0x19d: {  	v29, v30, _ =	vpop (xrf1)  }
0x19e: {  	v10 =	vperm.xlane v29, v7;
	v12, v13, _ =	vpop (xrf1)  }
0x19f: {  	v11 =	vperm.xlane v30, v7;
	v14, v15, _ =	vpop (xrf1)  }
0x1a0: {  	vm1 =	vle.f32 v8, v10;
	v14 =	vperm.xlane v14, v7;
	v31 =	vperm.xlane v15, v7  }
0x1a1: {  	v16 =	vsel vm1, v8, v10;
	v17 =	vsel vm1, v28, v11;
	v8 =	vsel vm1, v10, v8  }
0x1a2: {  	v9 =	vsel vm1, v11, v28;
	(xrf1) =	vsort.ascd.msk.f32 $0xffff, v16, v17;
	vm1 =	vle.f32 v12, v14  }
0x1a3: {  	(xrf1) =	vsort.ascd.msk.f32 $0xffff, v8, v9;
	v8 =	vsel vm1, v12, v14;
	v32 =	vsel vm1, v13, v31  }
0x1a4: {  	v33 =	vsel vm1, v14, v12;
	v10 =	vsel vm1, v31, v13;
	(xrf1) =	vsort.ascd.msk.f32 $0xffff, v8, v32  }
0x1a5: {  	(xrf1) =	vsort.ascd.msk.f32 $0xffff, v33, v10;
	_ =	sdelay $0xa  }
0x1a6: {  	v8, v9, _ =	vpop (xrf1)  }
0x1a7: {  	v10, v11, _ =	vpop (xrf1)  }
0x1a8: {  	v34, v35, _ =	vpop (xrf1)  }
0x1a9: {  	v37, v36, _ =	vpop (xrf1)  }
0x1aa: {  	v12 =	vperm.xlane v34, v7;
	v14 =	vperm.xlane v37, v7  }
0x1ab: {  	v13 =	vperm.xlane v35, v7  }
0x1ac: {  	v15 =	vperm.xlane v36, v7;
	vm2 =	vle.f32 v10, v12;
	vm1 =	vle.f32 v8, v14  }
0x1ad: {  	v39 =	vsel vm2, v10, v12;
	v38 =	vsel vm1, v8, v14  }
0x1ae: {  	v19 =	vsel vm2, v11, v13;
	v18 =	vsel vm1, v9, v15;
	vm3 =	vle.f32 v38, v39  }
0x1af: {  	v20 =	vsel vm3, v38, v39;
	v21 =	vsel vm3, v18, v19  }
0x1b0: {  	(xrf1) =	vsort.ascd.msk.f32 $0xffff, v20, v21;
	_ =	sdelay $0x6  }
0x1b1: {  	s21 =	ssub.s32 $0x40, s20;
	v16 =	vsel vm3, v39, v38;
	v40 =	vsel vm3, v19, v18  }
0x1b2: {  	p0 =	slt.s32 s22, s21;
	(xrf1) =	vsort.ascd.msk.f32 $0xffff, v16, v40  }
0x1b3: {  	s21 =	smov.u32 @p0 s22  }
0x1b4: {  	p0 =	sgt.s32 s21, $0x0  }
0x1b5: {  	v45 =	vmov s19;
	s21 =	simm.s32 @!p0 $0x0  }
0x1b6: {  	v46 =	vadd.s32 s20, v0;
	v48 =	vshll.u32 v45, $0x7;
	v41 =	vmov s21  }
0x1b7: {  	v10 =	vsel vm2, v12, v10;
	v11 =	vsel vm2, v13, v11;
	v8 =	vsel vm1, v14, v8  }
0x1b8: {  	vm2 =	vgt.u32 v41, v0;
	v9 =	vsel vm1, v15, v9;
	vm1 =	vle.f32 v8, v10;
	v42, v43, _ =	vpop (xrf1)  }
0x1b9: {  	v12 =	vsel vm1, v8, v10;
	v44 =	vsel vm1, v9, v11;
	v47 =	vand.u32 $0xFFFFFF80, v43  }
0x1ba: {  	(xrf1) =	vsort.ascd.msk.f32 $0xffff, v12, v44;
	v49 =	vand.u32 $0x7F, v43;
	v50 =	vadd.s32 v48, v47  }
0x1bb: {  	v12 =	vor.u32 v49, v50;
	_ =	sdelay $0x2  }
0x1bc: {  	[tilespmem:v46+s10+$0x0] =	vst.idx.msk vm2, v42  }
0x1bd: {  	[tilespmem:v46+s11+$0x0] =	vst.idx.msk vm2, v45  }
0x1be: {  	v54 =	vadd.s32 s20, v4;
	vm3 =	vgt.u32 v41, v4;
	v52, v51, _ =	vpop (xrf1);
	v53 =	vld.idx.msk [tilespmem:v12+s8+$0x0], vm2  }
0x1bf: {  	v8 =	vsel vm1, v10, v8;
	v9 =	vsel vm1, v11, v9;
	v55 =	vand.u32 $0xFFFFFF80, v51  }
0x1c0: {  	(xrf1) =	vsort.ascd.msk.f32 $0xffff, v8, v9;
	v8 =	vand.u32 $0x7F, v51;
	v56 =	vadd.s32 v48, v55  }
0x1c1: {  	v8 =	vor.u32 v8, v56;
	_ =	sdelay $0x1  }
0x1c2: {  	[tilespmem:v46+s12+$0x0] =	vst.idx.msk vm2, v53  }
0x1c3: {  	[tilespmem:v54+s10+$0x0] =	vst.idx.msk vm3, v52  }
0x1c4: {  	[tilespmem:v54+s11+$0x0] =	vst.idx.msk vm3, v45  }
0x1c5: {  	vm1 =	vgt.u32 v41, v5;
	v57, v58, _ =	vpop (xrf1);
	v8 =	vld.idx.msk [tilespmem:v8+s8+$0x0], vm3  }
0x1c6: {  	v59 =	vadd.s32 s20, v5;
	v60 =	vand.u32 $0xFFFFFF80, v58  }
0x1c7: {  	v10 =	vand.u32 $0x7F, v58;
	v14 =	vadd.s32 v48, v60  }
0x1c8: {  	v10 =	vor.u32 v10, v14;
	_ =	sdelay $0x1  }
0x1c9: {  	[tilespmem:v54+s12+$0x0] =	vst.idx.msk vm3, v8  }
0x1ca: {  	[tilespmem:v59+s10+$0x0] =	vst.idx.msk vm1, v57  }
0x1cb: {  	[tilespmem:v59+s11+$0x0] =	vst.idx.msk vm1, v45  }
0x1cc: {  	vm2 =	vgt.u32 v41, v6;
	v8, v61, _ =	vpop (xrf1);
	v10 =	vld.idx.msk [tilespmem:v10+s8+$0x0], vm1  }
0x1cd: {  	v62 =	vadd.s32 s20, v6;
	v63 =	vand.u32 $0xFFFFFF80, v61  }
0x1ce: {  	v9 =	vand.u32 $0x7F, v61;
	v13 =	vadd.s32 v48, v63  }
0x1cf: {  	v9 =	vor.u32 v9, v13;
	_ =	sdelay $0x1  }
0x1d0: {  	[tilespmem:v59+s12+$0x0] =	vst.idx.msk vm1, v10  }
0x1d1: {  	[tilespmem:v62+s10+$0x0] =	vst.idx.msk vm2, v8  }
0x1d2: {  	[tilespmem:v62+s11+$0x0] =	vst.idx.msk vm2, v45  }
0x1d3: {  	v8 =	vld.idx.msk [tilespmem:v9+s8+$0x0], vm2  }
.Ltmp8:
0x1d4: {  	_ = 	snop;
	(pc) =	sbr.rel .LBB2_10-.Ltmp8, $2  }
0x1d5: {  	_ =	sdelay $0x2  }
0x1d6: {  	[tilespmem:v62+s12+$0x0] =	vst.idx.msk vm2, v8  }
.LBB2_11:
0x1d7: {  	p0 =	sgt.s32 s20, $0x3F  }
0x1d8: {  	s16 =	sadd.s32 @!p0 $0xFFFFFFFF, s16  }
0x1d9: {  	v8 =	vmov @!p0 s16;
	_ =	sdelay $0x3  }
0x1da: {  	s16 =	simm.s32 @!p0 $0x0  }
0x1db: {  	v10 =	vmov @!p0 s20;
	v9 =	vld.idx.msk @!p0 [tilespmem:v8+s16+$0x0], $0xffff;
	_ =	sdelay $0x1  }
0x1dc: {  	p1 =	slt.s32 s20, $0x40;
	s17 =	simm.s32 $0x0;
	s16 =	simm.s32 $0x1  }
0x1dd: {  	v11 =	vmov s17;
	s16 =	simm.s32 @!p1 $0x0  }
0x1de: {  	s17 =	simm.s32 @!p0 $0x6100;
	s16 =	sadd.s32 s16, s20  }
0x1df: {  	[tilespmem:v10+s17+$0x0] =	vst.idx.msk @!p0 $0x1, v9;
	s17 =	simm.s32 @!p0 $0x6180;
	v9 =	vmov s16  }
0x1e0: {  	[tilespmem:v10+s17+$0x0] =	vst.idx.msk @!p0 $0x1, v8;
	v8 =	vnsel vm0, $0x0, v9  }
0x1e1: {  	[tilespmem:$0x8280] =	vst v8  }
0x1e2: {  	v8 =	vld.idx.msk [tilespmem:v11+s11+$0x0], $0xffff;
	_ =	sdelay $0x4  }
0x1e3: {  	(v2sf) =	vpush v8, $0x0;
	_ =	sdelay $0xe  }
0x1e4: {  	s23 =	spop (v2sf)  }
0x1e5: {  	s18 =	sadd.s32 $0x1, s23  }
0x1e6: {  	p0 =	slt.s32 s18, $0x3F  }
0x1e7: {  	s17 =	sshll.u32 s23, $0x9;
	s18 =	simm.s32 @!p0 $0x3F  }
0x1e8: {  	s19 =	sshra.s32 s17, $0x2;
	s24 =	sshll.u32 s18, $0x9  }
0x1e9: {  	v8 =	vld [tilespmem:s19+$0x4100];
	s18 =	sshra.s32 s24, $0x2  }
0x1ea: {  	v9 =	vld [tilespmem:s18+$0x4100];
	_ =	sdelay $0x1  }
0x1eb: {  	v10 =	vld.idx.msk [tilespmem:v11+s12+$0x0], $0xffff;
	_ =	sdelay $0x2  }
0x1ec: {  	v9 =	vsub.f32 v9, v8;
	_ =	sdelay $0x1  }
0x1ed: {  	v9 =	vmul.f32 v9, v10;
	_ =	sdelay $0x1  }
0x1ee: {  	v8 =	vadd.f32 v9, v8  }
0x1ef: {  	s21 =	simm.f32 $1.000000000e+00;
	p0 =	sgt.s32 s16, $0x0  }
0x1f0: {  	s21 =	simm.s32 @!p0 $0x0;
	v8 =	vmax.f32 v8, $0.0e+00  }
0x1f1: {  	v8 =	vmul.f32 s21, v8  }
0x1f2: {  	s17 =	simm.s32 $0x62A0  }
0x1f3: {  	[tilespmem:s17+$0xFFFFFFE0] =	vst v8  }
0x1f4: {  	v8 =	vld [tilespmem:s19+$0x4110]  }
0x1f5: {  	v9 =	vld [tilespmem:s18+$0x4110];
	_ =	sdelay $0x4  }
0x1f6: {  	v9 =	vsub.f32 v9, v8;
	_ =	sdelay $0x1  }
0x1f7: {  	v9 =	vmul.f32 v9, v10;
	_ =	sdelay $0x1  }
0x1f8: {  	v8 =	vadd.f32 v9, v8;
	_ =	sdelay $0x1  }
0x1f9: {  	v8 =	vmax.f32 v8, $0.0e+00  }
0x1fa: {  	v8 =	vmul.f32 s21, v8;
	_ =	sdelay $0x1  }
0x1fb: {  	[tilespmem:s17+$0xFFFFFFF0] =	vst v8  }
0x1fc: {  	v8 =	vld [tilespmem:s19+$0x4120]  }
0x1fd: {  	v9 =	vld [tilespmem:s18+$0x4120];
	_ =	sdelay $0x4  }
0x1fe: {  	v9 =	vsub.f32 v9, v8;
	_ =	sdelay $0x1  }
0x1ff: {  	v9 =	vmul.f32 v9, v10;
	_ =	sdelay $0x1  }
0x200: {  	v8 =	vadd.f32 v9, v8;
	_ =	sdelay $0x1  }
0x201: {  	v8 =	vmax.f32 v8, $0.0e+00  }
0x202: {  	v8 =	vmul.f32 s21, v8;
	_ =	sdelay $0x1  }
0x203: {  	[tilespmem:s17+$0x0] =	vst v8  }
0x204: {  	v9 =	vld [tilespmem:s19+$0x4130]  }
0x205: {  	v8 =	vld [tilespmem:s18+$0x4130];
	_ =	sdelay $0x4  }
0x206: {  	v8 =	vsub.f32 v8, v9;
	_ =	sdelay $0x1  }
0x207: {  	v10 =	vmul.f32 v8, v10  }
0x208: {  	s18 =	simm.s32 $0x1  }
0x209: {  	s20 =	simm.s32 $0x62A0;
	s19 =	simm.s32 $0x2;
	v8 =	vmov s18;
	v9 =	vadd.f32 v10, v9  }
.LBB2_12:
0x20a: {  	p0 =	sne.s32 s19, $0x3F  }
0x20b: {  	s17 =	sadd.s32 $0x80, s17;
	s24 =	smov.u32 s19;
	s19 =	sadd.s32 $0x1, s19  }
0x20c: {  	v9 =	vmax.f32 v9, $0.0e+00  }
0x20d: {  	v9 =	vmul.f32 s21, v9;
	_ =	sdelay $0x1  }
0x20e: {  	[tilespmem:s20+$0x10] =	vst v9;
	s20 =	smov.u32 s17  }
0x20f: {  	v9 =	vld.idx.msk [tilespmem:v8+s11+$0x0], $0xffff;
	_ =	sdelay $0x5  }
0x210: {  	(v2sf) =	vpush v9, $0x0;
	_ =	sdelay $0xe  }
0x211: {  	s21 =	spop (v2sf)  }
0x212: {  	s23 =	sadd.s32 $0x1, s21  }
0x213: {  	p1 =	slt.s32 s23, $0x3F  }
0x214: {  	s21 =	sshll.u32 s21, $0x9;
	s23 =	simm.s32 @!p1 $0x3F  }
0x215: {  	s22 =	sshra.s32 s21, $0x2;
	s21 =	sshll.u32 s23, $0x9  }
0x216: {  	v9 =	vld [tilespmem:s22+$0x4100];
	s23 =	sshra.s32 s21, $0x2  }
0x217: {  	v10 =	vld [tilespmem:s23+$0x4100]  }
0x218: {  	v8 =	vld.idx.msk [tilespmem:v8+s12+$0x0], $0xffff;
	_ =	sdelay $0x3  }
0x219: {  	v10 =	vsub.f32 v10, v9;
	_ =	sdelay $0x1  }
0x21a: {  	v10 =	vmul.f32 v10, v8;
	_ =	sdelay $0x1  }
0x21b: {  	v9 =	vadd.f32 v10, v9  }
0x21c: {  	p1 =	slt.s32 s18, s16;
	s18 =	smov.u32 s24;
	s21 =	simm.f32 $1.000000000e+00  }
0x21d: {  	s21 =	simm.s32 @!p1 $0x0;
	v9 =	vmax.f32 v9, $0.0e+00  }
0x21e: {  	v9 =	vmul.f32 s21, v9;
	_ =	sdelay $0x1  }
0x21f: {  	[tilespmem:s17+$0xFFFFFFE0] =	vst v9  }
0x220: {  	v9 =	vld [tilespmem:s22+$0x4110]  }
0x221: {  	v10 =	vld [tilespmem:s23+$0x4110];
	_ =	sdelay $0x4  }
0x222: {  	v10 =	vsub.f32 v10, v9;
	_ =	sdelay $0x1  }
0x223: {  	v10 =	vmul.f32 v10, v8;
	_ =	sdelay $0x1  }
0x224: {  	v9 =	vadd.f32 v10, v9;
	_ =	sdelay $0x1  }
0x225: {  	v9 =	vmax.f32 v9, $0.0e+00  }
0x226: {  	v9 =	vmul.f32 s21, v9;
	_ =	sdelay $0x1  }
0x227: {  	[tilespmem:s17+$0xFFFFFFF0] =	vst v9  }
0x228: {  	v9 =	vld [tilespmem:s22+$0x4120]  }
0x229: {  	v10 =	vld [tilespmem:s23+$0x4120];
	_ =	sdelay $0x4  }
0x22a: {  	v10 =	vsub.f32 v10, v9;
	_ =	sdelay $0x1  }
0x22b: {  	v10 =	vmul.f32 v10, v8;
	_ =	sdelay $0x1  }
0x22c: {  	v9 =	vadd.f32 v10, v9;
	_ =	sdelay $0x1  }
0x22d: {  	v9 =	vmax.f32 v9, $0.0e+00  }
0x22e: {  	v9 =	vmul.f32 s21, v9;
	_ =	sdelay $0x1  }
0x22f: {  	[tilespmem:s17+$0x0] =	vst v9  }
0x230: {  	v9 =	vld [tilespmem:s22+$0x4130]  }
0x231: {  	v10 =	vld [tilespmem:s23+$0x4130];
	_ =	sdelay $0x4  }
.Ltmp9:
0x232: {  	v10 =	vsub.f32 v10, v9;
	(pc) =	sbr.rel @p0 .LBB2_12-.Ltmp9, $3  }
0x233: {  	_ = 	snop  }
0x234: {  	v10 =	vmul.f32 v10, v8;
	_ =	sdelay $0x1  }
0x235: {  	v8 =	vmov s18;
	v9 =	vadd.f32 v10, v9  }
0x236: {  	_ = 	snop  }
0x237: {  	v9 =	vmax.f32 v9, $0.0e+00  }
0x238: {  	v9 =	vmul.f32 s21, v9;
	_ =	sdelay $0x1  }
0x239: {  	[tilespmem:s20+$0x10] =	vst v9  }
0x23a: {  	v9 =	vld.idx.msk [tilespmem:v8+s11+$0x0], $0xffff;
	_ =	sdelay $0x4  }
0x23b: {  	(v2sf) =	vpush v9, $0x0;
	_ =	sdelay $0xe  }
0x23c: {  	s19 =	spop (v2sf)  }
0x23d: {  	s20 =	sadd.s32 $0x1, s19  }
0x23e: {  	p0 =	slt.s32 s20, $0x3F  }
0x23f: {  	s19 =	sshll.u32 s19, $0x9;
	s20 =	simm.s32 @!p0 $0x3F  }
0x240: {  	s19 =	sshra.s32 s19, $0x2;
	s20 =	sshll.u32 s20, $0x9  }
0x241: {  	v60 =	vld [tilespmem:s19+$0x4100];
	s20 =	sshra.s32 s20, $0x2  }
0x242: {  	v10 =	vld [tilespmem:s20+$0x4100];
	_ =	sdelay $0x1  }
0x243: {  	v8 =	vld.idx.msk [tilespmem:v8+s12+$0x0], $0xffff;
	_ =	sdelay $0x2  }
0x244: {  	v10 =	vsub.f32 v10, v60;
	_ =	sdelay $0x1  }
0x245: {  	v10 =	vmul.f32 v10, v8;
	_ =	sdelay $0x1  }
0x246: {  	v9 =	vadd.f32 v10, v60  }
0x247: {  	p0 =	slt.s32 s18, s16;
	s16 =	simm.f32 $1.000000000e+00  }
0x248: {  	s16 =	simm.s32 @!p0 $0x0;
	v9 =	vmax.f32 v9, $0.0e+00  }
0x249: {  	v9 =	vmul.f32 s16, v9  }
0x24a: {  	s17 =	sadd.s32 $0x80, s17  }
0x24b: {  	[tilespmem:s17+$0xFFFFFFE0] =	vst v9  }
0x24c: {  	v9 =	vld [tilespmem:s19+$0x4110]  }
0x24d: {  	v61 =	vld [tilespmem:s20+$0x4110];
	_ =	sdelay $0x4  }
0x24e: {  	v10 =	vsub.f32 v61, v9;
	_ =	sdelay $0x1  }
0x24f: {  	v10 =	vmul.f32 v10, v8;
	_ =	sdelay $0x1  }
0x250: {  	v9 =	vadd.f32 v10, v9;
	_ =	sdelay $0x1  }
0x251: {  	v9 =	vmax.f32 v9, $0.0e+00  }
0x252: {  	v9 =	vmul.f32 s16, v9;
	_ =	sdelay $0x1  }
0x253: {  	[tilespmem:s17+$0xFFFFFFF0] =	vst v9  }
0x254: {  	v9 =	vld [tilespmem:s19+$0x4120]  }
0x255: {  	v62 =	vld [tilespmem:s20+$0x4120];
	_ =	sdelay $0x4  }
0x256: {  	v10 =	vsub.f32 v62, v9;
	_ =	sdelay $0x1  }
0x257: {  	v10 =	vmul.f32 v10, v8;
	_ =	sdelay $0x1  }
0x258: {  	v9 =	vadd.f32 v10, v9;
	_ =	sdelay $0x1  }
0x259: {  	v9 =	vmax.f32 v9, $0.0e+00  }
0x25a: {  	v9 =	vmul.f32 s16, v9;
	_ =	sdelay $0x1  }
0x25b: {  	[tilespmem:s17+$0x0] =	vst v9  }
0x25c: {  	v9 =	vld [tilespmem:s19+$0x4130]  }
0x25d: {  	v63 =	vld [tilespmem:s20+$0x4130];
	_ =	sdelay $0x4  }
0x25e: {  	v10 =	vsub.f32 v63, v9;
	_ =	sdelay $0x1  }
0x25f: {  	v8 =	vmul.f32 v10, v8;
	_ =	sdelay $0x1  }
0x260: {  	v8 =	vadd.f32 v8, v9;
	_ =	sdelay $0x1  }
0x261: {  	v8 =	vmax.f32 v8, $0.0e+00  }
0x262: {  	v8 =	vmul.f32 s16, v8;
	_ =	sdelay $0x1  }
0x263: {  	s21 =	rddreg [dreg:$0x9];
	s20 =	simm.s32 $0x0;
	[tilespmem:s17+$0x10] =	vst v8  }
0x264: {  	[hbm4b:s21+s20] =	stream.linear.scatter [tilespmem:s10], [sflag:$0x1], $0x80, $0x38;
	[tilespmem:$0x8300] =	vst v63  }
0x265: {  	_ =	swait.ge [sflag:s5], $0x80  }
0x266: {  	[sflag:s5] =	ssyncset.done $0x0  }
0x267: {  	s22 =	rddreg [dreg:$0xa];
	[sflag:s5] =	ssyncadd.s32 $0xFFFFFF80  }
0x268: {  	[hbm4b:s22+s20] =	stream.linear.scatter [tilespmem:s13], [sflag:$0x1], $0x80, $0x38;
	[tilespmem:$0x8300] =	vst v63  }
0x269: {  	_ =	swait.ge [sflag:s5], $0x80  }
0x26a: {  	[sflag:s5] =	ssyncset.done $0x0  }
0x26b: {  	[sflag:s5] =	ssyncadd.s32 $0xFFFFFF80  }
0x26c: {  	[hbm4b:s25+s20] =	stream.linear.scatter [tilespmem:s14], [sflag:$0x1], $0x2000, $0x38;
	[tilespmem:$0x8300] =	vst v63  }
0x26d: {  	_ =	swait.ge [sflag:s5], $0x2000  }
0x26e: {  	[sflag:s5] =	ssyncset.done $0x0  }
0x26f: {  	s23 =	rddreg [dreg:$0xb];
	[sflag:s5] =	ssyncadd.s32 $0xFFFFE000  }
0x270: {  	[tilespmem:s20], [sflag:$0x1] =	stream.linear.gather [hbm4b:s23+s20], $0x80, $0x38;
	[tilespmem:$0x8300] =	vst v63  }
0x271: {  	_ =	swait.ge [sflag:s5], $0x80  }
0x272: {  	[sflag:s5] =	ssyncset.done $0x0  }
0x273: {  	s24 =	rddreg [dreg:$0xc];
	[sflag:s5] =	ssyncadd.s32 $0xFFFFFF80  }
0x274: {  	[tilespmem:s6], [sflag:$0x1] =	stream.linear.gather [hbm4b:s24+s20], $0x80, $0x38;
	[tilespmem:$0x8300] =	vst v63  }
0x275: {  	_ =	swait.ge [sflag:s5], $0x80  }
0x276: {  	[sflag:s5] =	ssyncset.done $0x0  }
0x277: {  	[sflag:s5] =	ssyncadd.s32 $0xFFFFFF80  }
0x278: {  	[tilespmem:s7], [sflag:$0x1] =	stream.linear.gather [hbm4b:s26+s20], $0x1F80, $0x38;
	[tilespmem:$0x8300] =	vst v63  }
0x279: {  	_ =	swait.ge [sflag:s5], $0x1F80  }
0x27a: {  	[sflag:s5] =	ssyncset.done $0x0  }
0x27b: {  	[sflag:s5] =	ssyncadd.s32 $0xFFFFE080  }
0x27c: {  	[tilespmem:s8], [sflag:$0x1] =	stream.linear.gather [hbm4b:s29+s20], $0x1F80, $0x38;
	[tilespmem:$0x8300] =	vst v63  }
0x27d: {  	_ =	swait.ge [sflag:s5], $0x1F80  }
0x27e: {  	[sflag:s5] =	ssyncset.done $0x0  }
0x27f: {  	[sflag:s5] =	ssyncadd.s32 $0xFFFFE080  }
0x280: {  	[tilespmem:s9], [sflag:$0x1] =	stream.linear.gather [hbm4b:s30+s20], $0x2000, $0x38;
	[tilespmem:$0x8300] =	vst v63  }
0x281: {  	_ =	swait.ge [sflag:s5], $0x2000  }
0x282: {  	[sflag:s5] =	ssyncset.done $0x0  }
0x283: {  	[sflag:s5] =	ssyncadd.s32 $0xFFFFE000  }
0x284: {  	v8 =	vld [tilespmem:$0x80];
	_ =	sdelay $0x4  }
0x285: {  	(v2sf) =	vpush v8, $0x0;
	_ =	sdelay $0x4  }
0x286: {  	[tilespmem:$0x6100] =	vst v1  }
0x287: {  	[tilespmem:$0x6180] =	vst v2  }
0x288: {  	[tilespmem:$0x6200] =	vst v3  }
0x289: {  	[tilespmem:$0x6110] =	vst v1  }
0x28a: {  	[tilespmem:$0x6190] =	vst v2  }
0x28b: {  	[tilespmem:$0x6210] =	vst v3  }
0x28c: {  	[tilespmem:$0x6120] =	vst v1  }
.Ltmp10:
0x28d: {  	[tilespmem:$0x61A0] =	vst v2;
	(pc) =	sbr.rel .LBB2_14-.Ltmp10, $4  }
0x28e: {  	[tilespmem:$0x6220] =	vst v3  }
0x28f: {  	[tilespmem:$0x6130] =	vst v1  }
0x290: {  	[tilespmem:$0x61B0] =	vst v2;
	s16 =	spop (v2sf)  }
0x291: {  	s18 =	simm.s32 $0x120;
	s19 =	simm.s32 $0x0;
	[tilespmem:$0x6230] =	vst v3;
	s17 =	sadd.s32 $0xFFFFFFFE, s16  }
.LBB2_16:
0x292: {  	s19 =	sadd.s32 $0x1, s19  }
0x293: {  	p0 =	sne.s32 s19, $0x3F  }
.Ltmp11:
0x294: {  	_ = 	snop;
	(pc) =	sbr.rel @!p0 .LBB2_17-.Ltmp11, $2  }
0x295: {  	_ =	sdelay $0x2  }
0x296: {  	s20 =	sadd.s32 s20, s21;
	s18 =	sadd.s32 $0x80, s18  }
.LBB2_14:
0x297: {  	p0 =	sle.s32 s19, s17;
	p1 =	slt.s32 s20, $0x40  }
0x298: {  	p0 =	por !p0, !p1  }
0x299: {  	p0 =	por !p0, !p0  }
0x29a: {  	v8 =	vmov @p0 s19;
	_ =	sdelay $0x3  }
0x29b: {  	s21 =	simm.s32 @p0 $0x0  }
0x29c: {  	v10 =	vmov @p0 s20;
	v9 =	vld.idx.msk @p0 [tilespmem:v8+s21+$0x0], $0xffff;
	_ =	sdelay $0x3  }
0x29d: {  	s21 =	simm.s32 @p0 $0x6100  }
0x29e: {  	[tilespmem:v10+s21+$0x0] =	vst.idx.msk @p0 $0x1, v9;
	s21 =	simm.s32 @p0 $0x6180  }
0x29f: {  	[tilespmem:v10+s21+$0x0] =	vst.idx.msk @p0 $0x1, v8  }
0x2a0: {  	v8 =	vld [tilespmem:s18+$0xFFFFFFE0]  }
0x2a1: {  	v9 =	vld [tilespmem:s18+$0xFFFFFFF0]  }
0x2a2: {  	v10 =	vld [tilespmem:s18+$0x0]  }
0x2a3: {  	v11 =	vld [tilespmem:s18+$0x10];
	_ =	sdelay $0x1  }
0x2a4: {  	vm1 =	vlt.f32 v8, $1.500000000e+00  }
0x2a5: {  	v12 =	vsel vm1, $0x1, v2;
	vm1 =	vlt.f32 v9, $1.500000000e+00  }
0x2a6: {  	(xrf0) =	vadd.scan.msk.s32 $0xffff, v12;
	v58 =	vsel vm1, $0x1, v2;
	vm1 =	vlt.f32 v10, $1.500000000e+00  }
0x2a7: {  	(xrf0) =	vadd.scan.msk.s32 $0xffff, v58;
	v59 =	vsel vm1, $0x1, v2;
	vm1 =	vlt.f32 v11, $1.500000000e+00  }
0x2a8: {  	(xrf0) =	vadd.scan.msk.s32 $0xffff, v59;
	v60 =	vsel vm1, $0x1, v2  }
0x2a9: {  	(xrf0) =	vadd.scan.msk.s32 $0xffff, v60;
	_ =	sdelay $0x2  }
0x2aa: {  	v61, _, _ =	vpop (xrf0)  }
0x2ab: {  	v13, _, _ =	vpop (xrf0);
	(v2sf) =	vpush v61, $0xF  }
0x2ac: {  	v62, _, _ =	vpop (xrf0);
	(v2sf) =	vpush v13, $0xF  }
0x2ad: {  	(v2sf) =	vpush v62, $0xF;
	v63, _, _ =	vpop (xrf0)  }
0x2ae: {  	(v2sf) =	vpush v63, $0xF;
	_ =	sdelay $0xb  }
0x2af: {  	s24 =	spop (v2sf)  }
0x2b0: {  	s22 =	spop (v2sf)  }
0x2b1: {  	s23 =	spop (v2sf);
	s21 =	sadd.s32 s24, s22;
	s22 =	simm.s32 $0x1  }
0x2b2: {  	s22 =	simm.s32 @!p0 $0x0;
	s21 =	sadd.s32 s23, s21;
	s24 =	spop (v2sf)  }
0x2b3: {  	s20 =	sadd.s32 s22, s20;
	s22 =	sadd.s32 s24, s21  }
0x2b4: {  	p6 =	sgt.s32 s22, $0x0;
	p2 =	slt.s32 s20, $0x40  }
0x2b5: {  	p1 =	por !p2, !p6  }
0x2b6: {  	p1 =	por !p1, !p1  }
0x2b7: {  	p0 =	por !p0, !p1  }
0x2b8: {  	p0 =	por !p0, !p0  }
.Ltmp12:
0x2b9: {  	_ = 	snop;
	(pc) =	sbr.rel @!p0 .LBB2_16-.Ltmp12, $2  }
0x2ba: {  	_ =	sdelay $0x2  }
0x2bb: {  	s21 =	simm.s32 $0x0  }
0x2bc: {  	(xrf1) =	vsort.ascd.msk.f32 $0xffff, v8, v0  }
0x2bd: {  	(xrf1) =	vsort.ascd.msk.f32 $0xffff, v9, v4  }
0x2be: {  	(xrf1) =	vsort.ascd.msk.f32 $0xffff, v10, v5  }
0x2bf: {  	(xrf1) =	vsort.ascd.msk.f32 $0xffff, v11, v6;
	_ =	sdelay $0xa  }
0x2c0: {  	v8, v28, _ =	vpop (xrf1)  }
0x2c1: {  	v29, v30, _ =	vpop (xrf1)  }
0x2c2: {  	v10 =	vperm.xlane v29, v7;
	v12, v13, _ =	vpop (xrf1)  }
0x2c3: {  	v11 =	vperm.xlane v30, v7;
	v14, v15, _ =	vpop (xrf1)  }
0x2c4: {  	vm1 =	vle.f32 v8, v10;
	v14 =	vperm.xlane v14, v7;
	v31 =	vperm.xlane v15, v7  }
0x2c5: {  	v16 =	vsel vm1, v8, v10;
	v17 =	vsel vm1, v28, v11;
	v8 =	vsel vm1, v10, v8  }
0x2c6: {  	v9 =	vsel vm1, v11, v28;
	(xrf1) =	vsort.ascd.msk.f32 $0xffff, v16, v17;
	vm1 =	vle.f32 v12, v14  }
0x2c7: {  	(xrf1) =	vsort.ascd.msk.f32 $0xffff, v8, v9;
	v8 =	vsel vm1, v12, v14;
	v32 =	vsel vm1, v13, v31  }
0x2c8: {  	v33 =	vsel vm1, v14, v12;
	v10 =	vsel vm1, v31, v13;
	(xrf1) =	vsort.ascd.msk.f32 $0xffff, v8, v32  }
0x2c9: {  	(xrf1) =	vsort.ascd.msk.f32 $0xffff, v33, v10;
	_ =	sdelay $0xa  }
0x2ca: {  	v8, v9, _ =	vpop (xrf1)  }
0x2cb: {  	v10, v11, _ =	vpop (xrf1)  }
0x2cc: {  	v34, v35, _ =	vpop (xrf1)  }
0x2cd: {  	v37, v36, _ =	vpop (xrf1)  }
0x2ce: {  	v12 =	vperm.xlane v34, v7;
	v14 =	vperm.xlane v37, v7  }
0x2cf: {  	v13 =	vperm.xlane v35, v7  }
0x2d0: {  	v15 =	vperm.xlane v36, v7;
	vm2 =	vle.f32 v10, v12;
	vm1 =	vle.f32 v8, v14  }
0x2d1: {  	v39 =	vsel vm2, v10, v12;
	v38 =	vsel vm1, v8, v14  }
0x2d2: {  	v19 =	vsel vm2, v11, v13;
	v18 =	vsel vm1, v9, v15;
	vm3 =	vle.f32 v38, v39  }
0x2d3: {  	v20 =	vsel vm3, v38, v39;
	v21 =	vsel vm3, v18, v19  }
0x2d4: {  	(xrf1) =	vsort.ascd.msk.f32 $0xffff, v20, v21;
	_ =	sdelay $0x6  }
0x2d5: {  	s21 =	ssub.s32 $0x40, s20;
	v16 =	vsel vm3, v39, v38;
	v40 =	vsel vm3, v19, v18  }
0x2d6: {  	p0 =	slt.s32 s22, s21;
	(xrf1) =	vsort.ascd.msk.f32 $0xffff, v16, v40  }
0x2d7: {  	s21 =	smov.u32 @p0 s22  }
0x2d8: {  	p0 =	sgt.s32 s21, $0x0  }
0x2d9: {  	v45 =	vmov s19;
	s21 =	simm.s32 @!p0 $0x0  }
0x2da: {  	v46 =	vadd.s32 s20, v0;
	v48 =	vshll.u32 v45, $0x7;
	v41 =	vmov s21  }
0x2db: {  	v10 =	vsel vm2, v12, v10;
	v11 =	vsel vm2, v13, v11;
	v8 =	vsel vm1, v14, v8  }
0x2dc: {  	vm2 =	vgt.u32 v41, v0;
	v9 =	vsel vm1, v15, v9;
	vm1 =	vle.f32 v8, v10;
	v42, v43, _ =	vpop (xrf1)  }
0x2dd: {  	v12 =	vsel vm1, v8, v10;
	v44 =	vsel vm1, v9, v11;
	v47 =	vand.u32 $0xFFFFFF80, v43  }
0x2de: {  	(xrf1) =	vsort.ascd.msk.f32 $0xffff, v12, v44;
	v49 =	vand.u32 $0x7F, v43;
	v50 =	vadd.s32 v48, v47  }
0x2df: {  	v12 =	vor.u32 v49, v50;
	_ =	sdelay $0x2  }
0x2e0: {  	[tilespmem:v46+s10+$0x0] =	vst.idx.msk vm2, v42  }
0x2e1: {  	[tilespmem:v46+s11+$0x0] =	vst.idx.msk vm2, v45  }
0x2e2: {  	v54 =	vadd.s32 s20, v4;
	vm3 =	vgt.u32 v41, v4;
	v52, v51, _ =	vpop (xrf1);
	v53 =	vld.idx.msk [tilespmem:v12+s8+$0x0], vm2  }
0x2e3: {  	v8 =	vsel vm1, v10, v8;
	v9 =	vsel vm1, v11, v9;
	v55 =	vand.u32 $0xFFFFFF80, v51  }
0x2e4: {  	(xrf1) =	vsort.ascd.msk.f32 $0xffff, v8, v9;
	v8 =	vand.u32 $0x7F, v51;
	v56 =	vadd.s32 v48, v55  }
0x2e5: {  	v8 =	vor.u32 v8, v56;
	_ =	sdelay $0x1  }
0x2e6: {  	[tilespmem:v46+s12+$0x0] =	vst.idx.msk vm2, v53  }
0x2e7: {  	[tilespmem:v54+s10+$0x0] =	vst.idx.msk vm3, v52  }
0x2e8: {  	[tilespmem:v54+s11+$0x0] =	vst.idx.msk vm3, v45  }
0x2e9: {  	vm1 =	vgt.u32 v41, v5;
	v57, v58, _ =	vpop (xrf1);
	v8 =	vld.idx.msk [tilespmem:v8+s8+$0x0], vm3  }
0x2ea: {  	v59 =	vadd.s32 s20, v5;
	v60 =	vand.u32 $0xFFFFFF80, v58  }
0x2eb: {  	v10 =	vand.u32 $0x7F, v58;
	v14 =	vadd.s32 v48, v60  }
0x2ec: {  	v10 =	vor.u32 v10, v14;
	_ =	sdelay $0x1  }
0x2ed: {  	[tilespmem:v54+s12+$0x0] =	vst.idx.msk vm3, v8  }
0x2ee: {  	[tilespmem:v59+s10+$0x0] =	vst.idx.msk vm1, v57  }
0x2ef: {  	[tilespmem:v59+s11+$0x0] =	vst.idx.msk vm1, v45  }
0x2f0: {  	vm2 =	vgt.u32 v41, v6;
	v8, v61, _ =	vpop (xrf1);
	v10 =	vld.idx.msk [tilespmem:v10+s8+$0x0], vm1  }
0x2f1: {  	v62 =	vadd.s32 s20, v6;
	v63 =	vand.u32 $0xFFFFFF80, v61  }
0x2f2: {  	v9 =	vand.u32 $0x7F, v61;
	v13 =	vadd.s32 v48, v63  }
0x2f3: {  	v9 =	vor.u32 v9, v13;
	_ =	sdelay $0x1  }
0x2f4: {  	[tilespmem:v59+s12+$0x0] =	vst.idx.msk vm1, v10  }
0x2f5: {  	[tilespmem:v62+s10+$0x0] =	vst.idx.msk vm2, v8  }
0x2f6: {  	[tilespmem:v62+s11+$0x0] =	vst.idx.msk vm2, v45  }
0x2f7: {  	v8 =	vld.idx.msk [tilespmem:v9+s8+$0x0], vm2  }
.Ltmp13:
0x2f8: {  	_ = 	snop;
	(pc) =	sbr.rel .LBB2_16-.Ltmp13, $2  }
0x2f9: {  	_ =	sdelay $0x2  }
0x2fa: {  	[tilespmem:v62+s12+$0x0] =	vst.idx.msk vm2, v8  }
.LBB2_17:
0x2fb: {  	p0 =	sgt.s32 s20, $0x3F  }
0x2fc: {  	s16 =	sadd.s32 @!p0 $0xFFFFFFFF, s16  }
0x2fd: {  	v8 =	vmov @!p0 s16;
	_ =	sdelay $0x3  }
0x2fe: {  	s16 =	simm.s32 @!p0 $0x0  }
0x2ff: {  	v10 =	vmov @!p0 s20;
	v9 =	vld.idx.msk @!p0 [tilespmem:v8+s16+$0x0], $0xffff;
	_ =	sdelay $0x1  }
0x300: {  	p1 =	slt.s32 s20, $0x40;
	s17 =	simm.s32 $0x0;
	s16 =	simm.s32 $0x1  }
0x301: {  	v11 =	vmov s17;
	s16 =	simm.s32 @!p1 $0x0  }
0x302: {  	s17 =	simm.s32 @!p0 $0x6100;
	s16 =	sadd.s32 s16, s20  }
0x303: {  	[tilespmem:v10+s17+$0x0] =	vst.idx.msk @!p0 $0x1, v9;
	s17 =	simm.s32 @!p0 $0x6180;
	v9 =	vmov s16  }
0x304: {  	[tilespmem:v10+s17+$0x0] =	vst.idx.msk @!p0 $0x1, v8;
	v8 =	vnsel vm0, $0x0, v9  }
0x305: {  	[tilespmem:$0x8280] =	vst v8  }
0x306: {  	v8 =	vld.idx.msk [tilespmem:v11+s11+$0x0], $0xffff;
	_ =	sdelay $0x4  }
0x307: {  	(v2sf) =	vpush v8, $0x0;
	_ =	sdelay $0xe  }
0x308: {  	s23 =	spop (v2sf)  }
0x309: {  	s18 =	sadd.s32 $0x1, s23  }
0x30a: {  	p0 =	slt.s32 s18, $0x3F  }
0x30b: {  	s17 =	sshll.u32 s23, $0x9;
	s18 =	simm.s32 @!p0 $0x3F  }
0x30c: {  	s19 =	sshra.s32 s17, $0x2;
	s24 =	sshll.u32 s18, $0x9  }
0x30d: {  	v8 =	vld [tilespmem:s19+$0x4100];
	s18 =	sshra.s32 s24, $0x2  }
0x30e: {  	v9 =	vld [tilespmem:s18+$0x4100];
	_ =	sdelay $0x1  }
0x30f: {  	v10 =	vld.idx.msk [tilespmem:v11+s12+$0x0], $0xffff;
	_ =	sdelay $0x2  }
0x310: {  	v9 =	vsub.f32 v9, v8;
	_ =	sdelay $0x1  }
0x311: {  	v9 =	vmul.f32 v9, v10;
	_ =	sdelay $0x1  }
0x312: {  	v8 =	vadd.f32 v9, v8  }
0x313: {  	s21 =	simm.f32 $1.000000000e+00;
	p0 =	sgt.s32 s16, $0x0  }
0x314: {  	s21 =	simm.s32 @!p0 $0x0;
	v8 =	vmax.f32 v8, $0.0e+00  }
0x315: {  	v8 =	vmul.f32 s21, v8  }
0x316: {  	s17 =	simm.s32 $0x62A0  }
0x317: {  	[tilespmem:s17+$0xFFFFFFE0] =	vst v8  }
0x318: {  	v8 =	vld [tilespmem:s19+$0x4110]  }
0x319: {  	v9 =	vld [tilespmem:s18+$0x4110];
	_ =	sdelay $0x4  }
0x31a: {  	v9 =	vsub.f32 v9, v8;
	_ =	sdelay $0x1  }
0x31b: {  	v9 =	vmul.f32 v9, v10;
	_ =	sdelay $0x1  }
0x31c: {  	v8 =	vadd.f32 v9, v8;
	_ =	sdelay $0x1  }
0x31d: {  	v8 =	vmax.f32 v8, $0.0e+00  }
0x31e: {  	v8 =	vmul.f32 s21, v8;
	_ =	sdelay $0x1  }
0x31f: {  	[tilespmem:s17+$0xFFFFFFF0] =	vst v8  }
0x320: {  	v8 =	vld [tilespmem:s19+$0x4120]  }
0x321: {  	v9 =	vld [tilespmem:s18+$0x4120];
	_ =	sdelay $0x4  }
0x322: {  	v9 =	vsub.f32 v9, v8;
	_ =	sdelay $0x1  }
0x323: {  	v9 =	vmul.f32 v9, v10;
	_ =	sdelay $0x1  }
0x324: {  	v8 =	vadd.f32 v9, v8;
	_ =	sdelay $0x1  }
0x325: {  	v8 =	vmax.f32 v8, $0.0e+00  }
0x326: {  	v8 =	vmul.f32 s21, v8;
	_ =	sdelay $0x1  }
0x327: {  	[tilespmem:s17+$0x0] =	vst v8  }
0x328: {  	v9 =	vld [tilespmem:s19+$0x4130]  }
0x329: {  	v8 =	vld [tilespmem:s18+$0x4130];
	_ =	sdelay $0x4  }
0x32a: {  	v8 =	vsub.f32 v8, v9;
	_ =	sdelay $0x1  }
0x32b: {  	v10 =	vmul.f32 v8, v10  }
0x32c: {  	s18 =	simm.s32 $0x1  }
0x32d: {  	s20 =	simm.s32 $0x62A0;
	s19 =	simm.s32 $0x2;
	v8 =	vmov s18;
	v9 =	vadd.f32 v10, v9  }
.LBB2_18:
0x32e: {  	p0 =	sne.s32 s19, $0x3F  }
0x32f: {  	s17 =	sadd.s32 $0x80, s17;
	s24 =	smov.u32 s19;
	s19 =	sadd.s32 $0x1, s19  }
0x330: {  	v9 =	vmax.f32 v9, $0.0e+00  }
0x331: {  	v9 =	vmul.f32 s21, v9;
	_ =	sdelay $0x1  }
0x332: {  	[tilespmem:s20+$0x10] =	vst v9;
	s20 =	smov.u32 s17  }
0x333: {  	v9 =	vld.idx.msk [tilespmem:v8+s11+$0x0], $0xffff;
	_ =	sdelay $0x5  }
0x334: {  	(v2sf) =	vpush v9, $0x0;
	_ =	sdelay $0xe  }
0x335: {  	s21 =	spop (v2sf)  }
0x336: {  	s23 =	sadd.s32 $0x1, s21  }
0x337: {  	p1 =	slt.s32 s23, $0x3F  }
0x338: {  	s21 =	sshll.u32 s21, $0x9;
	s23 =	simm.s32 @!p1 $0x3F  }
0x339: {  	s22 =	sshra.s32 s21, $0x2;
	s21 =	sshll.u32 s23, $0x9  }
0x33a: {  	v9 =	vld [tilespmem:s22+$0x4100];
	s23 =	sshra.s32 s21, $0x2  }
0x33b: {  	v10 =	vld [tilespmem:s23+$0x4100]  }
0x33c: {  	v8 =	vld.idx.msk [tilespmem:v8+s12+$0x0], $0xffff;
	_ =	sdelay $0x3  }
0x33d: {  	v10 =	vsub.f32 v10, v9;
	_ =	sdelay $0x1  }
0x33e: {  	v10 =	vmul.f32 v10, v8;
	_ =	sdelay $0x1  }
0x33f: {  	v9 =	vadd.f32 v10, v9  }
0x340: {  	p1 =	slt.s32 s18, s16;
	s18 =	smov.u32 s24;
	s21 =	simm.f32 $1.000000000e+00  }
0x341: {  	s21 =	simm.s32 @!p1 $0x0;
	v9 =	vmax.f32 v9, $0.0e+00  }
0x342: {  	v9 =	vmul.f32 s21, v9;
	_ =	sdelay $0x1  }
0x343: {  	[tilespmem:s17+$0xFFFFFFE0] =	vst v9  }
0x344: {  	v9 =	vld [tilespmem:s22+$0x4110]  }
0x345: {  	v10 =	vld [tilespmem:s23+$0x4110];
	_ =	sdelay $0x4  }
0x346: {  	v10 =	vsub.f32 v10, v9;
	_ =	sdelay $0x1  }
0x347: {  	v10 =	vmul.f32 v10, v8;
	_ =	sdelay $0x1  }
0x348: {  	v9 =	vadd.f32 v10, v9;
	_ =	sdelay $0x1  }
0x349: {  	v9 =	vmax.f32 v9, $0.0e+00  }
0x34a: {  	v9 =	vmul.f32 s21, v9;
	_ =	sdelay $0x1  }
0x34b: {  	[tilespmem:s17+$0xFFFFFFF0] =	vst v9  }
0x34c: {  	v9 =	vld [tilespmem:s22+$0x4120]  }
0x34d: {  	v10 =	vld [tilespmem:s23+$0x4120];
	_ =	sdelay $0x4  }
0x34e: {  	v10 =	vsub.f32 v10, v9;
	_ =	sdelay $0x1  }
0x34f: {  	v10 =	vmul.f32 v10, v8;
	_ =	sdelay $0x1  }
0x350: {  	v9 =	vadd.f32 v10, v9;
	_ =	sdelay $0x1  }
0x351: {  	v9 =	vmax.f32 v9, $0.0e+00  }
0x352: {  	v9 =	vmul.f32 s21, v9;
	_ =	sdelay $0x1  }
0x353: {  	[tilespmem:s17+$0x0] =	vst v9  }
0x354: {  	v9 =	vld [tilespmem:s22+$0x4130]  }
0x355: {  	v10 =	vld [tilespmem:s23+$0x4130];
	_ =	sdelay $0x4  }
.Ltmp14:
0x356: {  	v10 =	vsub.f32 v10, v9;
	(pc) =	sbr.rel @p0 .LBB2_18-.Ltmp14, $3  }
0x357: {  	_ = 	snop  }
0x358: {  	v10 =	vmul.f32 v10, v8;
	_ =	sdelay $0x1  }
0x359: {  	v8 =	vmov s18;
	v9 =	vadd.f32 v10, v9  }
0x35a: {  	_ = 	snop  }
0x35b: {  	v9 =	vmax.f32 v9, $0.0e+00  }
0x35c: {  	v9 =	vmul.f32 s21, v9;
	_ =	sdelay $0x1  }
0x35d: {  	[tilespmem:s20+$0x10] =	vst v9  }
0x35e: {  	v9 =	vld.idx.msk [tilespmem:v8+s11+$0x0], $0xffff;
	_ =	sdelay $0x4  }
0x35f: {  	(v2sf) =	vpush v9, $0x0;
	_ =	sdelay $0xe  }
0x360: {  	s19 =	spop (v2sf)  }
0x361: {  	s20 =	sadd.s32 $0x1, s19  }
0x362: {  	p0 =	slt.s32 s20, $0x3F  }
0x363: {  	s19 =	sshll.u32 s19, $0x9;
	s20 =	simm.s32 @!p0 $0x3F  }
0x364: {  	s19 =	sshra.s32 s19, $0x2;
	s20 =	sshll.u32 s20, $0x9  }
0x365: {  	v60 =	vld [tilespmem:s19+$0x4100];
	s20 =	sshra.s32 s20, $0x2  }
0x366: {  	v10 =	vld [tilespmem:s20+$0x4100];
	_ =	sdelay $0x1  }
0x367: {  	v8 =	vld.idx.msk [tilespmem:v8+s12+$0x0], $0xffff;
	_ =	sdelay $0x2  }
0x368: {  	v10 =	vsub.f32 v10, v60;
	_ =	sdelay $0x1  }
0x369: {  	v10 =	vmul.f32 v10, v8;
	_ =	sdelay $0x1  }
0x36a: {  	v9 =	vadd.f32 v10, v60  }
0x36b: {  	p0 =	slt.s32 s18, s16;
	s16 =	simm.f32 $1.000000000e+00  }
0x36c: {  	s16 =	simm.s32 @!p0 $0x0;
	v9 =	vmax.f32 v9, $0.0e+00  }
0x36d: {  	v9 =	vmul.f32 s16, v9  }
0x36e: {  	s17 =	sadd.s32 $0x80, s17  }
0x36f: {  	[tilespmem:s17+$0xFFFFFFE0] =	vst v9  }
0x370: {  	v9 =	vld [tilespmem:s19+$0x4110]  }
0x371: {  	v61 =	vld [tilespmem:s20+$0x4110];
	_ =	sdelay $0x4  }
0x372: {  	v10 =	vsub.f32 v61, v9;
	_ =	sdelay $0x1  }
0x373: {  	v10 =	vmul.f32 v10, v8;
	_ =	sdelay $0x1  }
0x374: {  	v9 =	vadd.f32 v10, v9;
	_ =	sdelay $0x1  }
0x375: {  	v9 =	vmax.f32 v9, $0.0e+00  }
0x376: {  	v9 =	vmul.f32 s16, v9;
	_ =	sdelay $0x1  }
0x377: {  	[tilespmem:s17+$0xFFFFFFF0] =	vst v9  }
0x378: {  	v9 =	vld [tilespmem:s19+$0x4120]  }
0x379: {  	v62 =	vld [tilespmem:s20+$0x4120];
	_ =	sdelay $0x4  }
0x37a: {  	v10 =	vsub.f32 v62, v9;
	_ =	sdelay $0x1  }
0x37b: {  	v10 =	vmul.f32 v10, v8;
	_ =	sdelay $0x1  }
0x37c: {  	v9 =	vadd.f32 v10, v9;
	_ =	sdelay $0x1  }
0x37d: {  	v9 =	vmax.f32 v9, $0.0e+00  }
0x37e: {  	v9 =	vmul.f32 s16, v9;
	_ =	sdelay $0x1  }
0x37f: {  	[tilespmem:s17+$0x0] =	vst v9  }
0x380: {  	v9 =	vld [tilespmem:s19+$0x4130]  }
0x381: {  	v63 =	vld [tilespmem:s20+$0x4130];
	_ =	sdelay $0x4  }
0x382: {  	v10 =	vsub.f32 v63, v9;
	_ =	sdelay $0x1  }
0x383: {  	v8 =	vmul.f32 v10, v8;
	_ =	sdelay $0x1  }
0x384: {  	v8 =	vadd.f32 v8, v9;
	_ =	sdelay $0x1  }
0x385: {  	v8 =	vmax.f32 v8, $0.0e+00  }
0x386: {  	v8 =	vmul.f32 s16, v8;
	_ =	sdelay $0x1  }
0x387: {  	s21 =	rddreg [dreg:$0xd];
	s20 =	simm.s32 $0x0;
	[tilespmem:s17+$0x10] =	vst v8  }
0x388: {  	[hbm4b:s21+s20] =	stream.linear.scatter [tilespmem:s10], [sflag:$0x1], $0x80, $0x38;
	[tilespmem:$0x8300] =	vst v63  }
0x389: {  	_ =	swait.ge [sflag:s5], $0x80  }
0x38a: {  	[sflag:s5] =	ssyncset.done $0x0  }
0x38b: {  	s22 =	rddreg [dreg:$0xe];
	[sflag:s5] =	ssyncadd.s32 $0xFFFFFF80  }
0x38c: {  	[hbm4b:s22+s20] =	stream.linear.scatter [tilespmem:s13], [sflag:$0x1], $0x80, $0x38;
	[tilespmem:$0x8300] =	vst v63  }
0x38d: {  	_ =	swait.ge [sflag:s5], $0x80  }
0x38e: {  	[sflag:s5] =	ssyncset.done $0x0  }
0x38f: {  	[sflag:s5] =	ssyncadd.s32 $0xFFFFFF80  }
0x390: {  	[hbm4b:s31+s20] =	stream.linear.scatter [tilespmem:s14], [sflag:$0x1], $0x2000, $0x38;
	[tilespmem:$0x8300] =	vst v63  }
0x391: {  	_ =	swait.ge [sflag:s5], $0x2000  }
0x392: {  	[sflag:s5] =	ssyncset.done $0x0  }
0x393: {  	s23 =	rddreg [dreg:$0xf];
	[sflag:s5] =	ssyncadd.s32 $0xFFFFE000  }
0x394: {  	[tilespmem:s20], [sflag:$0x1] =	stream.linear.gather [hbm4b:s23+s20], $0x80, $0x38;
	[tilespmem:$0x8300] =	vst v63  }
0x395: {  	_ =	swait.ge [sflag:s5], $0x80  }
0x396: {  	[sflag:s5] =	ssyncset.done $0x0  }
0x397: {  	s24 =	rddreg [dreg:$0x10];
	[sflag:s5] =	ssyncadd.s32 $0xFFFFFF80  }
0x398: {  	[tilespmem:s6], [sflag:$0x1] =	stream.linear.gather [hbm4b:s24+s20], $0x80, $0x38;
	[tilespmem:$0x8300] =	vst v63  }
0x399: {  	_ =	swait.ge [sflag:s5], $0x80  }
0x39a: {  	[sflag:s5] =	ssyncset.done $0x0  }
0x39b: {  	[sflag:s5] =	ssyncadd.s32 $0xFFFFFF80  }
0x39c: {  	[tilespmem:s7], [sflag:$0x1] =	stream.linear.gather [hbm4b:s28+s20], $0x1F80, $0x38;
	[tilespmem:$0x8300] =	vst v63  }
0x39d: {  	_ =	swait.ge [sflag:s5], $0x1F80  }
0x39e: {  	[sflag:s5] =	ssyncset.done $0x0  }
0x39f: {  	[sflag:s5] =	ssyncadd.s32 $0xFFFFE080  }
0x3a0: {  	[tilespmem:s8], [sflag:$0x1] =	stream.linear.gather [hbm4b:s0+s20], $0x1F80, $0x38;
	[tilespmem:$0x8300] =	vst v63  }
0x3a1: {  	_ =	swait.ge [sflag:s5], $0x1F80  }
0x3a2: {  	[sflag:s5] =	ssyncset.done $0x0  }
0x3a3: {  	[sflag:s5] =	ssyncadd.s32 $0xFFFFE080  }
0x3a4: {  	[tilespmem:s9], [sflag:$0x1] =	stream.linear.gather [hbm4b:s2+s20], $0x2000, $0x38;
	[tilespmem:$0x8300] =	vst v63  }
0x3a5: {  	_ =	swait.ge [sflag:s5], $0x2000  }
0x3a6: {  	[sflag:s5] =	ssyncset.done $0x0  }
0x3a7: {  	[sflag:s5] =	ssyncadd.s32 $0xFFFFE000  }
0x3a8: {  	v8 =	vld [tilespmem:$0x80];
	_ =	sdelay $0x4  }
0x3a9: {  	(v2sf) =	vpush v8, $0x0;
	_ =	sdelay $0x4  }
0x3aa: {  	[tilespmem:$0x6100] =	vst v1  }
0x3ab: {  	[tilespmem:$0x6180] =	vst v2  }
0x3ac: {  	[tilespmem:$0x6200] =	vst v3  }
0x3ad: {  	[tilespmem:$0x6110] =	vst v1  }
0x3ae: {  	[tilespmem:$0x6190] =	vst v2  }
0x3af: {  	[tilespmem:$0x6210] =	vst v3  }
0x3b0: {  	[tilespmem:$0x6120] =	vst v1  }
.Ltmp15:
0x3b1: {  	[tilespmem:$0x61A0] =	vst v2;
	(pc) =	sbr.rel .LBB2_20-.Ltmp15, $4  }
0x3b2: {  	[tilespmem:$0x6220] =	vst v3  }
0x3b3: {  	[tilespmem:$0x6130] =	vst v1  }
0x3b4: {  	[tilespmem:$0x61B0] =	vst v2;
	s16 =	spop (v2sf)  }
0x3b5: {  	s18 =	simm.s32 $0x120;
	s19 =	simm.s32 $0x0;
	[tilespmem:$0x6230] =	vst v3;
	s17 =	sadd.s32 $0xFFFFFFFE, s16  }
.LBB2_22:
0x3b6: {  	s19 =	sadd.s32 $0x1, s19  }
0x3b7: {  	p0 =	sne.s32 s19, $0x3F  }
.Ltmp16:
0x3b8: {  	_ = 	snop;
	(pc) =	sbr.rel @!p0 .LBB2_23-.Ltmp16, $2  }
0x3b9: {  	_ =	sdelay $0x2  }
0x3ba: {  	s20 =	sadd.s32 s20, s21;
	s18 =	sadd.s32 $0x80, s18  }
.LBB2_20:
0x3bb: {  	p0 =	sle.s32 s19, s17;
	p1 =	slt.s32 s20, $0x40  }
0x3bc: {  	p0 =	por !p0, !p1  }
0x3bd: {  	p0 =	por !p0, !p0  }
0x3be: {  	v8 =	vmov @p0 s19;
	_ =	sdelay $0x3  }
0x3bf: {  	s21 =	simm.s32 @p0 $0x0  }
0x3c0: {  	v10 =	vmov @p0 s20;
	v9 =	vld.idx.msk @p0 [tilespmem:v8+s21+$0x0], $0xffff;
	_ =	sdelay $0x3  }
0x3c1: {  	s21 =	simm.s32 @p0 $0x6100  }
0x3c2: {  	[tilespmem:v10+s21+$0x0] =	vst.idx.msk @p0 $0x1, v9;
	s21 =	simm.s32 @p0 $0x6180  }
0x3c3: {  	[tilespmem:v10+s21+$0x0] =	vst.idx.msk @p0 $0x1, v8  }
0x3c4: {  	v8 =	vld [tilespmem:s18+$0xFFFFFFE0]  }
0x3c5: {  	v9 =	vld [tilespmem:s18+$0xFFFFFFF0]  }
0x3c6: {  	v10 =	vld [tilespmem:s18+$0x0]  }
0x3c7: {  	v11 =	vld [tilespmem:s18+$0x10];
	_ =	sdelay $0x1  }
0x3c8: {  	vm1 =	vlt.f32 v8, $1.500000000e+00  }
0x3c9: {  	v12 =	vsel vm1, $0x1, v2;
	vm1 =	vlt.f32 v9, $1.500000000e+00  }
0x3ca: {  	(xrf0) =	vadd.scan.msk.s32 $0xffff, v12;
	v58 =	vsel vm1, $0x1, v2;
	vm1 =	vlt.f32 v10, $1.500000000e+00  }
0x3cb: {  	(xrf0) =	vadd.scan.msk.s32 $0xffff, v58;
	v59 =	vsel vm1, $0x1, v2;
	vm1 =	vlt.f32 v11, $1.500000000e+00  }
0x3cc: {  	(xrf0) =	vadd.scan.msk.s32 $0xffff, v59;
	v60 =	vsel vm1, $0x1, v2  }
0x3cd: {  	(xrf0) =	vadd.scan.msk.s32 $0xffff, v60;
	_ =	sdelay $0x2  }
0x3ce: {  	v61, _, _ =	vpop (xrf0)  }
0x3cf: {  	v13, _, _ =	vpop (xrf0);
	(v2sf) =	vpush v61, $0xF  }
0x3d0: {  	v62, _, _ =	vpop (xrf0);
	(v2sf) =	vpush v13, $0xF  }
0x3d1: {  	(v2sf) =	vpush v62, $0xF;
	v63, _, _ =	vpop (xrf0)  }
0x3d2: {  	(v2sf) =	vpush v63, $0xF;
	_ =	sdelay $0xb  }
0x3d3: {  	s24 =	spop (v2sf)  }
0x3d4: {  	s22 =	spop (v2sf)  }
0x3d5: {  	s23 =	spop (v2sf);
	s21 =	sadd.s32 s24, s22;
	s22 =	simm.s32 $0x1  }
0x3d6: {  	s22 =	simm.s32 @!p0 $0x0;
	s21 =	sadd.s32 s23, s21;
	s24 =	spop (v2sf)  }
0x3d7: {  	s20 =	sadd.s32 s22, s20;
	s22 =	sadd.s32 s24, s21  }
0x3d8: {  	p6 =	sgt.s32 s22, $0x0;
	p2 =	slt.s32 s20, $0x40  }
0x3d9: {  	p1 =	por !p2, !p6  }
0x3da: {  	p1 =	por !p1, !p1  }
0x3db: {  	p0 =	por !p0, !p1  }
0x3dc: {  	p0 =	por !p0, !p0  }
.Ltmp17:
0x3dd: {  	_ = 	snop;
	(pc) =	sbr.rel @!p0 .LBB2_22-.Ltmp17, $2  }
0x3de: {  	_ =	sdelay $0x2  }
0x3df: {  	s21 =	simm.s32 $0x0  }
0x3e0: {  	(xrf1) =	vsort.ascd.msk.f32 $0xffff, v8, v0  }
0x3e1: {  	(xrf1) =	vsort.ascd.msk.f32 $0xffff, v9, v4  }
0x3e2: {  	(xrf1) =	vsort.ascd.msk.f32 $0xffff, v10, v5  }
0x3e3: {  	(xrf1) =	vsort.ascd.msk.f32 $0xffff, v11, v6;
	_ =	sdelay $0xa  }
0x3e4: {  	v8, v28, _ =	vpop (xrf1)  }
0x3e5: {  	v29, v30, _ =	vpop (xrf1)  }
0x3e6: {  	v10 =	vperm.xlane v29, v7;
	v12, v13, _ =	vpop (xrf1)  }
0x3e7: {  	v11 =	vperm.xlane v30, v7;
	v14, v15, _ =	vpop (xrf1)  }
0x3e8: {  	vm1 =	vle.f32 v8, v10;
	v14 =	vperm.xlane v14, v7;
	v31 =	vperm.xlane v15, v7  }
0x3e9: {  	v16 =	vsel vm1, v8, v10;
	v17 =	vsel vm1, v28, v11;
	v8 =	vsel vm1, v10, v8  }
0x3ea: {  	v9 =	vsel vm1, v11, v28;
	(xrf1) =	vsort.ascd.msk.f32 $0xffff, v16, v17;
	vm1 =	vle.f32 v12, v14  }
0x3eb: {  	(xrf1) =	vsort.ascd.msk.f32 $0xffff, v8, v9;
	v8 =	vsel vm1, v12, v14;
	v32 =	vsel vm1, v13, v31  }
0x3ec: {  	v33 =	vsel vm1, v14, v12;
	v10 =	vsel vm1, v31, v13;
	(xrf1) =	vsort.ascd.msk.f32 $0xffff, v8, v32  }
0x3ed: {  	(xrf1) =	vsort.ascd.msk.f32 $0xffff, v33, v10;
	_ =	sdelay $0xa  }
0x3ee: {  	v8, v9, _ =	vpop (xrf1)  }
0x3ef: {  	v10, v11, _ =	vpop (xrf1)  }
0x3f0: {  	v34, v35, _ =	vpop (xrf1)  }
0x3f1: {  	v37, v36, _ =	vpop (xrf1)  }
0x3f2: {  	v12 =	vperm.xlane v34, v7;
	v14 =	vperm.xlane v37, v7  }
0x3f3: {  	v13 =	vperm.xlane v35, v7  }
0x3f4: {  	v15 =	vperm.xlane v36, v7;
	vm2 =	vle.f32 v10, v12;
	vm1 =	vle.f32 v8, v14  }
0x3f5: {  	v39 =	vsel vm2, v10, v12;
	v38 =	vsel vm1, v8, v14  }
0x3f6: {  	v19 =	vsel vm2, v11, v13;
	v18 =	vsel vm1, v9, v15;
	vm3 =	vle.f32 v38, v39  }
0x3f7: {  	v20 =	vsel vm3, v38, v39;
	v21 =	vsel vm3, v18, v19  }
0x3f8: {  	(xrf1) =	vsort.ascd.msk.f32 $0xffff, v20, v21;
	_ =	sdelay $0x6  }
0x3f9: {  	s21 =	ssub.s32 $0x40, s20;
	v16 =	vsel vm3, v39, v38;
	v40 =	vsel vm3, v19, v18  }
0x3fa: {  	p0 =	slt.s32 s22, s21;
	(xrf1) =	vsort.ascd.msk.f32 $0xffff, v16, v40  }
0x3fb: {  	s21 =	smov.u32 @p0 s22  }
0x3fc: {  	p0 =	sgt.s32 s21, $0x0  }
0x3fd: {  	v45 =	vmov s19;
	s21 =	simm.s32 @!p0 $0x0  }
0x3fe: {  	v46 =	vadd.s32 s20, v0;
	v48 =	vshll.u32 v45, $0x7;
	v41 =	vmov s21  }
0x3ff: {  	v10 =	vsel vm2, v12, v10;
	v11 =	vsel vm2, v13, v11;
	v8 =	vsel vm1, v14, v8  }
0x400: {  	vm2 =	vgt.u32 v41, v0;
	v9 =	vsel vm1, v15, v9;
	vm1 =	vle.f32 v8, v10;
	v42, v43, _ =	vpop (xrf1)  }
0x401: {  	v12 =	vsel vm1, v8, v10;
	v44 =	vsel vm1, v9, v11;
	v47 =	vand.u32 $0xFFFFFF80, v43  }
0x402: {  	(xrf1) =	vsort.ascd.msk.f32 $0xffff, v12, v44;
	v49 =	vand.u32 $0x7F, v43;
	v50 =	vadd.s32 v48, v47  }
0x403: {  	v12 =	vor.u32 v49, v50;
	_ =	sdelay $0x2  }
0x404: {  	[tilespmem:v46+s10+$0x0] =	vst.idx.msk vm2, v42  }
0x405: {  	[tilespmem:v46+s11+$0x0] =	vst.idx.msk vm2, v45  }
0x406: {  	v54 =	vadd.s32 s20, v4;
	vm3 =	vgt.u32 v41, v4;
	v52, v51, _ =	vpop (xrf1);
	v53 =	vld.idx.msk [tilespmem:v12+s8+$0x0], vm2  }
0x407: {  	v8 =	vsel vm1, v10, v8;
	v9 =	vsel vm1, v11, v9;
	v55 =	vand.u32 $0xFFFFFF80, v51  }
0x408: {  	(xrf1) =	vsort.ascd.msk.f32 $0xffff, v8, v9;
	v8 =	vand.u32 $0x7F, v51;
	v56 =	vadd.s32 v48, v55  }
0x409: {  	v8 =	vor.u32 v8, v56;
	_ =	sdelay $0x1  }
0x40a: {  	[tilespmem:v46+s12+$0x0] =	vst.idx.msk vm2, v53  }
0x40b: {  	[tilespmem:v54+s10+$0x0] =	vst.idx.msk vm3, v52  }
0x40c: {  	[tilespmem:v54+s11+$0x0] =	vst.idx.msk vm3, v45  }
0x40d: {  	vm1 =	vgt.u32 v41, v5;
	v57, v58, _ =	vpop (xrf1);
	v8 =	vld.idx.msk [tilespmem:v8+s8+$0x0], vm3  }
0x40e: {  	v59 =	vadd.s32 s20, v5;
	v60 =	vand.u32 $0xFFFFFF80, v58  }
0x40f: {  	v10 =	vand.u32 $0x7F, v58;
	v14 =	vadd.s32 v48, v60  }
0x410: {  	v10 =	vor.u32 v10, v14;
	_ =	sdelay $0x1  }
0x411: {  	[tilespmem:v54+s12+$0x0] =	vst.idx.msk vm3, v8  }
0x412: {  	[tilespmem:v59+s10+$0x0] =	vst.idx.msk vm1, v57  }
0x413: {  	[tilespmem:v59+s11+$0x0] =	vst.idx.msk vm1, v45  }
0x414: {  	vm2 =	vgt.u32 v41, v6;
	v8, v61, _ =	vpop (xrf1);
	v10 =	vld.idx.msk [tilespmem:v10+s8+$0x0], vm1  }
0x415: {  	v62 =	vadd.s32 s20, v6;
	v63 =	vand.u32 $0xFFFFFF80, v61  }
0x416: {  	v9 =	vand.u32 $0x7F, v61;
	v13 =	vadd.s32 v48, v63  }
0x417: {  	v9 =	vor.u32 v9, v13;
	_ =	sdelay $0x1  }
0x418: {  	[tilespmem:v59+s12+$0x0] =	vst.idx.msk vm1, v10  }
0x419: {  	[tilespmem:v62+s10+$0x0] =	vst.idx.msk vm2, v8  }
0x41a: {  	[tilespmem:v62+s11+$0x0] =	vst.idx.msk vm2, v45  }
0x41b: {  	v8 =	vld.idx.msk [tilespmem:v9+s8+$0x0], vm2  }
.Ltmp18:
0x41c: {  	_ = 	snop;
	(pc) =	sbr.rel .LBB2_22-.Ltmp18, $2  }
0x41d: {  	_ =	sdelay $0x2  }
0x41e: {  	[tilespmem:v62+s12+$0x0] =	vst.idx.msk vm2, v8  }
.LBB2_23:
0x41f: {  	p0 =	sgt.s32 s20, $0x3F  }
0x420: {  	s16 =	sadd.s32 @!p0 $0xFFFFFFFF, s16  }
0x421: {  	v8 =	vmov @!p0 s16;
	_ =	sdelay $0x3  }
0x422: {  	s16 =	simm.s32 @!p0 $0x0  }
0x423: {  	v10 =	vmov @!p0 s20;
	v9 =	vld.idx.msk @!p0 [tilespmem:v8+s16+$0x0], $0xffff;
	_ =	sdelay $0x1  }
0x424: {  	p1 =	slt.s32 s20, $0x40;
	s17 =	simm.s32 $0x0;
	s16 =	simm.s32 $0x1  }
0x425: {  	v11 =	vmov s17;
	s16 =	simm.s32 @!p1 $0x0  }
0x426: {  	s17 =	simm.s32 @!p0 $0x6100;
	s16 =	sadd.s32 s16, s20  }
0x427: {  	[tilespmem:v10+s17+$0x0] =	vst.idx.msk @!p0 $0x1, v9;
	s17 =	simm.s32 @!p0 $0x6180;
	v9 =	vmov s16  }
0x428: {  	[tilespmem:v10+s17+$0x0] =	vst.idx.msk @!p0 $0x1, v8;
	v8 =	vnsel vm0, $0x0, v9  }
0x429: {  	[tilespmem:$0x8280] =	vst v8  }
0x42a: {  	v8 =	vld.idx.msk [tilespmem:v11+s11+$0x0], $0xffff;
	_ =	sdelay $0x4  }
0x42b: {  	(v2sf) =	vpush v8, $0x0;
	_ =	sdelay $0xe  }
0x42c: {  	s23 =	spop (v2sf)  }
0x42d: {  	s18 =	sadd.s32 $0x1, s23  }
0x42e: {  	p0 =	slt.s32 s18, $0x3F  }
0x42f: {  	s17 =	sshll.u32 s23, $0x9;
	s18 =	simm.s32 @!p0 $0x3F  }
0x430: {  	s19 =	sshra.s32 s17, $0x2;
	s24 =	sshll.u32 s18, $0x9  }
0x431: {  	v8 =	vld [tilespmem:s19+$0x4100];
	s18 =	sshra.s32 s24, $0x2  }
0x432: {  	v9 =	vld [tilespmem:s18+$0x4100];
	_ =	sdelay $0x1  }
0x433: {  	v10 =	vld.idx.msk [tilespmem:v11+s12+$0x0], $0xffff;
	_ =	sdelay $0x2  }
0x434: {  	v9 =	vsub.f32 v9, v8;
	_ =	sdelay $0x1  }
0x435: {  	v9 =	vmul.f32 v9, v10;
	_ =	sdelay $0x1  }
0x436: {  	v8 =	vadd.f32 v9, v8  }
0x437: {  	s21 =	simm.f32 $1.000000000e+00;
	p0 =	sgt.s32 s16, $0x0  }
0x438: {  	s21 =	simm.s32 @!p0 $0x0;
	v8 =	vmax.f32 v8, $0.0e+00  }
0x439: {  	v8 =	vmul.f32 s21, v8  }
0x43a: {  	s17 =	simm.s32 $0x62A0  }
0x43b: {  	[tilespmem:s17+$0xFFFFFFE0] =	vst v8  }
0x43c: {  	v8 =	vld [tilespmem:s19+$0x4110]  }
0x43d: {  	v9 =	vld [tilespmem:s18+$0x4110];
	_ =	sdelay $0x4  }
0x43e: {  	v9 =	vsub.f32 v9, v8;
	_ =	sdelay $0x1  }
0x43f: {  	v9 =	vmul.f32 v9, v10;
	_ =	sdelay $0x1  }
0x440: {  	v8 =	vadd.f32 v9, v8;
	_ =	sdelay $0x1  }
0x441: {  	v8 =	vmax.f32 v8, $0.0e+00  }
0x442: {  	v8 =	vmul.f32 s21, v8;
	_ =	sdelay $0x1  }
0x443: {  	[tilespmem:s17+$0xFFFFFFF0] =	vst v8  }
0x444: {  	v8 =	vld [tilespmem:s19+$0x4120]  }
0x445: {  	v9 =	vld [tilespmem:s18+$0x4120];
	_ =	sdelay $0x4  }
0x446: {  	v9 =	vsub.f32 v9, v8;
	_ =	sdelay $0x1  }
0x447: {  	v9 =	vmul.f32 v9, v10;
	_ =	sdelay $0x1  }
0x448: {  	v8 =	vadd.f32 v9, v8;
	_ =	sdelay $0x1  }
0x449: {  	v8 =	vmax.f32 v8, $0.0e+00  }
0x44a: {  	v8 =	vmul.f32 s21, v8;
	_ =	sdelay $0x1  }
0x44b: {  	[tilespmem:s17+$0x0] =	vst v8  }
0x44c: {  	v9 =	vld [tilespmem:s19+$0x4130]  }
0x44d: {  	v8 =	vld [tilespmem:s18+$0x4130];
	_ =	sdelay $0x4  }
0x44e: {  	v8 =	vsub.f32 v8, v9;
	_ =	sdelay $0x1  }
0x44f: {  	v10 =	vmul.f32 v8, v10  }
0x450: {  	s18 =	simm.s32 $0x1  }
0x451: {  	s20 =	simm.s32 $0x62A0;
	s19 =	simm.s32 $0x2;
	v8 =	vmov s18;
	v9 =	vadd.f32 v10, v9  }
.LBB2_24:
0x452: {  	p0 =	sne.s32 s19, $0x3F  }
0x453: {  	s17 =	sadd.s32 $0x80, s17;
	s24 =	smov.u32 s19;
	s19 =	sadd.s32 $0x1, s19  }
0x454: {  	v9 =	vmax.f32 v9, $0.0e+00  }
0x455: {  	v9 =	vmul.f32 s21, v9;
	_ =	sdelay $0x1  }
0x456: {  	[tilespmem:s20+$0x10] =	vst v9;
	s20 =	smov.u32 s17  }
0x457: {  	v9 =	vld.idx.msk [tilespmem:v8+s11+$0x0], $0xffff;
	_ =	sdelay $0x5  }
0x458: {  	(v2sf) =	vpush v9, $0x0;
	_ =	sdelay $0xe  }
0x459: {  	s21 =	spop (v2sf)  }
0x45a: {  	s23 =	sadd.s32 $0x1, s21  }
0x45b: {  	p1 =	slt.s32 s23, $0x3F  }
0x45c: {  	s21 =	sshll.u32 s21, $0x9;
	s23 =	simm.s32 @!p1 $0x3F  }
0x45d: {  	s22 =	sshra.s32 s21, $0x2;
	s21 =	sshll.u32 s23, $0x9  }
0x45e: {  	v9 =	vld [tilespmem:s22+$0x4100];
	s23 =	sshra.s32 s21, $0x2  }
0x45f: {  	v10 =	vld [tilespmem:s23+$0x4100]  }
0x460: {  	v8 =	vld.idx.msk [tilespmem:v8+s12+$0x0], $0xffff;
	_ =	sdelay $0x3  }
0x461: {  	v10 =	vsub.f32 v10, v9;
	_ =	sdelay $0x1  }
0x462: {  	v10 =	vmul.f32 v10, v8;
	_ =	sdelay $0x1  }
0x463: {  	v9 =	vadd.f32 v10, v9  }
0x464: {  	p1 =	slt.s32 s18, s16;
	s18 =	smov.u32 s24;
	s21 =	simm.f32 $1.000000000e+00  }
0x465: {  	s21 =	simm.s32 @!p1 $0x0;
	v9 =	vmax.f32 v9, $0.0e+00  }
0x466: {  	v9 =	vmul.f32 s21, v9;
	_ =	sdelay $0x1  }
0x467: {  	[tilespmem:s17+$0xFFFFFFE0] =	vst v9  }
0x468: {  	v9 =	vld [tilespmem:s22+$0x4110]  }
0x469: {  	v10 =	vld [tilespmem:s23+$0x4110];
	_ =	sdelay $0x4  }
0x46a: {  	v10 =	vsub.f32 v10, v9;
	_ =	sdelay $0x1  }
0x46b: {  	v10 =	vmul.f32 v10, v8;
	_ =	sdelay $0x1  }
0x46c: {  	v9 =	vadd.f32 v10, v9;
	_ =	sdelay $0x1  }
0x46d: {  	v9 =	vmax.f32 v9, $0.0e+00  }
0x46e: {  	v9 =	vmul.f32 s21, v9;
	_ =	sdelay $0x1  }
0x46f: {  	[tilespmem:s17+$0xFFFFFFF0] =	vst v9  }
0x470: {  	v9 =	vld [tilespmem:s22+$0x4120]  }
0x471: {  	v10 =	vld [tilespmem:s23+$0x4120];
	_ =	sdelay $0x4  }
0x472: {  	v10 =	vsub.f32 v10, v9;
	_ =	sdelay $0x1  }
0x473: {  	v10 =	vmul.f32 v10, v8;
	_ =	sdelay $0x1  }
0x474: {  	v9 =	vadd.f32 v10, v9;
	_ =	sdelay $0x1  }
0x475: {  	v9 =	vmax.f32 v9, $0.0e+00  }
0x476: {  	v9 =	vmul.f32 s21, v9;
	_ =	sdelay $0x1  }
0x477: {  	[tilespmem:s17+$0x0] =	vst v9  }
0x478: {  	v9 =	vld [tilespmem:s22+$0x4130]  }
0x479: {  	v10 =	vld [tilespmem:s23+$0x4130];
	_ =	sdelay $0x4  }
.Ltmp19:
0x47a: {  	v10 =	vsub.f32 v10, v9;
	(pc) =	sbr.rel @p0 .LBB2_24-.Ltmp19, $3  }
0x47b: {  	_ = 	snop  }
0x47c: {  	v10 =	vmul.f32 v10, v8;
	_ =	sdelay $0x1  }
0x47d: {  	v8 =	vmov s18;
	v9 =	vadd.f32 v10, v9  }
0x47e: {  	_ = 	snop  }
0x47f: {  	v9 =	vmax.f32 v9, $0.0e+00  }
0x480: {  	v9 =	vmul.f32 s21, v9;
	_ =	sdelay $0x1  }
0x481: {  	[tilespmem:s20+$0x10] =	vst v9  }
0x482: {  	v9 =	vld.idx.msk [tilespmem:v8+s11+$0x0], $0xffff;
	_ =	sdelay $0x4  }
0x483: {  	(v2sf) =	vpush v9, $0x0;
	_ =	sdelay $0xe  }
0x484: {  	s19 =	spop (v2sf)  }
0x485: {  	s20 =	sadd.s32 $0x1, s19  }
0x486: {  	p0 =	slt.s32 s20, $0x3F  }
0x487: {  	s19 =	sshll.u32 s19, $0x9;
	s20 =	simm.s32 @!p0 $0x3F  }
0x488: {  	s19 =	sshra.s32 s19, $0x2;
	s20 =	sshll.u32 s20, $0x9  }
0x489: {  	v60 =	vld [tilespmem:s19+$0x4100];
	s20 =	sshra.s32 s20, $0x2  }
0x48a: {  	v10 =	vld [tilespmem:s20+$0x4100];
	_ =	sdelay $0x1  }
0x48b: {  	v8 =	vld.idx.msk [tilespmem:v8+s12+$0x0], $0xffff;
	_ =	sdelay $0x2  }
0x48c: {  	v10 =	vsub.f32 v10, v60;
	_ =	sdelay $0x1  }
0x48d: {  	v10 =	vmul.f32 v10, v8;
	_ =	sdelay $0x1  }
0x48e: {  	v9 =	vadd.f32 v10, v60  }
0x48f: {  	p0 =	slt.s32 s18, s16;
	s16 =	simm.f32 $1.000000000e+00  }
0x490: {  	s16 =	simm.s32 @!p0 $0x0;
	v9 =	vmax.f32 v9, $0.0e+00  }
0x491: {  	v9 =	vmul.f32 s16, v9  }
0x492: {  	s17 =	sadd.s32 $0x80, s17  }
0x493: {  	[tilespmem:s17+$0xFFFFFFE0] =	vst v9  }
0x494: {  	v9 =	vld [tilespmem:s19+$0x4110]  }
0x495: {  	v61 =	vld [tilespmem:s20+$0x4110];
	_ =	sdelay $0x4  }
0x496: {  	v10 =	vsub.f32 v61, v9;
	_ =	sdelay $0x1  }
0x497: {  	v10 =	vmul.f32 v10, v8;
	_ =	sdelay $0x1  }
0x498: {  	v9 =	vadd.f32 v10, v9;
	_ =	sdelay $0x1  }
0x499: {  	v9 =	vmax.f32 v9, $0.0e+00  }
0x49a: {  	v9 =	vmul.f32 s16, v9;
	_ =	sdelay $0x1  }
0x49b: {  	[tilespmem:s17+$0xFFFFFFF0] =	vst v9  }
0x49c: {  	v9 =	vld [tilespmem:s19+$0x4120]  }
0x49d: {  	v62 =	vld [tilespmem:s20+$0x4120];
	_ =	sdelay $0x4  }
0x49e: {  	v10 =	vsub.f32 v62, v9;
	_ =	sdelay $0x1  }
0x49f: {  	v10 =	vmul.f32 v10, v8;
	_ =	sdelay $0x1  }
0x4a0: {  	v9 =	vadd.f32 v10, v9;
	_ =	sdelay $0x1  }
0x4a1: {  	v9 =	vmax.f32 v9, $0.0e+00  }
0x4a2: {  	v9 =	vmul.f32 s16, v9;
	_ =	sdelay $0x1  }
0x4a3: {  	[tilespmem:s17+$0x0] =	vst v9  }
0x4a4: {  	v9 =	vld [tilespmem:s19+$0x4130]  }
0x4a5: {  	v63 =	vld [tilespmem:s20+$0x4130];
	_ =	sdelay $0x4  }
0x4a6: {  	v10 =	vsub.f32 v63, v9;
	_ =	sdelay $0x1  }
0x4a7: {  	v8 =	vmul.f32 v10, v8;
	_ =	sdelay $0x1  }
0x4a8: {  	v8 =	vadd.f32 v8, v9;
	_ =	sdelay $0x1  }
0x4a9: {  	v8 =	vmax.f32 v8, $0.0e+00  }
0x4aa: {  	v8 =	vmul.f32 s16, v8;
	_ =	sdelay $0x1  }
0x4ab: {  	s23 =	rddreg [dreg:$0x11];
	[tilespmem:s17+$0x10] =	vst v8  }
0x4ac: {  	[hbm4b:s23+s1] =	stream.linear.scatter [tilespmem:s10], [sflag:$0x1], $0x80, $0x38;
	[tilespmem:$0x8300] =	vst v63  }
0x4ad: {  	_ =	swait.ge [sflag:s5], $0x80  }
0x4ae: {  	[sflag:s5] =	ssyncset.done $0x0  }
0x4af: {  	s24 =	rddreg [dreg:$0x12];
	[sflag:s5] =	ssyncadd.s32 $0xFFFFFF80  }
0x4b0: {  	[hbm4b:s24+s1] =	stream.linear.scatter [tilespmem:s13], [sflag:$0x1], $0x80, $0x38;
	[tilespmem:$0x8300] =	vst v63  }
0x4b1: {  	s15 =	sadd.s32 $0x1, s15;
	_ =	swait.ge [sflag:s5], $0x80  }
0x4b2: {  	p0 =	sne.s32 s15, s4;
	[sflag:s5] =	ssyncset.done $0x0  }
.Ltmp20:
0x4b3: {  	[sflag:s5] =	ssyncadd.s32 $0xFFFFFF80;
	(pc) =	sbr.rel @p0 .LBB2_1-.Ltmp20, $4  }
0x4b4: {  	[hbm4b:s3+s1] =	stream.linear.scatter [tilespmem:s14], [sflag:$0x1], $0x2000, $0x38;
	[tilespmem:$0x8300] =	vst v63  }
0x4b5: {  	_ =	swait.ge [sflag:s5], $0x2000  }
0x4b6: {  	[sflag:s5] =	ssyncset.done $0x0  }
0x4b7: {  	[sflag:s5] =	ssyncadd.s32 $0xFFFFE000  }
0x4b8: {  	_ =	sfence.sel $0x180000  }
0x4b9: {  	[bflag:$0x0] =	sbarrier.arrive $0xFFFF  }
0x4ba: {  	_ =	strace $0x9000004A  }
0x4bb: {  	s0 =	stileid.u32;
	[bflag:$0x2] =	sbarrier.arrive $0xFFFF  }
0x4bc: {  	p0 =	sne.s32 s0, $0x0;
	s0 =	rddreg [dreg:$0x2]  }
0x4bd: {  	s0 =	sadd.s32 @!p0 $0x100000, s0  }
0x4be: {  	[sflag:s0] =	ssyncadd.tile.s32 @!p0 $0x1;
	_ =	shalt  }
.Lfunc_end2:
_tile_overlayer_lowered:
.L_overlay_start_2:
0x4bf: {  	(tag) =	ssettag $0x2  }
0x4c0: {  	s0 =	rddreg [dreg:$0x0];
	s2 =	stileid.u32  }
0x4c1: {  	s1 =	rddreg [dreg:$0x1];
	p0 =	sne.s32 s2, $0x0  }
0x4c2: {  	s3 =	rddreg [dreg:$0x2];
	[bflag:$0x3] =	sbarrier.arrive $0xFFFF;
	s2 =	simm.s32 @!p0 $0x1C01  }
0x4c3: {  	[timem:s3], [sflag:s2] =	dma.local @!p0 [hbm:s0], s1  }
0x4c4: {  	s0 =	simm.s32 @!p0 $0x1  }
0x4c5: {  	_ =	swait.ge @!p0 [sflag:s0], s1  }
0x4c6: {  	s1 =	ssub.s32 @!p0 $0x0, s1;
	[sflag:s0] =	ssyncset.done @!p0 $0x0  }
0x4c7: {  	[sflag:s0] =	ssyncadd.s32 @!p0 s1  }
0x4c8: {  	[bflag:$0x3] =	sbarrier.arrive $0xFFFF  }
0x4c9: {  	_ =	shalt  }

// kernel: kernel.7.cloned.1.call-start
scs
__scs_entry_jumppad:
0x0: {  	(pc) =	sbr.rel $0x88, $3  }
0x1: {  	(tag) =	ssettag $0x0;
	lr =	simm.s32 $0x1  }
0x2: {  	[smem:$0x3F99] =	sst lr;
	_ =	strace $0xD0000000  }
0x3: {  	_ = 	snop  }
0x4: {  	_ = 	snop  }
0x5: {  	_ = 	snop  }
0x6: {  	_ = 	snop  }
0x7: {  	_ = 	snop  }
__scs_overlays_trampoline_lowered:
0x8: {  	[smem:$0x3FA8] =	sst s0  }
0x9: {  	[smem:$0x3FA9] =	sst s1  }
0xa: {  	[smem:$0x3FAA] =	sst s2  }
0xb: {  	[smem:$0x3FAB] =	sst s3  }
0xc: {  	[smem:$0x3FAC] =	sst s4  }
0xd: {  	[smem:$0x3FAD] =	sst s5  }
0xe: {  	[smem:$0x3FAE] =	sst s6  }
0xf: {  	[smem:$0x3FAF] =	sst s7  }
0x10: {  	[smem:$0x3FB0] =	sst s8  }
0x11: {  	[smem:$0x3FB1] =	sst s9;
	s0 =	simm.s32 @!p0 $0x0  }
0x12: {  	s1 =	sld [smem:$0x3F97];
	s0 =	simm.s32 @p0 $0x1  }
0x13: {  	[smem:$0x3FB2] =	sst s0;
	s0 =	simm.s32 @!p1 $0x0  }
0x14: {  	s2 =	sld [smem:$0x3F96];
	s0 =	simm.s32 @p1 $0x1  }
0x15: {  	[smem:$0x3FB3] =	sst s0;
	s0 =	simm.s32 @!p2 $0x0  }
0x16: {  	s3 =	sld [smem:$0x3FDB];
	s0 =	simm.s32 @p2 $0x1  }
0x17: {  	s4 =	simm.s32 $0x1BF5;
	[smem:$0x3FB5] =	sst s0  }
0x18: {  	s0 =	sld [smem:$0x3F98];
	_ =	swait.ge [sflag:s4], $0x0  }
0x19: {  	s7 =	sld [smem:$0x3F99]  }
0x1a: {  	s8 =	sadd.s32 $0xFFFFE003, lr  }
0x1b: {  	s9 =	sadd.s32 $0xFFFFFEF7, lr;
	s5 =	simm.s32 $0xFFFFFFFF;
	p2 =	slt.u32 s8, $0xFFFFF086  }
0x1c: {  	p1 =	slt.u32 s9, $0xF7A;
	s5 =	simm.s32 @!p2 $0x0  }
0x1d: {  	s5 =	simm.s32 @p1 $0x1;
	p0 =	seq.s32 s7, s2  }
0x1e: {  	s7 =	smul.u32 @!p0 $0xF7A, s2;
	p2 =	seq.s32 @!p0 s5, $0x0  }
0x1f: {  	s9 =	smul.u32 $0xF7A, s1;
	s8 =	simm.s32 @!p0 $0x1BF5;
	p2 =	por !p2, p0  }
0x20: {  	[sflag:s8] =	ssyncset.s32 @!p0 $0xFFFFF086;
	s6 =	sadd.s32 @!p0 s3, s7;
	s7 =	simm.s32 @!p0 $0x108  }
0x21: {  	s3 =	sadd.s32 s3, s9;
	s6 =	sadd.s32 @!p0 $0x88, s6;
	s7 =	simm.s32 @p2 $0x1082  }
0x22: {  	[simem:s7], [sflag:s8] =	dma.local @!p0 [hbm:s6], $0xF7A  }
0x23: {  	s9 =	sor.u32 $0xD0000000, s2;
	s6 =	simm.s32 $0x108;
	_ =	swait.ge @!p0 [sflag:s8], $0x0  }
0x24: {  	s3 =	sadd.s32 $0x88, s3;
	s6 =	simm.s32 @!p1 $0x1082;
	[sflag:s4] =	ssyncset.s32 $0xFFFFF086  }
0x25: {  	[simem:s6], [sflag:s4] =	dma.local [hbm:s3], $0xF7A  }
0x26: {  	[smem:$0x3F99] =	sst s1;
	(tag) =	ssettag s2;
	_ =	strace s9  }
0x27: {  	s1 =	sld [smem:$0x3FA9]  }
0x28: {  	s2 =	sld [smem:$0x3FAA]  }
0x29: {  	s4 =	sld [smem:$0x3FAC]  }
0x2a: {  	p0 =	seq.s32 s5, $0x0;
	s5 =	sld [smem:$0x3FAD]  }
0x2b: {  	s6 =	sld [smem:$0x3FAE]  }
0x2c: {  	s7 =	sld [smem:$0x3FAF]  }
0x2d: {  	s3 =	simm.s32 $0x108;
	s8 =	sld [smem:$0x3FB0]  }
0x2e: {  	s3 =	simm.s32 @!p0 $0x1082;
	s9 =	sld [smem:$0x3FB1]  }
0x2f: {  	lr =	sadd.s32 s0, s3;
	s0 =	sld [smem:$0x3FA8]  }
0x30: {  	s3 =	sld [smem:$0x3FAB]  }
0x31: {  	[smem:$0x3FB4] =	sst s10  }
0x32: {  	s10 =	sld [smem:$0x3FB2];
	_ =	sdelay $0x3  }
0x33: {  	p0 =	seq.s32 s10, $0x1;
	s10 =	sld [smem:$0x3FB4];
	_ =	sdelay $0x3  }
0x34: {  	[smem:$0x3FB4] =	sst s10  }
0x35: {  	s10 =	sld [smem:$0x3FB3];
	_ =	sdelay $0x3  }
0x36: {  	p1 =	seq.s32 s10, $0x1;
	s10 =	sld [smem:$0x3FB4];
	_ =	sdelay $0x3  }
0x37: {  	[smem:$0x3FB4] =	sst s10  }
0x38: {  	s10 =	sld [smem:$0x3FB5]  }
0x39: {  	_ = 	snop;
	(pc) =	sbr.ind lr, $3  }
0x3a: {  	_ = 	snop  }
0x3b: {  	_ = 	snop  }
0x3c: {  	p2 =	seq.s32 s10, $0x1;
	s10 =	sld [smem:$0x3FB4]  }
0x3d: {  	_ =	shalt  }
0x3e: {  	_ =	shalt  }
0x3f: {  	_ =	shalt  }
0x40: {  	_ =	shalt  }
0x41: {  	_ =	shalt  }
0x42: {  	_ =	shalt  }
0x43: {  	_ =	shalt  }
0x44: {  	_ =	shalt  }
0x45: {  	_ =	shalt  }
0x46: {  	_ =	shalt  }
0x47: {  	_ =	shalt  }
0x48: {  	_ =	shalt  }
0x49: {  	_ =	shalt  }
0x4a: {  	_ =	shalt  }
0x4b: {  	_ =	shalt  }
0x4c: {  	_ =	shalt  }
0x4d: {  	_ =	shalt  }
0x4e: {  	_ =	shalt  }
0x4f: {  	_ =	shalt  }
0x50: {  	_ =	shalt  }
0x51: {  	_ =	shalt  }
0x52: {  	_ =	shalt  }
0x53: {  	_ =	shalt  }
0x54: {  	_ =	shalt  }
0x55: {  	_ =	shalt  }
0x56: {  	_ =	shalt  }
0x57: {  	_ =	shalt  }
0x58: {  	_ =	shalt  }
0x59: {  	_ =	shalt  }
0x5a: {  	_ =	shalt  }
0x5b: {  	_ =	shalt  }
0x5c: {  	_ =	shalt  }
0x5d: {  	_ =	shalt  }
0x5e: {  	_ =	shalt  }
0x5f: {  	_ =	shalt  }
0x60: {  	_ =	shalt  }
0x61: {  	_ =	shalt  }
0x62: {  	_ =	shalt  }
0x63: {  	_ =	shalt  }
0x64: {  	_ =	shalt  }
0x65: {  	_ =	shalt  }
0x66: {  	_ =	shalt  }
0x67: {  	_ =	shalt  }
0x68: {  	_ =	shalt  }
0x69: {  	_ =	shalt  }
0x6a: {  	_ =	shalt  }
0x6b: {  	_ =	shalt  }
0x6c: {  	_ =	shalt  }
0x6d: {  	_ =	shalt  }
0x6e: {  	_ =	shalt  }
0x6f: {  	_ =	shalt  }
0x70: {  	_ =	shalt  }
0x71: {  	_ =	shalt  }
0x72: {  	_ =	shalt  }
0x73: {  	_ =	shalt  }
0x74: {  	_ =	shalt  }
0x75: {  	_ =	shalt  }
0x76: {  	_ =	shalt  }
0x77: {  	_ =	shalt  }
0x78: {  	_ =	shalt  }
0x79: {  	_ =	shalt  }
0x7a: {  	_ =	shalt  }
0x7b: {  	_ =	shalt  }
0x7c: {  	_ =	shalt  }
0x7d: {  	_ =	shalt  }
0x7e: {  	_ =	shalt  }
0x7f: {  	_ =	shalt  }
0x80: {  	_ =	shalt  }
0x81: {  	_ =	shalt  }
0x82: {  	_ =	shalt  }
0x83: {  	_ =	shalt  }
0x84: {  	_ =	shalt  }
0x85: {  	_ =	shalt  }
0x86: {  	_ =	shalt  }
0x87: {  	_ =	shalt  }
.Lfunc_end0:
.L_simem_size_0:
called_computation_lowered:
.L_overlay_start_0:
0x88: {  	s2 =	sld [smem:$0x3FD9]  }
0x89: {  	s3 =	sld [smem:$0x3FFE];
	_ =	sdelay $0x1  }
0x8a: {  	s1 =	srdreg.scid  }
0x8b: {  	s0 =	sand.u32 $0x1, s1  }
0x8c: {  	s14 =	sshll.u32 s0, $0xA;
	s2 =	sadd.s32 s3, s2  }
0x8d: {  	s2 =	sadd.s32 s2, s14  }
0x8e: {  	[smem:$0x3FC0] =	sst s2  }
0x8f: {  	_ = 	snop  }
0x90: {  	s2 =	sld [smem:$0x3FD0];
	_ =	sdelay $0x2  }
0x91: {  	s15 =	simm.s32 $0xA;
	s4 =	simm.s32 $0x10  }
0x92: {  	[smem:s4], [sflag:s15] =	dma.local [hbm:s2], $0x1  }
0x93: {  	_ =	swait.eq [sflag:s15], $0x1  }
0x94: {  	[sflag:s15] =	ssyncset.done $0x0  }
0x95: {  	[sflag:s15] =	ssyncadd.s32 $0xFFFFFFFF  }
0x96: {  	s16 =	sld [smem:$0x12];
	(tm) =	ssettm $0x1  }
0x97: {  	s17 =	sld [smem:$0x3FFB];
	_ =	sdelay $0x3  }
0x98: {  	_ =	strace s17  }
0x99: {  	s3 =	sld [smem:$0x3FFC];
	_ =	sdelay $0x3  }
0x9a: {  	_ =	strace s3  }
0x9b: {  	s3 =	sld [smem:$0x3FFD];
	_ =	sdelay $0x3  }
0x9c: {  	_ =	strace s3  }
0x9d: {  	_ =	strace $0x8FFFFFFF  }
0x9e: {  	s18 =	sld [smem:$0x3FDB];
	_ =	sdelay $0x1  }
0x9f: {  	s19 =	simm.s32 $_scs_section_size  }
0xa0: {  	s5 =	simm.s32 $_size__tile_overlayer_lowered;
	s6 =	simm.s32 $_tile_overlayer_lowered  }
0xa1: {  	s22 =	simm.s32 $0x1BFF;
	s21 =	sshll.u32 s6, $0x1;
	s3 =	sadd.s32 s19, s18  }
0xa2: {  	s7 =	simm.s32 $0x0;
	s20 =	sshll.u32 s5, $0x1;
	s5 =	sadd.s32 s21, s3  }
0xa3: {  	[timem:s7], [sflag:s22] =	dma.local [hbm:s5], s20  }
0xa4: {  	_ =	swait.ge [sflag:s22], s20  }
0xa5: {  	s4 =	ssub.s32 $0x0, s20;
	[sflag:s22] =	ssyncset.done $0x0  }
0xa6: {  	[sflag:s22] =	ssyncadd.s32 s4;
	_ =	sdelay $0x1  }
0xa7: {  	s23 =	simm.s32 $0x1B8B  }
0xa8: {  	_ =	swait.ge [sflag:s23], $0x1  }
0xa9: {  	[sflag:s23] =	ssyncset.done $0x0  }
0xaa: {  	s25 =	simm.s32 $0x1B8E;
	s24 =	sld [smem:$0x3FFE];
	[sflag:s23] =	ssyncadd.s32 $0xFFFFFFFF  }
0xab: {  	s26 =	simm.s32 $execute0_lowered;
	[smem:$0x3FD2] =	sst s25  }
0xac: {  	s5 =	sshll.u32 s26, $0x1;
	_ =	strace $0x80000046;
	[dreg:$0x1] =	wrdreg $0xFFFFFFFF  }
0xad: {  	s28 =	simm.s32 $_size_execute0_lowered;
	s3 =	sadd.s32 s3, s5;
	[dreg:$0x0] =	wrdreg $0x0  }
0xae: {  	s5 =	sshll.u32 s28, $0x1;
	[dreg:$0x2] =	wrdreg s3  }
0xaf: {  	[dreg:$0x3] =	wrdreg s5  }
0xb0: {  	[dreg:$0x4] =	wrdreg $0xC0  }
0xb1: {  	_ =	task [dreg:s7], $0x5FFFF  }
0xb2: {  	[dreg:$0x1] =	wrdreg $0xFFFFFFFF  }
0xb3: {  	[dreg:$0x0] =	wrdreg $0x60  }
0xb4: {  	[dreg:$0x2] =	wrdreg s16  }
0xb5: {  	[dreg:$0x3] =	wrdreg s24  }
0xb6: {  	[dreg:$0x4] =	wrdreg $0x9  }
0xb7: {  	_ =	task.clear_ibuf [dreg:s7], $0x5FFFF;
	_ =	strace $0x90000046  }
0xb8: {  	s29 =	simm.s32 $0x9;
	_ =	strace $0x80000048  }
0xb9: {  	_ =	swait.ge [sflag:s29], $0x1  }
0xba: {  	[sflag:s29] =	ssyncadd.s32 $0xFFFFFFFF  }
0xbb: {  	_ =	strace $0x90000048  }
0xbc: {  	_ =	sfence  }
0xbd: {  	s30 =	sld [smem:$0x0];
	_ =	sdelay $0x2  }
0xbe: {  	s31 =	sshll.u32 s1, $0xD;
	s1 =	sshrl.u32 s1, $0x2  }
0xbf: {  	s3 =	sand.u32 $0x4000, s31;
	s1 =	sadd.s32 s1, s30  }
0xc0: {  	s0 =	sor.u32 s3, s0;
	s1 =	sshll.u32 s1, $0x11  }
0xc1: {  	s0 =	sor.u32 s1, s0  }
0xc2: {  	s0 =	sadd.s32 $0x8F2B, s0  }
0xc3: {  	[sflag:s0] =	ssyncadd.remote.s32 $0x1  }
0xc4: {  	_ =	sfence.sel $0xFFFF  }
0xc5: {  	[dreg:$0x0] =	wrdreg $0xFFFFFFFF;
	(pc) =	sbr.abs _section_cstart, $3  }
0xc6: {  	[dreg:$0x1] =	wrdreg $0xFFFFFFFF  }
0xc7: {  	_ =	task.clear_ibuf [dreg:s7], $0x2FFFF;
	_ =	strace $0x9FFFFFFF  }
0xc8: {  	(tm) =	ssettm $0x7FFFFFFF  }
0xc9: {  	_ =	shalt  }
tec
execute0_lowered:
.L_overlay_start_1:
0x0: {  	(tag) =	ssettag $0x1  }
0x1: {  	s3 =	rddreg [dreg:$0x0];
	s2 =	srdreg.scid  }
0x2: {  	s4 =	rddreg [dreg:$0x1];
	s1 =	stileid.u32;
	s6 =	sand.u32 $0x1, s2  }
0x3: {  	s0 =	rddreg [dreg:$0x2];
	s7 =	sshll.u32 s1, $0x6;
	s5 =	sshll.u32 s6, $0xA  }
0x4: {  	s2 =	simm.s32 $0x0;
	s19 =	sadd.s32 $0x3000, s4;
	s5 =	sor.u32 s5, s7  }
0x5: {  	s4 =	sadd.s32 $0x3800, s4;
	[smem:$0x7FF] =	sst s2;
	s8 =	sadd.s32 s3, s5  }
0x6: {  	_ =	strace $0x80000047;
	s20 =	sadd.s32 s19, s5;
	[dreg:$0x3] =	wrdreg s8  }
0x7: {  	s21 =	sadd.s32 s4, s5;
	s9 =	sor.u32 $0x10, s5;
	[dreg:$0x4] =	wrdreg s20  }
0x8: {  	[dreg:$0x5] =	wrdreg s21;
	s22 =	sadd.s32 s3, s9  }
0x9: {  	s23 =	sadd.s32 s19, s9;
	[dreg:$0x6] =	wrdreg s22  }
0xa: {  	s25 =	sor.u32 $0x20, s5;
	s24 =	sadd.s32 s4, s9;
	[dreg:$0x7] =	wrdreg s23  }
0xb: {  	s26 =	sadd.s32 s3, s25;
	[dreg:$0x8] =	wrdreg s24  }
0xc: {  	s28 =	sadd.s32 s19, s25;
	[dreg:$0x9] =	wrdreg s26  }
0xd: {  	s5 =	sor.u32 $0x30, s5;
	s29 =	sadd.s32 s4, s25;
	[dreg:$0xa] =	wrdreg s28  }
0xe: {  	s3 =	sadd.s32 s3, s5;
	[dreg:$0xb] =	wrdreg s29  }
0xf: {  	[dreg:$0xc] =	wrdreg s3  }
0x10: {  	s30 =	sadd.s32 s19, s5;
	s31 =	rddreg [dreg:$0x3]  }
0x11: {  	s4 =	sadd.s32 s4, s5;
	[dreg:$0xd] =	wrdreg s30  }
0x12: {  	[dreg:$0xe] =	wrdreg s4;
	s3 =	simm.s32 $0x1  }
0x13: {  	[tilespmem:s2], [sflag:$0x1] =	stream.linear.gather [hbm4b:s31+s2], $0x80, $0x38;
	[tilespmem:$0x180] =	vst v63  }
0x14: {  	_ =	swait.ge [sflag:s3], $0x80  }
0x15: {  	[sflag:s3] =	ssyncset.done $0x0  }
0x16: {  	[sflag:s3] =	ssyncadd.s32 $0xFFFFFF80  }
0x17: {  	v3 =	vld [tilespmem:$0x30]  }
0x18: {  	v2 =	vld [tilespmem:$0x20]  }
0x19: {  	v4 =	vld [tilespmem:$0x10];
	_ =	sdelay $0x1  }
0x1a: {  	v5 =	vld [tilespmem:$0x0]  }
0x1b: {  	(xrf1) =	vsort.ascd.msk.f32 $0xffff, v3, v3  }
0x1c: {  	(xrf1) =	vsort.ascd.msk.f32 $0xffff, v2, v2  }
0x1d: {  	(xrf1) =	vsort.ascd.msk.f32 $0xffff, v4, v4;
	_ =	sdelay $0x1  }
0x1e: {  	(xrf1) =	vsort.ascd.msk.f32 $0xffff, v5, v5;
	_ =	sdelay $0x4  }
0x1f: {  	v0 =	vlaneseq.u32  }
0x20: {  	v1 =	vimm.s32 $0x0;
	v6 =	vmul.u32 $0xFFFFFFFF, v0;
	vm0 =	vlt.f32 v2, $1.500000000e+00  }
0x21: {  	vm1 =	vlt.f32 v4, $1.500000000e+00;
	v4 =	vsel vm0, $0x1, v1  }
0x22: {  	v2 =	vadd.s32 $0xF, v6;
	vm0 =	vlt.f32 v5, $1.500000000e+00  }
0x23: {  	v6 =	vsel vm1, $0x1, v1;
	vm1 =	vlt.f32 v3, $1.500000000e+00;
	v3 =	vsel vm0, $0x1, v1  }
0x24: {  	(xrf0) =	vadd.scan.msk.s32 $0xffff, v4;
	v4, _, _ =	vpop (xrf1)  }
0x25: {  	(xrf0) =	vadd.scan.msk.s32 $0xffff, v6;
	v4 =	vperm.xlane v4, v2;
	v5, _, _ =	vpop (xrf1)  }
0x26: {  	v6 =	vsel vm1, $0x1, v1;
	(xrf0) =	vadd.scan.msk.s32 $0xffff, v3;
	v3, _, _ =	vpop (xrf1)  }
0x27: {  	(xrf0) =	vadd.scan.msk.s32 $0xffff, v6;
	v3 =	vperm.xlane v3, v2;
	v6 =	vmin.f32 v5, v4  }
0x28: {  	v4 =	vmax.f32 v5, v4;
	v5, _, _ =	vpop (xrf1);
	(xrf1) =	vsort.ascd.msk.f32 $0xffff, v6, v6  }
0x29: {  	v6 =	vmax.f32 v5, v3;
	(xrf1) =	vsort.ascd.msk.f32 $0xffff, v4, v4;
	v3 =	vmin.f32 v5, v3  }
0x2a: {  	(xrf1) =	vsort.ascd.msk.f32 $0xffff, v6, v6  }
0x2b: {  	(xrf1) =	vsort.ascd.msk.f32 $0xffff, v3, v3  }
0x2c: {  	v3, _, _ =	vpop (xrf0)  }
0x2d: {  	v4, _, _ =	vpop (xrf0)  }
0x2e: {  	v5, _, _ =	vpop (xrf0);
	(v2sf) =	vpush v4, $0xF  }
0x2f: {  	(v2sf) =	vpush v5, $0xF  }
0x30: {  	v4, _, _ =	vpop (xrf0);
	(v2sf) =	vpush v3, $0xF  }
0x31: {  	(v2sf) =	vpush v4, $0xF;
	_ =	sdelay $0x4  }
0x32: {  	v3, _, _ =	vpop (xrf1)  }
0x33: {  	v4, _, _ =	vpop (xrf1)  }
0x34: {  	v3 =	vperm.xlane v3, v2;
	v4 =	vperm.xlane v4, v2;
	v5, _, _ =	vpop (xrf1)  }
0x35: {  	v6, _, _ =	vpop (xrf1)  }
0x36: {  	v8 =	vmin.f32 v5, v3;
	v7 =	vmin.f32 v6, v4  }
0x37: {  	v3 =	vmax.f32 v5, v3;
	v5 =	vmin.f32 v7, v8  }
0x38: {  	v4 =	vmax.f32 v6, v4;
	v6 =	vmax.f32 v7, v8;
	(xrf1) =	vsort.ascd.msk.f32 $0xffff, v5, v5  }
0x39: {  	v5 =	vmin.f32 v4, v3;
	s5 =	spop (v2sf);
	(xrf1) =	vsort.ascd.msk.f32 $0xffff, v6, v6  }
0x3a: {  	v3 =	vmax.f32 v4, v3;
	s7 =	spop (v2sf);
	(xrf1) =	vsort.ascd.msk.f32 $0xffff, v5, v5  }
0x3b: {  	s4 =	sadd.s32 s7, s5;
	s8 =	spop (v2sf);
	(xrf1) =	vsort.ascd.msk.f32 $0xffff, v3, v3  }
0x3c: {  	s4 =	sadd.s32 s8, s4;
	s9 =	spop (v2sf)  }
0x3d: {  	s4 =	sadd.s32 s9, s4  }
0x3e: {  	p0 =	slt.s32 s4, $0x3F  }
0x3f: {  	s5 =	sadd.s32 $0x2, s4;
	s7 =	sadd.s32 $0x1, s4;
	s4 =	simm.s32 @!p0 $0x3F  }
0x40: {  	v7 =	vmov s4  }
0x41: {  	v9 =	vor.u32 $0x20, v0;
	v8 =	vor.u32 $0x10, v0;
	vm0 =	vgt.s32 v7, v0  }
0x42: {  	v4 =	vadd.s32 $0x1, v0;
	v3 =	vimm.f32 $1.000000000e+00;
	vm2 =	vgt.s32 v7, v8  }
0x43: {  	v10 =	vor.u32 $0x30, v0;
	v5 =	vadd.s32 $0x11, v0;
	[tilespmem:$0xB0] =	vst v3;
	vm3 =	vgt.s32 v7, v9  }
0x44: {  	vm1 =	vcmask $0x300;
	v6 =	vadd.s32 $0x21, v0;
	[tilespmem:$0xA0] =	vst v3;
	vm4 =	vgt.s32 v7, v10  }
0x45: {  	v11 =	vsel vm1, $0x0, v3;
	[tilespmem:$0x90] =	vst v3;
	v7 =	vadd.s32 $0x31, v0  }
0x46: {  	[tilespmem:$0x80] =	vst v11;
	p1 =	slt.s32 s5, $0x40;
	s4 =	simm.s32 $0x80;
	v12, _, _ =	vpop (xrf1)  }
0x47: {  	s5 =	simm.s32 @!p1 $0x40;
	[tilespmem:v4+s4+$0x0] =	vst.idx.msk vm0, v12;
	v12, _, _ =	vpop (xrf1)  }
0x48: {  	v13 =	vmov s5;
	[tilespmem:v5+s4+$0x0] =	vst.idx.msk vm2, v12;
	v12, _, _ =	vpop (xrf1)  }
0x49: {  	s7 =	simm.s32 @!p0 $0xFFFFFFFF;
	v13 =	vnsel vm1, $0x0, v13;
	vm0 =	vcmask $0x704;
	[tilespmem:v6+s4+$0x0] =	vst.idx.msk vm3, v12;
	v12, _, _ =	vpop (xrf1)  }
0x4a: {  	[tilespmem:v7+s4+$0x0] =	vst.idx.msk vm4, v12;
	v12 =	vsel vm0, s7, v13  }
0x4b: {  	s10 =	rddreg [dreg:$0x4];
	[tilespmem:$0x100] =	vst v12  }
0x4c: {  	[hbm4b:s10+s2] =	stream.linear.scatter [tilespmem:s4], [sflag:$0x1], $0x80, $0x38;
	[tilespmem:$0x180] =	vst v63  }
0x4d: {  	_ =	swait.ge [sflag:s3], $0x80  }
0x4e: {  	[sflag:s3] =	ssyncset.done $0x0  }
0x4f: {  	s5 =	simm.s32 $0x100;
	s11 =	rddreg [dreg:$0x5];
	[sflag:s3] =	ssyncadd.s32 $0xFFFFFF80  }
0x50: {  	[hbm4b:s11+s2] =	stream.linear.scatter [tilespmem:s5], [sflag:$0x1], $0x80, $0x38;
	[tilespmem:$0x180] =	vst v63  }
0x51: {  	_ =	swait.ge [sflag:s3], $0x80  }
0x52: {  	[sflag:s3] =	ssyncset.done $0x0  }
0x53: {  	s12 =	rddreg [dreg:$0x6];
	[sflag:s3] =	ssyncadd.s32 $0xFFFFFF80  }
0x54: {  	[tilespmem:s2], [sflag:$0x1] =	stream.linear.gather [hbm4b:s12+s2], $0x80, $0x38;
	[tilespmem:$0x180] =	vst v63  }
0x55: {  	_ =	swait.ge [sflag:s3], $0x80  }
0x56: {  	[sflag:s3] =	ssyncset.done $0x0  }
0x57: {  	[sflag:s3] =	ssyncadd.s32 $0xFFFFFF80  }
0x58: {  	v12 =	vld [tilespmem:$0x30]  }
0x59: {  	v13 =	vld [tilespmem:$0x20]  }
0x5a: {  	v14 =	vld [tilespmem:$0x10];
	_ =	sdelay $0x1  }
0x5b: {  	v15 =	vld [tilespmem:$0x0]  }
0x5c: {  	(xrf1) =	vsort.ascd.msk.f32 $0xffff, v12, v12  }
0x5d: {  	(xrf1) =	vsort.ascd.msk.f32 $0xffff, v13, v13  }
0x5e: {  	(xrf1) =	vsort.ascd.msk.f32 $0xffff, v14, v14;
	_ =	sdelay $0x1  }
0x5f: {  	(xrf1) =	vsort.ascd.msk.f32 $0xffff, v15, v15;
	_ =	sdelay $0x5  }
0x60: {  	vm2 =	vlt.f32 v13, $1.500000000e+00  }
0x61: {  	vm3 =	vlt.f32 v14, $1.500000000e+00;
	v13 =	vsel vm2, $0x1, v1  }
0x62: {  	vm2 =	vlt.f32 v15, $1.500000000e+00;
	v14 =	vsel vm3, $0x1, v1  }
0x63: {  	vm3 =	vlt.f32 v12, $1.500000000e+00;
	v12 =	vsel vm2, $0x1, v1  }
0x64: {  	(xrf0) =	vadd.scan.msk.s32 $0xffff, v13;
	v13, _, _ =	vpop (xrf1)  }
0x65: {  	(xrf0) =	vadd.scan.msk.s32 $0xffff, v14;
	v13 =	vperm.xlane v13, v2;
	v14, _, _ =	vpop (xrf1)  }
0x66: {  	v15 =	vsel vm3, $0x1, v1;
	(xrf0) =	vadd.scan.msk.s32 $0xffff, v12;
	v12, _, _ =	vpop (xrf1)  }
0x67: {  	(xrf0) =	vadd.scan.msk.s32 $0xffff, v15;
	v12 =	vperm.xlane v12, v2;
	v15 =	vmin.f32 v14, v13  }
0x68: {  	v13 =	vmax.f32 v14, v13;
	v14, _, _ =	vpop (xrf1);
	(xrf1) =	vsort.ascd.msk.f32 $0xffff, v15, v15  }
0x69: {  	v15 =	vmax.f32 v14, v12;
	(xrf1) =	vsort.ascd.msk.f32 $0xffff, v13, v13;
	v12 =	vmin.f32 v14, v12  }
0x6a: {  	(xrf1) =	vsort.ascd.msk.f32 $0xffff, v15, v15  }
0x6b: {  	(xrf1) =	vsort.ascd.msk.f32 $0xffff, v12, v12  }
0x6c: {  	v12, _, _ =	vpop (xrf0)  }
0x6d: {  	v13, _, _ =	vpop (xrf0)  }
0x6e: {  	v14, _, _ =	vpop (xrf0);
	(v2sf) =	vpush v13, $0xF  }
0x6f: {  	(v2sf) =	vpush v14, $0xF  }
0x70: {  	v13, _, _ =	vpop (xrf0);
	(v2sf) =	vpush v12, $0xF  }
0x71: {  	(v2sf) =	vpush v13, $0xF;
	_ =	sdelay $0x4  }
0x72: {  	v12, _, _ =	vpop (xrf1)  }
0x73: {  	v13, _, _ =	vpop (xrf1)  }
0x74: {  	v12 =	vperm.xlane v12, v2;
	v13 =	vperm.xlane v13, v2;
	v14, _, _ =	vpop (xrf1)  }
0x75: {  	v15, _, _ =	vpop (xrf1)  }
0x76: {  	v16 =	vmin.f32 v14, v12;
	v17 =	vmin.f32 v15, v13  }
0x77: {  	v12 =	vmax.f32 v14, v12;
	v14 =	vmin.f32 v17, v16  }
0x78: {  	v13 =	vmax.f32 v15, v13;
	v15 =	vmax.f32 v17, v16;
	(xrf1) =	vsort.ascd.msk.f32 $0xffff, v14, v14  }
0x79: {  	v14 =	vmin.f32 v13, v12;
	s13 =	spop (v2sf);
	(xrf1) =	vsort.ascd.msk.f32 $0xffff, v15, v15  }
0x7a: {  	v12 =	vmax.f32 v13, v12;
	s14 =	spop (v2sf);
	(xrf1) =	vsort.ascd.msk.f32 $0xffff, v14, v14  }
0x7b: {  	s7 =	sadd.s32 s14, s13;
	s15 =	spop (v2sf);
	(xrf1) =	vsort.ascd.msk.f32 $0xffff, v12, v12  }
0x7c: {  	s7 =	sadd.s32 s15, s7;
	s16 =	spop (v2sf)  }
0x7d: {  	s7 =	sadd.s32 s16, s7  }
0x7e: {  	p0 =	slt.s32 s7, $0x3F  }
0x7f: {  	s8 =	sadd.s32 $0x2, s7;
	s9 =	sadd.s32 $0x1, s7;
	s7 =	simm.s32 @!p0 $0x3F  }
0x80: {  	v12 =	vmov s7  }
0x81: {  	vm2 =	vgt.s32 v12, v0  }
0x82: {  	vm3 =	vgt.s32 v12, v8  }
0x83: {  	[tilespmem:$0xB0] =	vst v3;
	vm13 =	vgt.s32 v12, v9  }
0x84: {  	[tilespmem:$0xA0] =	vst v3;
	vm5 =	vgt.s32 v12, v10  }
0x85: {  	[tilespmem:$0x90] =	vst v3  }
0x86: {  	[tilespmem:$0x80] =	vst v11;
	p1 =	slt.s32 s8, $0x40;
	v12, _, _ =	vpop (xrf1)  }
0x87: {  	s8 =	simm.s32 @!p1 $0x40;
	[tilespmem:v4+s4+$0x0] =	vst.idx.msk vm2, v12;
	v12, _, _ =	vpop (xrf1)  }
0x88: {  	v13 =	vmov s8;
	[tilespmem:v5+s4+$0x0] =	vst.idx.msk vm3, v12;
	v12, _, _ =	vpop (xrf1)  }
0x89: {  	s9 =	simm.s32 @!p0 $0xFFFFFFFF;
	v13 =	vnsel vm1, $0x0, v13;
	[tilespmem:v6+s4+$0x0] =	vst.idx.msk vm13, v12;
	v12, _, _ =	vpop (xrf1)  }
0x8a: {  	[tilespmem:v7+s4+$0x0] =	vst.idx.msk vm5, v12;
	v12 =	vsel vm0, s9, v13  }
0x8b: {  	s17 =	rddreg [dreg:$0x7];
	[tilespmem:$0x100] =	vst v12  }
0x8c: {  	[hbm4b:s17+s2] =	stream.linear.scatter [tilespmem:s4], [sflag:$0x1], $0x80, $0x38;
	[tilespmem:$0x180] =	vst v63  }
0x8d: {  	_ =	swait.ge [sflag:s3], $0x80  }
0x8e: {  	[sflag:s3] =	ssyncset.done $0x0  }
0x8f: {  	s18 =	rddreg [dreg:$0x8];
	[sflag:s3] =	ssyncadd.s32 $0xFFFFFF80  }
0x90: {  	[hbm4b:s18+s2] =	stream.linear.scatter [tilespmem:s5], [sflag:$0x1], $0x80, $0x38;
	[tilespmem:$0x180] =	vst v63  }
0x91: {  	_ =	swait.ge [sflag:s3], $0x80  }
0x92: {  	[sflag:s3] =	ssyncset.done $0x0  }
0x93: {  	s19 =	rddreg [dreg:$0x9];
	[sflag:s3] =	ssyncadd.s32 $0xFFFFFF80  }
0x94: {  	[tilespmem:s2], [sflag:$0x1] =	stream.linear.gather [hbm4b:s19+s2], $0x80, $0x38;
	[tilespmem:$0x180] =	vst v63  }
0x95: {  	_ =	swait.ge [sflag:s3], $0x80  }
0x96: {  	[sflag:s3] =	ssyncset.done $0x0  }
0x97: {  	[sflag:s3] =	ssyncadd.s32 $0xFFFFFF80  }
0x98: {  	v12 =	vld [tilespmem:$0x30];
	_ =	sdelay $0x1  }
0x99: {  	v13 =	vld [tilespmem:$0x10]  }
0x9a: {  	v14 =	vld [tilespmem:$0x20];
	_ =	sdelay $0x1  }
0x9b: {  	v15 =	vld [tilespmem:$0x0];
	(xrf1) =	vsort.ascd.msk.f32 $0xffff, v12, v12;
	_ =	sdelay $0x1  }
0x9c: {  	(xrf1) =	vsort.ascd.msk.f32 $0xffff, v13, v13  }
0x9d: {  	(xrf1) =	vsort.ascd.msk.f32 $0xffff, v14, v14;
	_ =	sdelay $0x1  }
0x9e: {  	(xrf1) =	vsort.ascd.msk.f32 $0xffff, v15, v15;
	_ =	sdelay $0x4  }
0x9f: {  	vm2 =	vlt.f32 v14, $1.500000000e+00  }
0xa0: {  	v14 =	vsel vm2, $0x1, v1;
	_ =	sdelay $0x1  }
0xa1: {  	vm3 =	vlt.f32 v15, $1.500000000e+00;
	vm2 =	vlt.f32 v13, $1.500000000e+00  }
0xa2: {  	v13 =	vsel vm3, $0x1, v1;
	vm3 =	vlt.f32 v12, $1.500000000e+00;
	(xrf0) =	vadd.scan.msk.s32 $0xffff, v14;
	v12 =	vsel vm2, $0x1, v1;
	v14, _, _ =	vpop (xrf1)  }
0xa3: {  	(xrf0) =	vadd.scan.msk.s32 $0xffff, v13;
	v13 =	vperm.xlane v14, v2  }
0xa4: {  	v14, _, _ =	vpop (xrf1)  }
0xa5: {  	v15 =	vsel vm3, $0x1, v1;
	(xrf0) =	vadd.scan.msk.s32 $0xffff, v12;
	v12, _, _ =	vpop (xrf1)  }
0xa6: {  	(xrf0) =	vadd.scan.msk.s32 $0xffff, v15;
	v14 =	vperm.xlane v14, v2;
	v15 =	vmin.f32 v12, v13;
	v12 =	vmax.f32 v12, v13  }
0xa7: {  	(xrf1) =	vsort.ascd.msk.f32 $0xffff, v15, v15;
	v13, _, _ =	vpop (xrf1)  }
0xa8: {  	(xrf1) =	vsort.ascd.msk.f32 $0xffff, v12, v12;
	v15 =	vmax.f32 v13, v14;
	v13 =	vmin.f32 v13, v14  }
0xa9: {  	v12, _, _ =	vpop (xrf0);
	(xrf1) =	vsort.ascd.msk.f32 $0xffff, v15, v15  }
0xaa: {  	v14, _, _ =	vpop (xrf0);
	(xrf1) =	vsort.ascd.msk.f32 $0xffff, v13, v13  }
0xab: {  	(v2sf) =	vpush v14, $0xF;
	v13, _, _ =	vpop (xrf0)  }
0xac: {  	(v2sf) =	vpush v12, $0xF;
	v12, _, _ =	vpop (xrf0)  }
0xad: {  	(v2sf) =	vpush v12, $0xF  }
0xae: {  	(v2sf) =	vpush v13, $0xF;
	_ =	sdelay $0x6  }
0xaf: {  	v12, _, _ =	vpop (xrf1)  }
0xb0: {  	v13, _, _ =	vpop (xrf1)  }
0xb1: {  	v12 =	vperm.xlane v12, v2;
	v13 =	vperm.xlane v13, v2;
	v14, _, _ =	vpop (xrf1)  }
0xb2: {  	v15, _, _ =	vpop (xrf1)  }
0xb3: {  	v17 =	vmin.f32 v14, v12;
	v16 =	vmin.f32 v15, v13  }
0xb4: {  	v12 =	vmax.f32 v14, v12;
	s20 =	spop (v2sf);
	v14 =	vmin.f32 v16, v17  }
0xb5: {  	v13 =	vmax.f32 v15, v13;
	s21 =	spop (v2sf);
	v15 =	vmax.f32 v16, v17;
	(xrf1) =	vsort.ascd.msk.f32 $0xffff, v14, v14  }
0xb6: {  	v14 =	vmin.f32 v13, v12;
	s22 =	spop (v2sf);
	(xrf1) =	vsort.ascd.msk.f32 $0xffff, v15, v15  }
0xb7: {  	v12 =	vmax.f32 v13, v12;
	s10 =	spop (v2sf);
	(xrf1) =	vsort.ascd.msk.f32 $0xffff, v14, v14  }
0xb8: {  	s7 =	sadd.s32 s20, s10;
	(xrf1) =	vsort.ascd.msk.f32 $0xffff, v12, v12  }
0xb9: {  	s7 =	sadd.s32 s21, s7  }
0xba: {  	s7 =	sadd.s32 s22, s7  }
0xbb: {  	p0 =	slt.s32 s7, $0x3F  }
0xbc: {  	s8 =	sadd.s32 $0x2, s7;
	s9 =	sadd.s32 $0x1, s7;
	s7 =	simm.s32 @!p0 $0x3F  }
0xbd: {  	v12 =	vmov s7  }
0xbe: {  	vm2 =	vgt.s32 v12, v0  }
0xbf: {  	vm3 =	vgt.s32 v12, v8  }
0xc0: {  	[tilespmem:$0xB0] =	vst v3;
	vm14 =	vgt.s32 v12, v9  }
0xc1: {  	[tilespmem:$0xA0] =	vst v3;
	vm15 =	vgt.s32 v12, v10  }
0xc2: {  	[tilespmem:$0x90] =	vst v3  }
0xc3: {  	[tilespmem:$0x80] =	vst v11;
	p1 =	slt.s32 s8, $0x40;
	v12, _, _ =	vpop (xrf1)  }
0xc4: {  	s8 =	simm.s32 @!p1 $0x40;
	[tilespmem:v4+s4+$0x0] =	vst.idx.msk vm2, v12;
	v12, _, _ =	vpop (xrf1)  }
0xc5: {  	v13 =	vmov s8;
	[tilespmem:v5+s4+$0x0] =	vst.idx.msk vm3, v12;
	v12, _, _ =	vpop (xrf1)  }
0xc6: {  	s9 =	simm.s32 @!p0 $0xFFFFFFFF;
	v13 =	vnsel vm1, $0x0, v13;
	[tilespmem:v6+s4+$0x0] =	vst.idx.msk vm14, v12;
	v12, _, _ =	vpop (xrf1)  }
0xc7: {  	[tilespmem:v7+s4+$0x0] =	vst.idx.msk vm15, v12;
	v12 =	vsel vm0, s9, v13  }
0xc8: {  	s23 =	rddreg [dreg:$0xa];
	[tilespmem:$0x100] =	vst v12  }
0xc9: {  	[hbm4b:s23+s2] =	stream.linear.scatter [tilespmem:s4], [sflag:$0x1], $0x80, $0x38;
	[tilespmem:$0x180] =	vst v63  }
0xca: {  	_ =	swait.ge [sflag:s3], $0x80  }
0xcb: {  	[sflag:s3] =	ssyncset.done $0x0  }
0xcc: {  	s24 =	rddreg [dreg:$0xb];
	[sflag:s3] =	ssyncadd.s32 $0xFFFFFF80  }
0xcd: {  	[hbm4b:s24+s2] =	stream.linear.scatter [tilespmem:s5], [sflag:$0x1], $0x80, $0x38;
	[tilespmem:$0x180] =	vst v63  }
0xce: {  	_ =	swait.ge [sflag:s3], $0x80  }
0xcf: {  	[sflag:s3] =	ssyncset.done $0x0  }
0xd0: {  	s25 =	rddreg [dreg:$0xc];
	[sflag:s3] =	ssyncadd.s32 $0xFFFFFF80  }
0xd1: {  	[tilespmem:s2], [sflag:$0x1] =	stream.linear.gather [hbm4b:s25+s2], $0x80, $0x38;
	[tilespmem:$0x180] =	vst v63  }
0xd2: {  	_ =	swait.ge [sflag:s3], $0x80  }
0xd3: {  	[sflag:s3] =	ssyncset.done $0x0  }
0xd4: {  	[sflag:s3] =	ssyncadd.s32 $0xFFFFFF80  }
0xd5: {  	v12 =	vld [tilespmem:$0x30]  }
0xd6: {  	v13 =	vld [tilespmem:$0x20]  }
0xd7: {  	v14 =	vld [tilespmem:$0x10];
	_ =	sdelay $0x1  }
0xd8: {  	v15 =	vld [tilespmem:$0x0]  }
0xd9: {  	(xrf1) =	vsort.ascd.msk.f32 $0xffff, v12, v12  }
0xda: {  	vm2 =	vlt.f32 v12, $1.500000000e+00;
	(xrf1) =	vsort.ascd.msk.f32 $0xffff, v13, v13  }
0xdb: {  	v12 =	vsel vm2, $0x1, v1;
	(xrf1) =	vsort.ascd.msk.f32 $0xffff, v14, v14  }
0xdc: {  	vm2 =	vlt.f32 v14, $1.500000000e+00;
	(xrf0) =	vadd.scan.msk.s32 $0xffff, v12  }
0xdd: {  	v12 =	vsel vm2, $0x1, v1;
	vm2 =	vlt.f32 v15, $1.500000000e+00;
	(xrf1) =	vsort.ascd.msk.f32 $0xffff, v15, v15  }
0xde: {  	vm3 =	vlt.f32 v13, $1.500000000e+00;
	v13 =	vsel vm2, $0x1, v1;
	(xrf0) =	vadd.scan.msk.s32 $0xffff, v12  }
0xdf: {  	v12 =	vsel vm3, $0x1, v1;
	(xrf0) =	vadd.scan.msk.s32 $0xffff, v13  }
0xe0: {  	(xrf0) =	vadd.scan.msk.s32 $0xffff, v12;
	_ =	sdelay $0x2  }
0xe1: {  	v12, _, _ =	vpop (xrf0)  }
0xe2: {  	v13, _, _ =	vpop (xrf0)  }
0xe3: {  	v14, _, _ =	vpop (xrf0);
	(v2sf) =	vpush v13, $0xF  }
0xe4: {  	(v2sf) =	vpush v14, $0xF;
	v13, _, _ =	vpop (xrf0)  }
0xe5: {  	(v2sf) =	vpush v13, $0xF  }
0xe6: {  	(v2sf) =	vpush v12, $0xF;
	_ =	sdelay $0x1  }
0xe7: {  	v13, _, _ =	vpop (xrf1)  }
0xe8: {  	v13 =	vperm.xlane v13, v2;
	v14, _, _ =	vpop (xrf1)  }
0xe9: {  	v12, _, _ =	vpop (xrf1)  }
0xea: {  	v12 =	vperm.xlane v12, v2;
	v15 =	vmin.f32 v14, v13  }
0xeb: {  	v13 =	vmax.f32 v14, v13;
	v14, _, _ =	vpop (xrf1);
	(xrf1) =	vsort.ascd.msk.f32 $0xffff, v15, v15  }
0xec: {  	v15 =	vmax.f32 v14, v12;
	(xrf1) =	vsort.ascd.msk.f32 $0xffff, v13, v13  }
0xed: {  	v12 =	vmin.f32 v14, v12;
	(xrf1) =	vsort.ascd.msk.f32 $0xffff, v15, v15  }
0xee: {  	(xrf1) =	vsort.ascd.msk.f32 $0xffff, v12, v12;
	_ =	sdelay $0x2  }
0xef: {  	s26 =	spop (v2sf)  }
0xf0: {  	s28 =	spop (v2sf)  }
0xf1: {  	s7 =	sadd.s32 s28, s26;
	s29 =	spop (v2sf)  }
0xf2: {  	s6 =	ssub.s32 $0x2, s6;
	s7 =	sadd.s32 s29, s7;
	s30 =	spop (v2sf)  }
0xf3: {  	s31 =	sshrl.u32 s6, $0x1;
	s8 =	sadd.s32 s30, s7  }
0xf4: {  	s6 =	ssub.s32 s6, s31;
	s10 =	sadd.s32 $0x2, s8  }
0xf5: {  	s6 =	smax.u32 s6, $0x1;
	p1 =	slt.s32 s10, $0x40  }
0xf6: {  	s10 =	simm.s32 @!p1 $0x40;
	p1 =	sne.s32 s6, $0x1  }
.Ltmp0:
0xf7: {  	p0 =	slt.s32 s8, $0x3F;
	v12, _, _ =	vpop (xrf1);
	(pc) =	sbr.rel @!p1 .LBB2_2-.Ltmp0, $4  }
0xf8: {  	s7 =	sadd.s32 $0x1, s8;
	s8 =	simm.s32 @!p0 $0x3F;
	v12 =	vperm.xlane v12, v2;
	v13, _, _ =	vpop (xrf1)  }
0xf9: {  	v16 =	vperm.xlane v13, v2;
	v13 =	vmov s8;
	v14, _, _ =	vpop (xrf1)  }
0xfa: {  	v15 =	vmin.f32 v14, v12;
	v14 =	vmax.f32 v14, v12;
	v12 =	vmov s10;
	v18, _, _ =	vpop (xrf1)  }
0xfb: {  	s7 =	simm.s32 @!p0 $0xFFFFFFFF;
	s6 =	sadd.s32 $0xFFFFFFFF, s6;
	v17 =	vmin.f32 v18, v16;
	v16 =	vmax.f32 v18, v16;
	v12 =	vnsel vm1, $0x0, v12  }
.LBB2_1:
0xfc: {  	v18 =	vmin.f32 v17, v15  }
0xfd: {  	v15 =	vmax.f32 v17, v15;
	(xrf1) =	vsort.ascd.msk.f32 $0xffff, v18, v18  }
0xfe: {  	v17 =	vmin.f32 v16, v14;
	(xrf1) =	vsort.ascd.msk.f32 $0xffff, v15, v15  }
0xff: {  	v14 =	vmax.f32 v16, v14;
	(xrf1) =	vsort.ascd.msk.f32 $0xffff, v17, v17  }
0x100: {  	(xrf1) =	vsort.ascd.msk.f32 $0xffff, v14, v14;
	_ =	sdelay $0x5  }
0x101: {  	vm2 =	vgt.s32 v13, v0  }
0x102: {  	vm3 =	vgt.s32 v13, v8  }
0x103: {  	[tilespmem:$0xB0] =	vst v3;
	vm4 =	vgt.s32 v13, v9  }
0x104: {  	[tilespmem:$0xA0] =	vst v3;
	vm5 =	vgt.s32 v13, v10  }
0x105: {  	[tilespmem:$0x90] =	vst v3  }
0x106: {  	[tilespmem:$0x80] =	vst v11;
	v13, _, _ =	vpop (xrf1)  }
0x107: {  	[tilespmem:v4+s4+$0x0] =	vst.idx.msk vm2, v13;
	v13, _, _ =	vpop (xrf1)  }
0x108: {  	[tilespmem:v5+s4+$0x0] =	vst.idx.msk vm3, v13;
	v13, _, _ =	vpop (xrf1)  }
0x109: {  	[tilespmem:v6+s4+$0x0] =	vst.idx.msk vm4, v13;
	v13, _, _ =	vpop (xrf1)  }
0x10a: {  	v12 =	vsel vm0, s7, v12;
	[tilespmem:v7+s4+$0x0] =	vst.idx.msk vm5, v13  }
0x10b: {  	s8 =	rddreg [dreg:$0xd];
	[tilespmem:$0x100] =	vst v12  }
0x10c: {  	[hbm4b:s8+s2] =	stream.linear.scatter [tilespmem:s4], [sflag:$0x1], $0x80, $0x38;
	[tilespmem:$0x180] =	vst v63  }
0x10d: {  	_ =	swait.ge [sflag:s3], $0x80  }
0x10e: {  	[sflag:s3] =	ssyncset.done $0x0  }
0x10f: {  	s28 =	rddreg [dreg:$0xe];
	[sflag:s3] =	ssyncadd.s32 $0xFFFFFF80  }
0x110: {  	[hbm4b:s28+s2] =	stream.linear.scatter [tilespmem:s5], [sflag:$0x1], $0x80, $0x38;
	[tilespmem:$0x180] =	vst v63  }
0x111: {  	_ =	swait.ge [sflag:s3], $0x80  }
0x112: {  	[sflag:s3] =	ssyncset.done $0x0  }
0x113: {  	s29 =	rddreg [dreg:$0x3];
	[sflag:s3] =	ssyncadd.s32 $0xFFFFFF80  }
0x114: {  	[tilespmem:s2], [sflag:$0x1] =	stream.linear.gather [hbm4b:s29+s2], $0x80, $0x38;
	[tilespmem:$0x180] =	vst v63  }
0x115: {  	_ =	swait.ge [sflag:s3], $0x80  }
0x116: {  	[sflag:s3] =	ssyncset.done $0x0  }
0x117: {  	[sflag:s3] =	ssyncadd.s32 $0xFFFFFF80  }
0x118: {  	v12 =	vld [tilespmem:$0x30]  }
0x119: {  	v13 =	vld [tilespmem:$0x20]  }
0x11a: {  	v14 =	vld [tilespmem:$0x10];
	_ =	sdelay $0x1  }
0x11b: {  	v15 =	vld [tilespmem:$0x0]  }
0x11c: {  	(xrf1) =	vsort.ascd.msk.f32 $0xffff, v12, v12  }
0x11d: {  	vm3 =	vlt.f32 v13, $1.500000000e+00;
	(xrf1) =	vsort.ascd.msk.f32 $0xffff, v13, v13  }
0x11e: {  	vm2 =	vlt.f32 v12, $1.500000000e+00;
	v13 =	vsel vm3, $0x1, v1;
	(xrf1) =	vsort.ascd.msk.f32 $0xffff, v14, v14  }
0x11f: {  	v12 =	vsel vm2, $0x1, v1;
	vm2 =	vlt.f32 v14, $1.500000000e+00;
	(xrf0) =	vadd.scan.msk.s32 $0xffff, v13  }
0x120: {  	v14 =	vsel vm2, $0x1, v1;
	vm2 =	vlt.f32 v15, $1.500000000e+00;
	(xrf1) =	vsort.ascd.msk.f32 $0xffff, v15, v15  }
0x121: {  	v13 =	vsel vm2, $0x1, v1;
	(xrf0) =	vadd.scan.msk.s32 $0xffff, v14  }
0x122: {  	(xrf0) =	vadd.scan.msk.s32 $0xffff, v13  }
0x123: {  	(xrf0) =	vadd.scan.msk.s32 $0xffff, v12;
	_ =	sdelay $0x2  }
0x124: {  	v12, _, _ =	vpop (xrf0)  }
0x125: {  	v13, _, _ =	vpop (xrf0)  }
0x126: {  	v14, _, _ =	vpop (xrf0);
	(v2sf) =	vpush v13, $0xF  }
0x127: {  	(v2sf) =	vpush v14, $0xF;
	v13, _, _ =	vpop (xrf0)  }
0x128: {  	(v2sf) =	vpush v12, $0xF;
	v12, _, _ =	vpop (xrf1)  }
0x129: {  	v12 =	vperm.xlane v12, v2;
	v14, _, _ =	vpop (xrf1)  }
0x12a: {  	(v2sf) =	vpush v13, $0xF;
	v13, _, _ =	vpop (xrf1)  }
0x12b: {  	v13 =	vperm.xlane v13, v2;
	v15 =	vmin.f32 v14, v12  }
0x12c: {  	v12 =	vmax.f32 v14, v12;
	v14, _, _ =	vpop (xrf1);
	(xrf1) =	vsort.ascd.msk.f32 $0xffff, v15, v15  }
0x12d: {  	v15 =	vmin.f32 v14, v13;
	v13 =	vmax.f32 v14, v13;
	(xrf1) =	vsort.ascd.msk.f32 $0xffff, v12, v12  }
0x12e: {  	(xrf1) =	vsort.ascd.msk.f32 $0xffff, v13, v13  }
0x12f: {  	(xrf1) =	vsort.ascd.msk.f32 $0xffff, v15, v15;
	_ =	sdelay $0xa  }
0x130: {  	v12, _, _ =	vpop (xrf1)  }
0x131: {  	v13, _, _ =	vpop (xrf1)  }
0x132: {  	v12 =	vperm.xlane v12, v2;
	v13 =	vperm.xlane v13, v2;
	v15, _, _ =	vpop (xrf1)  }
0x133: {  	v18, _, _ =	vpop (xrf1)  }
0x134: {  	v16 =	vmax.f32 v15, v12;
	v12 =	vmin.f32 v15, v12;
	v19 =	vmin.f32 v18, v13  }
0x135: {  	v15 =	vmin.f32 v19, v12  }
0x136: {  	v13 =	vmax.f32 v18, v13;
	v12 =	vmax.f32 v19, v12;
	(xrf1) =	vsort.ascd.msk.f32 $0xffff, v15, v15  }
0x137: {  	s30 =	spop (v2sf);
	v18 =	vmin.f32 v13, v16;
	(xrf1) =	vsort.ascd.msk.f32 $0xffff, v12, v12  }
0x138: {  	s31 =	spop (v2sf);
	v13 =	vmax.f32 v13, v16;
	(xrf1) =	vsort.ascd.msk.f32 $0xffff, v18, v18  }
0x139: {  	s7 =	sadd.s32 s31, s30;
	s9 =	spop (v2sf);
	(xrf1) =	vsort.ascd.msk.f32 $0xffff, v13, v13  }
0x13a: {  	s7 =	sadd.s32 s9, s7;
	s10 =	spop (v2sf)  }
0x13b: {  	s8 =	sadd.s32 s10, s7  }
0x13c: {  	p1 =	slt.s32 s8, $0x3F  }
0x13d: {  	s9 =	sadd.s32 $0x2, s8;
	s7 =	sadd.s32 $0x1, s8;
	s8 =	simm.s32 @!p1 $0x3F  }
0x13e: {  	v14 =	vmov s8  }
0x13f: {  	vm2 =	vgt.s32 v14, v0  }
0x140: {  	vm3 =	vgt.s32 v14, v8  }
0x141: {  	[tilespmem:$0xB0] =	vst v3;
	vm10 =	vgt.s32 v14, v9  }
0x142: {  	[tilespmem:$0xA0] =	vst v3;
	vm11 =	vgt.s32 v14, v10  }
0x143: {  	[tilespmem:$0x90] =	vst v3  }
0x144: {  	[tilespmem:$0x80] =	vst v11;
	p2 =	slt.s32 s9, $0x40;
	v12, _, _ =	vpop (xrf1)  }
0x145: {  	s9 =	simm.s32 @!p2 $0x40;
	[tilespmem:v4+s4+$0x0] =	vst.idx.msk vm2, v12;
	v12, _, _ =	vpop (xrf1)  }
0x146: {  	v17 =	vmov s9;
	[tilespmem:v5+s4+$0x0] =	vst.idx.msk vm3, v12;
	v12, _, _ =	vpop (xrf1)  }
0x147: {  	s7 =	simm.s32 @!p1 $0xFFFFFFFF;
	v16 =	vnsel vm1, $0x0, v17;
	[tilespmem:v6+s4+$0x0] =	vst.idx.msk vm10, v12;
	v12, _, _ =	vpop (xrf1)  }
0x148: {  	[tilespmem:v7+s4+$0x0] =	vst.idx.msk vm11, v12;
	v12 =	vsel vm0, s7, v16  }
0x149: {  	s11 =	rddreg [dreg:$0x4];
	[tilespmem:$0x100] =	vst v12  }
0x14a: {  	[hbm4b:s11+s2] =	stream.linear.scatter [tilespmem:s4], [sflag:$0x1], $0x80, $0x38;
	[tilespmem:$0x180] =	vst v63  }
0x14b: {  	_ =	swait.ge [sflag:s3], $0x80  }
0x14c: {  	[sflag:s3] =	ssyncset.done $0x0  }
0x14d: {  	s12 =	rddreg [dreg:$0x5];
	[sflag:s3] =	ssyncadd.s32 $0xFFFFFF80  }
0x14e: {  	[hbm4b:s12+s2] =	stream.linear.scatter [tilespmem:s5], [sflag:$0x1], $0x80, $0x38;
	[tilespmem:$0x180] =	vst v63  }
0x14f: {  	_ =	swait.ge [sflag:s3], $0x80  }
0x150: {  	[sflag:s3] =	ssyncset.done $0x0  }
0x151: {  	s13 =	rddreg [dreg:$0x6];
	[sflag:s3] =	ssyncadd.s32 $0xFFFFFF80  }
0x152: {  	[tilespmem:s2], [sflag:$0x1] =	stream.linear.gather [hbm4b:s13+s2], $0x80, $0x38;
	[tilespmem:$0x180] =	vst v63  }
0x153: {  	_ =	swait.ge [sflag:s3], $0x80  }
0x154: {  	[sflag:s3] =	ssyncset.done $0x0  }
0x155: {  	[sflag:s3] =	ssyncadd.s32 $0xFFFFFF80  }
0x156: {  	v12 =	vld [tilespmem:$0x30]  }
0x157: {  	v13 =	vld [tilespmem:$0x20]  }
0x158: {  	v14 =	vld [tilespmem:$0x10];
	_ =	sdelay $0x1  }
0x159: {  	v15 =	vld [tilespmem:$0x0]  }
0x15a: {  	(xrf1) =	vsort.ascd.msk.f32 $0xffff, v12, v12  }
0x15b: {  	vm3 =	vlt.f32 v13, $1.500000000e+00;
	(xrf1) =	vsort.ascd.msk.f32 $0xffff, v13, v13  }
0x15c: {  	vm2 =	vlt.f32 v12, $1.500000000e+00;
	v13 =	vsel vm3, $0x1, v1;
	(xrf1) =	vsort.ascd.msk.f32 $0xffff, v14, v14  }
0x15d: {  	v12 =	vsel vm2, $0x1, v1;
	vm2 =	vlt.f32 v14, $1.500000000e+00;
	(xrf0) =	vadd.scan.msk.s32 $0xffff, v13  }
0x15e: {  	v14 =	vsel vm2, $0x1, v1;
	vm2 =	vlt.f32 v15, $1.500000000e+00;
	(xrf1) =	vsort.ascd.msk.f32 $0xffff, v15, v15  }
0x15f: {  	v13 =	vsel vm2, $0x1, v1;
	(xrf0) =	vadd.scan.msk.s32 $0xffff, v14  }
0x160: {  	(xrf0) =	vadd.scan.msk.s32 $0xffff, v13  }
0x161: {  	(xrf0) =	vadd.scan.msk.s32 $0xffff, v12;
	_ =	sdelay $0x2  }
0x162: {  	v12, _, _ =	vpop (xrf0)  }
0x163: {  	v13, _, _ =	vpop (xrf0)  }
0x164: {  	v14, _, _ =	vpop (xrf0);
	(v2sf) =	vpush v13, $0xF  }
0x165: {  	(v2sf) =	vpush v14, $0xF;
	v13, _, _ =	vpop (xrf0)  }
0x166: {  	(v2sf) =	vpush v12, $0xF;
	v12, _, _ =	vpop (xrf1)  }
0x167: {  	v12 =	vperm.xlane v12, v2;
	v14, _, _ =	vpop (xrf1)  }
0x168: {  	(v2sf) =	vpush v13, $0xF;
	v13, _, _ =	vpop (xrf1)  }
0x169: {  	v13 =	vperm.xlane v13, v2;
	v15 =	vmin.f32 v14, v12  }
0x16a: {  	v12 =	vmax.f32 v14, v12;
	v14, _, _ =	vpop (xrf1);
	(xrf1) =	vsort.ascd.msk.f32 $0xffff, v15, v15  }
0x16b: {  	v15 =	vmin.f32 v14, v13;
	v13 =	vmax.f32 v14, v13;
	(xrf1) =	vsort.ascd.msk.f32 $0xffff, v12, v12  }
0x16c: {  	(xrf1) =	vsort.ascd.msk.f32 $0xffff, v13, v13  }
0x16d: {  	(xrf1) =	vsort.ascd.msk.f32 $0xffff, v15, v15;
	_ =	sdelay $0xa  }
0x16e: {  	v12, _, _ =	vpop (xrf1)  }
0x16f: {  	v13, _, _ =	vpop (xrf1)  }
0x170: {  	v12 =	vperm.xlane v12, v2;
	v13 =	vperm.xlane v13, v2;
	v15, _, _ =	vpop (xrf1)  }
0x171: {  	v17, _, _ =	vpop (xrf1)  }
0x172: {  	v16 =	vmin.f32 v15, v12;
	v18 =	vmin.f32 v17, v13  }
0x173: {  	v13 =	vmax.f32 v17, v13;
	v17 =	vmin.f32 v18, v16  }
0x174: {  	v12 =	vmax.f32 v15, v12;
	v16 =	vmax.f32 v18, v16;
	(xrf1) =	vsort.ascd.msk.f32 $0xffff, v17, v17  }
0x175: {  	s14 =	spop (v2sf);
	v18 =	vmin.f32 v13, v12;
	(xrf1) =	vsort.ascd.msk.f32 $0xffff, v16, v16  }
0x176: {  	s15 =	spop (v2sf);
	v12 =	vmax.f32 v13, v12;
	(xrf1) =	vsort.ascd.msk.f32 $0xffff, v18, v18  }
0x177: {  	s7 =	sadd.s32 s15, s14;
	s16 =	spop (v2sf);
	(xrf1) =	vsort.ascd.msk.f32 $0xffff, v12, v12  }
0x178: {  	s7 =	sadd.s32 s16, s7;
	s17 =	spop (v2sf)  }
0x179: {  	s8 =	sadd.s32 s17, s7  }
0x17a: {  	p1 =	slt.s32 s8, $0x3F  }
0x17b: {  	s9 =	sadd.s32 $0x2, s8;
	s7 =	sadd.s32 $0x1, s8;
	s8 =	simm.s32 @!p1 $0x3F  }
0x17c: {  	v14 =	vmov s8  }
0x17d: {  	vm2 =	vgt.s32 v14, v0  }
0x17e: {  	vm3 =	vgt.s32 v14, v8  }
0x17f: {  	[tilespmem:$0xB0] =	vst v3;
	vm12 =	vgt.s32 v14, v9  }
0x180: {  	[tilespmem:$0xA0] =	vst v3;
	vm13 =	vgt.s32 v14, v10  }
0x181: {  	[tilespmem:$0x90] =	vst v3  }
0x182: {  	[tilespmem:$0x80] =	vst v11;
	p2 =	slt.s32 s9, $0x40;
	v12, _, _ =	vpop (xrf1)  }
0x183: {  	s9 =	simm.s32 @!p2 $0x40;
	[tilespmem:v4+s4+$0x0] =	vst.idx.msk vm2, v12;
	v12, _, _ =	vpop (xrf1)  }
0x184: {  	v15 =	vmov s9;
	[tilespmem:v5+s4+$0x0] =	vst.idx.msk vm3, v12;
	v12, _, _ =	vpop (xrf1)  }
0x185: {  	s7 =	simm.s32 @!p1 $0xFFFFFFFF;
	v15 =	vnsel vm1, $0x0, v15;
	[tilespmem:v6+s4+$0x0] =	vst.idx.msk vm12, v12;
	v12, _, _ =	vpop (xrf1)  }
0x186: {  	[tilespmem:v7+s4+$0x0] =	vst.idx.msk vm13, v12;
	v12 =	vsel vm0, s7, v15  }
0x187: {  	s18 =	rddreg [dreg:$0x7];
	[tilespmem:$0x100] =	vst v12  }
0x188: {  	[hbm4b:s18+s2] =	stream.linear.scatter [tilespmem:s4], [sflag:$0x1], $0x80, $0x38;
	[tilespmem:$0x180] =	vst v63  }
0x189: {  	_ =	swait.ge [sflag:s3], $0x80  }
0x18a: {  	[sflag:s3] =	ssyncset.done $0x0  }
0x18b: {  	s19 =	rddreg [dreg:$0x8];
	[sflag:s3] =	ssyncadd.s32 $0xFFFFFF80  }
0x18c: {  	[hbm4b:s19+s2] =	stream.linear.scatter [tilespmem:s5], [sflag:$0x1], $0x80, $0x38;
	[tilespmem:$0x180] =	vst v63  }
0x18d: {  	_ =	swait.ge [sflag:s3], $0x80  }
0x18e: {  	[sflag:s3] =	ssyncset.done $0x0  }
0x18f: {  	s20 =	rddreg [dreg:$0x9];
	[sflag:s3] =	ssyncadd.s32 $0xFFFFFF80  }
0x190: {  	[tilespmem:s2], [sflag:$0x1] =	stream.linear.gather [hbm4b:s20+s2], $0x80, $0x38;
	[tilespmem:$0x180] =	vst v63  }
0x191: {  	_ =	swait.ge [sflag:s3], $0x80  }
0x192: {  	[sflag:s3] =	ssyncset.done $0x0  }
0x193: {  	[sflag:s3] =	ssyncadd.s32 $0xFFFFFF80  }
0x194: {  	v12 =	vld [tilespmem:$0x30]  }
0x195: {  	v13 =	vld [tilespmem:$0x10]  }
0x196: {  	v14 =	vld [tilespmem:$0x20]  }
0x197: {  	v15 =	vld [tilespmem:$0x0];
	_ =	sdelay $0x1  }
0x198: {  	(xrf1) =	vsort.ascd.msk.f32 $0xffff, v12, v12  }
0x199: {  	vm2 =	vlt.f32 v12, $1.500000000e+00;
	(xrf1) =	vsort.ascd.msk.f32 $0xffff, v13, v13  }
0x19a: {  	vm3 =	vlt.f32 v13, $1.500000000e+00;
	v12 =	vsel vm2, $0x1, v1;
	vm2 =	vlt.f32 v14, $1.500000000e+00;
	(xrf1) =	vsort.ascd.msk.f32 $0xffff, v14, v14  }
0x19b: {  	v13 =	vsel vm3, $0x1, v1;
	vm3 =	vlt.f32 v15, $1.500000000e+00;
	v14 =	vsel vm2, $0x1, v1;
	(xrf1) =	vsort.ascd.msk.f32 $0xffff, v15, v15  }
0x19c: {  	v15 =	vsel vm3, $0x1, v1;
	(xrf0) =	vadd.scan.msk.s32 $0xffff, v14  }
0x19d: {  	(xrf0) =	vadd.scan.msk.s32 $0xffff, v15  }
0x19e: {  	(xrf0) =	vadd.scan.msk.s32 $0xffff, v13  }
0x19f: {  	(xrf0) =	vadd.scan.msk.s32 $0xffff, v12;
	_ =	sdelay $0x2  }
0x1a0: {  	v12, _, _ =	vpop (xrf0)  }
0x1a1: {  	v13, _, _ =	vpop (xrf0)  }
0x1a2: {  	(v2sf) =	vpush v13, $0xF;
	v13, _, _ =	vpop (xrf0)  }
0x1a3: {  	(v2sf) =	vpush v12, $0xF;
	v12, _, _ =	vpop (xrf0)  }
0x1a4: {  	(v2sf) =	vpush v12, $0xF;
	v12, _, _ =	vpop (xrf1)  }
0x1a5: {  	(v2sf) =	vpush v13, $0xF;
	v12 =	vperm.xlane v12, v2;
	v13, _, _ =	vpop (xrf1)  }
0x1a6: {  	v14, _, _ =	vpop (xrf1)  }
0x1a7: {  	v13 =	vperm.xlane v13, v2;
	v15 =	vmin.f32 v14, v12  }
0x1a8: {  	v12 =	vmax.f32 v14, v12;
	v14, _, _ =	vpop (xrf1);
	(xrf1) =	vsort.ascd.msk.f32 $0xffff, v15, v15  }
0x1a9: {  	v16 =	vmin.f32 v14, v13;
	v13 =	vmax.f32 v14, v13;
	(xrf1) =	vsort.ascd.msk.f32 $0xffff, v12, v12  }
0x1aa: {  	(xrf1) =	vsort.ascd.msk.f32 $0xffff, v13, v13  }
0x1ab: {  	(xrf1) =	vsort.ascd.msk.f32 $0xffff, v16, v16;
	_ =	sdelay $0xa  }
0x1ac: {  	v12, _, _ =	vpop (xrf1)  }
0x1ad: {  	v13, _, _ =	vpop (xrf1)  }
0x1ae: {  	v12 =	vperm.xlane v12, v2;
	v13 =	vperm.xlane v13, v2;
	v14, _, _ =	vpop (xrf1)  }
0x1af: {  	v16, _, _ =	vpop (xrf1)  }
0x1b0: {  	v15 =	vmax.f32 v14, v12;
	v12 =	vmin.f32 v14, v12;
	v17 =	vmin.f32 v16, v13  }
0x1b1: {  	s21 =	spop (v2sf);
	v14 =	vmin.f32 v17, v12  }
0x1b2: {  	s22 =	spop (v2sf);
	v13 =	vmax.f32 v16, v13;
	v12 =	vmax.f32 v17, v12;
	(xrf1) =	vsort.ascd.msk.f32 $0xffff, v14, v14  }
0x1b3: {  	s23 =	spop (v2sf);
	v16 =	vmin.f32 v13, v15;
	(xrf1) =	vsort.ascd.msk.f32 $0xffff, v12, v12  }
0x1b4: {  	s10 =	spop (v2sf);
	v13 =	vmax.f32 v13, v15;
	(xrf1) =	vsort.ascd.msk.f32 $0xffff, v16, v16  }
0x1b5: {  	s7 =	sadd.s32 s21, s10;
	(xrf1) =	vsort.ascd.msk.f32 $0xffff, v13, v13  }
0x1b6: {  	s7 =	sadd.s32 s22, s7  }
0x1b7: {  	s7 =	sadd.s32 s23, s7  }
0x1b8: {  	p1 =	slt.s32 s7, $0x3F  }
0x1b9: {  	s8 =	sadd.s32 $0x2, s7;
	s9 =	sadd.s32 $0x1, s7;
	s7 =	simm.s32 @!p1 $0x3F  }
0x1ba: {  	v15 =	vmov s7  }
0x1bb: {  	vm2 =	vgt.s32 v15, v0  }
0x1bc: {  	vm3 =	vgt.s32 v15, v8  }
0x1bd: {  	[tilespmem:$0xB0] =	vst v3;
	vm14 =	vgt.s32 v15, v9  }
0x1be: {  	[tilespmem:$0xA0] =	vst v3;
	vm15 =	vgt.s32 v15, v10  }
0x1bf: {  	[tilespmem:$0x90] =	vst v3  }
0x1c0: {  	[tilespmem:$0x80] =	vst v11;
	p2 =	slt.s32 s8, $0x40;
	v12, _, _ =	vpop (xrf1)  }
0x1c1: {  	s8 =	simm.s32 @!p2 $0x40;
	[tilespmem:v4+s4+$0x0] =	vst.idx.msk vm2, v12;
	v12, _, _ =	vpop (xrf1)  }
0x1c2: {  	v17 =	vmov s8;
	[tilespmem:v5+s4+$0x0] =	vst.idx.msk vm3, v12;
	v12, _, _ =	vpop (xrf1)  }
0x1c3: {  	s9 =	simm.s32 @!p1 $0xFFFFFFFF;
	v14 =	vnsel vm1, $0x0, v17;
	[tilespmem:v6+s4+$0x0] =	vst.idx.msk vm14, v12;
	v12, _, _ =	vpop (xrf1)  }
0x1c4: {  	[tilespmem:v7+s4+$0x0] =	vst.idx.msk vm15, v12;
	v12 =	vsel vm0, s9, v14  }
0x1c5: {  	s24 =	rddreg [dreg:$0xa];
	[tilespmem:$0x100] =	vst v12  }
0x1c6: {  	[hbm4b:s24+s2] =	stream.linear.scatter [tilespmem:s4], [sflag:$0x1], $0x80, $0x38;
	[tilespmem:$0x180] =	vst v63  }
0x1c7: {  	_ =	swait.ge [sflag:s3], $0x80  }
0x1c8: {  	[sflag:s3] =	ssyncset.done $0x0  }
0x1c9: {  	s25 =	rddreg [dreg:$0xb];
	[sflag:s3] =	ssyncadd.s32 $0xFFFFFF80  }
0x1ca: {  	[hbm4b:s25+s2] =	stream.linear.scatter [tilespmem:s5], [sflag:$0x1], $0x80, $0x38;
	[tilespmem:$0x180] =	vst v63  }
0x1cb: {  	_ =	swait.ge [sflag:s3], $0x80  }
0x1cc: {  	[sflag:s3] =	ssyncset.done $0x0  }
0x1cd: {  	s26 =	rddreg [dreg:$0xc];
	[sflag:s3] =	ssyncadd.s32 $0xFFFFFF80  }
0x1ce: {  	[tilespmem:s2], [sflag:$0x1] =	stream.linear.gather [hbm4b:s26+s2], $0x80, $0x38;
	[tilespmem:$0x180] =	vst v63  }
0x1cf: {  	_ =	swait.ge [sflag:s3], $0x80  }
0x1d0: {  	[sflag:s3] =	ssyncset.done $0x0  }
0x1d1: {  	[sflag:s3] =	ssyncadd.s32 $0xFFFFFF80  }
0x1d2: {  	v12 =	vld [tilespmem:$0x30]  }
0x1d3: {  	v13 =	vld [tilespmem:$0x20]  }
0x1d4: {  	v14 =	vld [tilespmem:$0x10];
	_ =	sdelay $0x1  }
0x1d5: {  	v15 =	vld [tilespmem:$0x0]  }
0x1d6: {  	(xrf1) =	vsort.ascd.msk.f32 $0xffff, v12, v12  }
0x1d7: {  	vm2 =	vlt.f32 v12, $1.500000000e+00;
	(xrf1) =	vsort.ascd.msk.f32 $0xffff, v13, v13  }
0x1d8: {  	v12 =	vsel vm2, $0x1, v1;
	(xrf1) =	vsort.ascd.msk.f32 $0xffff, v14, v14  }
0x1d9: {  	vm2 =	vlt.f32 v14, $1.500000000e+00;
	(xrf0) =	vadd.scan.msk.s32 $0xffff, v12  }
0x1da: {  	v14 =	vsel vm2, $0x1, v1;
	vm2 =	vlt.f32 v15, $1.500000000e+00;
	(xrf1) =	vsort.ascd.msk.f32 $0xffff, v15, v15  }
0x1db: {  	vm3 =	vlt.f32 v13, $1.500000000e+00;
	v12 =	vsel vm2, $0x1, v1;
	(xrf0) =	vadd.scan.msk.s32 $0xffff, v14  }
0x1dc: {  	v13 =	vsel vm3, $0x1, v1;
	(xrf0) =	vadd.scan.msk.s32 $0xffff, v12  }
0x1dd: {  	(xrf0) =	vadd.scan.msk.s32 $0xffff, v13;
	_ =	sdelay $0x2  }
0x1de: {  	v12, _, _ =	vpop (xrf0)  }
0x1df: {  	v13, _, _ =	vpop (xrf0)  }
0x1e0: {  	v14, _, _ =	vpop (xrf0);
	(v2sf) =	vpush v13, $0xF  }
0x1e1: {  	(v2sf) =	vpush v14, $0xF;
	v13, _, _ =	vpop (xrf0)  }
0x1e2: {  	(v2sf) =	vpush v13, $0xF;
	v13, _, _ =	vpop (xrf1)  }
0x1e3: {  	(v2sf) =	vpush v12, $0xF;
	v13 =	vperm.xlane v13, v2;
	v14, _, _ =	vpop (xrf1)  }
0x1e4: {  	v12, _, _ =	vpop (xrf1)  }
0x1e5: {  	v12 =	vperm.xlane v12, v2;
	v15 =	vmin.f32 v14, v13  }
0x1e6: {  	v13 =	vmax.f32 v14, v13;
	v14, _, _ =	vpop (xrf1);
	(xrf1) =	vsort.ascd.msk.f32 $0xffff, v15, v15  }
0x1e7: {  	v15 =	vmin.f32 v14, v12;
	v12 =	vmax.f32 v14, v12;
	(xrf1) =	vsort.ascd.msk.f32 $0xffff, v13, v13  }
0x1e8: {  	(xrf1) =	vsort.ascd.msk.f32 $0xffff, v12, v12  }
0x1e9: {  	(xrf1) =	vsort.ascd.msk.f32 $0xffff, v15, v15;
	_ =	sdelay $0x5  }
0x1ea: {  	s28 =	spop (v2sf)  }
0x1eb: {  	s29 =	spop (v2sf)  }
0x1ec: {  	s7 =	sadd.s32 s29, s28;
	s30 =	spop (v2sf)  }
0x1ed: {  	s7 =	sadd.s32 s30, s7;
	s31 =	spop (v2sf)  }
0x1ee: {  	p0 =	sne.s32 s6, $0x1;
	s8 =	sadd.s32 s31, s7  }
.Ltmp1:
0x1ef: {  	p1 =	slt.s32 s8, $0x3F;
	s9 =	sadd.s32 $0x2, s8;
	v12, _, _ =	vpop (xrf1);
	(pc) =	sbr.rel @p0 .LBB2_1-.Ltmp1, $4  }
0x1f0: {  	s7 =	sadd.s32 $0x1, s8;
	p2 =	slt.s32 s9, $0x40;
	s8 =	simm.s32 @!p1 $0x3F;
	v12 =	vperm.xlane v12, v2;
	v13, _, _ =	vpop (xrf1)  }
0x1f1: {  	s9 =	simm.s32 @!p2 $0x40;
	v16 =	vperm.xlane v13, v2;
	v13 =	vmov s8;
	v14, _, _ =	vpop (xrf1)  }
0x1f2: {  	v15 =	vmin.f32 v14, v12;
	v14 =	vmax.f32 v14, v12;
	v12 =	vmov s9;
	v18, _, _ =	vpop (xrf1)  }
0x1f3: {  	s6 =	sadd.s32 $0xFFFFFFFF, s6;
	s7 =	simm.s32 @!p1 $0xFFFFFFFF;
	v17 =	vmin.f32 v18, v16;
	v16 =	vmax.f32 v18, v16;
	v12 =	vnsel vm1, $0x0, v12  }
.LBB2_2:
0x1f4: {  	v1 =	vmin.f32 v17, v15  }
0x1f5: {  	v2 =	vmax.f32 v17, v15;
	(xrf1) =	vsort.ascd.msk.f32 $0xffff, v1, v1  }
0x1f6: {  	v57 =	vmin.f32 v16, v14;
	(xrf1) =	vsort.ascd.msk.f32 $0xffff, v2, v2  }
0x1f7: {  	v58 =	vmax.f32 v16, v14;
	(xrf1) =	vsort.ascd.msk.f32 $0xffff, v57, v57  }
0x1f8: {  	(xrf1) =	vsort.ascd.msk.f32 $0xffff, v58, v58;
	_ =	sdelay $0x5  }
0x1f9: {  	vm1 =	vgt.s32 v13, v0  }
0x1fa: {  	vm2 =	vgt.s32 v13, v8  }
0x1fb: {  	[tilespmem:$0xB0] =	vst v3;
	vm3 =	vgt.s32 v13, v9  }
0x1fc: {  	[tilespmem:$0xA0] =	vst v3;
	vm4 =	vgt.s32 v13, v10  }
0x1fd: {  	[tilespmem:$0x90] =	vst v3  }
0x1fe: {  	[tilespmem:$0x80] =	vst v11;
	v59, _, _ =	vpop (xrf1)  }
0x1ff: {  	[tilespmem:v4+s4+$0x0] =	vst.idx.msk vm1, v59;
	v60, _, _ =	vpop (xrf1)  }
0x200: {  	[tilespmem:v5+s4+$0x0] =	vst.idx.msk vm2, v60;
	v61, _, _ =	vpop (xrf1)  }
0x201: {  	[tilespmem:v6+s4+$0x0] =	vst.idx.msk vm3, v61;
	v62, _, _ =	vpop (xrf1)  }
0x202: {  	v63 =	vsel vm0, s7, v12;
	[tilespmem:v7+s4+$0x0] =	vst.idx.msk vm4, v62  }
0x203: {  	s6 =	rddreg [dreg:$0xd];
	[tilespmem:$0x100] =	vst v63  }
0x204: {  	[hbm4b:s6+s2] =	stream.linear.scatter [tilespmem:s4], [sflag:$0x1], $0x80, $0x38;
	[tilespmem:$0x180] =	vst v63  }
0x205: {  	_ =	swait.ge [sflag:s3], $0x80  }
0x206: {  	[sflag:s3] =	ssyncset.done $0x0  }
0x207: {  	s31 =	rddreg [dreg:$0xe];
	[sflag:s3] =	ssyncadd.s32 $0xFFFFFF80  }
0x208: {  	[hbm4b:s31+s2] =	stream.linear.scatter [tilespmem:s5], [sflag:$0x1], $0x80, $0x38;
	[tilespmem:$0x180] =	vst v63  }
0x209: {  	_ =	swait.ge [sflag:s3], $0x80  }
0x20a: {  	[sflag:s3] =	ssyncset.done $0x0  }
0x20b: {  	[sflag:s3] =	ssyncadd.s32 $0xFFFFFF80  }
0x20c: {  	_ =	sfence.sel $0x180000  }
0x20d: {  	[bflag:$0x0] =	sbarrier.arrive $0xFFFF  }
0x20e: {  	p0 =	sne.s32 s1, $0x0;
	_ =	strace $0x90000047  }
0x20f: {  	s0 =	sadd.s32 @!p0 $0x100000, s0;
	[bflag:$0x2] =	sbarrier.arrive $0xFFFF  }
0x210: {  	[sflag:s0] =	ssyncadd.tile.s32 @!p0 $0x1;
	_ =	shalt  }
.Lfunc_end2:
_tile_overlayer_lowered:
.L_overlay_start_2:
0x211: {  	(tag) =	ssettag $0x2  }
0x212: {  	s0 =	rddreg [dreg:$0x0];
	s2 =	stileid.u32  }
0x213: {  	s1 =	rddreg [dreg:$0x1];
	p0 =	sne.s32 s2, $0x0  }
0x214: {  	s3 =	rddreg [dreg:$0x2];
	[bflag:$0x3] =	sbarrier.arrive $0xFFFF;
	s2 =	simm.s32 @!p0 $0x1C01  }
0x215: {  	[timem:s3], [sflag:s2] =	dma.local @!p0 [hbm:s0], s1  }
0x216: {  	s0 =	simm.s32 @!p0 $0x1  }
0x217: {  	_ =	swait.ge @!p0 [sflag:s0], s1  }
0x218: {  	s1 =	ssub.s32 @!p0 $0x0, s1;
	[sflag:s0] =	ssyncset.done @!p0 $0x0  }
0x219: {  	[sflag:s0] =	ssyncadd.s32 @!p0 s1  }
0x21a: {  	[bflag:$0x3] =	sbarrier.arrive $0xFFFF  }
0x21b: {  	_ =	shalt  }

</sc_bundles>
